<compile_context>
chip_gen: v7x
topology: tpu7x:2x2x1
jax: 0.10.2.dev20260603
libtpu: 0.0.44.dev20260713+nightly
codegen_flags: <defaults>
</compile_context>

<pallas_src>
import functools

import jax
import jax.numpy as jnp
from jax import lax
from jax.experimental import pallas as pl
from jax.experimental.pallas import tpu as pltpu
from jax.experimental.pallas import tpu_sc as plsc

B, A, H, L, F, E = 200, 50, 128, 128, 10, 320000
N = B * A
NL = 2

NC, NS = 2, 16
NW = NC * NS
CH = 128
CHUNKS = -(-E // CH)
KPW = 2 * (-(-(-(-CHUNKS // NW)) // 2))
CHUNKS_PAD = NW * KPW
KPT = CHUNKS_PAD // NS
EP = CHUNKS_PAD * CH
NPAD = 10240
ROWS_PER_TILE = NPAD // NS
PAD_NODE = N + 16

BE = 5120
GRID_E = EP // BE



def _precompute_body(zr_ref, at_ref, wlp_ref, blp_ref, wap_ref, bap_ref,
                     w1a_ref, w1b_ref, eb1_ref,
                     nf_ref, p_ref, q_ref):
    nf = (jnp.dot(zr_ref[...], wlp_ref[...], preferred_element_type=jnp.float32)
          + blp_ref[...]
          + jnp.dot(at_ref[...], wap_ref[...], preferred_element_type=jnp.float32)
          + bap_ref[...])
    nf_ref[...] = nf
    p_ref[...] = jnp.dot(nf, w1a_ref[...], preferred_element_type=jnp.float32) + eb1_ref[...]
    q_ref[...] = jnp.dot(nf, w1b_ref[...], preferred_element_type=jnp.float32)


def _precompute(zr, atp, wlp, blp, wapp, bap, w1a, w1b, eb1):
    return pl.pallas_call(
        _precompute_body,
        out_shape=[jax.ShapeDtypeStruct((N, H), jnp.float32)] * 3,
    )(zr, atp, wlp, blp, wapp, bap, w1a, w1b, eb1)


def _edge_body(gp_ref, rel_ref, wd_ref, ew2_ref, eb2_ref,
               cw1_ref, cb1_ref, cw2_ref, sel_ref, lane3_ref,
               m_ref, s_ref):
    rel = jnp.transpose(rel_ref[...], (1, 0))
    dist = rel[:, 3:4]
    g = gp_ref[...] + dist * wd_ref[...]
    m1 = jax.nn.silu(g)
    m = jax.nn.silu(
        jnp.dot(m1, ew2_ref[...], preferred_element_type=jnp.float32)
        + eb2_ref[...])
    cwp = jax.nn.silu(
        jnp.dot(m, cw1_ref[...], preferred_element_type=jnp.float32)
        + cb1_ref[...])
    cw = jnp.clip(jnp.sum(cwp * cw2_ref[...], axis=-1, keepdims=True), -1.0, 1.0)
    m_ref[...] = m
    s_ref[...] = cw * jnp.dot(rel, sel_ref[...],
                              preferred_element_type=jnp.float32) + lane3_ref[...]


def _edge_mlp(gp, relt, wd, ew2, eb2, cw1, cb1, cw2r, sel, lane3):
    full128 = pl.BlockSpec((H, H), lambda i: (0, 0))
    row128 = pl.BlockSpec((1, H), lambda i: (0, 0))
    return pl.pallas_call(
        _edge_body,
        grid=(GRID_E,),
        in_specs=[
            pl.BlockSpec((BE, H), lambda i: (i, 0)),
            pl.BlockSpec((4, BE), lambda i: (0, i)),
            row128, full128, row128, full128, row128, row128,
            pl.BlockSpec((4, H), lambda i: (0, 0)), row128,
        ],
        out_specs=[
            pl.BlockSpec((BE, H), lambda i: (i, 0)),
            pl.BlockSpec((BE, H), lambda i: (i, 0)),
        ],
        out_shape=[
            jax.ShapeDtypeStruct((EP, H), jnp.float32),
            jax.ShapeDtypeStruct((EP, H), jnp.float32),
        ],
    )(gp, relt, wd, ew2, eb2, cw1, cb1, cw2r, sel, lane3)


def _layernorm(xn, gamma, beta):
    mu = jnp.mean(xn, axis=-1, keepdims=True)
    var = jnp.mean((xn - mu) ** 2, axis=-1, keepdims=True)
    return (xn - mu) * jax.lax.rsqrt(var + 1e-5) * gamma + beta


def _node_mid_body(nf_ref, agg_ref, cu_ref, c_ref,
                   nw1a_ref, nw1b_ref, nb1_ref, nw2_ref, nb2_ref,
                   gam_ref, bet_ref, w1a_ref, w1b_ref, eb1_ref,
                   nf2_ref, c2_ref, p_ref, q_ref):
    nf = nf_ref[...]
    agg = agg_ref[...]
    xn = jax.nn.silu(
        jnp.dot(nf, nw1a_ref[...], preferred_element_type=jnp.float32)
        + jnp.dot(agg, nw1b_ref[...], preferred_element_type=jnp.float32)
        + nb1_ref[...])
    xn = jnp.dot(xn, nw2_ref[...], preferred_element_type=jnp.float32) + nb2_ref[...]
    xn = _layernorm(xn, gam_ref[...], bet_ref[...])
    nf2_ref[...] = xn
    cu = cu_ref[...]
    c2_ref[...] = c_ref[...] + cu / (cu[:, 3:4] + 1e-6)
    p_ref[...] = jnp.dot(xn, w1a_ref[...], preferred_element_type=jnp.float32) + eb1_ref[...]
    q_ref[...] = jnp.dot(xn, w1b_ref[...], preferred_element_type=jnp.float32)


def _node_mid(nf, agg, cu16, c16, nw1a, nw1b, nb1, nw2, nb2,
              gam, bet, w1a, w1b, eb1):
    return pl.pallas_call(
        _node_mid_body,
        out_shape=[
            jax.ShapeDtypeStruct((N, H), jnp.float32),
            jax.ShapeDtypeStruct((N, 16), jnp.float32),
            jax.ShapeDtypeStruct((N, H), jnp.float32),
            jax.ShapeDtypeStruct((N, H), jnp.float32),
        ],
    )(nf, agg, cu16, c16, nw1a, nw1b, nb1, nw2, nb2, gam, bet, w1a, w1b, eb1)


def _node_final_body(nf_ref, agg_ref, cu_ref, c_ref,
                     nw1a_ref, nw1b_ref, nb1_ref, nw2_ref, nb2_ref,
                     gam_ref, bet_ref, hw1_ref, hb1_ref, hw2_ref, hb2_ref,
                     out_ref):
    nf = nf_ref[...]
    agg = agg_ref[...]
    xn = jax.nn.silu(
        jnp.dot(nf, nw1a_ref[...], preferred_element_type=jnp.float32)
        + jnp.dot(agg, nw1b_ref[...], preferred_element_type=jnp.float32)
        + nb1_ref[...])
    xn = jnp.dot(xn, nw2_ref[...], preferred_element_type=jnp.float32) + nb2_ref[...]
    xn = _layernorm(xn, gam_ref[...], bet_ref[...])
    cu = cu_ref[...]
    c2 = c_ref[...] + cu / (cu[:, 3:4] + 1e-6)
    hid = jax.nn.silu(
        jnp.dot(xn, hw1_ref[...], preferred_element_type=jnp.float32)
        + hb1_ref[...])
    cd = jnp.dot(hid, hw2_ref[...], preferred_element_type=jnp.float32) + hb2_ref[...]
    out_ref[...] = c2 + cd


def _node_final(nf, agg, cu16, c16, nw1a, nw1b, nb1, nw2, nb2,
                gam, bet, hw1, hb1, hw2p, hb2p):
    return pl.pallas_call(
        _node_final_body,
        out_shape=jax.ShapeDtypeStruct((N, 16), jnp.float32),
    )(nf, agg, cu16, c16, nw1a, nw1b, nb1, nw2, nb2, gam, bet,
      hw1, hb1, hw2p, hb2p)



@functools.cache
def _mesh():
    return plsc.VectorSubcoreMesh(core_axis_name="c", subcore_axis_name="s",
                                  num_cores=NC, num_subcores=NS)


def _sc_gather_body(p_hbm, q_hbm, cx_hbm, cy_hbm, cz_hbm, ridx_hbm, cidx_hbm,
                    gp_hbm, relt_hbm,
                    rv0, cv0, rv1, cv1, gpb0, gqb0, gpb1, gqb1,
                    rxb, ryb, rzb, db, cxv, cyv, czv,
                    sa0, sb0, sa1, sb1, sw0, sw1):
    wid = lax.axis_index("s") * NC + lax.axis_index("c")
    base = wid * KPW
    pltpu.sync_copy(cx_hbm, cxv)
    pltpu.sync_copy(cy_hbm, cyv)
    pltpu.sync_copy(cz_hbm, czv)

    def fire(j, rv, cv, gpb, gqb, sa, sb):
        pltpu.sync_copy(ridx_hbm.at[j], rv)
        pltpu.sync_copy(cidx_hbm.at[j], cv)
        pltpu.async_copy(p_hbm.at[rv], gpb, sa)
        pltpu.async_copy(q_hbm.at[cv], gqb, sb)

    def drain_write(gpb, sw):
        pltpu.make_async_copy(gpb, gp_hbm.at[pl.ds(0, CH)], sw).wait()

    def process(j, rv, cv, gpb, gqb, sa, sb, sw):
        pltpu.make_async_copy(p_hbm.at[rv], gpb, sa).wait()
        pltpu.make_async_copy(q_hbm.at[cv], gqb, sb).wait()
        for v in range(CH // 16):
            sl = pl.ds(v * 16, 16)
            ir = rv[sl]
            ic = cv[sl]
            rx = plsc.load_gather(cxv, [ir]) - plsc.load_gather(cxv, [ic])
            ry = plsc.load_gather(cyv, [ir]) - plsc.load_gather(cyv, [ic])
            rz = plsc.load_gather(czv, [ir]) - plsc.load_gather(czv, [ic])
            d = jnp.clip(rx * rx + ry * ry + rz * rz, 1e-6, 1e6)
            rxb[sl] = rx
            ryb[sl] = ry
            rzb[sl] = rz
            db[sl] = d

        def addrow(r, _):
            for u in range(H // 16):
                su = pl.ds(u * 16, 16)
                gpb[r, su] = gpb[r, su] + gqb[r, su]
            return _
        lax.fori_loop(0, CH, addrow, None)
        eb = j * CH
        pltpu.async_copy(gpb, gp_hbm.at[pl.ds(eb, CH)], sw)
        pltpu.sync_copy(rxb, relt_hbm.at[0, pl.ds(eb, CH)])
        pltpu.sync_copy(ryb, relt_hbm.at[1, pl.ds(eb, CH)])
        pltpu.sync_copy(rzb, relt_hbm.at[2, pl.ds(eb, CH)])
        pltpu.sync_copy(db, relt_hbm.at[3, pl.ds(eb, CH)])

    fire(base, rv0, cv0, gpb0, gqb0, sa0, sb0)
    fire(base + 1, rv1, cv1, gpb1, gqb1, sa1, sb1)
    KH = KPW // 2

    def body(k, _):
        j0 = base + 2 * k
        process(j0, rv0, cv0, gpb0, gqb0, sa0, sb0, sw0)

        @pl.when(k < KH - 1)
        def _f0():
            drain_write(gpb0, sw0)
            fire(j0 + 2, rv0, cv0, gpb0, gqb0, sa0, sb0)

        process(j0 + 1, rv1, cv1, gpb1, gqb1, sa1, sb1, sw1)

        @pl.when(k < KH - 1)
        def _f1():
            drain_write(gpb1, sw1)
            fire(j0 + 3, rv1, cv1, gpb1, gqb1, sa1, sb1)

        return _

    lax.fori_loop(0, KH, body, None)
    drain_write(gpb0, sw0)
    drain_write(gpb1, sw1)


@functools.cache
def _sc_gather():
    return pl.kernel(
        _sc_gather_body,
        out_type=[
            jax.ShapeDtypeStruct((EP, H), jnp.float32),
            jax.ShapeDtypeStruct((4, EP), jnp.float32),
        ],
        mesh=_mesh(),
        scratch_types=[
            pltpu.VMEM((CH,), jnp.int32),
            pltpu.VMEM((CH,), jnp.int32),
            pltpu.VMEM((CH,), jnp.int32),
            pltpu.VMEM((CH,), jnp.int32),
            pltpu.VMEM((CH, H), jnp.float32),
            pltpu.VMEM((CH, H), jnp.float32),
            pltpu.VMEM((CH, H), jnp.float32),
            pltpu.VMEM((CH, H), jnp.float32),
            pltpu.VMEM((CH,), jnp.float32),
            pltpu.VMEM((CH,), jnp.float32),
            pltpu.VMEM((CH,), jnp.float32),
            pltpu.VMEM((CH,), jnp.float32),
            pltpu.VMEM((NPAD,), jnp.float32),
            pltpu.VMEM((NPAD,), jnp.float32),
            pltpu.VMEM((NPAD,), jnp.float32),
            pltpu.SemaphoreType.DMA,
            pltpu.SemaphoreType.DMA,
            pltpu.SemaphoreType.DMA,
            pltpu.SemaphoreType.DMA,
            pltpu.SemaphoreType.DMA,
            pltpu.SemaphoreType.DMA,
        ],
        compiler_params=pltpu.CompilerParams(needs_layout_passes=False),
    )


def _sc_scatter_body(m_hbm, s_hbm, ridx_hbm, zero_hbm,
                     agg_hbm, cu_hbm,
                     rv0, rv1, mb0, mb1, acc_sh, sm0, sm1, ss0, ss1):
    cid = lax.axis_index("c")
    sid = lax.axis_index("s")
    rows = pl.ds(sid * ROWS_PER_TILE, ROWS_PER_TILE)
    pltpu.sync_copy(zero_hbm.at[rows], acc_sh.at[rows])
    plsc.subcore_barrier()
    base = sid * KPT
    KH = KPT // 2

    def run(src_hbm):
        def fire(j, rv, mb, sm):
            pltpu.sync_copy(ridx_hbm.at[j], rv)
            pltpu.async_copy(src_hbm.at[pl.ds(j * CH, CH)], mb, sm)

        def proc(rv, mb, sm, ss):
            pltpu.make_async_copy(src_hbm.at[pl.ds(0, CH)], mb, sm).wait()
            pltpu.async_copy(mb, acc_sh.at[rv], ss, add=True)

        def drain_add(rv, mb, ss):
            pltpu.make_async_copy(mb, acc_sh.at[rv], ss).wait()

        fire(base, rv0, mb0, sm0)
        fire(base + 1, rv1, mb1, sm1)

        def body(k, carry):
            j0 = base + 2 * k
            proc(rv0, mb0, sm0, ss0)

            @pl.when(k < KH - 1)
            def _f0():
                drain_add(rv0, mb0, ss0)
                fire(j0 + 2, rv0, mb0, sm0)

            proc(rv1, mb1, sm1, ss1)

            @pl.when(k < KH - 1)
            def _f1():
                drain_add(rv1, mb1, ss1)
                fire(j0 + 3, rv1, mb1, sm1)

            return carry

        lax.fori_loop(0, KH, body, None)
        drain_add(rv0, mb0, ss0)
        drain_add(rv1, mb1, ss1)

    @pl.when(cid == 0)
    def _():
        run(m_hbm)

    @pl.when(cid == 1)
    def _():
        run(s_hbm)

    plsc.subcore_barrier()

    @pl.when(cid == 0)
    def _():
        pltpu.sync_copy(acc_sh.at[rows], agg_hbm.at[rows])

    @pl.when(cid == 1)
    def _():
        pltpu.sync_copy(acc_sh.at[rows], cu_hbm.at[rows])


@functools.cache
def _sc_scatter():
    return pl.kernel(
        _sc_scatter_body,
        out_type=[
            jax.ShapeDtypeStruct((NPAD, H), jnp.float32),
            jax.ShapeDtypeStruct((NPAD, H), jnp.float32),
        ],
        mesh=_mesh(),
        scratch_types=[
            pltpu.VMEM((CH,), jnp.int32),
            pltpu.VMEM((CH,), jnp.int32),
            pltpu.VMEM((CH, H), jnp.float32),
            pltpu.VMEM((CH, H), jnp.float32),
            pltpu.VMEM_SHARED((NPAD, H), jnp.float32),
            pltpu.SemaphoreType.DMA,
            pltpu.SemaphoreType.DMA,
            pltpu.SemaphoreType.DMA,
            pltpu.SemaphoreType.DMA,
        ],
    )



def kernel(z, atom_types, edge_index, Wlp, blp, Wap, bap, init_coords,
           eW1, eb1, eW2, eb2, nW1, nb1, nW2, nb2, cW1, cb1, cW2,
           gamma, beta, hW1, hb1, hW2, hb2):
    f32 = jnp.float32
    row = edge_index[0].astype(jnp.int32)
    col = edge_index[1].astype(jnp.int32)
    ridx = jnp.concatenate(
        [row, jnp.full((EP - E,), PAD_NODE, jnp.int32)]).reshape(CHUNKS_PAD, CH)
    cidx = jnp.concatenate(
        [col, jnp.zeros((EP - E,), jnp.int32)]).reshape(CHUNKS_PAD, CH)
    ridx_g = jnp.where(ridx >= N, 0, ridx)

    zr = jnp.broadcast_to(z[:, None, :], (B, A, L)).reshape(N, L)
    atp = jnp.pad(atom_types.astype(f32), ((0, 0), (0, 6)))
    wapp = jnp.pad(Wap.astype(f32), ((0, 6), (0, 0)))
    c16 = jnp.pad(
        jnp.broadcast_to(init_coords[None], (B, A, 3)).reshape(N, 3),
        ((0, 0), (0, 13)))

    blp2 = blp.reshape(1, H)
    bap2 = bap.reshape(1, H)
    sel = jnp.zeros((4, H), f32).at[0, 0].set(1.0).at[1, 1].set(1.0).at[2, 2].set(1.0)
    lane3 = jnp.zeros((1, H), f32).at[0, 3].set(1.0)
    zeros_big = jnp.zeros((NPAD, H), f32)
    hw2p = jnp.pad(hW2, ((0, 0), (0, 13)))
    hb2p = jnp.pad(hb2.reshape(1, 3), ((0, 0), (0, 13)))

    nf, P, Q = _precompute(zr, atp, Wlp, blp2, wapp, bap2,
                           eW1[0, :H], eW1[0, H:2 * H], eb1[0].reshape(1, H))

    for i in range(NL):
        c16p = jnp.pad(c16, ((0, NPAD - N), (0, 0)))
        cx, cy, cz = c16p[:, 0], c16p[:, 1], c16p[:, 2]
        g, relt = _sc_gather()(P, Q, cx, cy, cz, ridx_g, cidx)
        m, s128 = _edge_mlp(g, relt,
                            eW1[i, 2 * H].reshape(1, H), eW2[i],
                            eb2[i].reshape(1, H), cW1[i],
                            cb1[i].reshape(1, H), cW2[i].reshape(1, H),
                            sel, lane3)
        agg, cu128 = _sc_scatter()(m, s128, ridx, zeros_big)
        aggN = agg[:N]
        cu16 = cu128[:N, :16]
        if i < NL - 1:
            nf, c16, P, Q = _node_mid(
                nf, aggN, cu16, c16,
                nW1[i, :H], nW1[i, H:], nb1[i].reshape(1, H),
                nW2[i], nb2[i].reshape(1, H),
                gamma[i].reshape(1, H), beta[i].reshape(1, H),
                eW1[i + 1, :H], eW1[i + 1, H:2 * H], eb1[i + 1].reshape(1, H))
        else:
            out16 = _node_final(
                nf, aggN, cu16, c16,
                nW1[i, :H], nW1[i, H:], nb1[i].reshape(1, H),
                nW2[i], nb2[i].reshape(1, H),
                gamma[i].reshape(1, H), beta[i].reshape(1, H),
                hW1, hb1.reshape(1, H // 2), hw2p, hb2p)
    return out16[:, :3]

# --- scband reference (transcript-rebuilt; emitter-appended) ---
"""Pipeline reference for scband-py-gegnndecoder-mse-15917148799551 (READ-ONLY COPY).

The authoritative reference and input builder live on the scoring server;
editing this copy changes nothing except your own understanding.
"""

import jax, jax.numpy as jnp
import numpy as np

B, A, H, L, F, E = 200, 50, 128, 128, 10, 320000
N = B * A
NL = 2

def setup_inputs(seed: int = 0):
    key = jax.random.key(seed)
    k = lambda i: jax.random.fold_in(key, i)
    rn = lambda i, s, sc=0.05: jax.random.normal(k(i), s, dtype=jnp.float32) * sc
    d = {}
    d["z"] = jax.random.normal(k(0), (B, L), dtype=jnp.float32)
    d["atom_types"] = jax.random.uniform(k(1), (N, F), dtype=jnp.float32)
    d["edge_index"] = jax.random.randint(k(2), (2, E), 0, N)
    d["Wlp"] = rn(3, (L, H)); d["blp"] = jnp.zeros((H,), jnp.float32)
    d["Wap"] = rn(4, (F, H)); d["bap"] = jnp.zeros((H,), jnp.float32)
    d["init_coords"] = rn(5, (A, 3), 0.1)
    d["eW1"] = rn(6, (NL, 2 * H + 1, H)); d["eb1"] = jnp.zeros((NL, H), jnp.float32)
    d["eW2"] = rn(7, (NL, H, H)); d["eb2"] = jnp.zeros((NL, H), jnp.float32)
    d["nW1"] = rn(8, (NL, 2 * H, H)); d["nb1"] = jnp.zeros((NL, H), jnp.float32)
    d["nW2"] = rn(9, (NL, H, H)); d["nb2"] = jnp.zeros((NL, H), jnp.float32)
    d["cW1"] = rn(10, (NL, H, H)); d["cb1"] = jnp.zeros((NL, H), jnp.float32)
    d["cW2"] = rn(11, (NL, H, 1))
    d["gamma"] = jnp.ones((NL, H), jnp.float32); d["beta"] = jnp.zeros((NL, H), jnp.float32)
    d["hW1"] = rn(12, (H, H // 2)); d["hb1"] = jnp.zeros((H // 2,), jnp.float32)
    d["hW2"] = rn(13, (H // 2, 3)); d["hb2"] = jnp.zeros((3,), jnp.float32)
    return d

def _forward(z, atom_types, edge_index, Wlp, blp, Wap, bap, init_coords, eW1, eb1, eW2, eb2, nW1, nb1, nW2, nb2, cW1, cb1, cW2, gamma, beta, hW1, hb1, hW2, hb2):
    nf = z @ Wlp + blp
    nf = jnp.repeat(nf[:, None, :], A, axis=1).reshape(N, H)
    nf = nf + atom_types @ Wap + bap
    coords = jnp.tile(init_coords[None], (B, 1, 1)).reshape(N, 3)
    row, col = edge_index[0], edge_index[1]
    for i in range(NL):
        x_i = nf[row]
        x_j = nf[col]
        rel = coords[row] - coords[col]
        dist = jnp.clip(jnp.sum(rel ** 2, axis=-1, keepdims=True), 1e-6, 1e6)
        m = jnp.concatenate([x_i, x_j, dist], axis=-1)
        m = jax.nn.silu(m @ eW1[i] + eb1[i])
        m = jax.nn.silu(m @ eW2[i] + eb2[i])
        agg = jax.ops.segment_sum(m, row, num_segments=N)
        xn = jnp.concatenate([nf, agg], axis=-1)
        xn = jax.nn.silu(xn @ nW1[i] + nb1[i])
        xn = xn @ nW2[i] + nb2[i]
        mu = jnp.mean(xn, axis=-1, keepdims=True)
        var = jnp.var(xn, axis=-1, keepdims=True)
        xn = (xn - mu) / jnp.sqrt(var + 1e-5) * gamma[i] + beta[i]
        cw = jnp.clip(jax.nn.silu(m @ cW1[i] + cb1[i]) @ cW2[i], -1.0, 1.0)
        cu = jax.ops.segment_sum(cw * rel, row, num_segments=N)
        deg = jnp.bincount(row, length=N).astype(jnp.float32)[:, None]
        coords = coords + cu / (deg + 1e-6)
        nf = xn
    cd = jax.nn.silu(nf @ hW1 + hb1) @ hW2 + hb2
    return coords + cd

def reference(z, atom_types, edge_index, Wlp, blp, Wap, bap, init_coords, eW1, eb1, eW2, eb2, nW1, nb1, nW2, nb2, cW1, cb1, cW2, gamma, beta, hW1, hb1, hW2, hb2):
    return _forward(z=z, atom_types=atom_types, edge_index=edge_index, Wlp=Wlp, blp=blp, Wap=Wap, bap=bap, init_coords=init_coords, eW1=eW1, eb1=eb1, eW2=eW2, eb2=eb2, nW1=nW1, nb1=nb1, nW2=nW2, nb2=nb2, cW1=cW1, cb1=cb1, cW2=cW2, gamma=gamma, beta=beta, hW1=hW1, hb1=hb1, hW2=hW2, hb2=hb2)

if __name__ == "__main__":
    import jax
    _d = setup_inputs()
    print(jax.jit(kernel)(*tuple(_d.values())))

</pallas_src>

<mosaic_0001>
#map = affine_map<(d0, d1) -> (0, 0)>
module attributes {stable_mosaic.version = 14 : i64} {
  func.func @_sc_scatter_body(%arg0: i32, %arg1: i32, %arg2: memref<327680x128xf32, #tpu.memory_space<hbm>>, %arg3: memref<327680x128xf32, #tpu.memory_space<hbm>>, %arg4: memref<2560x128xi32, #tpu.memory_space<hbm>>, %arg5: memref<10240x128xf32, #tpu.memory_space<hbm>>, %arg6: memref<10240x128xf32, #tpu.memory_space<hbm>>, %arg7: memref<10240x128xf32, #tpu.memory_space<hbm>>, %arg8: memref<128xi32, #tpu.memory_space<vmem>>, %arg9: memref<128xi32, #tpu.memory_space<vmem>>, %arg10: memref<128x128xf32, #tpu.memory_space<vmem>>, %arg11: memref<128x128xf32, #tpu.memory_space<vmem>>, %arg12: memref<10240x128xf32, #tpu.memory_space<vmem_shared>>, %arg13: memref<!tpu.dma_semaphore, #tpu.memory_space<semaphore_mem>>, %arg14: memref<!tpu.dma_semaphore, #tpu.memory_space<semaphore_mem>>, %arg15: memref<!tpu.dma_semaphore, #tpu.memory_space<semaphore_mem>>, %arg16: memref<!tpu.dma_semaphore, #tpu.memory_space<semaphore_mem>>) attributes {dimension_semantics = [#tpu.dimension_semantics<core_parallel>, #tpu.dimension_semantics<subcore_parallel>], iteration_bounds = array<i64: 2, 16>, scalar_prefetch = 0 : i64, scratch_operands = 9 : i64, tpu.core_type = #tpu.core_type<sc_vector_subcore>, window_params = [{transform_indices = #map}, {transform_indices = #map}, {transform_indices = #map}, {transform_indices = #map}, {transform_indices = #map}, {transform_indices = #map}]} {
    %mul3A = arith.constant 640 : i32
    %mul3A_0 = arith.muli %arg1, %mul3A : i32
    "tpu.region"() ({
      %run_scoped3A = tpu.sem_alloc : memref<!tpu.dma_semaphore, #tpu.memory_space<semaphore_mem>>
      %dma_start3A = arith.constant 0 : i32
      %dma_start3A_21 = tpu.memref_slice %arg12[%mul3A_0, %dma_start3A] : memref<10240x128xf32, #tpu.memory_space<vmem_shared>> -> memref<640x128xf32, #tpu.memory_space<vmem_shared>>
      %dma_start3A_22 = arith.constant 0 : i32
      %dma_start3A_23 = tpu.memref_slice %arg5[%mul3A_0, %dma_start3A_22] : memref<10240x128xf32, #tpu.memory_space<hbm>> -> memref<640x128xf32, #tpu.memory_space<hbm>>
      tpu.enqueue_dma source(%dma_start3A_23 : memref<640x128xf32, #tpu.memory_space<hbm>>) target(%dma_start3A_21 : memref<640x128xf32, #tpu.memory_space<vmem_shared>>) target_semaphore(%run_scoped3A : memref<!tpu.dma_semaphore, #tpu.memory_space<semaphore_mem>>)
      %dma_wait3A = arith.constant 0 : i32
      %dma_wait3A_24 = tpu.memref_slice %arg12[%mul3A_0, %dma_wait3A] : memref<10240x128xf32, #tpu.memory_space<vmem_shared>> -> memref<640x128xf32, #tpu.memory_space<vmem_shared>>
      %dma_wait3A_25 = arith.constant 0 : i32
      %dma_wait3A_26 = tpu.memref_slice %arg5[%mul3A_0, %dma_wait3A_25] : memref<10240x128xf32, #tpu.memory_space<hbm>> -> memref<640x128xf32, #tpu.memory_space<hbm>>
      tpu.wait_dma2 semaphore(%run_scoped3A : memref<!tpu.dma_semaphore, #tpu.memory_space<semaphore_mem>>) src(%dma_wait3A_26 : memref<640x128xf32, #tpu.memory_space<hbm>>) dst(%dma_wait3A_24 : memref<640x128xf32, #tpu.memory_space<vmem_shared>>)
      tpu.yield
    }) : () -> ()
    %barrier3A = arith.constant 0 : index
    tpu.barrier barrier_id(%barrier3A)
    %mul3A_1 = arith.constant 160 : i32
    %mul3A_2 = arith.muli %arg1, %mul3A_1 : i32
    %eq3A = arith.constant 0 : i32
    %eq3A_3 = arith.cmpi eq, %arg0, %eq3A : i32
    %convert_element_type3A = arith.extui %eq3A_3 : i1 to i32
    %cond3A = arith.constant 0 : i32
    %cond3A_4 = arith.cmpi ne, %convert_element_type3A, %cond3A : i32
    scf.if %cond3A_4 {
      "tpu.region"() ({
        %run_scoped3A = tpu.sem_alloc : memref<!tpu.dma_semaphore, #tpu.memory_space<semaphore_mem>>
        %dma_start3A_42 = arith.constant 0 : i32
        %dma_start3A_43 = tpu.memref_slice %arg4[%mul3A_2, %dma_start3A_42] : memref<2560x128xi32, #tpu.memory_space<hbm>> -> memref<1x128xi32, #tpu.memory_space<hbm>>
        %dma_start3A_44 = tpu.memref_squeeze %dma_start3A_43 : memref<1x128xi32, #tpu.memory_space<hbm>> -> memref<128xi32, #tpu.memory_space<hbm>>
        %dma_start3A_45 = arith.constant 0 : i32
        %dma_start3A_46 = tpu.memref_slice %arg4[%mul3A_2, %dma_start3A_45] : memref<2560x128xi32, #tpu.memory_space<hbm>> -> memref<1x128xi32, #tpu.memory_space<hbm>>
        %dma_start3A_47 = tpu.memref_squeeze %dma_start3A_46 : memref<1x128xi32, #tpu.memory_space<hbm>> -> memref<128xi32, #tpu.memory_space<hbm>>
        tpu.enqueue_dma source(%dma_start3A_47 : memref<128xi32, #tpu.memory_space<hbm>>) target(%arg8 : memref<128xi32, #tpu.memory_space<vmem>>) target_semaphore(%run_scoped3A : memref<!tpu.dma_semaphore, #tpu.memory_space<semaphore_mem>>)
        %dma_wait3A_48 = arith.constant 0 : i32
        %dma_wait3A_49 = tpu.memref_slice %arg4[%mul3A_2, %dma_wait3A_48] : memref<2560x128xi32, #tpu.memory_space<hbm>> -> memref<1x128xi32, #tpu.memory_space<hbm>>
        %dma_wait3A_50 = tpu.memref_squeeze %dma_wait3A_49 : memref<1x128xi32, #tpu.memory_space<hbm>> -> memref<128xi32, #tpu.memory_space<hbm>>
        %dma_wait3A_51 = arith.constant 0 : i32
        %dma_wait3A_52 = tpu.memref_slice %arg4[%mul3A_2, %dma_wait3A_51] : memref<2560x128xi32, #tpu.memory_space<hbm>> -> memref<1x128xi32, #tpu.memory_space<hbm>>
        %dma_wait3A_53 = tpu.memref_squeeze %dma_wait3A_52 : memref<1x128xi32, #tpu.memory_space<hbm>> -> memref<128xi32, #tpu.memory_space<hbm>>
        tpu.wait_dma2 semaphore(%run_scoped3A : memref<!tpu.dma_semaphore, #tpu.memory_space<semaphore_mem>>) src(%dma_wait3A_53 : memref<128xi32, #tpu.memory_space<hbm>>) dst(%arg8 : memref<128xi32, #tpu.memory_space<vmem>>)
        tpu.yield
      }) : () -> ()
      %mul3A_21 = arith.constant 128 : i32
      %mul3A_22 = arith.muli %mul3A_2, %mul3A_21 : i32
      %dma_start3A = arith.constant 0 : i32
      %dma_start3A_23 = tpu.memref_slice %arg2[%mul3A_22, %dma_start3A] : memref<327680x128xf32, #tpu.memory_space<hbm>> -> memref<128x128xf32, #tpu.memory_space<hbm>>
      %dma_start3A_24 = arith.constant 0 : i32
      %dma_start3A_25 = tpu.memref_slice %arg2[%mul3A_22, %dma_start3A_24] : memref<327680x128xf32, #tpu.memory_space<hbm>> -> memref<128x128xf32, #tpu.memory_space<hbm>>
      tpu.enqueue_dma source(%dma_start3A_25 : memref<128x128xf32, #tpu.memory_space<hbm>>) target(%arg10 : memref<128x128xf32, #tpu.memory_space<vmem>>) target_semaphore(%arg13 : memref<!tpu.dma_semaphore, #tpu.memory_space<semaphore_mem>>)
      %add3A = arith.constant 1 : i32
      %add3A_26 = arith.addi %mul3A_2, %add3A : i32
      "tpu.region"() ({
        %run_scoped3A = tpu.sem_alloc : memref<!tpu.dma_semaphore, #tpu.memory_space<semaphore_mem>>
        %dma_start3A_42 = arith.constant 0 : i32
        %dma_start3A_43 = tpu.memref_slice %arg4[%add3A_26, %dma_start3A_42] : memref<2560x128xi32, #tpu.memory_space<hbm>> -> memref<1x128xi32, #tpu.memory_space<hbm>>
        %dma_start3A_44 = tpu.memref_squeeze %dma_start3A_43 : memref<1x128xi32, #tpu.memory_space<hbm>> -> memref<128xi32, #tpu.memory_space<hbm>>
        %dma_start3A_45 = arith.constant 0 : i32
        %dma_start3A_46 = tpu.memref_slice %arg4[%add3A_26, %dma_start3A_45] : memref<2560x128xi32, #tpu.memory_space<hbm>> -> memref<1x128xi32, #tpu.memory_space<hbm>>
        %dma_start3A_47 = tpu.memref_squeeze %dma_start3A_46 : memref<1x128xi32, #tpu.memory_space<hbm>> -> memref<128xi32, #tpu.memory_space<hbm>>
        tpu.enqueue_dma source(%dma_start3A_47 : memref<128xi32, #tpu.memory_space<hbm>>) target(%arg9 : memref<128xi32, #tpu.memory_space<vmem>>) target_semaphore(%run_scoped3A : memref<!tpu.dma_semaphore, #tpu.memory_space<semaphore_mem>>)
        %dma_wait3A_48 = arith.constant 0 : i32
        %dma_wait3A_49 = tpu.memref_slice %arg4[%add3A_26, %dma_wait3A_48] : memref<2560x128xi32, #tpu.memory_space<hbm>> -> memref<1x128xi32, #tpu.memory_space<hbm>>
        %dma_wait3A_50 = tpu.memref_squeeze %dma_wait3A_49 : memref<1x128xi32, #tpu.memory_space<hbm>> -> memref<128xi32, #tpu.memory_space<hbm>>
        %dma_wait3A_51 = arith.constant 0 : i32
        %dma_wait3A_52 = tpu.memref_slice %arg4[%add3A_26, %dma_wait3A_51] : memref<2560x128xi32, #tpu.memory_space<hbm>> -> memref<1x128xi32, #tpu.memory_space<hbm>>
        %dma_wait3A_53 = tpu.memref_squeeze %dma_wait3A_52 : memref<1x128xi32, #tpu.memory_space<hbm>> -> memref<128xi32, #tpu.memory_space<hbm>>
        tpu.wait_dma2 semaphore(%run_scoped3A : memref<!tpu.dma_semaphore, #tpu.memory_space<semaphore_mem>>) src(%dma_wait3A_53 : memref<128xi32, #tpu.memory_space<hbm>>) dst(%arg9 : memref<128xi32, #tpu.memory_space<vmem>>)
        tpu.yield
      }) : () -> ()
      %mul3A_27 = arith.constant 128 : i32
      %mul3A_28 = arith.muli %add3A_26, %mul3A_27 : i32
      %dma_start3A_29 = arith.constant 0 : i32
      %dma_start3A_30 = tpu.memref_slice %arg2[%mul3A_28, %dma_start3A_29] : memref<327680x128xf32, #tpu.memory_space<hbm>> -> memref<128x128xf32, #tpu.memory_space<hbm>>
      %dma_start3A_31 = arith.constant 0 : i32
      %dma_start3A_32 = tpu.memref_slice %arg2[%mul3A_28, %dma_start3A_31] : memref<327680x128xf32, #tpu.memory_space<hbm>> -> memref<128x128xf32, #tpu.memory_space<hbm>>
      tpu.enqueue_dma source(%dma_start3A_32 : memref<128x128xf32, #tpu.memory_space<hbm>>) target(%arg11 : memref<128x128xf32, #tpu.memory_space<vmem>>) target_semaphore(%arg14 : memref<!tpu.dma_semaphore, #tpu.memory_space<semaphore_mem>>)
      %scan3A = arith.constant 0 : i32
      %scan3A_33 = arith.constant 80 : i32
      %scan3A_34 = arith.addi %scan3A, %scan3A_33 : i32
      %scan3A_35 = arith.constant 1 : i32
      scf.for %scan3A_42 = %scan3A to %scan3A_34 step %scan3A_35  : i32 {
        %mul3A_43 = arith.constant 2 : i32
        %mul3A_44 = arith.muli %mul3A_43, %scan3A_42 : i32
        %add3A_45 = arith.addi %mul3A_2, %mul3A_44 : i32
        %dma_wait3A_46 = arith.constant 0 : i32
        %dma_wait3A_47 = arith.constant 0 : i32
        %dma_wait3A_48 = tpu.memref_slice %arg2[%dma_wait3A_46, %dma_wait3A_47] : memref<327680x128xf32, #tpu.memory_space<hbm>> -> memref<128x128xf32, #tpu.memory_space<hbm>>
        %dma_wait3A_49 = arith.constant 0 : i32
        %dma_wait3A_50 = arith.constant 0 : i32
        %dma_wait3A_51 = tpu.memref_slice %arg2[%dma_wait3A_49, %dma_wait3A_50] : memref<327680x128xf32, #tpu.memory_space<hbm>> -> memref<128x128xf32, #tpu.memory_space<hbm>>
        tpu.wait_dma2 semaphore(%arg13 : memref<!tpu.dma_semaphore, #tpu.memory_space<semaphore_mem>>) src(%dma_wait3A_51 : memref<128x128xf32, #tpu.memory_space<hbm>>) dst(%arg10 : memref<128x128xf32, #tpu.memory_space<vmem>>)
        %dma_start3A_52 = arith.constant 0 : i32
        %dma_start3A_53 = arith.constant 0 : i32
        %dma_start3A_54 = tpu.memref_slice %arg12[%dma_start3A_52, %dma_start3A_53] : memref<10240x128xf32, #tpu.memory_space<vmem_shared>> -> memref<10240x128xf32, #tpu.memory_space<vmem_shared>>
        tpu.enqueue_indirect_dma source(%arg10 : memref<128x128xf32, #tpu.memory_space<vmem>>) target(%dma_start3A_54 : memref<10240x128xf32, #tpu.memory_space<vmem_shared>>) offsets(%arg8 : memref<128xi32, #tpu.memory_space<vmem>>) semaphore(%arg15 : memref<!tpu.dma_semaphore, #tpu.memory_space<semaphore_mem>>) {add = true}
        %lt3A = arith.constant 79 : i32
        %lt3A_55 = arith.cmpi slt, %scan3A_42, %lt3A : i32
        %convert_element_type3A_56 = arith.extui %lt3A_55 : i1 to i32
        %cond3A_57 = arith.constant 0 : i32
        %cond3A_58 = arith.cmpi ne, %convert_element_type3A_56, %cond3A_57 : i32
        scf.if %cond3A_58 {
          %dma_wait3A_73 = arith.constant 0 : i32
          %dma_wait3A_74 = arith.constant 0 : i32
          %dma_wait3A_75 = tpu.memref_slice %arg12[%dma_wait3A_73, %dma_wait3A_74] : memref<10240x128xf32, #tpu.memory_space<vmem_shared>> -> memref<10240x128xf32, #tpu.memory_space<vmem_shared>>
          tpu.wait_indirect_dma semaphore(%arg15 : memref<!tpu.dma_semaphore, #tpu.memory_space<semaphore_mem>>) src(%arg10 : memref<128x128xf32, #tpu.memory_space<vmem>>) dst(%dma_wait3A_75 : memref<10240x128xf32, #tpu.memory_space<vmem_shared>>)
          %add3A_76 = arith.constant 2 : i32
          %add3A_77 = arith.addi %add3A_45, %add3A_76 : i32
          "tpu.region"() ({
            %run_scoped3A = tpu.sem_alloc : memref<!tpu.dma_semaphore, #tpu.memory_space<semaphore_mem>>
            %dma_start3A_84 = arith.constant 0 : i32
            %dma_start3A_85 = tpu.memref_slice %arg4[%add3A_77, %dma_start3A_84] : memref<2560x128xi32, #tpu.memory_space<hbm>> -> memref<1x128xi32, #tpu.memory_space<hbm>>
            %dma_start3A_86 = tpu.memref_squeeze %dma_start3A_85 : memref<1x128xi32, #tpu.memory_space<hbm>> -> memref<128xi32, #tpu.memory_space<hbm>>
            %dma_start3A_87 = arith.constant 0 : i32
            %dma_start3A_88 = tpu.memref_slice %arg4[%add3A_77, %dma_start3A_87] : memref<2560x128xi32, #tpu.memory_space<hbm>> -> memref<1x128xi32, #tpu.memory_space<hbm>>
            %dma_start3A_89 = tpu.memref_squeeze %dma_start3A_88 : memref<1x128xi32, #tpu.memory_space<hbm>> -> memref<128xi32, #tpu.memory_space<hbm>>
            tpu.enqueue_dma source(%dma_start3A_89 : memref<128xi32, #tpu.memory_space<hbm>>) target(%arg8 : memref<128xi32, #tpu.memory_space<vmem>>) target_semaphore(%run_scoped3A : memref<!tpu.dma_semaphore, #tpu.memory_space<semaphore_mem>>)
            %dma_wait3A_90 = arith.constant 0 : i32
            %dma_wait3A_91 = tpu.memref_slice %arg4[%add3A_77, %dma_wait3A_90] : memref<2560x128xi32, #tpu.memory_space<hbm>> -> memref<1x128xi32, #tpu.memory_space<hbm>>
            %dma_wait3A_92 = tpu.memref_squeeze %dma_wait3A_91 : memref<1x128xi32, #tpu.memory_space<hbm>> -> memref<128xi32, #tpu.memory_space<hbm>>
            %dma_wait3A_93 = arith.constant 0 : i32
            %dma_wait3A_94 = tpu.memref_slice %arg4[%add3A_77, %dma_wait3A_93] : memref<2560x128xi32, #tpu.memory_space<hbm>> -> memref<1x128xi32, #tpu.memory_space<hbm>>
            %dma_wait3A_95 = tpu.memref_squeeze %dma_wait3A_94 : memref<1x128xi32, #tpu.memory_space<hbm>> -> memref<128xi32, #tpu.memory_space<hbm>>
            tpu.wait_dma2 semaphore(%run_scoped3A : memref<!tpu.dma_semaphore, #tpu.memory_space<semaphore_mem>>) src(%dma_wait3A_95 : memref<128xi32, #tpu.memory_space<hbm>>) dst(%arg8 : memref<128xi32, #tpu.memory_space<vmem>>)
            tpu.yield
          }) : () -> ()
          %mul3A_78 = arith.constant 128 : i32
          %mul3A_79 = arith.muli %add3A_77, %mul3A_78 : i32
          %dma_start3A_80 = arith.constant 0 : i32
          %dma_start3A_81 = tpu.memref_slice %arg2[%mul3A_79, %dma_start3A_80] : memref<327680x128xf32, #tpu.memory_space<hbm>> -> memref<128x128xf32, #tpu.memory_space<hbm>>
          %dma_start3A_82 = arith.constant 0 : i32
          %dma_start3A_83 = tpu.memref_slice %arg2[%mul3A_79, %dma_start3A_82] : memref<327680x128xf32, #tpu.memory_space<hbm>> -> memref<128x128xf32, #tpu.memory_space<hbm>>
          tpu.enqueue_dma source(%dma_start3A_83 : memref<128x128xf32, #tpu.memory_space<hbm>>) target(%arg10 : memref<128x128xf32, #tpu.memory_space<vmem>>) target_semaphore(%arg13 : memref<!tpu.dma_semaphore, #tpu.memory_space<semaphore_mem>>)
        } else {
        }
        %dma_wait3A_59 = arith.constant 0 : i32
        %dma_wait3A_60 = arith.constant 0 : i32
        %dma_wait3A_61 = tpu.memref_slice %arg2[%dma_wait3A_59, %dma_wait3A_60] : memref<327680x128xf32, #tpu.memory_space<hbm>> -> memref<128x128xf32, #tpu.memory_space<hbm>>
        %dma_wait3A_62 = arith.constant 0 : i32
        %dma_wait3A_63 = arith.constant 0 : i32
        %dma_wait3A_64 = tpu.memref_slice %arg2[%dma_wait3A_62, %dma_wait3A_63] : memref<327680x128xf32, #tpu.memory_space<hbm>> -> memref<128x128xf32, #tpu.memory_space<hbm>>
        tpu.wait_dma2 semaphore(%arg14 : memref<!tpu.dma_semaphore, #tpu.memory_space<semaphore_mem>>) src(%dma_wait3A_64 : memref<128x128xf32, #tpu.memory_space<hbm>>) dst(%arg11 : memref<128x128xf32, #tpu.memory_space<vmem>>)
        %dma_start3A_65 = arith.constant 0 : i32
        %dma_start3A_66 = arith.constant 0 : i32
        %dma_start3A_67 = tpu.memref_slice %arg12[%dma_start3A_65, %dma_start3A_66] : memref<10240x128xf32, #tpu.memory_space<vmem_shared>> -> memref<10240x128xf32, #tpu.memory_space<vmem_shared>>
        tpu.enqueue_indirect_dma source(%arg11 : memref<128x128xf32, #tpu.memory_space<vmem>>) target(%dma_start3A_67 : memref<10240x128xf32, #tpu.memory_space<vmem_shared>>) offsets(%arg9 : memref<128xi32, #tpu.memory_space<vmem>>) semaphore(%arg16 : memref<!tpu.dma_semaphore, #tpu.memory_space<semaphore_mem>>) {add = true}
        %lt3A_68 = arith.constant 79 : i32
        %lt3A_69 = arith.cmpi slt, %scan3A_42, %lt3A_68 : i32
        %convert_element_type3A_70 = arith.extui %lt3A_69 : i1 to i32
        %cond3A_71 = arith.constant 0 : i32
        %cond3A_72 = arith.cmpi ne, %convert_element_type3A_70, %cond3A_71 : i32
        scf.if %cond3A_72 {
          %dma_wait3A_73 = arith.constant 0 : i32
          %dma_wait3A_74 = arith.constant 0 : i32
          %dma_wait3A_75 = tpu.memref_slice %arg12[%dma_wait3A_73, %dma_wait3A_74] : memref<10240x128xf32, #tpu.memory_space<vmem_shared>> -> memref<10240x128xf32, #tpu.memory_space<vmem_shared>>
          tpu.wait_indirect_dma semaphore(%arg16 : memref<!tpu.dma_semaphore, #tpu.memory_space<semaphore_mem>>) src(%arg11 : memref<128x128xf32, #tpu.memory_space<vmem>>) dst(%dma_wait3A_75 : memref<10240x128xf32, #tpu.memory_space<vmem_shared>>)
          %add3A_76 = arith.constant 3 : i32
          %add3A_77 = arith.addi %add3A_45, %add3A_76 : i32
          "tpu.region"() ({
            %run_scoped3A = tpu.sem_alloc : memref<!tpu.dma_semaphore, #tpu.memory_space<semaphore_mem>>
            %dma_start3A_84 = arith.constant 0 : i32
            %dma_start3A_85 = tpu.memref_slice %arg4[%add3A_77, %dma_start3A_84] : memref<2560x128xi32, #tpu.memory_space<hbm>> -> memref<1x128xi32, #tpu.memory_space<hbm>>
            %dma_start3A_86 = tpu.memref_squeeze %dma_start3A_85 : memref<1x128xi32, #tpu.memory_space<hbm>> -> memref<128xi32, #tpu.memory_space<hbm>>
            %dma_start3A_87 = arith.constant 0 : i32
            %dma_start3A_88 = tpu.memref_slice %arg4[%add3A_77, %dma_start3A_87] : memref<2560x128xi32, #tpu.memory_space<hbm>> -> memref<1x128xi32, #tpu.memory_space<hbm>>
            %dma_start3A_89 = tpu.memref_squeeze %dma_start3A_88 : memref<1x128xi32, #tpu.memory_space<hbm>> -> memref<128xi32, #tpu.memory_space<hbm>>
            tpu.enqueue_dma source(%dma_start3A_89 : memref<128xi32, #tpu.memory_space<hbm>>) target(%arg9 : memref<128xi32, #tpu.memory_space<vmem>>) target_semaphore(%run_scoped3A : memref<!tpu.dma_semaphore, #tpu.memory_space<semaphore_mem>>)
            %dma_wait3A_90 = arith.constant 0 : i32
            %dma_wait3A_91 = tpu.memref_slice %arg4[%add3A_77, %dma_wait3A_90] : memref<2560x128xi32, #tpu.memory_space<hbm>> -> memref<1x128xi32, #tpu.memory_space<hbm>>
            %dma_wait3A_92 = tpu.memref_squeeze %dma_wait3A_91 : memref<1x128xi32, #tpu.memory_space<hbm>> -> memref<128xi32, #tpu.memory_space<hbm>>
            %dma_wait3A_93 = arith.constant 0 : i32
            %dma_wait3A_94 = tpu.memref_slice %arg4[%add3A_77, %dma_wait3A_93] : memref<2560x128xi32, #tpu.memory_space<hbm>> -> memref<1x128xi32, #tpu.memory_space<hbm>>
            %dma_wait3A_95 = tpu.memref_squeeze %dma_wait3A_94 : memref<1x128xi32, #tpu.memory_space<hbm>> -> memref<128xi32, #tpu.memory_space<hbm>>
            tpu.wait_dma2 semaphore(%run_scoped3A : memref<!tpu.dma_semaphore, #tpu.memory_space<semaphore_mem>>) src(%dma_wait3A_95 : memref<128xi32, #tpu.memory_space<hbm>>) dst(%arg9 : memref<128xi32, #tpu.memory_space<vmem>>)
            tpu.yield
          }) : () -> ()
          %mul3A_78 = arith.constant 128 : i32
          %mul3A_79 = arith.muli %add3A_77, %mul3A_78 : i32
          %dma_start3A_80 = arith.constant 0 : i32
          %dma_start3A_81 = tpu.memref_slice %arg2[%mul3A_79, %dma_start3A_80] : memref<327680x128xf32, #tpu.memory_space<hbm>> -> memref<128x128xf32, #tpu.memory_space<hbm>>
          %dma_start3A_82 = arith.constant 0 : i32
          %dma_start3A_83 = tpu.memref_slice %arg2[%mul3A_79, %dma_start3A_82] : memref<327680x128xf32, #tpu.memory_space<hbm>> -> memref<128x128xf32, #tpu.memory_space<hbm>>
          tpu.enqueue_dma source(%dma_start3A_83 : memref<128x128xf32, #tpu.memory_space<hbm>>) target(%arg11 : memref<128x128xf32, #tpu.memory_space<vmem>>) target_semaphore(%arg14 : memref<!tpu.dma_semaphore, #tpu.memory_space<semaphore_mem>>)
        } else {
        }
      }
      %scan3A_36 = arith.constant 80 : i32
      %dma_wait3A = arith.constant 0 : i32
      %dma_wait3A_37 = arith.constant 0 : i32
      %dma_wait3A_38 = tpu.memref_slice %arg12[%dma_wait3A, %dma_wait3A_37] : memref<10240x128xf32, #tpu.memory_space<vmem_shared>> -> memref<10240x128xf32, #tpu.memory_space<vmem_shared>>
      tpu.wait_indirect_dma semaphore(%arg15 : memref<!tpu.dma_semaphore, #tpu.memory_space<semaphore_mem>>) src(%arg10 : memref<128x128xf32, #tpu.memory_space<vmem>>) dst(%dma_wait3A_38 : memref<10240x128xf32, #tpu.memory_space<vmem_shared>>)
      %dma_wait3A_39 = arith.constant 0 : i32
      %dma_wait3A_40 = arith.constant 0 : i32
      %dma_wait3A_41 = tpu.memref_slice %arg12[%dma_wait3A_39, %dma_wait3A_40] : memref<10240x128xf32, #tpu.memory_space<vmem_shared>> -> memref<10240x128xf32, #tpu.memory_space<vmem_shared>>
      tpu.wait_indirect_dma semaphore(%arg16 : memref<!tpu.dma_semaphore, #tpu.memory_space<semaphore_mem>>) src(%arg11 : memref<128x128xf32, #tpu.memory_space<vmem>>) dst(%dma_wait3A_41 : memref<10240x128xf32, #tpu.memory_space<vmem_shared>>)
    } else {
    }
    %eq3A_5 = arith.constant 1 : i32
    %eq3A_6 = arith.cmpi eq, %arg0, %eq3A_5 : i32
    %convert_element_type3A_7 = arith.extui %eq3A_6 : i1 to i32
    %cond3A_8 = arith.constant 0 : i32
    %cond3A_9 = arith.cmpi ne, %convert_element_type3A_7, %cond3A_8 : i32
    scf.if %cond3A_9 {
      "tpu.region"() ({
        %run_scoped3A = tpu.sem_alloc : memref<!tpu.dma_semaphore, #tpu.memory_space<semaphore_mem>>
        %dma_start3A_42 = arith.constant 0 : i32
        %dma_start3A_43 = tpu.memref_slice %arg4[%mul3A_2, %dma_start3A_42] : memref<2560x128xi32, #tpu.memory_space<hbm>> -> memref<1x128xi32, #tpu.memory_space<hbm>>
        %dma_start3A_44 = tpu.memref_squeeze %dma_start3A_43 : memref<1x128xi32, #tpu.memory_space<hbm>> -> memref<128xi32, #tpu.memory_space<hbm>>
        %dma_start3A_45 = arith.constant 0 : i32
        %dma_start3A_46 = tpu.memref_slice %arg4[%mul3A_2, %dma_start3A_45] : memref<2560x128xi32, #tpu.memory_space<hbm>> -> memref<1x128xi32, #tpu.memory_space<hbm>>
        %dma_start3A_47 = tpu.memref_squeeze %dma_start3A_46 : memref<1x128xi32, #tpu.memory_space<hbm>> -> memref<128xi32, #tpu.memory_space<hbm>>
        tpu.enqueue_dma source(%dma_start3A_47 : memref<128xi32, #tpu.memory_space<hbm>>) target(%arg8 : memref<128xi32, #tpu.memory_space<vmem>>) target_semaphore(%run_scoped3A : memref<!tpu.dma_semaphore, #tpu.memory_space<semaphore_mem>>)
        %dma_wait3A_48 = arith.constant 0 : i32
        %dma_wait3A_49 = tpu.memref_slice %arg4[%mul3A_2, %dma_wait3A_48] : memref<2560x128xi32, #tpu.memory_space<hbm>> -> memref<1x128xi32, #tpu.memory_space<hbm>>
        %dma_wait3A_50 = tpu.memref_squeeze %dma_wait3A_49 : memref<1x128xi32, #tpu.memory_space<hbm>> -> memref<128xi32, #tpu.memory_space<hbm>>
        %dma_wait3A_51 = arith.constant 0 : i32
        %dma_wait3A_52 = tpu.memref_slice %arg4[%mul3A_2, %dma_wait3A_51] : memref<2560x128xi32, #tpu.memory_space<hbm>> -> memref<1x128xi32, #tpu.memory_space<hbm>>
        %dma_wait3A_53 = tpu.memref_squeeze %dma_wait3A_52 : memref<1x128xi32, #tpu.memory_space<hbm>> -> memref<128xi32, #tpu.memory_space<hbm>>
        tpu.wait_dma2 semaphore(%run_scoped3A : memref<!tpu.dma_semaphore, #tpu.memory_space<semaphore_mem>>) src(%dma_wait3A_53 : memref<128xi32, #tpu.memory_space<hbm>>) dst(%arg8 : memref<128xi32, #tpu.memory_space<vmem>>)
        tpu.yield
      }) : () -> ()
      %mul3A_21 = arith.constant 128 : i32
      %mul3A_22 = arith.muli %mul3A_2, %mul3A_21 : i32
      %dma_start3A = arith.constant 0 : i32
      %dma_start3A_23 = tpu.memref_slice %arg3[%mul3A_22, %dma_start3A] : memref<327680x128xf32, #tpu.memory_space<hbm>> -> memref<128x128xf32, #tpu.memory_space<hbm>>
      %dma_start3A_24 = arith.constant 0 : i32
      %dma_start3A_25 = tpu.memref_slice %arg3[%mul3A_22, %dma_start3A_24] : memref<327680x128xf32, #tpu.memory_space<hbm>> -> memref<128x128xf32, #tpu.memory_space<hbm>>
      tpu.enqueue_dma source(%dma_start3A_25 : memref<128x128xf32, #tpu.memory_space<hbm>>) target(%arg10 : memref<128x128xf32, #tpu.memory_space<vmem>>) target_semaphore(%arg13 : memref<!tpu.dma_semaphore, #tpu.memory_space<semaphore_mem>>)
      %add3A = arith.constant 1 : i32
      %add3A_26 = arith.addi %mul3A_2, %add3A : i32
      "tpu.region"() ({
        %run_scoped3A = tpu.sem_alloc : memref<!tpu.dma_semaphore, #tpu.memory_space<semaphore_mem>>
        %dma_start3A_42 = arith.constant 0 : i32
        %dma_start3A_43 = tpu.memref_slice %arg4[%add3A_26, %dma_start3A_42] : memref<2560x128xi32, #tpu.memory_space<hbm>> -> memref<1x128xi32, #tpu.memory_space<hbm>>
        %dma_start3A_44 = tpu.memref_squeeze %dma_start3A_43 : memref<1x128xi32, #tpu.memory_space<hbm>> -> memref<128xi32, #tpu.memory_space<hbm>>
        %dma_start3A_45 = arith.constant 0 : i32
        %dma_start3A_46 = tpu.memref_slice %arg4[%add3A_26, %dma_start3A_45] : memref<2560x128xi32, #tpu.memory_space<hbm>> -> memref<1x128xi32, #tpu.memory_space<hbm>>
        %dma_start3A_47 = tpu.memref_squeeze %dma_start3A_46 : memref<1x128xi32, #tpu.memory_space<hbm>> -> memref<128xi32, #tpu.memory_space<hbm>>
        tpu.enqueue_dma source(%dma_start3A_47 : memref<128xi32, #tpu.memory_space<hbm>>) target(%arg9 : memref<128xi32, #tpu.memory_space<vmem>>) target_semaphore(%run_scoped3A : memref<!tpu.dma_semaphore, #tpu.memory_space<semaphore_mem>>)
        %dma_wait3A_48 = arith.constant 0 : i32
        %dma_wait3A_49 = tpu.memref_slice %arg4[%add3A_26, %dma_wait3A_48] : memref<2560x128xi32, #tpu.memory_space<hbm>> -> memref<1x128xi32, #tpu.memory_space<hbm>>
        %dma_wait3A_50 = tpu.memref_squeeze %dma_wait3A_49 : memref<1x128xi32, #tpu.memory_space<hbm>> -> memref<128xi32, #tpu.memory_space<hbm>>
        %dma_wait3A_51 = arith.constant 0 : i32
        %dma_wait3A_52 = tpu.memref_slice %arg4[%add3A_26, %dma_wait3A_51] : memref<2560x128xi32, #tpu.memory_space<hbm>> -> memref<1x128xi32, #tpu.memory_space<hbm>>
        %dma_wait3A_53 = tpu.memref_squeeze %dma_wait3A_52 : memref<1x128xi32, #tpu.memory_space<hbm>> -> memref<128xi32, #tpu.memory_space<hbm>>
        tpu.wait_dma2 semaphore(%run_scoped3A : memref<!tpu.dma_semaphore, #tpu.memory_space<semaphore_mem>>) src(%dma_wait3A_53 : memref<128xi32, #tpu.memory_space<hbm>>) dst(%arg9 : memref<128xi32, #tpu.memory_space<vmem>>)
        tpu.yield
      }) : () -> ()
      %mul3A_27 = arith.constant 128 : i32
      %mul3A_28 = arith.muli %add3A_26, %mul3A_27 : i32
      %dma_start3A_29 = arith.constant 0 : i32
      %dma_start3A_30 = tpu.memref_slice %arg3[%mul3A_28, %dma_start3A_29] : memref<327680x128xf32, #tpu.memory_space<hbm>> -> memref<128x128xf32, #tpu.memory_space<hbm>>
      %dma_start3A_31 = arith.constant 0 : i32
      %dma_start3A_32 = tpu.memref_slice %arg3[%mul3A_28, %dma_start3A_31] : memref<327680x128xf32, #tpu.memory_space<hbm>> -> memref<128x128xf32, #tpu.memory_space<hbm>>
      tpu.enqueue_dma source(%dma_start3A_32 : memref<128x128xf32, #tpu.memory_space<hbm>>) target(%arg11 : memref<128x128xf32, #tpu.memory_space<vmem>>) target_semaphore(%arg14 : memref<!tpu.dma_semaphore, #tpu.memory_space<semaphore_mem>>)
      %scan3A = arith.constant 0 : i32
      %scan3A_33 = arith.constant 80 : i32
      %scan3A_34 = arith.addi %scan3A, %scan3A_33 : i32
      %scan3A_35 = arith.constant 1 : i32
      scf.for %scan3A_42 = %scan3A to %scan3A_34 step %scan3A_35  : i32 {
        %mul3A_43 = arith.constant 2 : i32
        %mul3A_44 = arith.muli %mul3A_43, %scan3A_42 : i32
        %add3A_45 = arith.addi %mul3A_2, %mul3A_44 : i32
        %dma_wait3A_46 = arith.constant 0 : i32
        %dma_wait3A_47 = arith.constant 0 : i32
        %dma_wait3A_48 = tpu.memref_slice %arg3[%dma_wait3A_46, %dma_wait3A_47] : memref<327680x128xf32, #tpu.memory_space<hbm>> -> memref<128x128xf32, #tpu.memory_space<hbm>>
        %dma_wait3A_49 = arith.constant 0 : i32
        %dma_wait3A_50 = arith.constant 0 : i32
        %dma_wait3A_51 = tpu.memref_slice %arg3[%dma_wait3A_49, %dma_wait3A_50] : memref<327680x128xf32, #tpu.memory_space<hbm>> -> memref<128x128xf32, #tpu.memory_space<hbm>>
        tpu.wait_dma2 semaphore(%arg13 : memref<!tpu.dma_semaphore, #tpu.memory_space<semaphore_mem>>) src(%dma_wait3A_51 : memref<128x128xf32, #tpu.memory_space<hbm>>) dst(%arg10 : memref<128x128xf32, #tpu.memory_space<vmem>>)
        %dma_start3A_52 = arith.constant 0 : i32
        %dma_start3A_53 = arith.constant 0 : i32
        %dma_start3A_54 = tpu.memref_slice %arg12[%dma_start3A_52, %dma_start3A_53] : memref<10240x128xf32, #tpu.memory_space<vmem_shared>> -> memref<10240x128xf32, #tpu.memory_space<vmem_shared>>
        tpu.enqueue_indirect_dma source(%arg10 : memref<128x128xf32, #tpu.memory_space<vmem>>) target(%dma_start3A_54 : memref<10240x128xf32, #tpu.memory_space<vmem_shared>>) offsets(%arg8 : memref<128xi32, #tpu.memory_space<vmem>>) semaphore(%arg15 : memref<!tpu.dma_semaphore, #tpu.memory_space<semaphore_mem>>) {add = true}
        %lt3A = arith.constant 79 : i32
        %lt3A_55 = arith.cmpi slt, %scan3A_42, %lt3A : i32
        %convert_element_type3A_56 = arith.extui %lt3A_55 : i1 to i32
        %cond3A_57 = arith.constant 0 : i32
        %cond3A_58 = arith.cmpi ne, %convert_element_type3A_56, %cond3A_57 : i32
        scf.if %cond3A_58 {
          %dma_wait3A_73 = arith.constant 0 : i32
          %dma_wait3A_74 = arith.constant 0 : i32
          %dma_wait3A_75 = tpu.memref_slice %arg12[%dma_wait3A_73, %dma_wait3A_74] : memref<10240x128xf32, #tpu.memory_space<vmem_shared>> -> memref<10240x128xf32, #tpu.memory_space<vmem_shared>>
          tpu.wait_indirect_dma semaphore(%arg15 : memref<!tpu.dma_semaphore, #tpu.memory_space<semaphore_mem>>) src(%arg10 : memref<128x128xf32, #tpu.memory_space<vmem>>) dst(%dma_wait3A_75 : memref<10240x128xf32, #tpu.memory_space<vmem_shared>>)
          %add3A_76 = arith.constant 2 : i32
          %add3A_77 = arith.addi %add3A_45, %add3A_76 : i32
          "tpu.region"() ({
            %run_scoped3A = tpu.sem_alloc : memref<!tpu.dma_semaphore, #tpu.memory_space<semaphore_mem>>
            %dma_start3A_84 = arith.constant 0 : i32
            %dma_start3A_85 = tpu.memref_slice %arg4[%add3A_77, %dma_start3A_84] : memref<2560x128xi32, #tpu.memory_space<hbm>> -> memref<1x128xi32, #tpu.memory_space<hbm>>
            %dma_start3A_86 = tpu.memref_squeeze %dma_start3A_85 : memref<1x128xi32, #tpu.memory_space<hbm>> -> memref<128xi32, #tpu.memory_space<hbm>>
            %dma_start3A_87 = arith.constant 0 : i32
            %dma_start3A_88 = tpu.memref_slice %arg4[%add3A_77, %dma_start3A_87] : memref<2560x128xi32, #tpu.memory_space<hbm>> -> memref<1x128xi32, #tpu.memory_space<hbm>>
            %dma_start3A_89 = tpu.memref_squeeze %dma_start3A_88 : memref<1x128xi32, #tpu.memory_space<hbm>> -> memref<128xi32, #tpu.memory_space<hbm>>
            tpu.enqueue_dma source(%dma_start3A_89 : memref<128xi32, #tpu.memory_space<hbm>>) target(%arg8 : memref<128xi32, #tpu.memory_space<vmem>>) target_semaphore(%run_scoped3A : memref<!tpu.dma_semaphore, #tpu.memory_space<semaphore_mem>>)
            %dma_wait3A_90 = arith.constant 0 : i32
            %dma_wait3A_91 = tpu.memref_slice %arg4[%add3A_77, %dma_wait3A_90] : memref<2560x128xi32, #tpu.memory_space<hbm>> -> memref<1x128xi32, #tpu.memory_space<hbm>>
            %dma_wait3A_92 = tpu.memref_squeeze %dma_wait3A_91 : memref<1x128xi32, #tpu.memory_space<hbm>> -> memref<128xi32, #tpu.memory_space<hbm>>
            %dma_wait3A_93 = arith.constant 0 : i32
            %dma_wait3A_94 = tpu.memref_slice %arg4[%add3A_77, %dma_wait3A_93] : memref<2560x128xi32, #tpu.memory_space<hbm>> -> memref<1x128xi32, #tpu.memory_space<hbm>>
            %dma_wait3A_95 = tpu.memref_squeeze %dma_wait3A_94 : memref<1x128xi32, #tpu.memory_space<hbm>> -> memref<128xi32, #tpu.memory_space<hbm>>
            tpu.wait_dma2 semaphore(%run_scoped3A : memref<!tpu.dma_semaphore, #tpu.memory_space<semaphore_mem>>) src(%dma_wait3A_95 : memref<128xi32, #tpu.memory_space<hbm>>) dst(%arg8 : memref<128xi32, #tpu.memory_space<vmem>>)
            tpu.yield
          }) : () -> ()
          %mul3A_78 = arith.constant 128 : i32
          %mul3A_79 = arith.muli %add3A_77, %mul3A_78 : i32
          %dma_start3A_80 = arith.constant 0 : i32
          %dma_start3A_81 = tpu.memref_slice %arg3[%mul3A_79, %dma_start3A_80] : memref<327680x128xf32, #tpu.memory_space<hbm>> -> memref<128x128xf32, #tpu.memory_space<hbm>>
          %dma_start3A_82 = arith.constant 0 : i32
          %dma_start3A_83 = tpu.memref_slice %arg3[%mul3A_79, %dma_start3A_82] : memref<327680x128xf32, #tpu.memory_space<hbm>> -> memref<128x128xf32, #tpu.memory_space<hbm>>
          tpu.enqueue_dma source(%dma_start3A_83 : memref<128x128xf32, #tpu.memory_space<hbm>>) target(%arg10 : memref<128x128xf32, #tpu.memory_space<vmem>>) target_semaphore(%arg13 : memref<!tpu.dma_semaphore, #tpu.memory_space<semaphore_mem>>)
        } else {
        }
        %dma_wait3A_59 = arith.constant 0 : i32
        %dma_wait3A_60 = arith.constant 0 : i32
        %dma_wait3A_61 = tpu.memref_slice %arg3[%dma_wait3A_59, %dma_wait3A_60] : memref<327680x128xf32, #tpu.memory_space<hbm>> -> memref<128x128xf32, #tpu.memory_space<hbm>>
        %dma_wait3A_62 = arith.constant 0 : i32
        %dma_wait3A_63 = arith.constant 0 : i32
        %dma_wait3A_64 = tpu.memref_slice %arg3[%dma_wait3A_62, %dma_wait3A_63] : memref<327680x128xf32, #tpu.memory_space<hbm>> -> memref<128x128xf32, #tpu.memory_space<hbm>>
        tpu.wait_dma2 semaphore(%arg14 : memref<!tpu.dma_semaphore, #tpu.memory_space<semaphore_mem>>) src(%dma_wait3A_64 : memref<128x128xf32, #tpu.memory_space<hbm>>) dst(%arg11 : memref<128x128xf32, #tpu.memory_space<vmem>>)
        %dma_start3A_65 = arith.constant 0 : i32
        %dma_start3A_66 = arith.constant 0 : i32
        %dma_start3A_67 = tpu.memref_slice %arg12[%dma_start3A_65, %dma_start3A_66] : memref<10240x128xf32, #tpu.memory_space<vmem_shared>> -> memref<10240x128xf32, #tpu.memory_space<vmem_shared>>
        tpu.enqueue_indirect_dma source(%arg11 : memref<128x128xf32, #tpu.memory_space<vmem>>) target(%dma_start3A_67 : memref<10240x128xf32, #tpu.memory_space<vmem_shared>>) offsets(%arg9 : memref<128xi32, #tpu.memory_space<vmem>>) semaphore(%arg16 : memref<!tpu.dma_semaphore, #tpu.memory_space<semaphore_mem>>) {add = true}
        %lt3A_68 = arith.constant 79 : i32
        %lt3A_69 = arith.cmpi slt, %scan3A_42, %lt3A_68 : i32
        %convert_element_type3A_70 = arith.extui %lt3A_69 : i1 to i32
        %cond3A_71 = arith.constant 0 : i32
        %cond3A_72 = arith.cmpi ne, %convert_element_type3A_70, %cond3A_71 : i32
        scf.if %cond3A_72 {
          %dma_wait3A_73 = arith.constant 0 : i32
          %dma_wait3A_74 = arith.constant 0 : i32
          %dma_wait3A_75 = tpu.memref_slice %arg12[%dma_wait3A_73, %dma_wait3A_74] : memref<10240x128xf32, #tpu.memory_space<vmem_shared>> -> memref<10240x128xf32, #tpu.memory_space<vmem_shared>>
          tpu.wait_indirect_dma semaphore(%arg16 : memref<!tpu.dma_semaphore, #tpu.memory_space<semaphore_mem>>) src(%arg11 : memref<128x128xf32, #tpu.memory_space<vmem>>) dst(%dma_wait3A_75 : memref<10240x128xf32, #tpu.memory_space<vmem_shared>>)
          %add3A_76 = arith.constant 3 : i32
          %add3A_77 = arith.addi %add3A_45, %add3A_76 : i32
          "tpu.region"() ({
            %run_scoped3A = tpu.sem_alloc : memref<!tpu.dma_semaphore, #tpu.memory_space<semaphore_mem>>
            %dma_start3A_84 = arith.constant 0 : i32
            %dma_start3A_85 = tpu.memref_slice %arg4[%add3A_77, %dma_start3A_84] : memref<2560x128xi32, #tpu.memory_space<hbm>> -> memref<1x128xi32, #tpu.memory_space<hbm>>
            %dma_start3A_86 = tpu.memref_squeeze %dma_start3A_85 : memref<1x128xi32, #tpu.memory_space<hbm>> -> memref<128xi32, #tpu.memory_space<hbm>>
            %dma_start3A_87 = arith.constant 0 : i32
            %dma_start3A_88 = tpu.memref_slice %arg4[%add3A_77, %dma_start3A_87] : memref<2560x128xi32, #tpu.memory_space<hbm>> -> memref<1x128xi32, #tpu.memory_space<hbm>>
            %dma_start3A_89 = tpu.memref_squeeze %dma_start3A_88 : memref<1x128xi32, #tpu.memory_space<hbm>> -> memref<128xi32, #tpu.memory_space<hbm>>
            tpu.enqueue_dma source(%dma_start3A_89 : memref<128xi32, #tpu.memory_space<hbm>>) target(%arg9 : memref<128xi32, #tpu.memory_space<vmem>>) target_semaphore(%run_scoped3A : memref<!tpu.dma_semaphore, #tpu.memory_space<semaphore_mem>>)
            %dma_wait3A_90 = arith.constant 0 : i32
            %dma_wait3A_91 = tpu.memref_slice %arg4[%add3A_77, %dma_wait3A_90] : memref<2560x128xi32, #tpu.memory_space<hbm>> -> memref<1x128xi32, #tpu.memory_space<hbm>>
            %dma_wait3A_92 = tpu.memref_squeeze %dma_wait3A_91 : memref<1x128xi32, #tpu.memory_space<hbm>> -> memref<128xi32, #tpu.memory_space<hbm>>
            %dma_wait3A_93 = arith.constant 0 : i32
            %dma_wait3A_94 = tpu.memref_slice %arg4[%add3A_77, %dma_wait3A_93] : memref<2560x128xi32, #tpu.memory_space<hbm>> -> memref<1x128xi32, #tpu.memory_space<hbm>>
            %dma_wait3A_95 = tpu.memref_squeeze %dma_wait3A_94 : memref<1x128xi32, #tpu.memory_space<hbm>> -> memref<128xi32, #tpu.memory_space<hbm>>
            tpu.wait_dma2 semaphore(%run_scoped3A : memref<!tpu.dma_semaphore, #tpu.memory_space<semaphore_mem>>) src(%dma_wait3A_95 : memref<128xi32, #tpu.memory_space<hbm>>) dst(%arg9 : memref<128xi32, #tpu.memory_space<vmem>>)
            tpu.yield
          }) : () -> ()
          %mul3A_78 = arith.constant 128 : i32
          %mul3A_79 = arith.muli %add3A_77, %mul3A_78 : i32
          %dma_start3A_80 = arith.constant 0 : i32
          %dma_start3A_81 = tpu.memref_slice %arg3[%mul3A_79, %dma_start3A_80] : memref<327680x128xf32, #tpu.memory_space<hbm>> -> memref<128x128xf32, #tpu.memory_space<hbm>>
          %dma_start3A_82 = arith.constant 0 : i32
          %dma_start3A_83 = tpu.memref_slice %arg3[%mul3A_79, %dma_start3A_82] : memref<327680x128xf32, #tpu.memory_space<hbm>> -> memref<128x128xf32, #tpu.memory_space<hbm>>
          tpu.enqueue_dma source(%dma_start3A_83 : memref<128x128xf32, #tpu.memory_space<hbm>>) target(%arg11 : memref<128x128xf32, #tpu.memory_space<vmem>>) target_semaphore(%arg14 : memref<!tpu.dma_semaphore, #tpu.memory_space<semaphore_mem>>)
        } else {
        }
      }
      %scan3A_36 = arith.constant 80 : i32
      %dma_wait3A = arith.constant 0 : i32
      %dma_wait3A_37 = arith.constant 0 : i32
      %dma_wait3A_38 = tpu.memref_slice %arg12[%dma_wait3A, %dma_wait3A_37] : memref<10240x128xf32, #tpu.memory_space<vmem_shared>> -> memref<10240x128xf32, #tpu.memory_space<vmem_shared>>
      tpu.wait_indirect_dma semaphore(%arg15 : memref<!tpu.dma_semaphore, #tpu.memory_space<semaphore_mem>>) src(%arg10 : memref<128x128xf32, #tpu.memory_space<vmem>>) dst(%dma_wait3A_38 : memref<10240x128xf32, #tpu.memory_space<vmem_shared>>)
      %dma_wait3A_39 = arith.constant 0 : i32
      %dma_wait3A_40 = arith.constant 0 : i32
      %dma_wait3A_41 = tpu.memref_slice %arg12[%dma_wait3A_39, %dma_wait3A_40] : memref<10240x128xf32, #tpu.memory_space<vmem_shared>> -> memref<10240x128xf32, #tpu.memory_space<vmem_shared>>
      tpu.wait_indirect_dma semaphore(%arg16 : memref<!tpu.dma_semaphore, #tpu.memory_space<semaphore_mem>>) src(%arg11 : memref<128x128xf32, #tpu.memory_space<vmem>>) dst(%dma_wait3A_41 : memref<10240x128xf32, #tpu.memory_space<vmem_shared>>)
    } else {
    }
    %barrier3A_10 = arith.constant 0 : index
    tpu.barrier barrier_id(%barrier3A_10)
    %eq3A_11 = arith.constant 0 : i32
    %eq3A_12 = arith.cmpi eq, %arg0, %eq3A_11 : i32
    %convert_element_type3A_13 = arith.extui %eq3A_12 : i1 to i32
    %cond3A_14 = arith.constant 0 : i32
    %cond3A_15 = arith.cmpi ne, %convert_element_type3A_13, %cond3A_14 : i32
    scf.if %cond3A_15 {
      "tpu.region"() ({
        %run_scoped3A = tpu.sem_alloc : memref<!tpu.dma_semaphore, #tpu.memory_space<semaphore_mem>>
        %dma_start3A = arith.constant 0 : i32
        %dma_start3A_21 = tpu.memref_slice %arg6[%mul3A_0, %dma_start3A] : memref<10240x128xf32, #tpu.memory_space<hbm>> -> memref<640x128xf32, #tpu.memory_space<hbm>>
        %dma_start3A_22 = arith.constant 0 : i32
        %dma_start3A_23 = tpu.memref_slice %arg12[%mul3A_0, %dma_start3A_22] : memref<10240x128xf32, #tpu.memory_space<vmem_shared>> -> memref<640x128xf32, #tpu.memory_space<vmem_shared>>
        tpu.enqueue_dma source(%dma_start3A_23 : memref<640x128xf32, #tpu.memory_space<vmem_shared>>) target(%dma_start3A_21 : memref<640x128xf32, #tpu.memory_space<hbm>>) target_semaphore(%run_scoped3A : memref<!tpu.dma_semaphore, #tpu.memory_space<semaphore_mem>>)
        %dma_wait3A = arith.constant 0 : i32
        %dma_wait3A_24 = tpu.memref_slice %arg6[%mul3A_0, %dma_wait3A] : memref<10240x128xf32, #tpu.memory_space<hbm>> -> memref<640x128xf32, #tpu.memory_space<hbm>>
        %dma_wait3A_25 = arith.constant 0 : i32
        %dma_wait3A_26 = tpu.memref_slice %arg12[%mul3A_0, %dma_wait3A_25] : memref<10240x128xf32, #tpu.memory_space<vmem_shared>> -> memref<640x128xf32, #tpu.memory_space<vmem_shared>>
        tpu.wait_dma2 semaphore(%run_scoped3A : memref<!tpu.dma_semaphore, #tpu.memory_space<semaphore_mem>>) src(%dma_wait3A_26 : memref<640x128xf32, #tpu.memory_space<vmem_shared>>) dst(%dma_wait3A_24 : memref<640x128xf32, #tpu.memory_space<hbm>>)
        tpu.yield
      }) : () -> ()
    } else {
    }
    %eq3A_16 = arith.constant 1 : i32
    %eq3A_17 = arith.cmpi eq, %arg0, %eq3A_16 : i32
    %convert_element_type3A_18 = arith.extui %eq3A_17 : i1 to i32
    %cond3A_19 = arith.constant 0 : i32
    %cond3A_20 = arith.cmpi ne, %convert_element_type3A_18, %cond3A_19 : i32
    scf.if %cond3A_20 {
      "tpu.region"() ({
        %run_scoped3A = tpu.sem_alloc : memref<!tpu.dma_semaphore, #tpu.memory_space<semaphore_mem>>
        %dma_start3A = arith.constant 0 : i32
        %dma_start3A_21 = tpu.memref_slice %arg7[%mul3A_0, %dma_start3A] : memref<10240x128xf32, #tpu.memory_space<hbm>> -> memref<640x128xf32, #tpu.memory_space<hbm>>
        %dma_start3A_22 = arith.constant 0 : i32
        %dma_start3A_23 = tpu.memref_slice %arg12[%mul3A_0, %dma_start3A_22] : memref<10240x128xf32, #tpu.memory_space<vmem_shared>> -> memref<640x128xf32, #tpu.memory_space<vmem_shared>>
        tpu.enqueue_dma source(%dma_start3A_23 : memref<640x128xf32, #tpu.memory_space<vmem_shared>>) target(%dma_start3A_21 : memref<640x128xf32, #tpu.memory_space<hbm>>) target_semaphore(%run_scoped3A : memref<!tpu.dma_semaphore, #tpu.memory_space<semaphore_mem>>)
        %dma_wait3A = arith.constant 0 : i32
        %dma_wait3A_24 = tpu.memref_slice %arg7[%mul3A_0, %dma_wait3A] : memref<10240x128xf32, #tpu.memory_space<hbm>> -> memref<640x128xf32, #tpu.memory_space<hbm>>
        %dma_wait3A_25 = arith.constant 0 : i32
        %dma_wait3A_26 = tpu.memref_slice %arg12[%mul3A_0, %dma_wait3A_25] : memref<10240x128xf32, #tpu.memory_space<vmem_shared>> -> memref<640x128xf32, #tpu.memory_space<vmem_shared>>
        tpu.wait_dma2 semaphore(%run_scoped3A : memref<!tpu.dma_semaphore, #tpu.memory_space<semaphore_mem>>) src(%dma_wait3A_26 : memref<640x128xf32, #tpu.memory_space<vmem_shared>>) dst(%dma_wait3A_24 : memref<640x128xf32, #tpu.memory_space<hbm>>)
        tpu.yield
      }) : () -> ()
    } else {
    }
    return
  }
}

#map = affine_map<(d0, d1) -> (0, 0)>
module attributes {stable_mosaic.version = 14 : i64} {
  func.func @_sc_scatter_body(%arg0: i32, %arg1: i32, %arg2: memref<327680x128xf32, #tpu.memory_space<hbm>>, %arg3: memref<327680x128xf32, #tpu.memory_space<hbm>>, %arg4: memref<2560x128xi32, #tpu.memory_space<hbm>>, %arg5: memref<10240x128xf32, #tpu.memory_space<hbm>>, %arg6: memref<10240x128xf32, #tpu.memory_space<hbm>>, %arg7: memref<10240x128xf32, #tpu.memory_space<hbm>>, %arg8: memref<128xi32, #tpu.memory_space<vmem>>, %arg9: memref<128xi32, #tpu.memory_space<vmem>>, %arg10: memref<128x128xf32, #tpu.memory_space<vmem>>, %arg11: memref<128x128xf32, #tpu.memory_space<vmem>>, %arg12: memref<10240x128xf32, #tpu.memory_space<vmem_shared>>, %arg13: memref<!tpu.dma_semaphore, #tpu.memory_space<semaphore_mem>>, %arg14: memref<!tpu.dma_semaphore, #tpu.memory_space<semaphore_mem>>, %arg15: memref<!tpu.dma_semaphore, #tpu.memory_space<semaphore_mem>>, %arg16: memref<!tpu.dma_semaphore, #tpu.memory_space<semaphore_mem>>) attributes {dimension_semantics = [#tpu.dimension_semantics<core_parallel>, #tpu.dimension_semantics<subcore_parallel>], iteration_bounds = array<i64: 2, 16>, scalar_prefetch = 0 : i64, scratch_operands = 9 : i64, tpu.core_type = #tpu.core_type<sc_vector_subcore>, window_params = [{transform_indices = #map}, {transform_indices = #map}, {transform_indices = #map}, {transform_indices = #map}, {transform_indices = #map}, {transform_indices = #map}]} {
    %mul3A = arith.constant 640 : i32
    %mul3A_0 = arith.muli %arg1, %mul3A : i32
    "tpu.region"() ({
      %run_scoped3A = tpu.sem_alloc : memref<!tpu.dma_semaphore, #tpu.memory_space<semaphore_mem>>
      %dma_start3A = arith.constant 0 : i32
      %dma_start3A_21 = tpu.memref_slice %arg12[%mul3A_0, %dma_start3A] : memref<10240x128xf32, #tpu.memory_space<vmem_shared>> -> memref<640x128xf32, #tpu.memory_space<vmem_shared>>
      %dma_start3A_22 = arith.constant 0 : i32
      %dma_start3A_23 = tpu.memref_slice %arg5[%mul3A_0, %dma_start3A_22] : memref<10240x128xf32, #tpu.memory_space<hbm>> -> memref<640x128xf32, #tpu.memory_space<hbm>>
      tpu.enqueue_dma source(%dma_start3A_23 : memref<640x128xf32, #tpu.memory_space<hbm>>) target(%dma_start3A_21 : memref<640x128xf32, #tpu.memory_space<vmem_shared>>) target_semaphore(%run_scoped3A : memref<!tpu.dma_semaphore, #tpu.memory_space<semaphore_mem>>)
      %dma_wait3A = arith.constant 0 : i32
      %dma_wait3A_24 = tpu.memref_slice %arg12[%mul3A_0, %dma_wait3A] : memref<10240x128xf32, #tpu.memory_space<vmem_shared>> -> memref<640x128xf32, #tpu.memory_space<vmem_shared>>
      %dma_wait3A_25 = arith.constant 0 : i32
      %dma_wait3A_26 = tpu.memref_slice %arg5[%mul3A_0, %dma_wait3A_25] : memref<10240x128xf32, #tpu.memory_space<hbm>> -> memref<640x128xf32, #tpu.memory_space<hbm>>
      tpu.wait_dma2 semaphore(%run_scoped3A : memref<!tpu.dma_semaphore, #tpu.memory_space<semaphore_mem>>) src(%dma_wait3A_26 : memref<640x128xf32, #tpu.memory_space<hbm>>) dst(%dma_wait3A_24 : memref<640x128xf32, #tpu.memory_space<vmem_shared>>)
      tpu.yield
    }) : () -> ()
    %barrier3A = arith.constant 0 : index
    tpu.barrier barrier_id(%barrier3A)
    %mul3A_1 = arith.constant 160 : i32
    %mul3A_2 = arith.muli %arg1, %mul3A_1 : i32
    %eq3A = arith.constant 0 : i32
    %eq3A_3 = arith.cmpi eq, %arg0, %eq3A : i32
    %convert_element_type3A = arith.extui %eq3A_3 : i1 to i32
    %cond3A = arith.constant 0 : i32
    %cond3A_4 = arith.cmpi ne, %convert_element_type3A, %cond3A : i32
    scf.if %cond3A_4 {
      "tpu.region"() ({
        %run_scoped3A = tpu.sem_alloc : memref<!tpu.dma_semaphore, #tpu.memory_space<semaphore_mem>>
        %dma_start3A_42 = arith.constant 0 : i32
        %dma_start3A_43 = tpu.memref_slice %arg4[%mul3A_2, %dma_start3A_42] : memref<2560x128xi32, #tpu.memory_space<hbm>> -> memref<1x128xi32, #tpu.memory_space<hbm>>
        %dma_start3A_44 = tpu.memref_squeeze %dma_start3A_43 : memref<1x128xi32, #tpu.memory_space<hbm>> -> memref<128xi32, #tpu.memory_space<hbm>>
        %dma_start3A_45 = arith.constant 0 : i32
        %dma_start3A_46 = tpu.memref_slice %arg4[%mul3A_2, %dma_start3A_45] : memref<2560x128xi32, #tpu.memory_space<hbm>> -> memref<1x128xi32, #tpu.memory_space<hbm>>
        %dma_start3A_47 = tpu.memref_squeeze %dma_start3A_46 : memref<1x128xi32, #tpu.memory_space<hbm>> -> memref<128xi32, #tpu.memory_space<hbm>>
        tpu.enqueue_dma source(%dma_start3A_47 : memref<128xi32, #tpu.memory_space<hbm>>) target(%arg8 : memref<128xi32, #tpu.memory_space<vmem>>) target_semaphore(%run_scoped3A : memref<!tpu.dma_semaphore, #tpu.memory_space<semaphore_mem>>)
        %dma_wait3A_48 = arith.constant 0 : i32
        %dma_wait3A_49 = tpu.memref_slice %arg4[%mul3A_2, %dma_wait3A_48] : memref<2560x128xi32, #tpu.memory_space<hbm>> -> memref<1x128xi32, #tpu.memory_space<hbm>>
        %dma_wait3A_50 = tpu.memref_squeeze %dma_wait3A_49 : memref<1x128xi32, #tpu.memory_space<hbm>> -> memref<128xi32, #tpu.memory_space<hbm>>
        %dma_wait3A_51 = arith.constant 0 : i32
        %dma_wait3A_52 = tpu.memref_slice %arg4[%mul3A_2, %dma_wait3A_51] : memref<2560x128xi32, #tpu.memory_space<hbm>> -> memref<1x128xi32, #tpu.memory_space<hbm>>
        %dma_wait3A_53 = tpu.memref_squeeze %dma_wait3A_52 : memref<1x128xi32, #tpu.memory_space<hbm>> -> memref<128xi32, #tpu.memory_space<hbm>>
        tpu.wait_dma2 semaphore(%run_scoped3A : memref<!tpu.dma_semaphore, #tpu.memory_space<semaphore_mem>>) src(%dma_wait3A_53 : memref<128xi32, #tpu.memory_space<hbm>>) dst(%arg8 : memref<128xi32, #tpu.memory_space<vmem>>)
        tpu.yield
      }) : () -> ()
      %mul3A_21 = arith.constant 128 : i32
      %mul3A_22 = arith.muli %mul3A_2, %mul3A_21 : i32
      %dma_start3A = arith.constant 0 : i32
      %dma_start3A_23 = tpu.memref_slice %arg2[%mul3A_22, %dma_start3A] : memref<327680x128xf32, #tpu.memory_space<hbm>> -> memref<128x128xf32, #tpu.memory_space<hbm>>
      %dma_start3A_24 = arith.constant 0 : i32
      %dma_start3A_25 = tpu.memref_slice %arg2[%mul3A_22, %dma_start3A_24] : memref<327680x128xf32, #tpu.memory_space<hbm>> -> memref<128x128xf32, #tpu.memory_space<hbm>>
      tpu.enqueue_dma source(%dma_start3A_25 : memref<128x128xf32, #tpu.memory_space<hbm>>) target(%arg10 : memref<128x128xf32, #tpu.memory_space<vmem>>) target_semaphore(%arg13 : memref<!tpu.dma_semaphore, #tpu.memory_space<semaphore_mem>>)
      %add3A = arith.constant 1 : i32
      %add3A_26 = arith.addi %mul3A_2, %add3A : i32
      "tpu.region"() ({
        %run_scoped3A = tpu.sem_alloc : memref<!tpu.dma_semaphore, #tpu.memory_space<semaphore_mem>>
        %dma_start3A_42 = arith.constant 0 : i32
        %dma_start3A_43 = tpu.memref_slice %arg4[%add3A_26, %dma_start3A_42] : memref<2560x128xi32, #tpu.memory_space<hbm>> -> memref<1x128xi32, #tpu.memory_space<hbm>>
        %dma_start3A_44 = tpu.memref_squeeze %dma_start3A_43 : memref<1x128xi32, #tpu.memory_space<hbm>> -> memref<128xi32, #tpu.memory_space<hbm>>
        %dma_start3A_45 = arith.constant 0 : i32
        %dma_start3A_46 = tpu.memref_slice %arg4[%add3A_26, %dma_start3A_45] : memref<2560x128xi32, #tpu.memory_space<hbm>> -> memref<1x128xi32, #tpu.memory_space<hbm>>
        %dma_start3A_47 = tpu.memref_squeeze %dma_start3A_46 : memref<1x128xi32, #tpu.memory_space<hbm>> -> memref<128xi32, #tpu.memory_space<hbm>>
        tpu.enqueue_dma source(%dma_start3A_47 : memref<128xi32, #tpu.memory_space<hbm>>) target(%arg9 : memref<128xi32, #tpu.memory_space<vmem>>) target_semaphore(%run_scoped3A : memref<!tpu.dma_semaphore, #tpu.memory_space<semaphore_mem>>)
        %dma_wait3A_48 = arith.constant 0 : i32
        %dma_wait3A_49 = tpu.memref_slice %arg4[%add3A_26, %dma_wait3A_48] : memref<2560x128xi32, #tpu.memory_space<hbm>> -> memref<1x128xi32, #tpu.memory_space<hbm>>
        %dma_wait3A_50 = tpu.memref_squeeze %dma_wait3A_49 : memref<1x128xi32, #tpu.memory_space<hbm>> -> memref<128xi32, #tpu.memory_space<hbm>>
        %dma_wait3A_51 = arith.constant 0 : i32
        %dma_wait3A_52 = tpu.memref_slice %arg4[%add3A_26, %dma_wait3A_51] : memref<2560x128xi32, #tpu.memory_space<hbm>> -> memref<1x128xi32, #tpu.memory_space<hbm>>
        %dma_wait3A_53 = tpu.memref_squeeze %dma_wait3A_52 : memref<1x128xi32, #tpu.memory_space<hbm>> -> memref<128xi32, #tpu.memory_space<hbm>>
        tpu.wait_dma2 semaphore(%run_scoped3A : memref<!tpu.dma_semaphore, #tpu.memory_space<semaphore_mem>>) src(%dma_wait3A_53 : memref<128xi32, #tpu.memory_space<hbm>>) dst(%arg9 : memref<128xi32, #tpu.memory_space<vmem>>)
        tpu.yield
      }) : () -> ()
      %mul3A_27 = arith.constant 128 : i32
      %mul3A_28 = arith.muli %add3A_26, %mul3A_27 : i32
      %dma_start3A_29 = arith.constant 0 : i32
      %dma_start3A_30 = tpu.memref_slice %arg2[%mul3A_28, %dma_start3A_29] : memref<327680x128xf32, #tpu.memory_space<hbm>> -> memref<128x128xf32, #tpu.memory_space<hbm>>
      %dma_start3A_31 = arith.constant 0 : i32
      %dma_start3A_32 = tpu.memref_slice %arg2[%mul3A_28, %dma_start3A_31] : memref<327680x128xf32, #tpu.memory_space<hbm>> -> memref<128x128xf32, #tpu.memory_space<hbm>>
      tpu.enqueue_dma source(%dma_start3A_32 : memref<128x128xf32, #tpu.memory_space<hbm>>) target(%arg11 : memref<128x128xf32, #tpu.memory_space<vmem>>) target_semaphore(%arg14 : memref<!tpu.dma_semaphore, #tpu.memory_space<semaphore_mem>>)
      %scan3A = arith.constant 0 : i32
      %scan3A_33 = arith.constant 80 : i32
      %scan3A_34 = arith.addi %scan3A, %scan3A_33 : i32
      %scan3A_35 = arith.constant 1 : i32
      scf.for %scan3A_42 = %scan3A to %scan3A_34 step %scan3A_35  : i32 {
        %mul3A_43 = arith.constant 2 : i32
        %mul3A_44 = arith.muli %mul3A_43, %scan3A_42 : i32
        %add3A_45 = arith.addi %mul3A_2, %mul3A_44 : i32
        %dma_wait3A_46 = arith.constant 0 : i32
        %dma_wait3A_47 = arith.constant 0 : i32
        %dma_wait3A_48 = tpu.memref_slice %arg2[%dma_wait3A_46, %dma_wait3A_47] : memref<327680x128xf32, #tpu.memory_space<hbm>> -> memref<128x128xf32, #tpu.memory_space<hbm>>
        %dma_wait3A_49 = arith.constant 0 : i32
        %dma_wait3A_50 = arith.constant 0 : i32
        %dma_wait3A_51 = tpu.memref_slice %arg2[%dma_wait3A_49, %dma_wait3A_50] : memref<327680x128xf32, #tpu.memory_space<hbm>> -> memref<128x128xf32, #tpu.memory_space<hbm>>
        tpu.wait_dma2 semaphore(%arg13 : memref<!tpu.dma_semaphore, #tpu.memory_space<semaphore_mem>>) src(%dma_wait3A_51 : memref<128x128xf32, #tpu.memory_space<hbm>>) dst(%arg10 : memref<128x128xf32, #tpu.memory_space<vmem>>)
        %dma_start3A_52 = arith.constant 0 : i32
        %dma_start3A_53 = arith.constant 0 : i32
        %dma_start3A_54 = tpu.memref_slice %arg12[%dma_start3A_52, %dma_start3A_53] : memref<10240x128xf32, #tpu.memory_space<vmem_shared>> -> memref<10240x128xf32, #tpu.memory_space<vmem_shared>>
        tpu.enqueue_indirect_dma source(%arg10 : memref<128x128xf32, #tpu.memory_space<vmem>>) target(%dma_start3A_54 : memref<10240x128xf32, #tpu.memory_space<vmem_shared>>) offsets(%arg8 : memref<128xi32, #tpu.memory_space<vmem>>) semaphore(%arg15 : memref<!tpu.dma_semaphore, #tpu.memory_space<semaphore_mem>>) {add = true}
        %lt3A = arith.constant 79 : i32
        %lt3A_55 = arith.cmpi slt, %scan3A_42, %lt3A : i32
        %convert_element_type3A_56 = arith.extui %lt3A_55 : i1 to i32
        %cond3A_57 = arith.constant 0 : i32
        %cond3A_58 = arith.cmpi ne, %convert_element_type3A_56, %cond3A_57 : i32
        scf.if %cond3A_58 {
          %dma_wait3A_73 = arith.constant 0 : i32
          %dma_wait3A_74 = arith.constant 0 : i32
          %dma_wait3A_75 = tpu.memref_slice %arg12[%dma_wait3A_73, %dma_wait3A_74] : memref<10240x128xf32, #tpu.memory_space<vmem_shared>> -> memref<10240x128xf32, #tpu.memory_space<vmem_shared>>
          tpu.wait_indirect_dma semaphore(%arg15 : memref<!tpu.dma_semaphore, #tpu.memory_space<semaphore_mem>>) src(%arg10 : memref<128x128xf32, #tpu.memory_space<vmem>>) dst(%dma_wait3A_75 : memref<10240x128xf32, #tpu.memory_space<vmem_shared>>)
          %add3A_76 = arith.constant 2 : i32
          %add3A_77 = arith.addi %add3A_45, %add3A_76 : i32
          "tpu.region"() ({
            %run_scoped3A = tpu.sem_alloc : memref<!tpu.dma_semaphore, #tpu.memory_space<semaphore_mem>>
            %dma_start3A_84 = arith.constant 0 : i32
            %dma_start3A_85 = tpu.memref_slice %arg4[%add3A_77, %dma_start3A_84] : memref<2560x128xi32, #tpu.memory_space<hbm>> -> memref<1x128xi32, #tpu.memory_space<hbm>>
            %dma_start3A_86 = tpu.memref_squeeze %dma_start3A_85 : memref<1x128xi32, #tpu.memory_space<hbm>> -> memref<128xi32, #tpu.memory_space<hbm>>
            %dma_start3A_87 = arith.constant 0 : i32
            %dma_start3A_88 = tpu.memref_slice %arg4[%add3A_77, %dma_start3A_87] : memref<2560x128xi32, #tpu.memory_space<hbm>> -> memref<1x128xi32, #tpu.memory_space<hbm>>
            %dma_start3A_89 = tpu.memref_squeeze %dma_start3A_88 : memref<1x128xi32, #tpu.memory_space<hbm>> -> memref<128xi32, #tpu.memory_space<hbm>>
            tpu.enqueue_dma source(%dma_start3A_89 : memref<128xi32, #tpu.memory_space<hbm>>) target(%arg8 : memref<128xi32, #tpu.memory_space<vmem>>) target_semaphore(%run_scoped3A : memref<!tpu.dma_semaphore, #tpu.memory_space<semaphore_mem>>)
            %dma_wait3A_90 = arith.constant 0 : i32
            %dma_wait3A_91 = tpu.memref_slice %arg4[%add3A_77, %dma_wait3A_90] : memref<2560x128xi32, #tpu.memory_space<hbm>> -> memref<1x128xi32, #tpu.memory_space<hbm>>
            %dma_wait3A_92 = tpu.memref_squeeze %dma_wait3A_91 : memref<1x128xi32, #tpu.memory_space<hbm>> -> memref<128xi32, #tpu.memory_space<hbm>>
            %dma_wait3A_93 = arith.constant 0 : i32
            %dma_wait3A_94 = tpu.memref_slice %arg4[%add3A_77, %dma_wait3A_93] : memref<2560x128xi32, #tpu.memory_space<hbm>> -> memref<1x128xi32, #tpu.memory_space<hbm>>
            %dma_wait3A_95 = tpu.memref_squeeze %dma_wait3A_94 : memref<1x128xi32, #tpu.memory_space<hbm>> -> memref<128xi32, #tpu.memory_space<hbm>>
            tpu.wait_dma2 semaphore(%run_scoped3A : memref<!tpu.dma_semaphore, #tpu.memory_space<semaphore_mem>>) src(%dma_wait3A_95 : memref<128xi32, #tpu.memory_space<hbm>>) dst(%arg8 : memref<128xi32, #tpu.memory_space<vmem>>)
            tpu.yield
          }) : () -> ()
          %mul3A_78 = arith.constant 128 : i32
          %mul3A_79 = arith.muli %add3A_77, %mul3A_78 : i32
          %dma_start3A_80 = arith.constant 0 : i32
          %dma_start3A_81 = tpu.memref_slice %arg2[%mul3A_79, %dma_start3A_80] : memref<327680x128xf32, #tpu.memory_space<hbm>> -> memref<128x128xf32, #tpu.memory_space<hbm>>
          %dma_start3A_82 = arith.constant 0 : i32
          %dma_start3A_83 = tpu.memref_slice %arg2[%mul3A_79, %dma_start3A_82] : memref<327680x128xf32, #tpu.memory_space<hbm>> -> memref<128x128xf32, #tpu.memory_space<hbm>>
          tpu.enqueue_dma source(%dma_start3A_83 : memref<128x128xf32, #tpu.memory_space<hbm>>) target(%arg10 : memref<128x128xf32, #tpu.memory_space<vmem>>) target_semaphore(%arg13 : memref<!tpu.dma_semaphore, #tpu.memory_space<semaphore_mem>>)
        } else {
        }
        %dma_wait3A_59 = arith.constant 0 : i32
        %dma_wait3A_60 = arith.constant 0 : i32
        %dma_wait3A_61 = tpu.memref_slice %arg2[%dma_wait3A_59, %dma_wait3A_60] : memref<327680x128xf32, #tpu.memory_space<hbm>> -> memref<128x128xf32, #tpu.memory_space<hbm>>
        %dma_wait3A_62 = arith.constant 0 : i32
        %dma_wait3A_63 = arith.constant 0 : i32
        %dma_wait3A_64 = tpu.memref_slice %arg2[%dma_wait3A_62, %dma_wait3A_63] : memref<327680x128xf32, #tpu.memory_space<hbm>> -> memref<128x128xf32, #tpu.memory_space<hbm>>
        tpu.wait_dma2 semaphore(%arg14 : memref<!tpu.dma_semaphore, #tpu.memory_space<semaphore_mem>>) src(%dma_wait3A_64 : memref<128x128xf32, #tpu.memory_space<hbm>>) dst(%arg11 : memref<128x128xf32, #tpu.memory_space<vmem>>)
        %dma_start3A_65 = arith.constant 0 : i32
        %dma_start3A_66 = arith.constant 0 : i32
        %dma_start3A_67 = tpu.memref_slice %arg12[%dma_start3A_65, %dma_start3A_66] : memref<10240x128xf32, #tpu.memory_space<vmem_shared>> -> memref<10240x128xf32, #tpu.memory_space<vmem_shared>>
        tpu.enqueue_indirect_dma source(%arg11 : memref<128x128xf32, #tpu.memory_space<vmem>>) target(%dma_start3A_67 : memref<10240x128xf32, #tpu.memory_space<vmem_shared>>) offsets(%arg9 : memref<128xi32, #tpu.memory_space<vmem>>) semaphore(%arg16 : memref<!tpu.dma_semaphore, #tpu.memory_space<semaphore_mem>>) {add = true}
        %lt3A_68 = arith.constant 79 : i32
        %lt3A_69 = arith.cmpi slt, %scan3A_42, %lt3A_68 : i32
        %convert_element_type3A_70 = arith.extui %lt3A_69 : i1 to i32
        %cond3A_71 = arith.constant 0 : i32
        %cond3A_72 = arith.cmpi ne, %convert_element_type3A_70, %cond3A_71 : i32
        scf.if %cond3A_72 {
          %dma_wait3A_73 = arith.constant 0 : i32
          %dma_wait3A_74 = arith.constant 0 : i32
          %dma_wait3A_75 = tpu.memref_slice %arg12[%dma_wait3A_73, %dma_wait3A_74] : memref<10240x128xf32, #tpu.memory_space<vmem_shared>> -> memref<10240x128xf32, #tpu.memory_space<vmem_shared>>
          tpu.wait_indirect_dma semaphore(%arg16 : memref<!tpu.dma_semaphore, #tpu.memory_space<semaphore_mem>>) src(%arg11 : memref<128x128xf32, #tpu.memory_space<vmem>>) dst(%dma_wait3A_75 : memref<10240x128xf32, #tpu.memory_space<vmem_shared>>)
          %add3A_76 = arith.constant 3 : i32
          %add3A_77 = arith.addi %add3A_45, %add3A_76 : i32
          "tpu.region"() ({
            %run_scoped3A = tpu.sem_alloc : memref<!tpu.dma_semaphore, #tpu.memory_space<semaphore_mem>>
            %dma_start3A_84 = arith.constant 0 : i32
            %dma_start3A_85 = tpu.memref_slice %arg4[%add3A_77, %dma_start3A_84] : memref<2560x128xi32, #tpu.memory_space<hbm>> -> memref<1x128xi32, #tpu.memory_space<hbm>>
            %dma_start3A_86 = tpu.memref_squeeze %dma_start3A_85 : memref<1x128xi32, #tpu.memory_space<hbm>> -> memref<128xi32, #tpu.memory_space<hbm>>
            %dma_start3A_87 = arith.constant 0 : i32
            %dma_start3A_88 = tpu.memref_slice %arg4[%add3A_77, %dma_start3A_87] : memref<2560x128xi32, #tpu.memory_space<hbm>> -> memref<1x128xi32, #tpu.memory_space<hbm>>
            %dma_start3A_89 = tpu.memref_squeeze %dma_start3A_88 : memref<1x128xi32, #tpu.memory_space<hbm>> -> memref<128xi32, #tpu.memory_space<hbm>>
            tpu.enqueue_dma source(%dma_start3A_89 : memref<128xi32, #tpu.memory_space<hbm>>) target(%arg9 : memref<128xi32, #tpu.memory_space<vmem>>) target_semaphore(%run_scoped3A : memref<!tpu.dma_semaphore, #tpu.memory_space<semaphore_mem>>)
            %dma_wait3A_90 = arith.constant 0 : i32
            %dma_wait3A_91 = tpu.memref_slice %arg4[%add3A_77, %dma_wait3A_90] : memref<2560x128xi32, #tpu.memory_space<hbm>> -> memref<1x128xi32, #tpu.memory_space<hbm>>
            %dma_wait3A_92 = tpu.memref_squeeze %dma_wait3A_91 : memref<1x128xi32, #tpu.memory_space<hbm>> -> memref<128xi32, #tpu.memory_space<hbm>>
            %dma_wait3A_93 = arith.constant 0 : i32
            %dma_wait3A_94 = tpu.memref_slice %arg4[%add3A_77, %dma_wait3A_93] : memref<2560x128xi32, #tpu.memory_space<hbm>> -> memref<1x128xi32, #tpu.memory_space<hbm>>
            %dma_wait3A_95 = tpu.memref_squeeze %dma_wait3A_94 : memref<1x128xi32, #tpu.memory_space<hbm>> -> memref<128xi32, #tpu.memory_space<hbm>>
            tpu.wait_dma2 semaphore(%run_scoped3A : memref<!tpu.dma_semaphore, #tpu.memory_space<semaphore_mem>>) src(%dma_wait3A_95 : memref<128xi32, #tpu.memory_space<hbm>>) dst(%arg9 : memref<128xi32, #tpu.memory_space<vmem>>)
            tpu.yield
          }) : () -> ()
          %mul3A_78 = arith.constant 128 : i32
          %mul3A_79 = arith.muli %add3A_77, %mul3A_78 : i32
          %dma_start3A_80 = arith.constant 0 : i32
          %dma_start3A_81 = tpu.memref_slice %arg2[%mul3A_79, %dma_start3A_80] : memref<327680x128xf32, #tpu.memory_space<hbm>> -> memref<128x128xf32, #tpu.memory_space<hbm>>
          %dma_start3A_82 = arith.constant 0 : i32
          %dma_start3A_83 = tpu.memref_slice %arg2[%mul3A_79, %dma_start3A_82] : memref<327680x128xf32, #tpu.memory_space<hbm>> -> memref<128x128xf32, #tpu.memory_space<hbm>>
          tpu.enqueue_dma source(%dma_start3A_83 : memref<128x128xf32, #tpu.memory_space<hbm>>) target(%arg11 : memref<128x128xf32, #tpu.memory_space<vmem>>) target_semaphore(%arg14 : memref<!tpu.dma_semaphore, #tpu.memory_space<semaphore_mem>>)
        } else {
        }
      }
      %scan3A_36 = arith.constant 80 : i32
      %dma_wait3A = arith.constant 0 : i32
      %dma_wait3A_37 = arith.constant 0 : i32
      %dma_wait3A_38 = tpu.memref_slice %arg12[%dma_wait3A, %dma_wait3A_37] : memref<10240x128xf32, #tpu.memory_space<vmem_shared>> -> memref<10240x128xf32, #tpu.memory_space<vmem_shared>>
      tpu.wait_indirect_dma semaphore(%arg15 : memref<!tpu.dma_semaphore, #tpu.memory_space<semaphore_mem>>) src(%arg10 : memref<128x128xf32, #tpu.memory_space<vmem>>) dst(%dma_wait3A_38 : memref<10240x128xf32, #tpu.memory_space<vmem_shared>>)
      %dma_wait3A_39 = arith.constant 0 : i32
      %dma_wait3A_40 = arith.constant 0 : i32
      %dma_wait3A_41 = tpu.memref_slice %arg12[%dma_wait3A_39, %dma_wait3A_40] : memref<10240x128xf32, #tpu.memory_space<vmem_shared>> -> memref<10240x128xf32, #tpu.memory_space<vmem_shared>>
      tpu.wait_indirect_dma semaphore(%arg16 : memref<!tpu.dma_semaphore, #tpu.memory_space<semaphore_mem>>) src(%arg11 : memref<128x128xf32, #tpu.memory_space<vmem>>) dst(%dma_wait3A_41 : memref<10240x128xf32, #tpu.memory_space<vmem_shared>>)
    } else {
    }
    %eq3A_5 = arith.constant 1 : i32
    %eq3A_6 = arith.cmpi eq, %arg0, %eq3A_5 : i32
    %convert_element_type3A_7 = arith.extui %eq3A_6 : i1 to i32
    %cond3A_8 = arith.constant 0 : i32
    %cond3A_9 = arith.cmpi ne, %convert_element_type3A_7, %cond3A_8 : i32
    scf.if %cond3A_9 {
      "tpu.region"() ({
        %run_scoped3A = tpu.sem_alloc : memref<!tpu.dma_semaphore, #tpu.memory_space<semaphore_mem>>
        %dma_start3A_42 = arith.constant 0 : i32
        %dma_start3A_43 = tpu.memref_slice %arg4[%mul3A_2, %dma_start3A_42] : memref<2560x128xi32, #tpu.memory_space<hbm>> -> memref<1x128xi32, #tpu.memory_space<hbm>>
        %dma_start3A_44 = tpu.memref_squeeze %dma_start3A_43 : memref<1x128xi32, #tpu.memory_space<hbm>> -> memref<128xi32, #tpu.memory_space<hbm>>
        %dma_start3A_45 = arith.constant 0 : i32
        %dma_start3A_46 = tpu.memref_slice %arg4[%mul3A_2, %dma_start3A_45] : memref<2560x128xi32, #tpu.memory_space<hbm>> -> memref<1x128xi32, #tpu.memory_space<hbm>>
        %dma_start3A_47 = tpu.memref_squeeze %dma_start3A_46 : memref<1x128xi32, #tpu.memory_space<hbm>> -> memref<128xi32, #tpu.memory_space<hbm>>
        tpu.enqueue_dma source(%dma_start3A_47 : memref<128xi32, #tpu.memory_space<hbm>>) target(%arg8 : memref<128xi32, #tpu.memory_space<vmem>>) target_semaphore(%run_scoped3A : memref<!tpu.dma_semaphore, #tpu.memory_space<semaphore_mem>>)
        %dma_wait3A_48 = arith.constant 0 : i32
        %dma_wait3A_49 = tpu.memref_slice %arg4[%mul3A_2, %dma_wait3A_48] : memref<2560x128xi32, #tpu.memory_space<hbm>> -> memref<1x128xi32, #tpu.memory_space<hbm>>
        %dma_wait3A_50 = tpu.memref_squeeze %dma_wait3A_49 : memref<1x128xi32, #tpu.memory_space<hbm>> -> memref<128xi32, #tpu.memory_space<hbm>>
        %dma_wait3A_51 = arith.constant 0 : i32
        %dma_wait3A_52 = tpu.memref_slice %arg4[%mul3A_2, %dma_wait3A_51] : memref<2560x128xi32, #tpu.memory_space<hbm>> -> memref<1x128xi32, #tpu.memory_space<hbm>>
        %dma_wait3A_53 = tpu.memref_squeeze %dma_wait3A_52 : memref<1x128xi32, #tpu.memory_space<hbm>> -> memref<128xi32, #tpu.memory_space<hbm>>
        tpu.wait_dma2 semaphore(%run_scoped3A : memref<!tpu.dma_semaphore, #tpu.memory_space<semaphore_mem>>) src(%dma_wait3A_53 : memref<128xi32, #tpu.memory_space<hbm>>) dst(%arg8 : memref<128xi32, #tpu.memory_space<vmem>>)
        tpu.yield
      }) : () -> ()
      %mul3A_21 = arith.constant 128 : i32
      %mul3A_22 = arith.muli %mul3A_2, %mul3A_21 : i32
      %dma_start3A = arith.constant 0 : i32
      %dma_start3A_23 = tpu.memref_slice %arg3[%mul3A_22, %dma_start3A] : memref<327680x128xf32, #tpu.memory_space<hbm>> -> memref<128x128xf32, #tpu.memory_space<hbm>>
      %dma_start3A_24 = arith.constant 0 : i32
      %dma_start3A_25 = tpu.memref_slice %arg3[%mul3A_22, %dma_start3A_24] : memref<327680x128xf32, #tpu.memory_space<hbm>> -> memref<128x128xf32, #tpu.memory_space<hbm>>
      tpu.enqueue_dma source(%dma_start3A_25 : memref<128x128xf32, #tpu.memory_space<hbm>>) target(%arg10 : memref<128x128xf32, #tpu.memory_space<vmem>>) target_semaphore(%arg13 : memref<!tpu.dma_semaphore, #tpu.memory_space<semaphore_mem>>)
      %add3A = arith.constant 1 : i32
      %add3A_26 = arith.addi %mul3A_2, %add3A : i32
      "tpu.region"() ({
        %run_scoped3A = tpu.sem_alloc : memref<!tpu.dma_semaphore, #tpu.memory_space<semaphore_mem>>
        %dma_start3A_42 = arith.constant 0 : i32
        %dma_start3A_43 = tpu.memref_slice %arg4[%add3A_26, %dma_start3A_42] : memref<2560x128xi32, #tpu.memory_space<hbm>> -> memref<1x128xi32, #tpu.memory_space<hbm>>
        %dma_start3A_44 = tpu.memref_squeeze %dma_start3A_43 : memref<1x128xi32, #tpu.memory_space<hbm>> -> memref<128xi32, #tpu.memory_space<hbm>>
        %dma_start3A_45 = arith.constant 0 : i32
        %dma_start3A_46 = tpu.memref_slice %arg4[%add3A_26, %dma_start3A_45] : memref<2560x128xi32, #tpu.memory_space<hbm>> -> memref<1x128xi32, #tpu.memory_space<hbm>>
        %dma_start3A_47 = tpu.memref_squeeze %dma_start3A_46 : memref<1x128xi32, #tpu.memory_space<hbm>> -> memref<128xi32, #tpu.memory_space<hbm>>
        tpu.enqueue_dma source(%dma_start3A_47 : memref<128xi32, #tpu.memory_space<hbm>>) target(%arg9 : memref<128xi32, #tpu.memory_space<vmem>>) target_semaphore(%run_scoped3A : memref<!tpu.dma_semaphore, #tpu.memory_space<semaphore_mem>>)
        %dma_wait3A_48 = arith.constant 0 : i32
        %dma_wait3A_49 = tpu.memref_slice %arg4[%add3A_26, %dma_wait3A_48] : memref<2560x128xi32, #tpu.memory_space<hbm>> -> memref<1x128xi32, #tpu.memory_space<hbm>>
        %dma_wait3A_50 = tpu.memref_squeeze %dma_wait3A_49 : memref<1x128xi32, #tpu.memory_space<hbm>> -> memref<128xi32, #tpu.memory_space<hbm>>
        %dma_wait3A_51 = arith.constant 0 : i32
        %dma_wait3A_52 = tpu.memref_slice %arg4[%add3A_26, %dma_wait3A_51] : memref<2560x128xi32, #tpu.memory_space<hbm>> -> memref<1x128xi32, #tpu.memory_space<hbm>>
        %dma_wait3A_53 = tpu.memref_squeeze %dma_wait3A_52 : memref<1x128xi32, #tpu.memory_space<hbm>> -> memref<128xi32, #tpu.memory_space<hbm>>
        tpu.wait_dma2 semaphore(%run_scoped3A : memref<!tpu.dma_semaphore, #tpu.memory_space<semaphore_mem>>) src(%dma_wait3A_53 : memref<128xi32, #tpu.memory_space<hbm>>) dst(%arg9 : memref<128xi32, #tpu.memory_space<vmem>>)
        tpu.yield
      }) : () -> ()
      %mul3A_27 = arith.constant 128 : i32
      %mul3A_28 = arith.muli %add3A_26, %mul3A_27 : i32
      %dma_start3A_29 = arith.constant 0 : i32
      %dma_start3A_30 = tpu.memref_slice %arg3[%mul3A_28, %dma_start3A_29] : memref<327680x128xf32, #tpu.memory_space<hbm>> -> memref<128x128xf32, #tpu.memory_space<hbm>>
      %dma_start3A_31 = arith.constant 0 : i32
      %dma_start3A_32 = tpu.memref_slice %arg3[%mul3A_28, %dma_start3A_31] : memref<327680x128xf32, #tpu.memory_space<hbm>> -> memref<128x128xf32, #tpu.memory_space<hbm>>
      tpu.enqueue_dma source(%dma_start3A_32 : memref<128x128xf32, #tpu.memory_space<hbm>>) target(%arg11 : memref<128x128xf32, #tpu.memory_space<vmem>>) target_semaphore(%arg14 : memref<!tpu.dma_semaphore, #tpu.memory_space<semaphore_mem>>)
      %scan3A = arith.constant 0 : i32
      %scan3A_33 = arith.constant 80 : i32
      %scan3A_34 = arith.addi %scan3A, %scan3A_33 : i32
      %scan3A_35 = arith.constant 1 : i32
      scf.for %scan3A_42 = %scan3A to %scan3A_34 step %scan3A_35  : i32 {
        %mul3A_43 = arith.constant 2 : i32
        %mul3A_44 = arith.muli %mul3A_43, %scan3A_42 : i32
        %add3A_45 = arith.addi %mul3A_2, %mul3A_44 : i32
        %dma_wait3A_46 = arith.constant 0 : i32
        %dma_wait3A_47 = arith.constant 0 : i32
        %dma_wait3A_48 = tpu.memref_slice %arg3[%dma_wait3A_46, %dma_wait3A_47] : memref<327680x128xf32, #tpu.memory_space<hbm>> -> memref<128x128xf32, #tpu.memory_space<hbm>>
        %dma_wait3A_49 = arith.constant 0 : i32
        %dma_wait3A_50 = arith.constant 0 : i32
        %dma_wait3A_51 = tpu.memref_slice %arg3[%dma_wait3A_49, %dma_wait3A_50] : memref<327680x128xf32, #tpu.memory_space<hbm>> -> memref<128x128xf32, #tpu.memory_space<hbm>>
        tpu.wait_dma2 semaphore(%arg13 : memref<!tpu.dma_semaphore, #tpu.memory_space<semaphore_mem>>) src(%dma_wait3A_51 : memref<128x128xf32, #tpu.memory_space<hbm>>) dst(%arg10 : memref<128x128xf32, #tpu.memory_space<vmem>>)
        %dma_start3A_52 = arith.constant 0 : i32
        %dma_start3A_53 = arith.constant 0 : i32
        %dma_start3A_54 = tpu.memref_slice %arg12[%dma_start3A_52, %dma_start3A_53] : memref<10240x128xf32, #tpu.memory_space<vmem_shared>> -> memref<10240x128xf32, #tpu.memory_space<vmem_shared>>
        tpu.enqueue_indirect_dma source(%arg10 : memref<128x128xf32, #tpu.memory_space<vmem>>) target(%dma_start3A_54 : memref<10240x128xf32, #tpu.memory_space<vmem_shared>>) offsets(%arg8 : memref<128xi32, #tpu.memory_space<vmem>>) semaphore(%arg15 : memref<!tpu.dma_semaphore, #tpu.memory_space<semaphore_mem>>) {add = true}
        %lt3A = arith.constant 79 : i32
        %lt3A_55 = arith.cmpi slt, %scan3A_42, %lt3A : i32
        %convert_element_type3A_56 = arith.extui %lt3A_55 : i1 to i32
        %cond3A_57 = arith.constant 0 : i32
        %cond3A_58 = arith.cmpi ne, %convert_element_type3A_56, %cond3A_57 : i32
        scf.if %cond3A_58 {
          %dma_wait3A_73 = arith.constant 0 : i32
          %dma_wait3A_74 = arith.constant 0 : i32
          %dma_wait3A_75 = tpu.memref_slice %arg12[%dma_wait3A_73, %dma_wait3A_74] : memref<10240x128xf32, #tpu.memory_space<vmem_shared>> -> memref<10240x128xf32, #tpu.memory_space<vmem_shared>>
          tpu.wait_indirect_dma semaphore(%arg15 : memref<!tpu.dma_semaphore, #tpu.memory_space<semaphore_mem>>) src(%arg10 : memref<128x128xf32, #tpu.memory_space<vmem>>) dst(%dma_wait3A_75 : memref<10240x128xf32, #tpu.memory_space<vmem_shared>>)
          %add3A_76 = arith.constant 2 : i32
          %add3A_77 = arith.addi %add3A_45, %add3A_76 : i32
          "tpu.region"() ({
            %run_scoped3A = tpu.sem_alloc : memref<!tpu.dma_semaphore, #tpu.memory_space<semaphore_mem>>
            %dma_start3A_84 = arith.constant 0 : i32
            %dma_start3A_85 = tpu.memref_slice %arg4[%add3A_77, %dma_start3A_84] : memref<2560x128xi32, #tpu.memory_space<hbm>> -> memref<1x128xi32, #tpu.memory_space<hbm>>
            %dma_start3A_86 = tpu.memref_squeeze %dma_start3A_85 : memref<1x128xi32, #tpu.memory_space<hbm>> -> memref<128xi32, #tpu.memory_space<hbm>>
            %dma_start3A_87 = arith.constant 0 : i32
            %dma_start3A_88 = tpu.memref_slice %arg4[%add3A_77, %dma_start3A_87] : memref<2560x128xi32, #tpu.memory_space<hbm>> -> memref<1x128xi32, #tpu.memory_space<hbm>>
            %dma_start3A_89 = tpu.memref_squeeze %dma_start3A_88 : memref<1x128xi32, #tpu.memory_space<hbm>> -> memref<128xi32, #tpu.memory_space<hbm>>
            tpu.enqueue_dma source(%dma_start3A_89 : memref<128xi32, #tpu.memory_space<hbm>>) target(%arg8 : memref<128xi32, #tpu.memory_space<vmem>>) target_semaphore(%run_scoped3A : memref<!tpu.dma_semaphore, #tpu.memory_space<semaphore_mem>>)
            %dma_wait3A_90 = arith.constant 0 : i32
            %dma_wait3A_91 = tpu.memref_slice %arg4[%add3A_77, %dma_wait3A_90] : memref<2560x128xi32, #tpu.memory_space<hbm>> -> memref<1x128xi32, #tpu.memory_space<hbm>>
            %dma_wait3A_92 = tpu.memref_squeeze %dma_wait3A_91 : memref<1x128xi32, #tpu.memory_space<hbm>> -> memref<128xi32, #tpu.memory_space<hbm>>
            %dma_wait3A_93 = arith.constant 0 : i32
            %dma_wait3A_94 = tpu.memref_slice %arg4[%add3A_77, %dma_wait3A_93] : memref<2560x128xi32, #tpu.memory_space<hbm>> -> memref<1x128xi32, #tpu.memory_space<hbm>>
            %dma_wait3A_95 = tpu.memref_squeeze %dma_wait3A_94 : memref<1x128xi32, #tpu.memory_space<hbm>> -> memref<128xi32, #tpu.memory_space<hbm>>
            tpu.wait_dma2 semaphore(%run_scoped3A : memref<!tpu.dma_semaphore, #tpu.memory_space<semaphore_mem>>) src(%dma_wait3A_95 : memref<128xi32, #tpu.memory_space<hbm>>) dst(%arg8 : memref<128xi32, #tpu.memory_space<vmem>>)
            tpu.yield
          }) : () -> ()
          %mul3A_78 = arith.constant 128 : i32
          %mul3A_79 = arith.muli %add3A_77, %mul3A_78 : i32
          %dma_start3A_80 = arith.constant 0 : i32
          %dma_start3A_81 = tpu.memref_slice %arg3[%mul3A_79, %dma_start3A_80] : memref<327680x128xf32, #tpu.memory_space<hbm>> -> memref<128x128xf32, #tpu.memory_space<hbm>>
          %dma_start3A_82 = arith.constant 0 : i32
          %dma_start3A_83 = tpu.memref_slice %arg3[%mul3A_79, %dma_start3A_82] : memref<327680x128xf32, #tpu.memory_space<hbm>> -> memref<128x128xf32, #tpu.memory_space<hbm>>
          tpu.enqueue_dma source(%dma_start3A_83 : memref<128x128xf32, #tpu.memory_space<hbm>>) target(%arg10 : memref<128x128xf32, #tpu.memory_space<vmem>>) target_semaphore(%arg13 : memref<!tpu.dma_semaphore, #tpu.memory_space<semaphore_mem>>)
        } else {
        }
        %dma_wait3A_59 = arith.constant 0 : i32
        %dma_wait3A_60 = arith.constant 0 : i32
        %dma_wait3A_61 = tpu.memref_slice %arg3[%dma_wait3A_59, %dma_wait3A_60] : memref<327680x128xf32, #tpu.memory_space<hbm>> -> memref<128x128xf32, #tpu.memory_space<hbm>>
        %dma_wait3A_62 = arith.constant 0 : i32
        %dma_wait3A_63 = arith.constant 0 : i32
        %dma_wait3A_64 = tpu.memref_slice %arg3[%dma_wait3A_62, %dma_wait3A_63] : memref<327680x128xf32, #tpu.memory_space<hbm>> -> memref<128x128xf32, #tpu.memory_space<hbm>>
        tpu.wait_dma2 semaphore(%arg14 : memref<!tpu.dma_semaphore, #tpu.memory_space<semaphore_mem>>) src(%dma_wait3A_64 : memref<128x128xf32, #tpu.memory_space<hbm>>) dst(%arg11 : memref<128x128xf32, #tpu.memory_space<vmem>>)
        %dma_start3A_65 = arith.constant 0 : i32
        %dma_start3A_66 = arith.constant 0 : i32
        %dma_start3A_67 = tpu.memref_slice %arg12[%dma_start3A_65, %dma_start3A_66] : memref<10240x128xf32, #tpu.memory_space<vmem_shared>> -> memref<10240x128xf32, #tpu.memory_space<vmem_shared>>
        tpu.enqueue_indirect_dma source(%arg11 : memref<128x128xf32, #tpu.memory_space<vmem>>) target(%dma_start3A_67 : memref<10240x128xf32, #tpu.memory_space<vmem_shared>>) offsets(%arg9 : memref<128xi32, #tpu.memory_space<vmem>>) semaphore(%arg16 : memref<!tpu.dma_semaphore, #tpu.memory_space<semaphore_mem>>) {add = true}
        %lt3A_68 = arith.constant 79 : i32
        %lt3A_69 = arith.cmpi slt, %scan3A_42, %lt3A_68 : i32
        %convert_element_type3A_70 = arith.extui %lt3A_69 : i1 to i32
        %cond3A_71 = arith.constant 0 : i32
        %cond3A_72 = arith.cmpi ne, %convert_element_type3A_70, %cond3A_71 : i32
        scf.if %cond3A_72 {
          %dma_wait3A_73 = arith.constant 0 : i32
          %dma_wait3A_74 = arith.constant 0 : i32
          %dma_wait3A_75 = tpu.memref_slice %arg12[%dma_wait3A_73, %dma_wait3A_74] : memref<10240x128xf32, #tpu.memory_space<vmem_shared>> -> memref<10240x128xf32, #tpu.memory_space<vmem_shared>>
          tpu.wait_indirect_dma semaphore(%arg16 : memref<!tpu.dma_semaphore, #tpu.memory_space<semaphore_mem>>) src(%arg11 : memref<128x128xf32, #tpu.memory_space<vmem>>) dst(%dma_wait3A_75 : memref<10240x128xf32, #tpu.memory_space<vmem_shared>>)
          %add3A_76 = arith.constant 3 : i32
          %add3A_77 = arith.addi %add3A_45, %add3A_76 : i32
          "tpu.region"() ({
            %run_scoped3A = tpu.sem_alloc : memref<!tpu.dma_semaphore, #tpu.memory_space<semaphore_mem>>
            %dma_start3A_84 = arith.constant 0 : i32
            %dma_start3A_85 = tpu.memref_slice %arg4[%add3A_77, %dma_start3A_84] : memref<2560x128xi32, #tpu.memory_space<hbm>> -> memref<1x128xi32, #tpu.memory_space<hbm>>
            %dma_start3A_86 = tpu.memref_squeeze %dma_start3A_85 : memref<1x128xi32, #tpu.memory_space<hbm>> -> memref<128xi32, #tpu.memory_space<hbm>>
            %dma_start3A_87 = arith.constant 0 : i32
            %dma_start3A_88 = tpu.memref_slice %arg4[%add3A_77, %dma_start3A_87] : memref<2560x128xi32, #tpu.memory_space<hbm>> -> memref<1x128xi32, #tpu.memory_space<hbm>>
            %dma_start3A_89 = tpu.memref_squeeze %dma_start3A_88 : memref<1x128xi32, #tpu.memory_space<hbm>> -> memref<128xi32, #tpu.memory_space<hbm>>
            tpu.enqueue_dma source(%dma_start3A_89 : memref<128xi32, #tpu.memory_space<hbm>>) target(%arg9 : memref<128xi32, #tpu.memory_space<vmem>>) target_semaphore(%run_scoped3A : memref<!tpu.dma_semaphore, #tpu.memory_space<semaphore_mem>>)
            %dma_wait3A_90 = arith.constant 0 : i32
            %dma_wait3A_91 = tpu.memref_slice %arg4[%add3A_77, %dma_wait3A_90] : memref<2560x128xi32, #tpu.memory_space<hbm>> -> memref<1x128xi32, #tpu.memory_space<hbm>>
            %dma_wait3A_92 = tpu.memref_squeeze %dma_wait3A_91 : memref<1x128xi32, #tpu.memory_space<hbm>> -> memref<128xi32, #tpu.memory_space<hbm>>
            %dma_wait3A_93 = arith.constant 0 : i32
            %dma_wait3A_94 = tpu.memref_slice %arg4[%add3A_77, %dma_wait3A_93] : memref<2560x128xi32, #tpu.memory_space<hbm>> -> memref<1x128xi32, #tpu.memory_space<hbm>>
            %dma_wait3A_95 = tpu.memref_squeeze %dma_wait3A_94 : memref<1x128xi32, #tpu.memory_space<hbm>> -> memref<128xi32, #tpu.memory_space<hbm>>
            tpu.wait_dma2 semaphore(%run_scoped3A : memref<!tpu.dma_semaphore, #tpu.memory_space<semaphore_mem>>) src(%dma_wait3A_95 : memref<128xi32, #tpu.memory_space<hbm>>) dst(%arg9 : memref<128xi32, #tpu.memory_space<vmem>>)
            tpu.yield
          }) : () -> ()
          %mul3A_78 = arith.constant 128 : i32
          %mul3A_79 = arith.muli %add3A_77, %mul3A_78 : i32
          %dma_start3A_80 = arith.constant 0 : i32
          %dma_start3A_81 = tpu.memref_slice %arg3[%mul3A_79, %dma_start3A_80] : memref<327680x128xf32, #tpu.memory_space<hbm>> -> memref<128x128xf32, #tpu.memory_space<hbm>>
          %dma_start3A_82 = arith.constant 0 : i32
          %dma_start3A_83 = tpu.memref_slice %arg3[%mul3A_79, %dma_start3A_82] : memref<327680x128xf32, #tpu.memory_space<hbm>> -> memref<128x128xf32, #tpu.memory_space<hbm>>
          tpu.enqueue_dma source(%dma_start3A_83 : memref<128x128xf32, #tpu.memory_space<hbm>>) target(%arg11 : memref<128x128xf32, #tpu.memory_space<vmem>>) target_semaphore(%arg14 : memref<!tpu.dma_semaphore, #tpu.memory_space<semaphore_mem>>)
        } else {
        }
      }
      %scan3A_36 = arith.constant 80 : i32
      %dma_wait3A = arith.constant 0 : i32
      %dma_wait3A_37 = arith.constant 0 : i32
      %dma_wait3A_38 = tpu.memref_slice %arg12[%dma_wait3A, %dma_wait3A_37] : memref<10240x128xf32, #tpu.memory_space<vmem_shared>> -> memref<10240x128xf32, #tpu.memory_space<vmem_shared>>
      tpu.wait_indirect_dma semaphore(%arg15 : memref<!tpu.dma_semaphore, #tpu.memory_space<semaphore_mem>>) src(%arg10 : memref<128x128xf32, #tpu.memory_space<vmem>>) dst(%dma_wait3A_38 : memref<10240x128xf32, #tpu.memory_space<vmem_shared>>)
      %dma_wait3A_39 = arith.constant 0 : i32
      %dma_wait3A_40 = arith.constant 0 : i32
      %dma_wait3A_41 = tpu.memref_slice %arg12[%dma_wait3A_39, %dma_wait3A_40] : memref<10240x128xf32, #tpu.memory_space<vmem_shared>> -> memref<10240x128xf32, #tpu.memory_space<vmem_shared>>
      tpu.wait_indirect_dma semaphore(%arg16 : memref<!tpu.dma_semaphore, #tpu.memory_space<semaphore_mem>>) src(%arg11 : memref<128x128xf32, #tpu.memory_space<vmem>>) dst(%dma_wait3A_41 : memref<10240x128xf32, #tpu.memory_space<vmem_shared>>)
    } else {
    }
    %barrier3A_10 = arith.constant 0 : index
    tpu.barrier barrier_id(%barrier3A_10)
    %eq3A_11 = arith.constant 0 : i32
    %eq3A_12 = arith.cmpi eq, %arg0, %eq3A_11 : i32
    %convert_element_type3A_13 = arith.extui %eq3A_12 : i1 to i32
    %cond3A_14 = arith.constant 0 : i32
    %cond3A_15 = arith.cmpi ne, %convert_element_type3A_13, %cond3A_14 : i32
    scf.if %cond3A_15 {
      "tpu.region"() ({
        %run_scoped3A = tpu.sem_alloc : memref<!tpu.dma_semaphore, #tpu.memory_space<semaphore_mem>>
        %dma_start3A = arith.constant 0 : i32
        %dma_start3A_21 = tpu.memref_slice %arg6[%mul3A_0, %dma_start3A] : memref<10240x128xf32, #tpu.memory_space<hbm>> -> memref<640x128xf32, #tpu.memory_space<hbm>>
        %dma_start3A_22 = arith.constant 0 : i32
        %dma_start3A_23 = tpu.memref_slice %arg12[%mul3A_0, %dma_start3A_22] : memref<10240x128xf32, #tpu.memory_space<vmem_shared>> -> memref<640x128xf32, #tpu.memory_space<vmem_shared>>
        tpu.enqueue_dma source(%dma_start3A_23 : memref<640x128xf32, #tpu.memory_space<vmem_shared>>) target(%dma_start3A_21 : memref<640x128xf32, #tpu.memory_space<hbm>>) target_semaphore(%run_scoped3A : memref<!tpu.dma_semaphore, #tpu.memory_space<semaphore_mem>>)
        %dma_wait3A = arith.constant 0 : i32
        %dma_wait3A_24 = tpu.memref_slice %arg6[%mul3A_0, %dma_wait3A] : memref<10240x128xf32, #tpu.memory_space<hbm>> -> memref<640x128xf32, #tpu.memory_space<hbm>>
        %dma_wait3A_25 = arith.constant 0 : i32
        %dma_wait3A_26 = tpu.memref_slice %arg12[%mul3A_0, %dma_wait3A_25] : memref<10240x128xf32, #tpu.memory_space<vmem_shared>> -> memref<640x128xf32, #tpu.memory_space<vmem_shared>>
        tpu.wait_dma2 semaphore(%run_scoped3A : memref<!tpu.dma_semaphore, #tpu.memory_space<semaphore_mem>>) src(%dma_wait3A_26 : memref<640x128xf32, #tpu.memory_space<vmem_shared>>) dst(%dma_wait3A_24 : memref<640x128xf32, #tpu.memory_space<hbm>>)
        tpu.yield
      }) : () -> ()
    } else {
    }
    %eq3A_16 = arith.constant 1 : i32
    %eq3A_17 = arith.cmpi eq, %arg0, %eq3A_16 : i32
    %convert_element_type3A_18 = arith.extui %eq3A_17 : i1 to i32
    %cond3A_19 = arith.constant 0 : i32
    %cond3A_20 = arith.cmpi ne, %convert_element_type3A_18, %cond3A_19 : i32
    scf.if %cond3A_20 {
      "tpu.region"() ({
        %run_scoped3A = tpu.sem_alloc : memref<!tpu.dma_semaphore, #tpu.memory_space<semaphore_mem>>
        %dma_start3A = arith.constant 0 : i32
        %dma_start3A_21 = tpu.memref_slice %arg7[%mul3A_0, %dma_start3A] : memref<10240x128xf32, #tpu.memory_space<hbm>> -> memref<640x128xf32, #tpu.memory_space<hbm>>
        %dma_start3A_22 = arith.constant 0 : i32
        %dma_start3A_23 = tpu.memref_slice %arg12[%mul3A_0, %dma_start3A_22] : memref<10240x128xf32, #tpu.memory_space<vmem_shared>> -> memref<640x128xf32, #tpu.memory_space<vmem_shared>>
        tpu.enqueue_dma source(%dma_start3A_23 : memref<640x128xf32, #tpu.memory_space<vmem_shared>>) target(%dma_start3A_21 : memref<640x128xf32, #tpu.memory_space<hbm>>) target_semaphore(%run_scoped3A : memref<!tpu.dma_semaphore, #tpu.memory_space<semaphore_mem>>)
        %dma_wait3A = arith.constant 0 : i32
        %dma_wait3A_24 = tpu.memref_slice %arg7[%mul3A_0, %dma_wait3A] : memref<10240x128xf32, #tpu.memory_space<hbm>> -> memref<640x128xf32, #tpu.memory_space<hbm>>
        %dma_wait3A_25 = arith.constant 0 : i32
        %dma_wait3A_26 = tpu.memref_slice %arg12[%mul3A_0, %dma_wait3A_25] : memref<10240x128xf32, #tpu.memory_space<vmem_shared>> -> memref<640x128xf32, #tpu.memory_space<vmem_shared>>
        tpu.wait_dma2 semaphore(%run_scoped3A : memref<!tpu.dma_semaphore, #tpu.memory_space<semaphore_mem>>) src(%dma_wait3A_26 : memref<640x128xf32, #tpu.memory_space<vmem_shared>>) dst(%dma_wait3A_24 : memref<640x128xf32, #tpu.memory_space<hbm>>)
        tpu.yield
      }) : () -> ()
    } else {
    }
    return
  }
}

#map = affine_map<(d0, d1) -> (0, 0)>
#map1 = affine_map<(d0, d1) -> (0)>
module attributes {stable_mosaic.version = 14 : i64} {
  func.func @_sc_gather_body(%arg0: i32, %arg1: i32, %arg2: memref<10000x128xf32, #tpu.memory_space<hbm>>, %arg3: memref<10000x128xf32, #tpu.memory_space<hbm>>, %arg4: memref<10240xf32, #tpu.memory_space<hbm>>, %arg5: memref<10240xf32, #tpu.memory_space<hbm>>, %arg6: memref<10240xf32, #tpu.memory_space<hbm>>, %arg7: memref<2560x128xi32, #tpu.memory_space<hbm>>, %arg8: memref<2560x128xi32, #tpu.memory_space<hbm>>, %arg9: memref<327680x128xf32, #tpu.memory_space<hbm>>, %arg10: memref<4x327680xf32, #tpu.memory_space<hbm>>, %arg11: memref<128xi32, #tpu.memory_space<vmem>>, %arg12: memref<128xi32, #tpu.memory_space<vmem>>, %arg13: memref<128xi32, #tpu.memory_space<vmem>>, %arg14: memref<128xi32, #tpu.memory_space<vmem>>, %arg15: memref<128x128xf32, #tpu.memory_space<vmem>>, %arg16: memref<128x128xf32, #tpu.memory_space<vmem>>, %arg17: memref<128x128xf32, #tpu.memory_space<vmem>>, %arg18: memref<128x128xf32, #tpu.memory_space<vmem>>, %arg19: memref<128xf32, #tpu.memory_space<vmem>>, %arg20: memref<128xf32, #tpu.memory_space<vmem>>, %arg21: memref<128xf32, #tpu.memory_space<vmem>>, %arg22: memref<128xf32, #tpu.memory_space<vmem>>, %arg23: memref<10240xf32, #tpu.memory_space<vmem>>, %arg24: memref<10240xf32, #tpu.memory_space<vmem>>, %arg25: memref<10240xf32, #tpu.memory_space<vmem>>, %arg26: memref<!tpu.dma_semaphore, #tpu.memory_space<semaphore_mem>>, %arg27: memref<!tpu.dma_semaphore, #tpu.memory_space<semaphore_mem>>, %arg28: memref<!tpu.dma_semaphore, #tpu.memory_space<semaphore_mem>>, %arg29: memref<!tpu.dma_semaphore, #tpu.memory_space<semaphore_mem>>, %arg30: memref<!tpu.dma_semaphore, #tpu.memory_space<semaphore_mem>>, %arg31: memref<!tpu.dma_semaphore, #tpu.memory_space<semaphore_mem>>) attributes {dimension_semantics = [#tpu.dimension_semantics<core_parallel>, #tpu.dimension_semantics<subcore_parallel>], iteration_bounds = array<i64: 2, 16>, scalar_prefetch = 0 : i64, scratch_operands = 21 : i64, tpu.core_type = #tpu.core_type<sc_vector_subcore>, window_params = [{transform_indices = #map}, {transform_indices = #map}, {transform_indices = #map1}, {transform_indices = #map1}, {transform_indices = #map1}, {transform_indices = #map}, {transform_indices = #map}, {transform_indices = #map}, {transform_indices = #map}]} {
    %mul3A = arith.constant 2 : i32
    %mul3A_0 = arith.muli %arg1, %mul3A : i32
    %add3A = arith.addi %mul3A_0, %arg0 : i32
    %mul3A_1 = arith.constant 80 : i32
    %mul3A_2 = arith.muli %add3A, %mul3A_1 : i32
    "tpu.region"() ({
      %run_scoped3A = tpu.sem_alloc : memref<!tpu.dma_semaphore, #tpu.memory_space<semaphore_mem>>
      tpu.enqueue_dma source(%arg4 : memref<10240xf32, #tpu.memory_space<hbm>>) target(%arg23 : memref<10240xf32, #tpu.memory_space<vmem>>) target_semaphore(%run_scoped3A : memref<!tpu.dma_semaphore, #tpu.memory_space<semaphore_mem>>)
      tpu.wait_dma2 semaphore(%run_scoped3A : memref<!tpu.dma_semaphore, #tpu.memory_space<semaphore_mem>>) src(%arg4 : memref<10240xf32, #tpu.memory_space<hbm>>) dst(%arg23 : memref<10240xf32, #tpu.memory_space<vmem>>)
      tpu.yield
    }) : () -> ()
    "tpu.region"() ({
      %run_scoped3A = tpu.sem_alloc : memref<!tpu.dma_semaphore, #tpu.memory_space<semaphore_mem>>
      tpu.enqueue_dma source(%arg5 : memref<10240xf32, #tpu.memory_space<hbm>>) target(%arg24 : memref<10240xf32, #tpu.memory_space<vmem>>) target_semaphore(%run_scoped3A : memref<!tpu.dma_semaphore, #tpu.memory_space<semaphore_mem>>)
      tpu.wait_dma2 semaphore(%run_scoped3A : memref<!tpu.dma_semaphore, #tpu.memory_space<semaphore_mem>>) src(%arg5 : memref<10240xf32, #tpu.memory_space<hbm>>) dst(%arg24 : memref<10240xf32, #tpu.memory_space<vmem>>)
      tpu.yield
    }) : () -> ()
    "tpu.region"() ({
      %run_scoped3A = tpu.sem_alloc : memref<!tpu.dma_semaphore, #tpu.memory_space<semaphore_mem>>
      tpu.enqueue_dma source(%arg6 : memref<10240xf32, #tpu.memory_space<hbm>>) target(%arg25 : memref<10240xf32, #tpu.memory_space<vmem>>) target_semaphore(%run_scoped3A : memref<!tpu.dma_semaphore, #tpu.memory_space<semaphore_mem>>)
      tpu.wait_dma2 semaphore(%run_scoped3A : memref<!tpu.dma_semaphore, #tpu.memory_space<semaphore_mem>>) src(%arg6 : memref<10240xf32, #tpu.memory_space<hbm>>) dst(%arg25 : memref<10240xf32, #tpu.memory_space<vmem>>)
      tpu.yield
    }) : () -> ()
    "tpu.region"() ({
      %run_scoped3A = tpu.sem_alloc : memref<!tpu.dma_semaphore, #tpu.memory_space<semaphore_mem>>
      %dma_start3A_31 = arith.constant 0 : i32
      %dma_start3A_32 = tpu.memref_slice %arg7[%mul3A_2, %dma_start3A_31] : memref<2560x128xi32, #tpu.memory_space<hbm>> -> memref<1x128xi32, #tpu.memory_space<hbm>>
      %dma_start3A_33 = tpu.memref_squeeze %dma_start3A_32 : memref<1x128xi32, #tpu.memory_space<hbm>> -> memref<128xi32, #tpu.memory_space<hbm>>
      %dma_start3A_34 = arith.constant 0 : i32
      %dma_start3A_35 = tpu.memref_slice %arg7[%mul3A_2, %dma_start3A_34] : memref<2560x128xi32, #tpu.memory_space<hbm>> -> memref<1x128xi32, #tpu.memory_space<hbm>>
      %dma_start3A_36 = tpu.memref_squeeze %dma_start3A_35 : memref<1x128xi32, #tpu.memory_space<hbm>> -> memref<128xi32, #tpu.memory_space<hbm>>
      tpu.enqueue_dma source(%dma_start3A_36 : memref<128xi32, #tpu.memory_space<hbm>>) target(%arg11 : memref<128xi32, #tpu.memory_space<vmem>>) target_semaphore(%run_scoped3A : memref<!tpu.dma_semaphore, #tpu.memory_space<semaphore_mem>>)
      %dma_wait3A_37 = arith.constant 0 : i32
      %dma_wait3A_38 = tpu.memref_slice %arg7[%mul3A_2, %dma_wait3A_37] : memref<2560x128xi32, #tpu.memory_space<hbm>> -> memref<1x128xi32, #tpu.memory_space<hbm>>
      %dma_wait3A_39 = tpu.memref_squeeze %dma_wait3A_38 : memref<1x128xi32, #tpu.memory_space<hbm>> -> memref<128xi32, #tpu.memory_space<hbm>>
      %dma_wait3A_40 = arith.constant 0 : i32
      %dma_wait3A_41 = tpu.memref_slice %arg7[%mul3A_2, %dma_wait3A_40] : memref<2560x128xi32, #tpu.memory_space<hbm>> -> memref<1x128xi32, #tpu.memory_space<hbm>>
      %dma_wait3A_42 = tpu.memref_squeeze %dma_wait3A_41 : memref<1x128xi32, #tpu.memory_space<hbm>> -> memref<128xi32, #tpu.memory_space<hbm>>
      tpu.wait_dma2 semaphore(%run_scoped3A : memref<!tpu.dma_semaphore, #tpu.memory_space<semaphore_mem>>) src(%dma_wait3A_42 : memref<128xi32, #tpu.memory_space<hbm>>) dst(%arg11 : memref<128xi32, #tpu.memory_space<vmem>>)
      tpu.yield
    }) : () -> ()
    "tpu.region"() ({
      %run_scoped3A = tpu.sem_alloc : memref<!tpu.dma_semaphore, #tpu.memory_space<semaphore_mem>>
      %dma_start3A_31 = arith.constant 0 : i32
      %dma_start3A_32 = tpu.memref_slice %arg8[%mul3A_2, %dma_start3A_31] : memref<2560x128xi32, #tpu.memory_space<hbm>> -> memref<1x128xi32, #tpu.memory_space<hbm>>
      %dma_start3A_33 = tpu.memref_squeeze %dma_start3A_32 : memref<1x128xi32, #tpu.memory_space<hbm>> -> memref<128xi32, #tpu.memory_space<hbm>>
      %dma_start3A_34 = arith.constant 0 : i32
      %dma_start3A_35 = tpu.memref_slice %arg8[%mul3A_2, %dma_start3A_34] : memref<2560x128xi32, #tpu.memory_space<hbm>> -> memref<1x128xi32, #tpu.memory_space<hbm>>
      %dma_start3A_36 = tpu.memref_squeeze %dma_start3A_35 : memref<1x128xi32, #tpu.memory_space<hbm>> -> memref<128xi32, #tpu.memory_space<hbm>>
      tpu.enqueue_dma source(%dma_start3A_36 : memref<128xi32, #tpu.memory_space<hbm>>) target(%arg12 : memref<128xi32, #tpu.memory_space<vmem>>) target_semaphore(%run_scoped3A : memref<!tpu.dma_semaphore, #tpu.memory_space<semaphore_mem>>)
      %dma_wait3A_37 = arith.constant 0 : i32
      %dma_wait3A_38 = tpu.memref_slice %arg8[%mul3A_2, %dma_wait3A_37] : memref<2560x128xi32, #tpu.memory_space<hbm>> -> memref<1x128xi32, #tpu.memory_space<hbm>>
      %dma_wait3A_39 = tpu.memref_squeeze %dma_wait3A_38 : memref<1x128xi32, #tpu.memory_space<hbm>> -> memref<128xi32, #tpu.memory_space<hbm>>
      %dma_wait3A_40 = arith.constant 0 : i32
      %dma_wait3A_41 = tpu.memref_slice %arg8[%mul3A_2, %dma_wait3A_40] : memref<2560x128xi32, #tpu.memory_space<hbm>> -> memref<1x128xi32, #tpu.memory_space<hbm>>
      %dma_wait3A_42 = tpu.memref_squeeze %dma_wait3A_41 : memref<1x128xi32, #tpu.memory_space<hbm>> -> memref<128xi32, #tpu.memory_space<hbm>>
      tpu.wait_dma2 semaphore(%run_scoped3A : memref<!tpu.dma_semaphore, #tpu.memory_space<semaphore_mem>>) src(%dma_wait3A_42 : memref<128xi32, #tpu.memory_space<hbm>>) dst(%arg12 : memref<128xi32, #tpu.memory_space<vmem>>)
      tpu.yield
    }) : () -> ()
    %dma_start3A = arith.constant 0 : i32
    %dma_start3A_3 = arith.constant 0 : i32
    %dma_start3A_4 = tpu.memref_slice %arg2[%dma_start3A, %dma_start3A_3] : memref<10000x128xf32, #tpu.memory_space<hbm>> -> memref<10000x128xf32, #tpu.memory_space<hbm>>
    tpu.enqueue_indirect_dma source(%dma_start3A_4 : memref<10000x128xf32, #tpu.memory_space<hbm>>) target(%arg15 : memref<128x128xf32, #tpu.memory_space<vmem>>) offsets(%arg11 : memref<128xi32, #tpu.memory_space<vmem>>) semaphore(%arg26 : memref<!tpu.dma_semaphore, #tpu.memory_space<semaphore_mem>>)
    %dma_start3A_5 = arith.constant 0 : i32
    %dma_start3A_6 = arith.constant 0 : i32
    %dma_start3A_7 = tpu.memref_slice %arg3[%dma_start3A_5, %dma_start3A_6] : memref<10000x128xf32, #tpu.memory_space<hbm>> -> memref<10000x128xf32, #tpu.memory_space<hbm>>
    tpu.enqueue_indirect_dma source(%dma_start3A_7 : memref<10000x128xf32, #tpu.memory_space<hbm>>) target(%arg16 : memref<128x128xf32, #tpu.memory_space<vmem>>) offsets(%arg12 : memref<128xi32, #tpu.memory_space<vmem>>) semaphore(%arg27 : memref<!tpu.dma_semaphore, #tpu.memory_space<semaphore_mem>>)
    %add3A_8 = arith.constant 1 : i32
    %add3A_9 = arith.addi %mul3A_2, %add3A_8 : i32
    "tpu.region"() ({
      %run_scoped3A = tpu.sem_alloc : memref<!tpu.dma_semaphore, #tpu.memory_space<semaphore_mem>>
      %dma_start3A_31 = arith.constant 0 : i32
      %dma_start3A_32 = tpu.memref_slice %arg7[%add3A_9, %dma_start3A_31] : memref<2560x128xi32, #tpu.memory_space<hbm>> -> memref<1x128xi32, #tpu.memory_space<hbm>>
      %dma_start3A_33 = tpu.memref_squeeze %dma_start3A_32 : memref<1x128xi32, #tpu.memory_space<hbm>> -> memref<128xi32, #tpu.memory_space<hbm>>
      %dma_start3A_34 = arith.constant 0 : i32
      %dma_start3A_35 = tpu.memref_slice %arg7[%add3A_9, %dma_start3A_34] : memref<2560x128xi32, #tpu.memory_space<hbm>> -> memref<1x128xi32, #tpu.memory_space<hbm>>
      %dma_start3A_36 = tpu.memref_squeeze %dma_start3A_35 : memref<1x128xi32, #tpu.memory_space<hbm>> -> memref<128xi32, #tpu.memory_space<hbm>>
      tpu.enqueue_dma source(%dma_start3A_36 : memref<128xi32, #tpu.memory_space<hbm>>) target(%arg13 : memref<128xi32, #tpu.memory_space<vmem>>) target_semaphore(%run_scoped3A : memref<!tpu.dma_semaphore, #tpu.memory_space<semaphore_mem>>)
      %dma_wait3A_37 = arith.constant 0 : i32
      %dma_wait3A_38 = tpu.memref_slice %arg7[%add3A_9, %dma_wait3A_37] : memref<2560x128xi32, #tpu.memory_space<hbm>> -> memref<1x128xi32, #tpu.memory_space<hbm>>
      %dma_wait3A_39 = tpu.memref_squeeze %dma_wait3A_38 : memref<1x128xi32, #tpu.memory_space<hbm>> -> memref<128xi32, #tpu.memory_space<hbm>>
      %dma_wait3A_40 = arith.constant 0 : i32
      %dma_wait3A_41 = tpu.memref_slice %arg7[%add3A_9, %dma_wait3A_40] : memref<2560x128xi32, #tpu.memory_space<hbm>> -> memref<1x128xi32, #tpu.memory_space<hbm>>
      %dma_wait3A_42 = tpu.memref_squeeze %dma_wait3A_41 : memref<1x128xi32, #tpu.memory_space<hbm>> -> memref<128xi32, #tpu.memory_space<hbm>>
      tpu.wait_dma2 semaphore(%run_scoped3A : memref<!tpu.dma_semaphore, #tpu.memory_space<semaphore_mem>>) src(%dma_wait3A_42 : memref<128xi32, #tpu.memory_space<hbm>>) dst(%arg13 : memref<128xi32, #tpu.memory_space<vmem>>)
      tpu.yield
    }) : () -> ()
    "tpu.region"() ({
      %run_scoped3A = tpu.sem_alloc : memref<!tpu.dma_semaphore, #tpu.memory_space<semaphore_mem>>
      %dma_start3A_31 = arith.constant 0 : i32
      %dma_start3A_32 = tpu.memref_slice %arg8[%add3A_9, %dma_start3A_31] : memref<2560x128xi32, #tpu.memory_space<hbm>> -> memref<1x128xi32, #tpu.memory_space<hbm>>
      %dma_start3A_33 = tpu.memref_squeeze %dma_start3A_32 : memref<1x128xi32, #tpu.memory_space<hbm>> -> memref<128xi32, #tpu.memory_space<hbm>>
      %dma_start3A_34 = arith.constant 0 : i32
      %dma_start3A_35 = tpu.memref_slice %arg8[%add3A_9, %dma_start3A_34] : memref<2560x128xi32, #tpu.memory_space<hbm>> -> memref<1x128xi32, #tpu.memory_space<hbm>>
      %dma_start3A_36 = tpu.memref_squeeze %dma_start3A_35 : memref<1x128xi32, #tpu.memory_space<hbm>> -> memref<128xi32, #tpu.memory_space<hbm>>
      tpu.enqueue_dma source(%dma_start3A_36 : memref<128xi32, #tpu.memory_space<hbm>>) target(%arg14 : memref<128xi32, #tpu.memory_space<vmem>>) target_semaphore(%run_scoped3A : memref<!tpu.dma_semaphore, #tpu.memory_space<semaphore_mem>>)
      %dma_wait3A_37 = arith.constant 0 : i32
      %dma_wait3A_38 = tpu.memref_slice %arg8[%add3A_9, %dma_wait3A_37] : memref<2560x128xi32, #tpu.memory_space<hbm>> -> memref<1x128xi32, #tpu.memory_space<hbm>>
      %dma_wait3A_39 = tpu.memref_squeeze %dma_wait3A_38 : memref<1x128xi32, #tpu.memory_space<hbm>> -> memref<128xi32, #tpu.memory_space<hbm>>
      %dma_wait3A_40 = arith.constant 0 : i32
      %dma_wait3A_41 = tpu.memref_slice %arg8[%add3A_9, %dma_wait3A_40] : memref<2560x128xi32, #tpu.memory_space<hbm>> -> memref<1x128xi32, #tpu.memory_space<hbm>>
      %dma_wait3A_42 = tpu.memref_squeeze %dma_wait3A_41 : memref<1x128xi32, #tpu.memory_space<hbm>> -> memref<128xi32, #tpu.memory_space<hbm>>
      tpu.wait_dma2 semaphore(%run_scoped3A : memref<!tpu.dma_semaphore, #tpu.memory_space<semaphore_mem>>) src(%dma_wait3A_42 : memref<128xi32, #tpu.memory_space<hbm>>) dst(%arg14 : memref<128xi32, #tpu.memory_space<vmem>>)
      tpu.yield
    }) : () -> ()
    %dma_start3A_10 = arith.constant 0 : i32
    %dma_start3A_11 = arith.constant 0 : i32
    %dma_start3A_12 = tpu.memref_slice %arg2[%dma_start3A_10, %dma_start3A_11] : memref<10000x128xf32, #tpu.memory_space<hbm>> -> memref<10000x128xf32, #tpu.memory_space<hbm>>
    tpu.enqueue_indirect_dma source(%dma_start3A_12 : memref<10000x128xf32, #tpu.memory_space<hbm>>) target(%arg17 : memref<128x128xf32, #tpu.memory_space<vmem>>) offsets(%arg13 : memref<128xi32, #tpu.memory_space<vmem>>) semaphore(%arg28 : memref<!tpu.dma_semaphore, #tpu.memory_space<semaphore_mem>>)
    %dma_start3A_13 = arith.constant 0 : i32
    %dma_start3A_14 = arith.constant 0 : i32
    %dma_start3A_15 = tpu.memref_slice %arg3[%dma_start3A_13, %dma_start3A_14] : memref<10000x128xf32, #tpu.memory_space<hbm>> -> memref<10000x128xf32, #tpu.memory_space<hbm>>
    tpu.enqueue_indirect_dma source(%dma_start3A_15 : memref<10000x128xf32, #tpu.memory_space<hbm>>) target(%arg18 : memref<128x128xf32, #tpu.memory_space<vmem>>) offsets(%arg14 : memref<128xi32, #tpu.memory_space<vmem>>) semaphore(%arg29 : memref<!tpu.dma_semaphore, #tpu.memory_space<semaphore_mem>>)
    %scan3A = arith.constant 0 : i32
    %scan3A_16 = arith.constant 40 : i32
    %scan3A_17 = arith.addi %scan3A, %scan3A_16 : i32
    %scan3A_18 = arith.constant 1 : i32
    scf.for %scan3A_31 = %scan3A to %scan3A_17 step %scan3A_18  : i32 {
      %mul3A_32 = arith.constant 2 : i32
      %mul3A_33 = arith.muli %mul3A_32, %scan3A_31 : i32
      %add3A_34 = arith.addi %mul3A_2, %mul3A_33 : i32
      %dma_wait3A_35 = arith.constant 0 : i32
      %dma_wait3A_36 = arith.constant 0 : i32
      %dma_wait3A_37 = tpu.memref_slice %arg2[%dma_wait3A_35, %dma_wait3A_36] : memref<10000x128xf32, #tpu.memory_space<hbm>> -> memref<10000x128xf32, #tpu.memory_space<hbm>>
      tpu.wait_indirect_dma semaphore(%arg26 : memref<!tpu.dma_semaphore, #tpu.memory_space<semaphore_mem>>) src(%dma_wait3A_37 : memref<10000x128xf32, #tpu.memory_space<hbm>>) dst(%arg15 : memref<128x128xf32, #tpu.memory_space<vmem>>)
      %dma_wait3A_38 = arith.constant 0 : i32
      %dma_wait3A_39 = arith.constant 0 : i32
      %dma_wait3A_40 = tpu.memref_slice %arg3[%dma_wait3A_38, %dma_wait3A_39] : memref<10000x128xf32, #tpu.memory_space<hbm>> -> memref<10000x128xf32, #tpu.memory_space<hbm>>
      tpu.wait_indirect_dma semaphore(%arg27 : memref<!tpu.dma_semaphore, #tpu.memory_space<semaphore_mem>>) src(%dma_wait3A_40 : memref<10000x128xf32, #tpu.memory_space<hbm>>) dst(%arg16 : memref<128x128xf32, #tpu.memory_space<vmem>>)
      %get3A = arith.constant 0 : index
      %get3A_41 = tpu.vector_load %arg11[%get3A] {strides = array<i32>} : memref<128xi32, #tpu.memory_space<vmem>>, vector<16xi32>,
      %get3A_42 = arith.constant 0 : index
      %get3A_43 = tpu.vector_load %arg12[%get3A_42] {strides = array<i32>} : memref<128xi32, #tpu.memory_space<vmem>>, vector<16xi32>,
      %gather3A = tpu.vector_load_idx %arg23[%get3A_41] : memref<10240xf32, #tpu.memory_space<vmem>>[vector<16xi32>], vector<16xf32>,
      %gather3A_44 = tpu.vector_load_idx %arg23[%get3A_43] : memref<10240xf32, #tpu.memory_space<vmem>>[vector<16xi32>], vector<16xf32>,
      %sub3A = arith.subf %gather3A, %gather3A_44 : vector<16xf32>
      %gather3A_45 = tpu.vector_load_idx %arg24[%get3A_41] : memref<10240xf32, #tpu.memory_space<vmem>>[vector<16xi32>], vector<16xf32>,
      %gather3A_46 = tpu.vector_load_idx %arg24[%get3A_43] : memref<10240xf32, #tpu.memory_space<vmem>>[vector<16xi32>], vector<16xf32>,
      %sub3A_47 = arith.subf %gather3A_45, %gather3A_46 : vector<16xf32>
      %gather3A_48 = tpu.vector_load_idx %arg25[%get3A_41] : memref<10240xf32, #tpu.memory_space<vmem>>[vector<16xi32>], vector<16xf32>,
      %gather3A_49 = tpu.vector_load_idx %arg25[%get3A_43] : memref<10240xf32, #tpu.memory_space<vmem>>[vector<16xi32>], vector<16xf32>,
      %sub3A_50 = arith.subf %gather3A_48, %gather3A_49 : vector<16xf32>
      %mul3A_51 = arith.mulf %sub3A, %sub3A : vector<16xf32>
      %mul3A_52 = arith.mulf %sub3A_47, %sub3A_47 : vector<16xf32>
      %add3A_53 = arith.addf %mul3A_51, %mul3A_52 : vector<16xf32>
      %mul3A_54 = arith.mulf %sub3A_50, %sub3A_50 : vector<16xf32>
      %add3A_55 = arith.addf %add3A_53, %mul3A_54 : vector<16xf32>
      %jit3A = arith.constant 9.99999997E-7 : f32
      %jit3A_56 = arith.constant 1.000000e+06 : f32
      %max3A = vector.broadcast %jit3A : f32 to vector<16xf32>
      %max3A_57 = arith.maximumf %max3A, %add3A_55 : vector<16xf32>
      %min3A = vector.broadcast %jit3A_56 : f32 to vector<16xf32>
      %min3A_58 = arith.minimumf %min3A, %max3A_57 : vector<16xf32>
      %swap3A = arith.constant 0 : index
      %swap3A_59 = tpu.vector_load %arg19[%swap3A] {strides = array<i32>} : memref<128xf32, #tpu.memory_space<vmem>>, vector<16xf32>,
      tpu.vector_store %arg19[%swap3A], %sub3A {strides = array<i32>} : memref<128xf32, #tpu.memory_space<vmem>>, vector<16xf32>,
      %swap3A_60 = arith.constant 0 : index
      %swap3A_61 = tpu.vector_load %arg20[%swap3A_60] {strides = array<i32>} : memref<128xf32, #tpu.memory_space<vmem>>, vector<16xf32>,
      tpu.vector_store %arg20[%swap3A_60], %sub3A_47 {strides = array<i32>} : memref<128xf32, #tpu.memory_space<vmem>>, vector<16xf32>,
      %swap3A_62 = arith.constant 0 : index
      %swap3A_63 = tpu.vector_load %arg21[%swap3A_62] {strides = array<i32>} : memref<128xf32, #tpu.memory_space<vmem>>, vector<16xf32>,
      tpu.vector_store %arg21[%swap3A_62], %sub3A_50 {strides = array<i32>} : memref<128xf32, #tpu.memory_space<vmem>>, vector<16xf32>,
      %swap3A_64 = arith.constant 0 : index
      %swap3A_65 = tpu.vector_load %arg22[%swap3A_64] {strides = array<i32>} : memref<128xf32, #tpu.memory_space<vmem>>, vector<16xf32>,
      tpu.vector_store %arg22[%swap3A_64], %min3A_58 {strides = array<i32>} : memref<128xf32, #tpu.memory_space<vmem>>, vector<16xf32>,
      %get3A_66 = arith.constant 16 : index
      %get3A_67 = tpu.vector_load %arg11[%get3A_66] {strides = array<i32>} : memref<128xi32, #tpu.memory_space<vmem>>, vector<16xi32>,
      %get3A_68 = arith.constant 16 : index
      %get3A_69 = tpu.vector_load %arg12[%get3A_68] {strides = array<i32>} : memref<128xi32, #tpu.memory_space<vmem>>, vector<16xi32>,
      %gather3A_70 = tpu.vector_load_idx %arg23[%get3A_67] : memref<10240xf32, #tpu.memory_space<vmem>>[vector<16xi32>], vector<16xf32>,
      %gather3A_71 = tpu.vector_load_idx %arg23[%get3A_69] : memref<10240xf32, #tpu.memory_space<vmem>>[vector<16xi32>], vector<16xf32>,
      %sub3A_72 = arith.subf %gather3A_70, %gather3A_71 : vector<16xf32>
      %gather3A_73 = tpu.vector_load_idx %arg24[%get3A_67] : memref<10240xf32, #tpu.memory_space<vmem>>[vector<16xi32>], vector<16xf32>,
      %gather3A_74 = tpu.vector_load_idx %arg24[%get3A_69] : memref<10240xf32, #tpu.memory_space<vmem>>[vector<16xi32>], vector<16xf32>,
      %sub3A_75 = arith.subf %gather3A_73, %gather3A_74 : vector<16xf32>
      %gather3A_76 = tpu.vector_load_idx %arg25[%get3A_67] : memref<10240xf32, #tpu.memory_space<vmem>>[vector<16xi32>], vector<16xf32>,
      %gather3A_77 = tpu.vector_load_idx %arg25[%get3A_69] : memref<10240xf32, #tpu.memory_space<vmem>>[vector<16xi32>], vector<16xf32>,
      %sub3A_78 = arith.subf %gather3A_76, %gather3A_77 : vector<16xf32>
      %mul3A_79 = arith.mulf %sub3A_72, %sub3A_72 : vector<16xf32>
      %mul3A_80 = arith.mulf %sub3A_75, %sub3A_75 : vector<16xf32>
      %add3A_81 = arith.addf %mul3A_79, %mul3A_80 : vector<16xf32>
      %mul3A_82 = arith.mulf %sub3A_78, %sub3A_78 : vector<16xf32>
      %add3A_83 = arith.addf %add3A_81, %mul3A_82 : vector<16xf32>
      %jit3A_84 = arith.constant 9.99999997E-7 : f32
      %jit3A_85 = arith.constant 1.000000e+06 : f32
      %max3A_86 = vector.broadcast %jit3A_84 : f32 to vector<16xf32>
      %max3A_87 = arith.maximumf %max3A_86, %add3A_83 : vector<16xf32>
      %min3A_88 = vector.broadcast %jit3A_85 : f32 to vector<16xf32>
      %min3A_89 = arith.minimumf %min3A_88, %max3A_87 : vector<16xf32>
      %swap3A_90 = arith.constant 16 : index
      %swap3A_91 = tpu.vector_load %arg19[%swap3A_90] {strides = array<i32>} : memref<128xf32, #tpu.memory_space<vmem>>, vector<16xf32>,
      tpu.vector_store %arg19[%swap3A_90], %sub3A_72 {strides = array<i32>} : memref<128xf32, #tpu.memory_space<vmem>>, vector<16xf32>,
      %swap3A_92 = arith.constant 16 : index
      %swap3A_93 = tpu.vector_load %arg20[%swap3A_92] {strides = array<i32>} : memref<128xf32, #tpu.memory_space<vmem>>, vector<16xf32>,
      tpu.vector_store %arg20[%swap3A_92], %sub3A_75 {strides = array<i32>} : memref<128xf32, #tpu.memory_space<vmem>>, vector<16xf32>,
      %swap3A_94 = arith.constant 16 : index
      %swap3A_95 = tpu.vector_load %arg21[%swap3A_94] {strides = array<i32>} : memref<128xf32, #tpu.memory_space<vmem>>, vector<16xf32>,
      tpu.vector_store %arg21[%swap3A_94], %sub3A_78 {strides = array<i32>} : memref<128xf32, #tpu.memory_space<vmem>>, vector<16xf32>,
      %swap3A_96 = arith.constant 16 : index
      %swap3A_97 = tpu.vector_load %arg22[%swap3A_96] {strides = array<i32>} : memref<128xf32, #tpu.memory_space<vmem>>, vector<16xf32>,
      tpu.vector_store %arg22[%swap3A_96], %min3A_89 {strides = array<i32>} : memref<128xf32, #tpu.memory_space<vmem>>, vector<16xf32>,
      %get3A_98 = arith.constant 32 : index
      %get3A_99 = tpu.vector_load %arg11[%get3A_98] {strides = array<i32>} : memref<128xi32, #tpu.memory_space<vmem>>, vector<16xi32>,
      %get3A_100 = arith.constant 32 : index
      %get3A_101 = tpu.vector_load %arg12[%get3A_100] {strides = array<i32>} : memref<128xi32, #tpu.memory_space<vmem>>, vector<16xi32>,
      %gather3A_102 = tpu.vector_load_idx %arg23[%get3A_99] : memref<10240xf32, #tpu.memory_space<vmem>>[vector<16xi32>], vector<16xf32>,
      %gather3A_103 = tpu.vector_load_idx %arg23[%get3A_101] : memref<10240xf32, #tpu.memory_space<vmem>>[vector<16xi32>], vector<16xf32>,
      %sub3A_104 = arith.subf %gather3A_102, %gather3A_103 : vector<16xf32>
      %gather3A_105 = tpu.vector_load_idx %arg24[%get3A_99] : memref<10240xf32, #tpu.memory_space<vmem>>[vector<16xi32>], vector<16xf32>,
      %gather3A_106 = tpu.vector_load_idx %arg24[%get3A_101] : memref<10240xf32, #tpu.memory_space<vmem>>[vector<16xi32>], vector<16xf32>,
      %sub3A_107 = arith.subf %gather3A_105, %gather3A_106 : vector<16xf32>
      %gather3A_108 = tpu.vector_load_idx %arg25[%get3A_99] : memref<10240xf32, #tpu.memory_space<vmem>>[vector<16xi32>], vector<16xf32>,
      %gather3A_109 = tpu.vector_load_idx %arg25[%get3A_101] : memref<10240xf32, #tpu.memory_space<vmem>>[vector<16xi32>], vector<16xf32>,
      %sub3A_110 = arith.subf %gather3A_108, %gather3A_109 : vector<16xf32>
      %mul3A_111 = arith.mulf %sub3A_104, %sub3A_104 : vector<16xf32>
      %mul3A_112 = arith.mulf %sub3A_107, %sub3A_107 : vector<16xf32>
      %add3A_113 = arith.addf %mul3A_111, %mul3A_112 : vector<16xf32>
      %mul3A_114 = arith.mulf %sub3A_110, %sub3A_110 : vector<16xf32>
      %add3A_115 = arith.addf %add3A_113, %mul3A_114 : vector<16xf32>
      %jit3A_116 = arith.constant 9.99999997E-7 : f32
      %jit3A_117 = arith.constant 1.000000e+06 : f32
      %max3A_118 = vector.broadcast %jit3A_116 : f32 to vector<16xf32>
      %max3A_119 = arith.maximumf %max3A_118, %add3A_115 : vector<16xf32>
      %min3A_120 = vector.broadcast %jit3A_117 : f32 to vector<16xf32>
      %min3A_121 = arith.minimumf %min3A_120, %max3A_119 : vector<16xf32>
      %swap3A_122 = arith.constant 32 : index
      %swap3A_123 = tpu.vector_load %arg19[%swap3A_122] {strides = array<i32>} : memref<128xf32, #tpu.memory_space<vmem>>, vector<16xf32>,
      tpu.vector_store %arg19[%swap3A_122], %sub3A_104 {strides = array<i32>} : memref<128xf32, #tpu.memory_space<vmem>>, vector<16xf32>,
      %swap3A_124 = arith.constant 32 : index
      %swap3A_125 = tpu.vector_load %arg20[%swap3A_124] {strides = array<i32>} : memref<128xf32, #tpu.memory_space<vmem>>, vector<16xf32>,
      tpu.vector_store %arg20[%swap3A_124], %sub3A_107 {strides = array<i32>} : memref<128xf32, #tpu.memory_space<vmem>>, vector<16xf32>,
      %swap3A_126 = arith.constant 32 : index
      %swap3A_127 = tpu.vector_load %arg21[%swap3A_126] {strides = array<i32>} : memref<128xf32, #tpu.memory_space<vmem>>, vector<16xf32>,
      tpu.vector_store %arg21[%swap3A_126], %sub3A_110 {strides = array<i32>} : memref<128xf32, #tpu.memory_space<vmem>>, vector<16xf32>,
      %swap3A_128 = arith.constant 32 : index
      %swap3A_129 = tpu.vector_load %arg22[%swap3A_128] {strides = array<i32>} : memref<128xf32, #tpu.memory_space<vmem>>, vector<16xf32>,
      tpu.vector_store %arg22[%swap3A_128], %min3A_121 {strides = array<i32>} : memref<128xf32, #tpu.memory_space<vmem>>, vector<16xf32>,
      %get3A_130 = arith.constant 48 : index
      %get3A_131 = tpu.vector_load %arg11[%get3A_130] {strides = array<i32>} : memref<128xi32, #tpu.memory_space<vmem>>, vector<16xi32>,
      %get3A_132 = arith.constant 48 : index
      %get3A_133 = tpu.vector_load %arg12[%get3A_132] {strides = array<i32>} : memref<128xi32, #tpu.memory_space<vmem>>, vector<16xi32>,
      %gather3A_134 = tpu.vector_load_idx %arg23[%get3A_131] : memref<10240xf32, #tpu.memory_space<vmem>>[vector<16xi32>], vector<16xf32>,
      %gather3A_135 = tpu.vector_load_idx %arg23[%get3A_133] : memref<10240xf32, #tpu.memory_space<vmem>>[vector<16xi32>], vector<16xf32>,
      %sub3A_136 = arith.subf %gather3A_134, %gather3A_135 : vector<16xf32>
      %gather3A_137 = tpu.vector_load_idx %arg24[%get3A_131] : memref<10240xf32, #tpu.memory_space<vmem>>[vector<16xi32>], vector<16xf32>,
      %gather3A_138 = tpu.vector_load_idx %arg24[%get3A_133] : memref<10240xf32, #tpu.memory_space<vmem>>[vector<16xi32>], vector<16xf32>,
      %sub3A_139 = arith.subf %gather3A_137, %gather3A_138 : vector<16xf32>
      %gather3A_140 = tpu.vector_load_idx %arg25[%get3A_131] : memref<10240xf32, #tpu.memory_space<vmem>>[vector<16xi32>], vector<16xf32>,
      %gather3A_141 = tpu.vector_load_idx %arg25[%get3A_133] : memref<10240xf32, #tpu.memory_space<vmem>>[vector<16xi32>], vector<16xf32>,
      %sub3A_142 = arith.subf %gather3A_140, %gather3A_141 : vector<16xf32>
      %mul3A_143 = arith.mulf %sub3A_136, %sub3A_136 : vector<16xf32>
      %mul3A_144 = arith.mulf %sub3A_139, %sub3A_139 : vector<16xf32>
      %add3A_145 = arith.addf %mul3A_143, %mul3A_144 : vector<16xf32>
      %mul3A_146 = arith.mulf %sub3A_142, %sub3A_142 : vector<16xf32>
      %add3A_147 = arith.addf %add3A_145, %mul3A_146 : vector<16xf32>
      %jit3A_148 = arith.constant 9.99999997E-7 : f32
      %jit3A_149 = arith.constant 1.000000e+06 : f32
      %max3A_150 = vector.broadcast %jit3A_148 : f32 to vector<16xf32>
      %max3A_151 = arith.maximumf %max3A_150, %add3A_147 : vector<16xf32>
      %min3A_152 = vector.broadcast %jit3A_149 : f32 to vector<16xf32>
      %min3A_153 = arith.minimumf %min3A_152, %max3A_151 : vector<16xf32>
      %swap3A_154 = arith.constant 48 : index
      %swap3A_155 = tpu.vector_load %arg19[%swap3A_154] {strides = array<i32>} : memref<128xf32, #tpu.memory_space<vmem>>, vector<16xf32>,
      tpu.vector_store %arg19[%swap3A_154], %sub3A_136 {strides = array<i32>} : memref<128xf32, #tpu.memory_space<vmem>>, vector<16xf32>,
      %swap3A_156 = arith.constant 48 : index
      %swap3A_157 = tpu.vector_load %arg20[%swap3A_156] {strides = array<i32>} : memref<128xf32, #tpu.memory_space<vmem>>, vector<16xf32>,
      tpu.vector_store %arg20[%swap3A_156], %sub3A_139 {strides = array<i32>} : memref<128xf32, #tpu.memory_space<vmem>>, vector<16xf32>,
      %swap3A_158 = arith.constant 48 : index
      %swap3A_159 = tpu.vector_load %arg21[%swap3A_158] {strides = array<i32>} : memref<128xf32, #tpu.memory_space<vmem>>, vector<16xf32>,
      tpu.vector_store %arg21[%swap3A_158], %sub3A_142 {strides = array<i32>} : memref<128xf32, #tpu.memory_space<vmem>>, vector<16xf32>,
      %swap3A_160 = arith.constant 48 : index
      %swap3A_161 = tpu.vector_load %arg22[%swap3A_160] {strides = array<i32>} : memref<128xf32, #tpu.memory_space<vmem>>, vector<16xf32>,
      tpu.vector_store %arg22[%swap3A_160], %min3A_153 {strides = array<i32>} : memref<128xf32, #tpu.memory_space<vmem>>, vector<16xf32>,
      %get3A_162 = arith.constant 64 : index
      %get3A_163 = tpu.vector_load %arg11[%get3A_162] {strides = array<i32>} : memref<128xi32, #tpu.memory_space<vmem>>, vector<16xi32>,
      %get3A_164 = arith.constant 64 : index
      %get3A_165 = tpu.vector_load %arg12[%get3A_164] {strides = array<i32>} : memref<128xi32, #tpu.memory_space<vmem>>, vector<16xi32>,
      %gather3A_166 = tpu.vector_load_idx %arg23[%get3A_163] : memref<10240xf32, #tpu.memory_space<vmem>>[vector<16xi32>], vector<16xf32>,
      %gather3A_167 = tpu.vector_load_idx %arg23[%get3A_165] : memref<10240xf32, #tpu.memory_space<vmem>>[vector<16xi32>], vector<16xf32>,
      %sub3A_168 = arith.subf %gather3A_166, %gather3A_167 : vector<16xf32>
      %gather3A_169 = tpu.vector_load_idx %arg24[%get3A_163] : memref<10240xf32, #tpu.memory_space<vmem>>[vector<16xi32>], vector<16xf32>,
      %gather3A_170 = tpu.vector_load_idx %arg24[%get3A_165] : memref<10240xf32, #tpu.memory_space<vmem>>[vector<16xi32>], vector<16xf32>,
      %sub3A_171 = arith.subf %gather3A_169, %gather3A_170 : vector<16xf32>
      %gather3A_172 = tpu.vector_load_idx %arg25[%get3A_163] : memref<10240xf32, #tpu.memory_space<vmem>>[vector<16xi32>], vector<16xf32>,
      %gather3A_173 = tpu.vector_load_idx %arg25[%get3A_165] : memref<10240xf32, #tpu.memory_space<vmem>>[vector<16xi32>], vector<16xf32>,
      %sub3A_174 = arith.subf %gather3A_172, %gather3A_173 : vector<16xf32>
      %mul3A_175 = arith.mulf %sub3A_168, %sub3A_168 : vector<16xf32>
      %mul3A_176 = arith.mulf %sub3A_171, %sub3A_171 : vector<16xf32>
      %add3A_177 = arith.addf %mul3A_175, %mul3A_176 : vector<16xf32>
      %mul3A_178 = arith.mulf %sub3A_174, %sub3A_174 : vector<16xf32>
      %add3A_179 = arith.addf %add3A_177, %mul3A_178 : vector<16xf32>
      %jit3A_180 = arith.constant 9.99999997E-7 : f32
      %jit3A_181 = arith.constant 1.000000e+06 : f32
      %max3A_182 = vector.broadcast %jit3A_180 : f32 to vector<16xf32>
      %max3A_183 = arith.maximumf %max3A_182, %add3A_179 : vector<16xf32>
      %min3A_184 = vector.broadcast %jit3A_181 : f32 to vector<16xf32>
      %min3A_185 = arith.minimumf %min3A_184, %max3A_183 : vector<16xf32>
      %swap3A_186 = arith.constant 64 : index
      %swap3A_187 = tpu.vector_load %arg19[%swap3A_186] {strides = array<i32>} : memref<128xf32, #tpu.memory_space<vmem>>, vector<16xf32>,
      tpu.vector_store %arg19[%swap3A_186], %sub3A_168 {strides = array<i32>} : memref<128xf32, #tpu.memory_space<vmem>>, vector<16xf32>,
      %swap3A_188 = arith.constant 64 : index
      %swap3A_189 = tpu.vector_load %arg20[%swap3A_188] {strides = array<i32>} : memref<128xf32, #tpu.memory_space<vmem>>, vector<16xf32>,
      tpu.vector_store %arg20[%swap3A_188], %sub3A_171 {strides = array<i32>} : memref<128xf32, #tpu.memory_space<vmem>>, vector<16xf32>,
      %swap3A_190 = arith.constant 64 : index
      %swap3A_191 = tpu.vector_load %arg21[%swap3A_190] {strides = array<i32>} : memref<128xf32, #tpu.memory_space<vmem>>, vector<16xf32>,
      tpu.vector_store %arg21[%swap3A_190], %sub3A_174 {strides = array<i32>} : memref<128xf32, #tpu.memory_space<vmem>>, vector<16xf32>,
      %swap3A_192 = arith.constant 64 : index
      %swap3A_193 = tpu.vector_load %arg22[%swap3A_192] {strides = array<i32>} : memref<128xf32, #tpu.memory_space<vmem>>, vector<16xf32>,
      tpu.vector_store %arg22[%swap3A_192], %min3A_185 {strides = array<i32>} : memref<128xf32, #tpu.memory_space<vmem>>, vector<16xf32>,
      %get3A_194 = arith.constant 80 : index
      %get3A_195 = tpu.vector_load %arg11[%get3A_194] {strides = array<i32>} : memref<128xi32, #tpu.memory_space<vmem>>, vector<16xi32>,
      %get3A_196 = arith.constant 80 : index
      %get3A_197 = tpu.vector_load %arg12[%get3A_196] {strides = array<i32>} : memref<128xi32, #tpu.memory_space<vmem>>, vector<16xi32>,
      %gather3A_198 = tpu.vector_load_idx %arg23[%get3A_195] : memref<10240xf32, #tpu.memory_space<vmem>>[vector<16xi32>], vector<16xf32>,
      %gather3A_199 = tpu.vector_load_idx %arg23[%get3A_197] : memref<10240xf32, #tpu.memory_space<vmem>>[vector<16xi32>], vector<16xf32>,
      %sub3A_200 = arith.subf %gather3A_198, %gather3A_199 : vector<16xf32>
      %gather3A_201 = tpu.vector_load_idx %arg24[%get3A_195] : memref<10240xf32, #tpu.memory_space<vmem>>[vector<16xi32>], vector<16xf32>,
      %gather3A_202 = tpu.vector_load_idx %arg24[%get3A_197] : memref<10240xf32, #tpu.memory_space<vmem>>[vector<16xi32>], vector<16xf32>,
      %sub3A_203 = arith.subf %gather3A_201, %gather3A_202 : vector<16xf32>
      %gather3A_204 = tpu.vector_load_idx %arg25[%get3A_195] : memref<10240xf32, #tpu.memory_space<vmem>>[vector<16xi32>], vector<16xf32>,
      %gather3A_205 = tpu.vector_load_idx %arg25[%get3A_197] : memref<10240xf32, #tpu.memory_space<vmem>>[vector<16xi32>], vector<16xf32>,
      %sub3A_206 = arith.subf %gather3A_204, %gather3A_205 : vector<16xf32>
      %mul3A_207 = arith.mulf %sub3A_200, %sub3A_200 : vector<16xf32>
      %mul3A_208 = arith.mulf %sub3A_203, %sub3A_203 : vector<16xf32>
      %add3A_209 = arith.addf %mul3A_207, %mul3A_208 : vector<16xf32>
      %mul3A_210 = arith.mulf %sub3A_206, %sub3A_206 : vector<16xf32>
      %add3A_211 = arith.addf %add3A_209, %mul3A_210 : vector<16xf32>
      %jit3A_212 = arith.constant 9.99999997E-7 : f32
      %jit3A_213 = arith.constant 1.000000e+06 : f32
      %max3A_214 = vector.broadcast %jit3A_212 : f32 to vector<16xf32>
      %max3A_215 = arith.maximumf %max3A_214, %add3A_211 : vector<16xf32>
      %min3A_216 = vector.broadcast %jit3A_213 : f32 to vector<16xf32>
      %min3A_217 = arith.minimumf %min3A_216, %max3A_215 : vector<16xf32>
      %swap3A_218 = arith.constant 80 : index
      %swap3A_219 = tpu.vector_load %arg19[%swap3A_218] {strides = array<i32>} : memref<128xf32, #tpu.memory_space<vmem>>, vector<16xf32>,
      tpu.vector_store %arg19[%swap3A_218], %sub3A_200 {strides = array<i32>} : memref<128xf32, #tpu.memory_space<vmem>>, vector<16xf32>,
      %swap3A_220 = arith.constant 80 : index
      %swap3A_221 = tpu.vector_load %arg20[%swap3A_220] {strides = array<i32>} : memref<128xf32, #tpu.memory_space<vmem>>, vector<16xf32>,
      tpu.vector_store %arg20[%swap3A_220], %sub3A_203 {strides = array<i32>} : memref<128xf32, #tpu.memory_space<vmem>>, vector<16xf32>,
      %swap3A_222 = arith.constant 80 : index
      %swap3A_223 = tpu.vector_load %arg21[%swap3A_222] {strides = array<i32>} : memref<128xf32, #tpu.memory_space<vmem>>, vector<16xf32>,
      tpu.vector_store %arg21[%swap3A_222], %sub3A_206 {strides = array<i32>} : memref<128xf32, #tpu.memory_space<vmem>>, vector<16xf32>,
      %swap3A_224 = arith.constant 80 : index
      %swap3A_225 = tpu.vector_load %arg22[%swap3A_224] {strides = array<i32>} : memref<128xf32, #tpu.memory_space<vmem>>, vector<16xf32>,
      tpu.vector_store %arg22[%swap3A_224], %min3A_217 {strides = array<i32>} : memref<128xf32, #tpu.memory_space<vmem>>, vector<16xf32>,
      %get3A_226 = arith.constant 96 : index
      %get3A_227 = tpu.vector_load %arg11[%get3A_226] {strides = array<i32>} : memref<128xi32, #tpu.memory_space<vmem>>, vector<16xi32>,
      %get3A_228 = arith.constant 96 : index
      %get3A_229 = tpu.vector_load %arg12[%get3A_228] {strides = array<i32>} : memref<128xi32, #tpu.memory_space<vmem>>, vector<16xi32>,
      %gather3A_230 = tpu.vector_load_idx %arg23[%get3A_227] : memref<10240xf32, #tpu.memory_space<vmem>>[vector<16xi32>], vector<16xf32>,
      %gather3A_231 = tpu.vector_load_idx %arg23[%get3A_229] : memref<10240xf32, #tpu.memory_space<vmem>>[vector<16xi32>], vector<16xf32>,
      %sub3A_232 = arith.subf %gather3A_230, %gather3A_231 : vector<16xf32>
      %gather3A_233 = tpu.vector_load_idx %arg24[%get3A_227] : memref<10240xf32, #tpu.memory_space<vmem>>[vector<16xi32>], vector<16xf32>,
      %gather3A_234 = tpu.vector_load_idx %arg24[%get3A_229] : memref<10240xf32, #tpu.memory_space<vmem>>[vector<16xi32>], vector<16xf32>,
      %sub3A_235 = arith.subf %gather3A_233, %gather3A_234 : vector<16xf32>
      %gather3A_236 = tpu.vector_load_idx %arg25[%get3A_227] : memref<10240xf32, #tpu.memory_space<vmem>>[vector<16xi32>], vector<16xf32>,
      %gather3A_237 = tpu.vector_load_idx %arg25[%get3A_229] : memref<10240xf32, #tpu.memory_space<vmem>>[vector<16xi32>], vector<16xf32>,
      %sub3A_238 = arith.subf %gather3A_236, %gather3A_237 : vector<16xf32>
      %mul3A_239 = arith.mulf %sub3A_232, %sub3A_232 : vector<16xf32>
      %mul3A_240 = arith.mulf %sub3A_235, %sub3A_235 : vector<16xf32>
      %add3A_241 = arith.addf %mul3A_239, %mul3A_240 : vector<16xf32>
      %mul3A_242 = arith.mulf %sub3A_238, %sub3A_238 : vector<16xf32>
      %add3A_243 = arith.addf %add3A_241, %mul3A_242 : vector<16xf32>
      %jit3A_244 = arith.constant 9.99999997E-7 : f32
      %jit3A_245 = arith.constant 1.000000e+06 : f32
      %max3A_246 = vector.broadcast %jit3A_244 : f32 to vector<16xf32>
      %max3A_247 = arith.maximumf %max3A_246, %add3A_243 : vector<16xf32>
      %min3A_248 = vector.broadcast %jit3A_245 : f32 to vector<16xf32>
      %min3A_249 = arith.minimumf %min3A_248, %max3A_247 : vector<16xf32>
      %swap3A_250 = arith.constant 96 : index
      %swap3A_251 = tpu.vector_load %arg19[%swap3A_250] {strides = array<i32>} : memref<128xf32, #tpu.memory_space<vmem>>, vector<16xf32>,
      tpu.vector_store %arg19[%swap3A_250], %sub3A_232 {strides = array<i32>} : memref<128xf32, #tpu.memory_space<vmem>>, vector<16xf32>,
      %swap3A_252 = arith.constant 96 : index
      %swap3A_253 = tpu.vector_load %arg20[%swap3A_252] {strides = array<i32>} : memref<128xf32, #tpu.memory_space<vmem>>, vector<16xf32>,
      tpu.vector_store %arg20[%swap3A_252], %sub3A_235 {strides = array<i32>} : memref<128xf32, #tpu.memory_space<vmem>>, vector<16xf32>,
      %swap3A_254 = arith.constant 96 : index
      %swap3A_255 = tpu.vector_load %arg21[%swap3A_254] {strides = array<i32>} : memref<128xf32, #tpu.memory_space<vmem>>, vector<16xf32>,
      tpu.vector_store %arg21[%swap3A_254], %sub3A_238 {strides = array<i32>} : memref<128xf32, #tpu.memory_space<vmem>>, vector<16xf32>,
      %swap3A_256 = arith.constant 96 : index
      %swap3A_257 = tpu.vector_load %arg22[%swap3A_256] {strides = array<i32>} : memref<128xf32, #tpu.memory_space<vmem>>, vector<16xf32>,
      tpu.vector_store %arg22[%swap3A_256], %min3A_249 {strides = array<i32>} : memref<128xf32, #tpu.memory_space<vmem>>, vector<16xf32>,
      %get3A_258 = arith.constant 112 : index
      %get3A_259 = tpu.vector_load %arg11[%get3A_258] {strides = array<i32>} : memref<128xi32, #tpu.memory_space<vmem>>, vector<16xi32>,
      %get3A_260 = arith.constant 112 : index
      %get3A_261 = tpu.vector_load %arg12[%get3A_260] {strides = array<i32>} : memref<128xi32, #tpu.memory_space<vmem>>, vector<16xi32>,
      %gather3A_262 = tpu.vector_load_idx %arg23[%get3A_259] : memref<10240xf32, #tpu.memory_space<vmem>>[vector<16xi32>], vector<16xf32>,
      %gather3A_263 = tpu.vector_load_idx %arg23[%get3A_261] : memref<10240xf32, #tpu.memory_space<vmem>>[vector<16xi32>], vector<16xf32>,
      %sub3A_264 = arith.subf %gather3A_262, %gather3A_263 : vector<16xf32>
      %gather3A_265 = tpu.vector_load_idx %arg24[%get3A_259] : memref<10240xf32, #tpu.memory_space<vmem>>[vector<16xi32>], vector<16xf32>,
      %gather3A_266 = tpu.vector_load_idx %arg24[%get3A_261] : memref<10240xf32, #tpu.memory_space<vmem>>[vector<16xi32>], vector<16xf32>,
      %sub3A_267 = arith.subf %gather3A_265, %gather3A_266 : vector<16xf32>
      %gather3A_268 = tpu.vector_load_idx %arg25[%get3A_259] : memref<10240xf32, #tpu.memory_space<vmem>>[vector<16xi32>], vector<16xf32>,
      %gather3A_269 = tpu.vector_load_idx %arg25[%get3A_261] : memref<10240xf32, #tpu.memory_space<vmem>>[vector<16xi32>], vector<16xf32>,
      %sub3A_270 = arith.subf %gather3A_268, %gather3A_269 : vector<16xf32>
      %mul3A_271 = arith.mulf %sub3A_264, %sub3A_264 : vector<16xf32>
      %mul3A_272 = arith.mulf %sub3A_267, %sub3A_267 : vector<16xf32>
      %add3A_273 = arith.addf %mul3A_271, %mul3A_272 : vector<16xf32>
      %mul3A_274 = arith.mulf %sub3A_270, %sub3A_270 : vector<16xf32>
      %add3A_275 = arith.addf %add3A_273, %mul3A_274 : vector<16xf32>
      %jit3A_276 = arith.constant 9.99999997E-7 : f32
      %jit3A_277 = arith.constant 1.000000e+06 : f32
      %max3A_278 = vector.broadcast %jit3A_276 : f32 to vector<16xf32>
      %max3A_279 = arith.maximumf %max3A_278, %add3A_275 : vector<16xf32>
      %min3A_280 = vector.broadcast %jit3A_277 : f32 to vector<16xf32>
      %min3A_281 = arith.minimumf %min3A_280, %max3A_279 : vector<16xf32>
      %swap3A_282 = arith.constant 112 : index
      %swap3A_283 = tpu.vector_load %arg19[%swap3A_282] {strides = array<i32>} : memref<128xf32, #tpu.memory_space<vmem>>, vector<16xf32>,
      tpu.vector_store %arg19[%swap3A_282], %sub3A_264 {strides = array<i32>} : memref<128xf32, #tpu.memory_space<vmem>>, vector<16xf32>,
      %swap3A_284 = arith.constant 112 : index
      %swap3A_285 = tpu.vector_load %arg20[%swap3A_284] {strides = array<i32>} : memref<128xf32, #tpu.memory_space<vmem>>, vector<16xf32>,
      tpu.vector_store %arg20[%swap3A_284], %sub3A_267 {strides = array<i32>} : memref<128xf32, #tpu.memory_space<vmem>>, vector<16xf32>,
      %swap3A_286 = arith.constant 112 : index
      %swap3A_287 = tpu.vector_load %arg21[%swap3A_286] {strides = array<i32>} : memref<128xf32, #tpu.memory_space<vmem>>, vector<16xf32>,
      tpu.vector_store %arg21[%swap3A_286], %sub3A_270 {strides = array<i32>} : memref<128xf32, #tpu.memory_space<vmem>>, vector<16xf32>,
      %swap3A_288 = arith.constant 112 : index
      %swap3A_289 = tpu.vector_load %arg22[%swap3A_288] {strides = array<i32>} : memref<128xf32, #tpu.memory_space<vmem>>, vector<16xf32>,
      tpu.vector_store %arg22[%swap3A_288], %min3A_281 {strides = array<i32>} : memref<128xf32, #tpu.memory_space<vmem>>, vector<16xf32>,
      %scan3A_290 = arith.constant 0 : i32
      %scan3A_291 = arith.constant 128 : i32
      %scan3A_292 = arith.addi %scan3A_290, %scan3A_291 : i32
      %scan3A_293 = arith.constant 1 : i32
      scf.for %scan3A_590 = %scan3A_290 to %scan3A_292 step %scan3A_293  : i32 {
        %get3A_591 = arith.index_cast %scan3A_590 : i32 to index
        %get3A_592 = arith.constant 0 : index
        %get3A_593 = tpu.vector_load %arg15[%get3A_591, %get3A_592] {strides = array<i32>} : memref<128x128xf32, #tpu.memory_space<vmem>>, vector<16xf32>,
        %get3A_594 = arith.index_cast %scan3A_590 : i32 to index
        %get3A_595 = arith.constant 0 : index
        %get3A_596 = tpu.vector_load %arg16[%get3A_594, %get3A_595] {strides = array<i32>} : memref<128x128xf32, #tpu.memory_space<vmem>>, vector<16xf32>,
        %add3A_597 = arith.addf %get3A_593, %get3A_596 : vector<16xf32>
        %swap3A_598 = arith.index_cast %scan3A_590 : i32 to index
        %swap3A_599 = arith.constant 0 : index
        %swap3A_600 = tpu.vector_load %arg15[%swap3A_598, %swap3A_599] {strides = array<i32>} : memref<128x128xf32, #tpu.memory_space<vmem>>, vector<16xf32>,
        tpu.vector_store %arg15[%swap3A_598, %swap3A_599], %add3A_597 {strides = array<i32>} : memref<128x128xf32, #tpu.memory_space<vmem>>, vector<16xf32>,
        %get3A_601 = arith.index_cast %scan3A_590 : i32 to index
        %get3A_602 = arith.constant 16 : index
        %get3A_603 = tpu.vector_load %arg15[%get3A_601, %get3A_602] {strides = array<i32>} : memref<128x128xf32, #tpu.memory_space<vmem>>, vector<16xf32>,
        %get3A_604 = arith.index_cast %scan3A_590 : i32 to index
        %get3A_605 = arith.constant 16 : index
        %get3A_606 = tpu.vector_load %arg16[%get3A_604, %get3A_605] {strides = array<i32>} : memref<128x128xf32, #tpu.memory_space<vmem>>, vector<16xf32>,
        %add3A_607 = arith.addf %get3A_603, %get3A_606 : vector<16xf32>
        %swap3A_608 = arith.index_cast %scan3A_590 : i32 to index
        %swap3A_609 = arith.constant 16 : index
        %swap3A_610 = tpu.vector_load %arg15[%swap3A_608, %swap3A_609] {strides = array<i32>} : memref<128x128xf32, #tpu.memory_space<vmem>>, vector<16xf32>,
        tpu.vector_store %arg15[%swap3A_608, %swap3A_609], %add3A_607 {strides = array<i32>} : memref<128x128xf32, #tpu.memory_space<vmem>>, vector<16xf32>,
        %get3A_611 = arith.index_cast %scan3A_590 : i32 to index
        %get3A_612 = arith.constant 32 : index
        %get3A_613 = tpu.vector_load %arg15[%get3A_611, %get3A_612] {strides = array<i32>} : memref<128x128xf32, #tpu.memory_space<vmem>>, vector<16xf32>,
        %get3A_614 = arith.index_cast %scan3A_590 : i32 to index
        %get3A_615 = arith.constant 32 : index
        %get3A_616 = tpu.vector_load %arg16[%get3A_614, %get3A_615] {strides = array<i32>} : memref<128x128xf32, #tpu.memory_space<vmem>>, vector<16xf32>,
        %add3A_617 = arith.addf %get3A_613, %get3A_616 : vector<16xf32>
        %swap3A_618 = arith.index_cast %scan3A_590 : i32 to index
        %swap3A_619 = arith.constant 32 : index
        %swap3A_620 = tpu.vector_load %arg15[%swap3A_618, %swap3A_619] {strides = array<i32>} : memref<128x128xf32, #tpu.memory_space<vmem>>, vector<16xf32>,
        tpu.vector_store %arg15[%swap3A_618, %swap3A_619], %add3A_617 {strides = array<i32>} : memref<128x128xf32, #tpu.memory_space<vmem>>, vector<16xf32>,
        %get3A_621 = arith.index_cast %scan3A_590 : i32 to index
        %get3A_622 = arith.constant 48 : index
        %get3A_623 = tpu.vector_load %arg15[%get3A_621, %get3A_622] {strides = array<i32>} : memref<128x128xf32, #tpu.memory_space<vmem>>, vector<16xf32>,
        %get3A_624 = arith.index_cast %scan3A_590 : i32 to index
        %get3A_625 = arith.constant 48 : index
        %get3A_626 = tpu.vector_load %arg16[%get3A_624, %get3A_625] {strides = array<i32>} : memref<128x128xf32, #tpu.memory_space<vmem>>, vector<16xf32>,
        %add3A_627 = arith.addf %get3A_623, %get3A_626 : vector<16xf32>
        %swap3A_628 = arith.index_cast %scan3A_590 : i32 to index
        %swap3A_629 = arith.constant 48 : index
        %swap3A_630 = tpu.vector_load %arg15[%swap3A_628, %swap3A_629] {strides = array<i32>} : memref<128x128xf32, #tpu.memory_space<vmem>>, vector<16xf32>,
        tpu.vector_store %arg15[%swap3A_628, %swap3A_629], %add3A_627 {strides = array<i32>} : memref<128x128xf32, #tpu.memory_space<vmem>>, vector<16xf32>,
        %get3A_631 = arith.index_cast %scan3A_590 : i32 to index
        %get3A_632 = arith.constant 64 : index
        %get3A_633 = tpu.vector_load %arg15[%get3A_631, %get3A_632] {strides = array<i32>} : memref<128x128xf32, #tpu.memory_space<vmem>>, vector<16xf32>,
        %get3A_634 = arith.index_cast %scan3A_590 : i32 to index
        %get3A_635 = arith.constant 64 : index
        %get3A_636 = tpu.vector_load %arg16[%get3A_634, %get3A_635] {strides = array<i32>} : memref<128x128xf32, #tpu.memory_space<vmem>>, vector<16xf32>,
        %add3A_637 = arith.addf %get3A_633, %get3A_636 : vector<16xf32>
        %swap3A_638 = arith.index_cast %scan3A_590 : i32 to index
        %swap3A_639 = arith.constant 64 : index
        %swap3A_640 = tpu.vector_load %arg15[%swap3A_638, %swap3A_639] {strides = array<i32>} : memref<128x128xf32, #tpu.memory_space<vmem>>, vector<16xf32>,
        tpu.vector_store %arg15[%swap3A_638, %swap3A_639], %add3A_637 {strides = array<i32>} : memref<128x128xf32, #tpu.memory_space<vmem>>, vector<16xf32>,
        %get3A_641 = arith.index_cast %scan3A_590 : i32 to index
        %get3A_642 = arith.constant 80 : index
        %get3A_643 = tpu.vector_load %arg15[%get3A_641, %get3A_642] {strides = array<i32>} : memref<128x128xf32, #tpu.memory_space<vmem>>, vector<16xf32>,
        %get3A_644 = arith.index_cast %scan3A_590 : i32 to index
        %get3A_645 = arith.constant 80 : index
        %get3A_646 = tpu.vector_load %arg16[%get3A_644, %get3A_645] {strides = array<i32>} : memref<128x128xf32, #tpu.memory_space<vmem>>, vector<16xf32>,
        %add3A_647 = arith.addf %get3A_643, %get3A_646 : vector<16xf32>
        %swap3A_648 = arith.index_cast %scan3A_590 : i32 to index
        %swap3A_649 = arith.constant 80 : index
        %swap3A_650 = tpu.vector_load %arg15[%swap3A_648, %swap3A_649] {strides = array<i32>} : memref<128x128xf32, #tpu.memory_space<vmem>>, vector<16xf32>,
        tpu.vector_store %arg15[%swap3A_648, %swap3A_649], %add3A_647 {strides = array<i32>} : memref<128x128xf32, #tpu.memory_space<vmem>>, vector<16xf32>,
        %get3A_651 = arith.index_cast %scan3A_590 : i32 to index
        %get3A_652 = arith.constant 96 : index
        %get3A_653 = tpu.vector_load %arg15[%get3A_651, %get3A_652] {strides = array<i32>} : memref<128x128xf32, #tpu.memory_space<vmem>>, vector<16xf32>,
        %get3A_654 = arith.index_cast %scan3A_590 : i32 to index
        %get3A_655 = arith.constant 96 : index
        %get3A_656 = tpu.vector_load %arg16[%get3A_654, %get3A_655] {strides = array<i32>} : memref<128x128xf32, #tpu.memory_space<vmem>>, vector<16xf32>,
        %add3A_657 = arith.addf %get3A_653, %get3A_656 : vector<16xf32>
        %swap3A_658 = arith.index_cast %scan3A_590 : i32 to index
        %swap3A_659 = arith.constant 96 : index
        %swap3A_660 = tpu.vector_load %arg15[%swap3A_658, %swap3A_659] {strides = array<i32>} : memref<128x128xf32, #tpu.memory_space<vmem>>, vector<16xf32>,
        tpu.vector_store %arg15[%swap3A_658, %swap3A_659], %add3A_657 {strides = array<i32>} : memref<128x128xf32, #tpu.memory_space<vmem>>, vector<16xf32>,
        %get3A_661 = arith.index_cast %scan3A_590 : i32 to index
        %get3A_662 = arith.constant 112 : index
        %get3A_663 = tpu.vector_load %arg15[%get3A_661, %get3A_662] {strides = array<i32>} : memref<128x128xf32, #tpu.memory_space<vmem>>, vector<16xf32>,
        %get3A_664 = arith.index_cast %scan3A_590 : i32 to index
        %get3A_665 = arith.constant 112 : index
        %get3A_666 = tpu.vector_load %arg16[%get3A_664, %get3A_665] {strides = array<i32>} : memref<128x128xf32, #tpu.memory_space<vmem>>, vector<16xf32>,
        %add3A_667 = arith.addf %get3A_663, %get3A_666 : vector<16xf32>
        %swap3A_668 = arith.index_cast %scan3A_590 : i32 to index
        %swap3A_669 = arith.constant 112 : index
        %swap3A_670 = tpu.vector_load %arg15[%swap3A_668, %swap3A_669] {strides = array<i32>} : memref<128x128xf32, #tpu.memory_space<vmem>>, vector<16xf32>,
        tpu.vector_store %arg15[%swap3A_668, %swap3A_669], %add3A_667 {strides = array<i32>} : memref<128x128xf32, #tpu.memory_space<vmem>>, vector<16xf32>,
      }
      %scan3A_294 = arith.constant 128 : i32
      %mul3A_295 = arith.constant 128 : i32
      %mul3A_296 = arith.muli %add3A_34, %mul3A_295 : i32
      %dma_start3A_297 = arith.constant 0 : i32
      %dma_start3A_298 = tpu.memref_slice %arg9[%mul3A_296, %dma_start3A_297] : memref<327680x128xf32, #tpu.memory_space<hbm>> -> memref<128x128xf32, #tpu.memory_space<hbm>>
      %dma_start3A_299 = arith.constant 0 : i32
      %dma_start3A_300 = tpu.memref_slice %arg9[%mul3A_296, %dma_start3A_299] : memref<327680x128xf32, #tpu.memory_space<hbm>> -> memref<128x128xf32, #tpu.memory_space<hbm>>
      tpu.enqueue_dma source(%arg15 : memref<128x128xf32, #tpu.memory_space<vmem>>) target(%dma_start3A_300 : memref<128x128xf32, #tpu.memory_space<hbm>>) target_semaphore(%arg30 : memref<!tpu.dma_semaphore, #tpu.memory_space<semaphore_mem>>)
      %run_scoped3A = arith.constant 0 : i32
      "tpu.region"() ({
        %run_scoped3A_590 = tpu.sem_alloc : memref<!tpu.dma_semaphore, #tpu.memory_space<semaphore_mem>>
        %dma_start3A_591 = tpu.memref_slice %arg10[%run_scoped3A, %mul3A_296] : memref<4x327680xf32, #tpu.memory_space<hbm>> -> memref<1x128xf32, #tpu.memory_space<hbm>>
        %dma_start3A_592 = tpu.memref_squeeze %dma_start3A_591 : memref<1x128xf32, #tpu.memory_space<hbm>> -> memref<128xf32, #tpu.memory_space<hbm>>
        %dma_start3A_593 = tpu.memref_slice %arg10[%run_scoped3A, %mul3A_296] : memref<4x327680xf32, #tpu.memory_space<hbm>> -> memref<1x128xf32, #tpu.memory_space<hbm>>
        %dma_start3A_594 = tpu.memref_squeeze %dma_start3A_593 : memref<1x128xf32, #tpu.memory_space<hbm>> -> memref<128xf32, #tpu.memory_space<hbm>>
        tpu.enqueue_dma source(%arg19 : memref<128xf32, #tpu.memory_space<vmem>>) target(%dma_start3A_594 : memref<128xf32, #tpu.memory_space<hbm>>) target_semaphore(%run_scoped3A_590 : memref<!tpu.dma_semaphore, #tpu.memory_space<semaphore_mem>>)
        %dma_wait3A_595 = tpu.memref_slice %arg10[%run_scoped3A, %mul3A_296] : memref<4x327680xf32, #tpu.memory_space<hbm>> -> memref<1x128xf32, #tpu.memory_space<hbm>>
        %dma_wait3A_596 = tpu.memref_squeeze %dma_wait3A_595 : memref<1x128xf32, #tpu.memory_space<hbm>> -> memref<128xf32, #tpu.memory_space<hbm>>
        %dma_wait3A_597 = tpu.memref_slice %arg10[%run_scoped3A, %mul3A_296] : memref<4x327680xf32, #tpu.memory_space<hbm>> -> memref<1x128xf32, #tpu.memory_space<hbm>>
        %dma_wait3A_598 = tpu.memref_squeeze %dma_wait3A_597 : memref<1x128xf32, #tpu.memory_space<hbm>> -> memref<128xf32, #tpu.memory_space<hbm>>
        tpu.wait_dma2 semaphore(%run_scoped3A_590 : memref<!tpu.dma_semaphore, #tpu.memory_space<semaphore_mem>>) src(%arg19 : memref<128xf32, #tpu.memory_space<vmem>>) dst(%dma_wait3A_598 : memref<128xf32, #tpu.memory_space<hbm>>)
        tpu.yield
      }) : () -> ()
      %run_scoped3A_301 = arith.constant 1 : i32
      "tpu.region"() ({
        %run_scoped3A_590 = tpu.sem_alloc : memref<!tpu.dma_semaphore, #tpu.memory_space<semaphore_mem>>
        %dma_start3A_591 = tpu.memref_slice %arg10[%run_scoped3A_301, %mul3A_296] : memref<4x327680xf32, #tpu.memory_space<hbm>> -> memref<1x128xf32, #tpu.memory_space<hbm>>
        %dma_start3A_592 = tpu.memref_squeeze %dma_start3A_591 : memref<1x128xf32, #tpu.memory_space<hbm>> -> memref<128xf32, #tpu.memory_space<hbm>>
        %dma_start3A_593 = tpu.memref_slice %arg10[%run_scoped3A_301, %mul3A_296] : memref<4x327680xf32, #tpu.memory_space<hbm>> -> memref<1x128xf32, #tpu.memory_space<hbm>>
        %dma_start3A_594 = tpu.memref_squeeze %dma_start3A_593 : memref<1x128xf32, #tpu.memory_space<hbm>> -> memref<128xf32, #tpu.memory_space<hbm>>
        tpu.enqueue_dma source(%arg20 : memref<128xf32, #tpu.memory_space<vmem>>) target(%dma_start3A_594 : memref<128xf32, #tpu.memory_space<hbm>>) target_semaphore(%run_scoped3A_590 : memref<!tpu.dma_semaphore, #tpu.memory_space<semaphore_mem>>)
        %dma_wait3A_595 = tpu.memref_slice %arg10[%run_scoped3A_301, %mul3A_296] : memref<4x327680xf32, #tpu.memory_space<hbm>> -> memref<1x128xf32, #tpu.memory_space<hbm>>
        %dma_wait3A_596 = tpu.memref_squeeze %dma_wait3A_595 : memref<1x128xf32, #tpu.memory_space<hbm>> -> memref<128xf32, #tpu.memory_space<hbm>>
        %dma_wait3A_597 = tpu.memref_slice %arg10[%run_scoped3A_301, %mul3A_296] : memref<4x327680xf32, #tpu.memory_space<hbm>> -> memref<1x128xf32, #tpu.memory_space<hbm>>
        %dma_wait3A_598 = tpu.memref_squeeze %dma_wait3A_597 : memref<1x128xf32, #tpu.memory_space<hbm>> -> memref<128xf32, #tpu.memory_space<hbm>>
        tpu.wait_dma2 semaphore(%run_scoped3A_590 : memref<!tpu.dma_semaphore, #tpu.memory_space<semaphore_mem>>) src(%arg20 : memref<128xf32, #tpu.memory_space<vmem>>) dst(%dma_wait3A_598 : memref<128xf32, #tpu.memory_space<hbm>>)
        tpu.yield
      }) : () -> ()
      %run_scoped3A_302 = arith.constant 2 : i32
      "tpu.region"() ({
        %run_scoped3A_590 = tpu.sem_alloc : memref<!tpu.dma_semaphore, #tpu.memory_space<semaphore_mem>>
        %dma_start3A_591 = tpu.memref_slice %arg10[%run_scoped3A_302, %mul3A_296] : memref<4x327680xf32, #tpu.memory_space<hbm>> -> memref<1x128xf32, #tpu.memory_space<hbm>>
        %dma_start3A_592 = tpu.memref_squeeze %dma_start3A_591 : memref<1x128xf32, #tpu.memory_space<hbm>> -> memref<128xf32, #tpu.memory_space<hbm>>
        %dma_start3A_593 = tpu.memref_slice %arg10[%run_scoped3A_302, %mul3A_296] : memref<4x327680xf32, #tpu.memory_space<hbm>> -> memref<1x128xf32, #tpu.memory_space<hbm>>
        %dma_start3A_594 = tpu.memref_squeeze %dma_start3A_593 : memref<1x128xf32, #tpu.memory_space<hbm>> -> memref<128xf32, #tpu.memory_space<hbm>>
        tpu.enqueue_dma source(%arg21 : memref<128xf32, #tpu.memory_space<vmem>>) target(%dma_start3A_594 : memref<128xf32, #tpu.memory_space<hbm>>) target_semaphore(%run_scoped3A_590 : memref<!tpu.dma_semaphore, #tpu.memory_space<semaphore_mem>>)
        %dma_wait3A_595 = tpu.memref_slice %arg10[%run_scoped3A_302, %mul3A_296] : memref<4x327680xf32, #tpu.memory_space<hbm>> -> memref<1x128xf32, #tpu.memory_space<hbm>>
        %dma_wait3A_596 = tpu.memref_squeeze %dma_wait3A_595 : memref<1x128xf32, #tpu.memory_space<hbm>> -> memref<128xf32, #tpu.memory_space<hbm>>
        %dma_wait3A_597 = tpu.memref_slice %arg10[%run_scoped3A_302, %mul3A_296] : memref<4x327680xf32, #tpu.memory_space<hbm>> -> memref<1x128xf32, #tpu.memory_space<hbm>>
        %dma_wait3A_598 = tpu.memref_squeeze %dma_wait3A_597 : memref<1x128xf32, #tpu.memory_space<hbm>> -> memref<128xf32, #tpu.memory_space<hbm>>
        tpu.wait_dma2 semaphore(%run_scoped3A_590 : memref<!tpu.dma_semaphore, #tpu.memory_space<semaphore_mem>>) src(%arg21 : memref<128xf32, #tpu.memory_space<vmem>>) dst(%dma_wait3A_598 : memref<128xf32, #tpu.memory_space<hbm>>)
        tpu.yield
      }) : () -> ()
      %run_scoped3A_303 = arith.constant 3 : i32
      "tpu.region"() ({
        %run_scoped3A_590 = tpu.sem_alloc : memref<!tpu.dma_semaphore, #tpu.memory_space<semaphore_mem>>
        %dma_start3A_591 = tpu.memref_slice %arg10[%run_scoped3A_303, %mul3A_296] : memref<4x327680xf32, #tpu.memory_space<hbm>> -> memref<1x128xf32, #tpu.memory_space<hbm>>
        %dma_start3A_592 = tpu.memref_squeeze %dma_start3A_591 : memref<1x128xf32, #tpu.memory_space<hbm>> -> memref<128xf32, #tpu.memory_space<hbm>>
        %dma_start3A_593 = tpu.memref_slice %arg10[%run_scoped3A_303, %mul3A_296] : memref<4x327680xf32, #tpu.memory_space<hbm>> -> memref<1x128xf32, #tpu.memory_space<hbm>>
        %dma_start3A_594 = tpu.memref_squeeze %dma_start3A_593 : memref<1x128xf32, #tpu.memory_space<hbm>> -> memref<128xf32, #tpu.memory_space<hbm>>
        tpu.enqueue_dma source(%arg22 : memref<128xf32, #tpu.memory_space<vmem>>) target(%dma_start3A_594 : memref<128xf32, #tpu.memory_space<hbm>>) target_semaphore(%run_scoped3A_590 : memref<!tpu.dma_semaphore, #tpu.memory_space<semaphore_mem>>)
        %dma_wait3A_595 = tpu.memref_slice %arg10[%run_scoped3A_303, %mul3A_296] : memref<4x327680xf32, #tpu.memory_space<hbm>> -> memref<1x128xf32, #tpu.memory_space<hbm>>
        %dma_wait3A_596 = tpu.memref_squeeze %dma_wait3A_595 : memref<1x128xf32, #tpu.memory_space<hbm>> -> memref<128xf32, #tpu.memory_space<hbm>>
        %dma_wait3A_597 = tpu.memref_slice %arg10[%run_scoped3A_303, %mul3A_296] : memref<4x327680xf32, #tpu.memory_space<hbm>> -> memref<1x128xf32, #tpu.memory_space<hbm>>
        %dma_wait3A_598 = tpu.memref_squeeze %dma_wait3A_597 : memref<1x128xf32, #tpu.memory_space<hbm>> -> memref<128xf32, #tpu.memory_space<hbm>>
        tpu.wait_dma2 semaphore(%run_scoped3A_590 : memref<!tpu.dma_semaphore, #tpu.memory_space<semaphore_mem>>) src(%arg22 : memref<128xf32, #tpu.memory_space<vmem>>) dst(%dma_wait3A_598 : memref<128xf32, #tpu.memory_space<hbm>>)
        tpu.yield
      }) : () -> ()
      %lt3A = arith.constant 39 : i32
      %lt3A_304 = arith.cmpi slt, %scan3A_31, %lt3A : i32
      %convert_element_type3A = arith.extui %lt3A_304 : i1 to i32
      %cond3A = arith.constant 0 : i32
      %cond3A_305 = arith.cmpi ne, %convert_element_type3A, %cond3A : i32
      scf.if %cond3A_305 {
        %dma_wait3A_590 = arith.constant 0 : i32
        %dma_wait3A_591 = arith.constant 0 : i32
        %dma_wait3A_592 = tpu.memref_slice %arg9[%dma_wait3A_590, %dma_wait3A_591] : memref<327680x128xf32, #tpu.memory_space<hbm>> -> memref<128x128xf32, #tpu.memory_space<hbm>>
        %dma_wait3A_593 = arith.constant 0 : i32
        %dma_wait3A_594 = arith.constant 0 : i32
        %dma_wait3A_595 = tpu.memref_slice %arg9[%dma_wait3A_593, %dma_wait3A_594] : memref<327680x128xf32, #tpu.memory_space<hbm>> -> memref<128x128xf32, #tpu.memory_space<hbm>>
        tpu.wait_dma2 semaphore(%arg30 : memref<!tpu.dma_semaphore, #tpu.memory_space<semaphore_mem>>) src(%arg15 : memref<128x128xf32, #tpu.memory_space<vmem>>) dst(%dma_wait3A_595 : memref<128x128xf32, #tpu.memory_space<hbm>>)
        %add3A_596 = arith.constant 2 : i32
        %add3A_597 = arith.addi %add3A_34, %add3A_596 : i32
        "tpu.region"() ({
          %run_scoped3A_604 = tpu.sem_alloc : memref<!tpu.dma_semaphore, #tpu.memory_space<semaphore_mem>>
          %dma_start3A_605 = arith.constant 0 : i32
          %dma_start3A_606 = tpu.memref_slice %arg7[%add3A_597, %dma_start3A_605] : memref<2560x128xi32, #tpu.memory_space<hbm>> -> memref<1x128xi32, #tpu.memory_space<hbm>>
          %dma_start3A_607 = tpu.memref_squeeze %dma_start3A_606 : memref<1x128xi32, #tpu.memory_space<hbm>> -> memref<128xi32, #tpu.memory_space<hbm>>
          %dma_start3A_608 = arith.constant 0 : i32
          %dma_start3A_609 = tpu.memref_slice %arg7[%add3A_597, %dma_start3A_608] : memref<2560x128xi32, #tpu.memory_space<hbm>> -> memref<1x128xi32, #tpu.memory_space<hbm>>
          %dma_start3A_610 = tpu.memref_squeeze %dma_start3A_609 : memref<1x128xi32, #tpu.memory_space<hbm>> -> memref<128xi32, #tpu.memory_space<hbm>>
          tpu.enqueue_dma source(%dma_start3A_610 : memref<128xi32, #tpu.memory_space<hbm>>) target(%arg11 : memref<128xi32, #tpu.memory_space<vmem>>) target_semaphore(%run_scoped3A_604 : memref<!tpu.dma_semaphore, #tpu.memory_space<semaphore_mem>>)
          %dma_wait3A_611 = arith.constant 0 : i32
          %dma_wait3A_612 = tpu.memref_slice %arg7[%add3A_597, %dma_wait3A_611] : memref<2560x128xi32, #tpu.memory_space<hbm>> -> memref<1x128xi32, #tpu.memory_space<hbm>>
          %dma_wait3A_613 = tpu.memref_squeeze %dma_wait3A_612 : memref<1x128xi32, #tpu.memory_space<hbm>> -> memref<128xi32, #tpu.memory_space<hbm>>
          %dma_wait3A_614 = arith.constant 0 : i32
          %dma_wait3A_615 = tpu.memref_slice %arg7[%add3A_597, %dma_wait3A_614] : memref<2560x128xi32, #tpu.memory_space<hbm>> -> memref<1x128xi32, #tpu.memory_space<hbm>>
          %dma_wait3A_616 = tpu.memref_squeeze %dma_wait3A_615 : memref<1x128xi32, #tpu.memory_space<hbm>> -> memref<128xi32, #tpu.memory_space<hbm>>
          tpu.wait_dma2 semaphore(%run_scoped3A_604 : memref<!tpu.dma_semaphore, #tpu.memory_space<semaphore_mem>>) src(%dma_wait3A_616 : memref<128xi32, #tpu.memory_space<hbm>>) dst(%arg11 : memref<128xi32, #tpu.memory_space<vmem>>)
          tpu.yield
        }) : () -> ()
        "tpu.region"() ({
          %run_scoped3A_604 = tpu.sem_alloc : memref<!tpu.dma_semaphore, #tpu.memory_space<semaphore_mem>>
          %dma_start3A_605 = arith.constant 0 : i32
          %dma_start3A_606 = tpu.memref_slice %arg8[%add3A_597, %dma_start3A_605] : memref<2560x128xi32, #tpu.memory_space<hbm>> -> memref<1x128xi32, #tpu.memory_space<hbm>>
          %dma_start3A_607 = tpu.memref_squeeze %dma_start3A_606 : memref<1x128xi32, #tpu.memory_space<hbm>> -> memref<128xi32, #tpu.memory_space<hbm>>
          %dma_start3A_608 = arith.constant 0 : i32
          %dma_start3A_609 = tpu.memref_slice %arg8[%add3A_597, %dma_start3A_608] : memref<2560x128xi32, #tpu.memory_space<hbm>> -> memref<1x128xi32, #tpu.memory_space<hbm>>
          %dma_start3A_610 = tpu.memref_squeeze %dma_start3A_609 : memref<1x128xi32, #tpu.memory_space<hbm>> -> memref<128xi32, #tpu.memory_space<hbm>>
          tpu.enqueue_dma source(%dma_start3A_610 : memref<128xi32, #tpu.memory_space<hbm>>) target(%arg12 : memref<128xi32, #tpu.memory_space<vmem>>) target_semaphore(%run_scoped3A_604 : memref<!tpu.dma_semaphore, #tpu.memory_space<semaphore_mem>>)
          %dma_wait3A_611 = arith.constant 0 : i32
          %dma_wait3A_612 = tpu.memref_slice %arg8[%add3A_597, %dma_wait3A_611] : memref<2560x128xi32, #tpu.memory_space<hbm>> -> memref<1x128xi32, #tpu.memory_space<hbm>>
          %dma_wait3A_613 = tpu.memref_squeeze %dma_wait3A_612 : memref<1x128xi32, #tpu.memory_space<hbm>> -> memref<128xi32, #tpu.memory_space<hbm>>
          %dma_wait3A_614 = arith.constant 0 : i32
          %dma_wait3A_615 = tpu.memref_slice %arg8[%add3A_597, %dma_wait3A_614] : memref<2560x128xi32, #tpu.memory_space<hbm>> -> memref<1x128xi32, #tpu.memory_space<hbm>>
          %dma_wait3A_616 = tpu.memref_squeeze %dma_wait3A_615 : memref<1x128xi32, #tpu.memory_space<hbm>> -> memref<128xi32, #tpu.memory_space<hbm>>
          tpu.wait_dma2 semaphore(%run_scoped3A_604 : memref<!tpu.dma_semaphore, #tpu.memory_space<semaphore_mem>>) src(%dma_wait3A_616 : memref<128xi32, #tpu.memory_space<hbm>>) dst(%arg12 : memref<128xi32, #tpu.memory_space<vmem>>)
          tpu.yield
        }) : () -> ()
        %dma_start3A_598 = arith.constant 0 : i32
        %dma_start3A_599 = arith.constant 0 : i32
        %dma_start3A_600 = tpu.memref_slice %arg2[%dma_start3A_598, %dma_start3A_599] : memref<10000x128xf32, #tpu.memory_space<hbm>> -> memref<10000x128xf32, #tpu.memory_space<hbm>>
        tpu.enqueue_indirect_dma source(%dma_start3A_600 : memref<10000x128xf32, #tpu.memory_space<hbm>>) target(%arg15 : memref<128x128xf32, #tpu.memory_space<vmem>>) offsets(%arg11 : memref<128xi32, #tpu.memory_space<vmem>>) semaphore(%arg26 : memref<!tpu.dma_semaphore, #tpu.memory_space<semaphore_mem>>)
        %dma_start3A_601 = arith.constant 0 : i32
        %dma_start3A_602 = arith.constant 0 : i32
        %dma_start3A_603 = tpu.memref_slice %arg3[%dma_start3A_601, %dma_start3A_602] : memref<10000x128xf32, #tpu.memory_space<hbm>> -> memref<10000x128xf32, #tpu.memory_space<hbm>>
        tpu.enqueue_indirect_dma source(%dma_start3A_603 : memref<10000x128xf32, #tpu.memory_space<hbm>>) target(%arg16 : memref<128x128xf32, #tpu.memory_space<vmem>>) offsets(%arg12 : memref<128xi32, #tpu.memory_space<vmem>>) semaphore(%arg27 : memref<!tpu.dma_semaphore, #tpu.memory_space<semaphore_mem>>)
      } else {
      }
      %add3A_306 = arith.constant 1 : i32
      %add3A_307 = arith.addi %add3A_34, %add3A_306 : i32
      %dma_wait3A_308 = arith.constant 0 : i32
      %dma_wait3A_309 = arith.constant 0 : i32
      %dma_wait3A_310 = tpu.memref_slice %arg2[%dma_wait3A_308, %dma_wait3A_309] : memref<10000x128xf32, #tpu.memory_space<hbm>> -> memref<10000x128xf32, #tpu.memory_space<hbm>>
      tpu.wait_indirect_dma semaphore(%arg28 : memref<!tpu.dma_semaphore, #tpu.memory_space<semaphore_mem>>) src(%dma_wait3A_310 : memref<10000x128xf32, #tpu.memory_space<hbm>>) dst(%arg17 : memref<128x128xf32, #tpu.memory_space<vmem>>)
      %dma_wait3A_311 = arith.constant 0 : i32
      %dma_wait3A_312 = arith.constant 0 : i32
      %dma_wait3A_313 = tpu.memref_slice %arg3[%dma_wait3A_311, %dma_wait3A_312] : memref<10000x128xf32, #tpu.memory_space<hbm>> -> memref<10000x128xf32, #tpu.memory_space<hbm>>
      tpu.wait_indirect_dma semaphore(%arg29 : memref<!tpu.dma_semaphore, #tpu.memory_space<semaphore_mem>>) src(%dma_wait3A_313 : memref<10000x128xf32, #tpu.memory_space<hbm>>) dst(%arg18 : memref<128x128xf32, #tpu.memory_space<vmem>>)
      %get3A_314 = arith.constant 0 : index
      %get3A_315 = tpu.vector_load %arg13[%get3A_314] {strides = array<i32>} : memref<128xi32, #tpu.memory_space<vmem>>, vector<16xi32>,
      %get3A_316 = arith.constant 0 : index
      %get3A_317 = tpu.vector_load %arg14[%get3A_316] {strides = array<i32>} : memref<128xi32, #tpu.memory_space<vmem>>, vector<16xi32>,
      %gather3A_318 = tpu.vector_load_idx %arg23[%get3A_315] : memref<10240xf32, #tpu.memory_space<vmem>>[vector<16xi32>], vector<16xf32>,
      %gather3A_319 = tpu.vector_load_idx %arg23[%get3A_317] : memref<10240xf32, #tpu.memory_space<vmem>>[vector<16xi32>], vector<16xf32>,
      %sub3A_320 = arith.subf %gather3A_318, %gather3A_319 : vector<16xf32>
      %gather3A_321 = tpu.vector_load_idx %arg24[%get3A_315] : memref<10240xf32, #tpu.memory_space<vmem>>[vector<16xi32>], vector<16xf32>,
      %gather3A_322 = tpu.vector_load_idx %arg24[%get3A_317] : memref<10240xf32, #tpu.memory_space<vmem>>[vector<16xi32>], vector<16xf32>,
      %sub3A_323 = arith.subf %gather3A_321, %gather3A_322 : vector<16xf32>
      %gather3A_324 = tpu.vector_load_idx %arg25[%get3A_315] : memref<10240xf32, #tpu.memory_space<vmem>>[vector<16xi32>], vector<16xf32>,
      %gather3A_325 = tpu.vector_load_idx %arg25[%get3A_317] : memref<10240xf32, #tpu.memory_space<vmem>>[vector<16xi32>], vector<16xf32>,
      %sub3A_326 = arith.subf %gather3A_324, %gather3A_325 : vector<16xf32>
      %mul3A_327 = arith.mulf %sub3A_320, %sub3A_320 : vector<16xf32>
      %mul3A_328 = arith.mulf %sub3A_323, %sub3A_323 : vector<16xf32>
      %add3A_329 = arith.addf %mul3A_327, %mul3A_328 : vector<16xf32>
      %mul3A_330 = arith.mulf %sub3A_326, %sub3A_326 : vector<16xf32>
      %add3A_331 = arith.addf %add3A_329, %mul3A_330 : vector<16xf32>
      %jit3A_332 = arith.constant 9.99999997E-7 : f32
      %jit3A_333 = arith.constant 1.000000e+06 : f32
      %max3A_334 = vector.broadcast %jit3A_332 : f32 to vector<16xf32>
      %max3A_335 = arith.maximumf %max3A_334, %add3A_331 : vector<16xf32>
      %min3A_336 = vector.broadcast %jit3A_333 : f32 to vector<16xf32>
      %min3A_337 = arith.minimumf %min3A_336, %max3A_335 : vector<16xf32>
      %swap3A_338 = arith.constant 0 : index
      %swap3A_339 = tpu.vector_load %arg19[%swap3A_338] {strides = array<i32>} : memref<128xf32, #tpu.memory_space<vmem>>, vector<16xf32>,
      tpu.vector_store %arg19[%swap3A_338], %sub3A_320 {strides = array<i32>} : memref<128xf32, #tpu.memory_space<vmem>>, vector<16xf32>,
      %swap3A_340 = arith.constant 0 : index
      %swap3A_341 = tpu.vector_load %arg20[%swap3A_340] {strides = array<i32>} : memref<128xf32, #tpu.memory_space<vmem>>, vector<16xf32>,
      tpu.vector_store %arg20[%swap3A_340], %sub3A_323 {strides = array<i32>} : memref<128xf32, #tpu.memory_space<vmem>>, vector<16xf32>,
      %swap3A_342 = arith.constant 0 : index
      %swap3A_343 = tpu.vector_load %arg21[%swap3A_342] {strides = array<i32>} : memref<128xf32, #tpu.memory_space<vmem>>, vector<16xf32>,
      tpu.vector_store %arg21[%swap3A_342], %sub3A_326 {strides = array<i32>} : memref<128xf32, #tpu.memory_space<vmem>>, vector<16xf32>,
      %swap3A_344 = arith.constant 0 : index
      %swap3A_345 = tpu.vector_load %arg22[%swap3A_344] {strides = array<i32>} : memref<128xf32, #tpu.memory_space<vmem>>, vector<16xf32>,
      tpu.vector_store %arg22[%swap3A_344], %min3A_337 {strides = array<i32>} : memref<128xf32, #tpu.memory_space<vmem>>, vector<16xf32>,
      %get3A_346 = arith.constant 16 : index
      %get3A_347 = tpu.vector_load %arg13[%get3A_346] {strides = array<i32>} : memref<128xi32, #tpu.memory_space<vmem>>, vector<16xi32>,
      %get3A_348 = arith.constant 16 : index
      %get3A_349 = tpu.vector_load %arg14[%get3A_348] {strides = array<i32>} : memref<128xi32, #tpu.memory_space<vmem>>, vector<16xi32>,
      %gather3A_350 = tpu.vector_load_idx %arg23[%get3A_347] : memref<10240xf32, #tpu.memory_space<vmem>>[vector<16xi32>], vector<16xf32>,
      %gather3A_351 = tpu.vector_load_idx %arg23[%get3A_349] : memref<10240xf32, #tpu.memory_space<vmem>>[vector<16xi32>], vector<16xf32>,
      %sub3A_352 = arith.subf %gather3A_350, %gather3A_351 : vector<16xf32>
      %gather3A_353 = tpu.vector_load_idx %arg24[%get3A_347] : memref<10240xf32, #tpu.memory_space<vmem>>[vector<16xi32>], vector<16xf32>,
      %gather3A_354 = tpu.vector_load_idx %arg24[%get3A_349] : memref<10240xf32, #tpu.memory_space<vmem>>[vector<16xi32>], vector<16xf32>,
      %sub3A_355 = arith.subf %gather3A_353, %gather3A_354 : vector<16xf32>
      %gather3A_356 = tpu.vector_load_idx %arg25[%get3A_347] : memref<10240xf32, #tpu.memory_space<vmem>>[vector<16xi32>], vector<16xf32>,
      %gather3A_357 = tpu.vector_load_idx %arg25[%get3A_349] : memref<10240xf32, #tpu.memory_space<vmem>>[vector<16xi32>], vector<16xf32>,
      %sub3A_358 = arith.subf %gather3A_356, %gather3A_357 : vector<16xf32>
      %mul3A_359 = arith.mulf %sub3A_352, %sub3A_352 : vector<16xf32>
      %mul3A_360 = arith.mulf %sub3A_355, %sub3A_355 : vector<16xf32>
      %add3A_361 = arith.addf %mul3A_359, %mul3A_360 : vector<16xf32>
      %mul3A_362 = arith.mulf %sub3A_358, %sub3A_358 : vector<16xf32>
      %add3A_363 = arith.addf %add3A_361, %mul3A_362 : vector<16xf32>
      %jit3A_364 = arith.constant 9.99999997E-7 : f32
      %jit3A_365 = arith.constant 1.000000e+06 : f32
      %max3A_366 = vector.broadcast %jit3A_364 : f32 to vector<16xf32>
      %max3A_367 = arith.maximumf %max3A_366, %add3A_363 : vector<16xf32>
      %min3A_368 = vector.broadcast %jit3A_365 : f32 to vector<16xf32>
      %min3A_369 = arith.minimumf %min3A_368, %max3A_367 : vector<16xf32>
      %swap3A_370 = arith.constant 16 : index
      %swap3A_371 = tpu.vector_load %arg19[%swap3A_370] {strides = array<i32>} : memref<128xf32, #tpu.memory_space<vmem>>, vector<16xf32>,
      tpu.vector_store %arg19[%swap3A_370], %sub3A_352 {strides = array<i32>} : memref<128xf32, #tpu.memory_space<vmem>>, vector<16xf32>,
      %swap3A_372 = arith.constant 16 : index
      %swap3A_373 = tpu.vector_load %arg20[%swap3A_372] {strides = array<i32>} : memref<128xf32, #tpu.memory_space<vmem>>, vector<16xf32>,
      tpu.vector_store %arg20[%swap3A_372], %sub3A_355 {strides = array<i32>} : memref<128xf32, #tpu.memory_space<vmem>>, vector<16xf32>,
      %swap3A_374 = arith.constant 16 : index
      %swap3A_375 = tpu.vector_load %arg21[%swap3A_374] {strides = array<i32>} : memref<128xf32, #tpu.memory_space<vmem>>, vector<16xf32>,
      tpu.vector_store %arg21[%swap3A_374], %sub3A_358 {strides = array<i32>} : memref<128xf32, #tpu.memory_space<vmem>>, vector<16xf32>,
      %swap3A_376 = arith.constant 16 : index
      %swap3A_377 = tpu.vector_load %arg22[%swap3A_376] {strides = array<i32>} : memref<128xf32, #tpu.memory_space<vmem>>, vector<16xf32>,
      tpu.vector_store %arg22[%swap3A_376], %min3A_369 {strides = array<i32>} : memref<128xf32, #tpu.memory_space<vmem>>, vector<16xf32>,
      %get3A_378 = arith.constant 32 : index
      %get3A_379 = tpu.vector_load %arg13[%get3A_378] {strides = array<i32>} : memref<128xi32, #tpu.memory_space<vmem>>, vector<16xi32>,
      %get3A_380 = arith.constant 32 : index
      %get3A_381 = tpu.vector_load %arg14[%get3A_380] {strides = array<i32>} : memref<128xi32, #tpu.memory_space<vmem>>, vector<16xi32>,
      %gather3A_382 = tpu.vector_load_idx %arg23[%get3A_379] : memref<10240xf32, #tpu.memory_space<vmem>>[vector<16xi32>], vector<16xf32>,
      %gather3A_383 = tpu.vector_load_idx %arg23[%get3A_381] : memref<10240xf32, #tpu.memory_space<vmem>>[vector<16xi32>], vector<16xf32>,
      %sub3A_384 = arith.subf %gather3A_382, %gather3A_383 : vector<16xf32>
      %gather3A_385 = tpu.vector_load_idx %arg24[%get3A_379] : memref<10240xf32, #tpu.memory_space<vmem>>[vector<16xi32>], vector<16xf32>,
      %gather3A_386 = tpu.vector_load_idx %arg24[%get3A_381] : memref<10240xf32, #tpu.memory_space<vmem>>[vector<16xi32>], vector<16xf32>,
      %sub3A_387 = arith.subf %gather3A_385, %gather3A_386 : vector<16xf32>
      %gather3A_388 = tpu.vector_load_idx %arg25[%get3A_379] : memref<10240xf32, #tpu.memory_space<vmem>>[vector<16xi32>], vector<16xf32>,
      %gather3A_389 = tpu.vector_load_idx %arg25[%get3A_381] : memref<10240xf32, #tpu.memory_space<vmem>>[vector<16xi32>], vector<16xf32>,
      %sub3A_390 = arith.subf %gather3A_388, %gather3A_389 : vector<16xf32>
      %mul3A_391 = arith.mulf %sub3A_384, %sub3A_384 : vector<16xf32>
      %mul3A_392 = arith.mulf %sub3A_387, %sub3A_387 : vector<16xf32>
      %add3A_393 = arith.addf %mul3A_391, %mul3A_392 : vector<16xf32>
      %mul3A_394 = arith.mulf %sub3A_390, %sub3A_390 : vector<16xf32>
      %add3A_395 = arith.addf %add3A_393, %mul3A_394 : vector<16xf32>
      %jit3A_396 = arith.constant 9.99999997E-7 : f32
      %jit3A_397 = arith.constant 1.000000e+06 : f32
      %max3A_398 = vector.broadcast %jit3A_396 : f32 to vector<16xf32>
      %max3A_399 = arith.maximumf %max3A_398, %add3A_395 : vector<16xf32>
      %min3A_400 = vector.broadcast %jit3A_397 : f32 to vector<16xf32>
      %min3A_401 = arith.minimumf %min3A_400, %max3A_399 : vector<16xf32>
      %swap3A_402 = arith.constant 32 : index
      %swap3A_403 = tpu.vector_load %arg19[%swap3A_402] {strides = array<i32>} : memref<128xf32, #tpu.memory_space<vmem>>, vector<16xf32>,
      tpu.vector_store %arg19[%swap3A_402], %sub3A_384 {strides = array<i32>} : memref<128xf32, #tpu.memory_space<vmem>>, vector<16xf32>,
      %swap3A_404 = arith.constant 32 : index
      %swap3A_405 = tpu.vector_load %arg20[%swap3A_404] {strides = array<i32>} : memref<128xf32, #tpu.memory_space<vmem>>, vector<16xf32>,
      tpu.vector_store %arg20[%swap3A_404], %sub3A_387 {strides = array<i32>} : memref<128xf32, #tpu.memory_space<vmem>>, vector<16xf32>,
      %swap3A_406 = arith.constant 32 : index
      %swap3A_407 = tpu.vector_load %arg21[%swap3A_406] {strides = array<i32>} : memref<128xf32, #tpu.memory_space<vmem>>, vector<16xf32>,
      tpu.vector_store %arg21[%swap3A_406], %sub3A_390 {strides = array<i32>} : memref<128xf32, #tpu.memory_space<vmem>>, vector<16xf32>,
      %swap3A_408 = arith.constant 32 : index
      %swap3A_409 = tpu.vector_load %arg22[%swap3A_408] {strides = array<i32>} : memref<128xf32, #tpu.memory_space<vmem>>, vector<16xf32>,
      tpu.vector_store %arg22[%swap3A_408], %min3A_401 {strides = array<i32>} : memref<128xf32, #tpu.memory_space<vmem>>, vector<16xf32>,
      %get3A_410 = arith.constant 48 : index
      %get3A_411 = tpu.vector_load %arg13[%get3A_410] {strides = array<i32>} : memref<128xi32, #tpu.memory_space<vmem>>, vector<16xi32>,
      %get3A_412 = arith.constant 48 : index
      %get3A_413 = tpu.vector_load %arg14[%get3A_412] {strides = array<i32>} : memref<128xi32, #tpu.memory_space<vmem>>, vector<16xi32>,
      %gather3A_414 = tpu.vector_load_idx %arg23[%get3A_411] : memref<10240xf32, #tpu.memory_space<vmem>>[vector<16xi32>], vector<16xf32>,
      %gather3A_415 = tpu.vector_load_idx %arg23[%get3A_413] : memref<10240xf32, #tpu.memory_space<vmem>>[vector<16xi32>], vector<16xf32>,
      %sub3A_416 = arith.subf %gather3A_414, %gather3A_415 : vector<16xf32>
      %gather3A_417 = tpu.vector_load_idx %arg24[%get3A_411] : memref<10240xf32, #tpu.memory_space<vmem>>[vector<16xi32>], vector<16xf32>,
      %gather3A_418 = tpu.vector_load_idx %arg24[%get3A_413] : memref<10240xf32, #tpu.memory_space<vmem>>[vector<16xi32>], vector<16xf32>,
      %sub3A_419 = arith.subf %gather3A_417, %gather3A_418 : vector<16xf32>
      %gather3A_420 = tpu.vector_load_idx %arg25[%get3A_411] : memref<10240xf32, #tpu.memory_space<vmem>>[vector<16xi32>], vector<16xf32>,
      %gather3A_421 = tpu.vector_load_idx %arg25[%get3A_413] : memref<10240xf32, #tpu.memory_space<vmem>>[vector<16xi32>], vector<16xf32>,
      %sub3A_422 = arith.subf %gather3A_420, %gather3A_421 : vector<16xf32>
      %mul3A_423 = arith.mulf %sub3A_416, %sub3A_416 : vector<16xf32>
      %mul3A_424 = arith.mulf %sub3A_419, %sub3A_419 : vector<16xf32>
      %add3A_425 = arith.addf %mul3A_423, %mul3A_424 : vector<16xf32>
      %mul3A_426 = arith.mulf %sub3A_422, %sub3A_422 : vector<16xf32>
      %add3A_427 = arith.addf %add3A_425, %mul3A_426 : vector<16xf32>
      %jit3A_428 = arith.constant 9.99999997E-7 : f32
      %jit3A_429 = arith.constant 1.000000e+06 : f32
      %max3A_430 = vector.broadcast %jit3A_428 : f32 to vector<16xf32>
      %max3A_431 = arith.maximumf %max3A_430, %add3A_427 : vector<16xf32>
      %min3A_432 = vector.broadcast %jit3A_429 : f32 to vector<16xf32>
      %min3A_433 = arith.minimumf %min3A_432, %max3A_431 : vector<16xf32>
      %swap3A_434 = arith.constant 48 : index
      %swap3A_435 = tpu.vector_load %arg19[%swap3A_434] {strides = array<i32>} : memref<128xf32, #tpu.memory_space<vmem>>, vector<16xf32>,
      tpu.vector_store %arg19[%swap3A_434], %sub3A_416 {strides = array<i32>} : memref<128xf32, #tpu.memory_space<vmem>>, vector<16xf32>,
      %swap3A_436 = arith.constant 48 : index
      %swap3A_437 = tpu.vector_load %arg20[%swap3A_436] {strides = array<i32>} : memref<128xf32, #tpu.memory_space<vmem>>, vector<16xf32>,
      tpu.vector_store %arg20[%swap3A_436], %sub3A_419 {strides = array<i32>} : memref<128xf32, #tpu.memory_space<vmem>>, vector<16xf32>,
      %swap3A_438 = arith.constant 48 : index
      %swap3A_439 = tpu.vector_load %arg21[%swap3A_438] {strides = array<i32>} : memref<128xf32, #tpu.memory_space<vmem>>, vector<16xf32>,
      tpu.vector_store %arg21[%swap3A_438], %sub3A_422 {strides = array<i32>} : memref<128xf32, #tpu.memory_space<vmem>>, vector<16xf32>,
      %swap3A_440 = arith.constant 48 : index
      %swap3A_441 = tpu.vector_load %arg22[%swap3A_440] {strides = array<i32>} : memref<128xf32, #tpu.memory_space<vmem>>, vector<16xf32>,
      tpu.vector_store %arg22[%swap3A_440], %min3A_433 {strides = array<i32>} : memref<128xf32, #tpu.memory_space<vmem>>, vector<16xf32>,
      %get3A_442 = arith.constant 64 : index
      %get3A_443 = tpu.vector_load %arg13[%get3A_442] {strides = array<i32>} : memref<128xi32, #tpu.memory_space<vmem>>, vector<16xi32>,
      %get3A_444 = arith.constant 64 : index
      %get3A_445 = tpu.vector_load %arg14[%get3A_444] {strides = array<i32>} : memref<128xi32, #tpu.memory_space<vmem>>, vector<16xi32>,
      %gather3A_446 = tpu.vector_load_idx %arg23[%get3A_443] : memref<10240xf32, #tpu.memory_space<vmem>>[vector<16xi32>], vector<16xf32>,
      %gather3A_447 = tpu.vector_load_idx %arg23[%get3A_445] : memref<10240xf32, #tpu.memory_space<vmem>>[vector<16xi32>], vector<16xf32>,
      %sub3A_448 = arith.subf %gather3A_446, %gather3A_447 : vector<16xf32>
      %gather3A_449 = tpu.vector_load_idx %arg24[%get3A_443] : memref<10240xf32, #tpu.memory_space<vmem>>[vector<16xi32>], vector<16xf32>,
      %gather3A_450 = tpu.vector_load_idx %arg24[%get3A_445] : memref<10240xf32, #tpu.memory_space<vmem>>[vector<16xi32>], vector<16xf32>,
      %sub3A_451 = arith.subf %gather3A_449, %gather3A_450 : vector<16xf32>
      %gather3A_452 = tpu.vector_load_idx %arg25[%get3A_443] : memref<10240xf32, #tpu.memory_space<vmem>>[vector<16xi32>], vector<16xf32>,
      %gather3A_453 = tpu.vector_load_idx %arg25[%get3A_445] : memref<10240xf32, #tpu.memory_space<vmem>>[vector<16xi32>], vector<16xf32>,
      %sub3A_454 = arith.subf %gather3A_452, %gather3A_453 : vector<16xf32>
      %mul3A_455 = arith.mulf %sub3A_448, %sub3A_448 : vector<16xf32>
      %mul3A_456 = arith.mulf %sub3A_451, %sub3A_451 : vector<16xf32>
      %add3A_457 = arith.addf %mul3A_455, %mul3A_456 : vector<16xf32>
      %mul3A_458 = arith.mulf %sub3A_454, %sub3A_454 : vector<16xf32>
      %add3A_459 = arith.addf %add3A_457, %mul3A_458 : vector<16xf32>
      %jit3A_460 = arith.constant 9.99999997E-7 : f32
      %jit3A_461 = arith.constant 1.000000e+06 : f32
      %max3A_462 = vector.broadcast %jit3A_460 : f32 to vector<16xf32>
      %max3A_463 = arith.maximumf %max3A_462, %add3A_459 : vector<16xf32>
      %min3A_464 = vector.broadcast %jit3A_461 : f32 to vector<16xf32>
      %min3A_465 = arith.minimumf %min3A_464, %max3A_463 : vector<16xf32>
      %swap3A_466 = arith.constant 64 : index
      %swap3A_467 = tpu.vector_load %arg19[%swap3A_466] {strides = array<i32>} : memref<128xf32, #tpu.memory_space<vmem>>, vector<16xf32>,
      tpu.vector_store %arg19[%swap3A_466], %sub3A_448 {strides = array<i32>} : memref<128xf32, #tpu.memory_space<vmem>>, vector<16xf32>,
      %swap3A_468 = arith.constant 64 : index
      %swap3A_469 = tpu.vector_load %arg20[%swap3A_468] {strides = array<i32>} : memref<128xf32, #tpu.memory_space<vmem>>, vector<16xf32>,
      tpu.vector_store %arg20[%swap3A_468], %sub3A_451 {strides = array<i32>} : memref<128xf32, #tpu.memory_space<vmem>>, vector<16xf32>,
      %swap3A_470 = arith.constant 64 : index
      %swap3A_471 = tpu.vector_load %arg21[%swap3A_470] {strides = array<i32>} : memref<128xf32, #tpu.memory_space<vmem>>, vector<16xf32>,
      tpu.vector_store %arg21[%swap3A_470], %sub3A_454 {strides = array<i32>} : memref<128xf32, #tpu.memory_space<vmem>>, vector<16xf32>,
      %swap3A_472 = arith.constant 64 : index
      %swap3A_473 = tpu.vector_load %arg22[%swap3A_472] {strides = array<i32>} : memref<128xf32, #tpu.memory_space<vmem>>, vector<16xf32>,
      tpu.vector_store %arg22[%swap3A_472], %min3A_465 {strides = array<i32>} : memref<128xf32, #tpu.memory_space<vmem>>, vector<16xf32>,
      %get3A_474 = arith.constant 80 : index
      %get3A_475 = tpu.vector_load %arg13[%get3A_474] {strides = array<i32>} : memref<128xi32, #tpu.memory_space<vmem>>, vector<16xi32>,
      %get3A_476 = arith.constant 80 : index
      %get3A_477 = tpu.vector_load %arg14[%get3A_476] {strides = array<i32>} : memref<128xi32, #tpu.memory_space<vmem>>, vector<16xi32>,
      %gather3A_478 = tpu.vector_load_idx %arg23[%get3A_475] : memref<10240xf32, #tpu.memory_space<vmem>>[vector<16xi32>], vector<16xf32>,
      %gather3A_479 = tpu.vector_load_idx %arg23[%get3A_477] : memref<10240xf32, #tpu.memory_space<vmem>>[vector<16xi32>], vector<16xf32>,
      %sub3A_480 = arith.subf %gather3A_478, %gather3A_479 : vector<16xf32>
      %gather3A_481 = tpu.vector_load_idx %arg24[%get3A_475] : memref<10240xf32, #tpu.memory_space<vmem>>[vector<16xi32>], vector<16xf32>,
      %gather3A_482 = tpu.vector_load_idx %arg24[%get3A_477] : memref<10240xf32, #tpu.memory_space<vmem>>[vector<16xi32>], vector<16xf32>,
      %sub3A_483 = arith.subf %gather3A_481, %gather3A_482 : vector<16xf32>
      %gather3A_484 = tpu.vector_load_idx %arg25[%get3A_475] : memref<10240xf32, #tpu.memory_space<vmem>>[vector<16xi32>], vector<16xf32>,
      %gather3A_485 = tpu.vector_load_idx %arg25[%get3A_477] : memref<10240xf32, #tpu.memory_space<vmem>>[vector<16xi32>], vector<16xf32>,
      %sub3A_486 = arith.subf %gather3A_484, %gather3A_485 : vector<16xf32>
      %mul3A_487 = arith.mulf %sub3A_480, %sub3A_480 : vector<16xf32>
      %mul3A_488 = arith.mulf %sub3A_483, %sub3A_483 : vector<16xf32>
      %add3A_489 = arith.addf %mul3A_487, %mul3A_488 : vector<16xf32>
      %mul3A_490 = arith.mulf %sub3A_486, %sub3A_486 : vector<16xf32>
      %add3A_491 = arith.addf %add3A_489, %mul3A_490 : vector<16xf32>
      %jit3A_492 = arith.constant 9.99999997E-7 : f32
      %jit3A_493 = arith.constant 1.000000e+06 : f32
      %max3A_494 = vector.broadcast %jit3A_492 : f32 to vector<16xf32>
      %max3A_495 = arith.maximumf %max3A_494, %add3A_491 : vector<16xf32>
      %min3A_496 = vector.broadcast %jit3A_493 : f32 to vector<16xf32>
      %min3A_497 = arith.minimumf %min3A_496, %max3A_495 : vector<16xf32>
      %swap3A_498 = arith.constant 80 : index
      %swap3A_499 = tpu.vector_load %arg19[%swap3A_498] {strides = array<i32>} : memref<128xf32, #tpu.memory_space<vmem>>, vector<16xf32>,
      tpu.vector_store %arg19[%swap3A_498], %sub3A_480 {strides = array<i32>} : memref<128xf32, #tpu.memory_space<vmem>>, vector<16xf32>,
      %swap3A_500 = arith.constant 80 : index
      %swap3A_501 = tpu.vector_load %arg20[%swap3A_500] {strides = array<i32>} : memref<128xf32, #tpu.memory_space<vmem>>, vector<16xf32>,
      tpu.vector_store %arg20[%swap3A_500], %sub3A_483 {strides = array<i32>} : memref<128xf32, #tpu.memory_space<vmem>>, vector<16xf32>,
      %swap3A_502 = arith.constant 80 : index
      %swap3A_503 = tpu.vector_load %arg21[%swap3A_502] {strides = array<i32>} : memref<128xf32, #tpu.memory_space<vmem>>, vector<16xf32>,
      tpu.vector_store %arg21[%swap3A_502], %sub3A_486 {strides = array<i32>} : memref<128xf32, #tpu.memory_space<vmem>>, vector<16xf32>,
      %swap3A_504 = arith.constant 80 : index
      %swap3A_505 = tpu.vector_load %arg22[%swap3A_504] {strides = array<i32>} : memref<128xf32, #tpu.memory_space<vmem>>, vector<16xf32>,
      tpu.vector_store %arg22[%swap3A_504], %min3A_497 {strides = array<i32>} : memref<128xf32, #tpu.memory_space<vmem>>, vector<16xf32>,
      %get3A_506 = arith.constant 96 : index
      %get3A_507 = tpu.vector_load %arg13[%get3A_506] {strides = array<i32>} : memref<128xi32, #tpu.memory_space<vmem>>, vector<16xi32>,
      %get3A_508 = arith.constant 96 : index
      %get3A_509 = tpu.vector_load %arg14[%get3A_508] {strides = array<i32>} : memref<128xi32, #tpu.memory_space<vmem>>, vector<16xi32>,
      %gather3A_510 = tpu.vector_load_idx %arg23[%get3A_507] : memref<10240xf32, #tpu.memory_space<vmem>>[vector<16xi32>], vector<16xf32>,
      %gather3A_511 = tpu.vector_load_idx %arg23[%get3A_509] : memref<10240xf32, #tpu.memory_space<vmem>>[vector<16xi32>], vector<16xf32>,
      %sub3A_512 = arith.subf %gather3A_510, %gather3A_511 : vector<16xf32>
      %gather3A_513 = tpu.vector_load_idx %arg24[%get3A_507] : memref<10240xf32, #tpu.memory_space<vmem>>[vector<16xi32>], vector<16xf32>,
      %gather3A_514 = tpu.vector_load_idx %arg24[%get3A_509] : memref<10240xf32, #tpu.memory_space<vmem>>[vector<16xi32>], vector<16xf32>,
      %sub3A_515 = arith.subf %gather3A_513, %gather3A_514 : vector<16xf32>
      %gather3A_516 = tpu.vector_load_idx %arg25[%get3A_507] : memref<10240xf32, #tpu.memory_space<vmem>>[vector<16xi32>], vector<16xf32>,
      %gather3A_517 = tpu.vector_load_idx %arg25[%get3A_509] : memref<10240xf32, #tpu.memory_space<vmem>>[vector<16xi32>], vector<16xf32>,
      %sub3A_518 = arith.subf %gather3A_516, %gather3A_517 : vector<16xf32>
      %mul3A_519 = arith.mulf %sub3A_512, %sub3A_512 : vector<16xf32>
      %mul3A_520 = arith.mulf %sub3A_515, %sub3A_515 : vector<16xf32>
      %add3A_521 = arith.addf %mul3A_519, %mul3A_520 : vector<16xf32>
      %mul3A_522 = arith.mulf %sub3A_518, %sub3A_518 : vector<16xf32>
      %add3A_523 = arith.addf %add3A_521, %mul3A_522 : vector<16xf32>
      %jit3A_524 = arith.constant 9.99999997E-7 : f32
      %jit3A_525 = arith.constant 1.000000e+06 : f32
      %max3A_526 = vector.broadcast %jit3A_524 : f32 to vector<16xf32>
      %max3A_527 = arith.maximumf %max3A_526, %add3A_523 : vector<16xf32>
      %min3A_528 = vector.broadcast %jit3A_525 : f32 to vector<16xf32>
      %min3A_529 = arith.minimumf %min3A_528, %max3A_527 : vector<16xf32>
      %swap3A_530 = arith.constant 96 : index
      %swap3A_531 = tpu.vector_load %arg19[%swap3A_530] {strides = array<i32>} : memref<128xf32, #tpu.memory_space<vmem>>, vector<16xf32>,
      tpu.vector_store %arg19[%swap3A_530], %sub3A_512 {strides = array<i32>} : memref<128xf32, #tpu.memory_space<vmem>>, vector<16xf32>,
      %swap3A_532 = arith.constant 96 : index
      %swap3A_533 = tpu.vector_load %arg20[%swap3A_532] {strides = array<i32>} : memref<128xf32, #tpu.memory_space<vmem>>, vector<16xf32>,
      tpu.vector_store %arg20[%swap3A_532], %sub3A_515 {strides = array<i32>} : memref<128xf32, #tpu.memory_space<vmem>>, vector<16xf32>,
      %swap3A_534 = arith.constant 96 : index
      %swap3A_535 = tpu.vector_load %arg21[%swap3A_534] {strides = array<i32>} : memref<128xf32, #tpu.memory_space<vmem>>, vector<16xf32>,
      tpu.vector_store %arg21[%swap3A_534], %sub3A_518 {strides = array<i32>} : memref<128xf32, #tpu.memory_space<vmem>>, vector<16xf32>,
      %swap3A_536 = arith.constant 96 : index
      %swap3A_537 = tpu.vector_load %arg22[%swap3A_536] {strides = array<i32>} : memref<128xf32, #tpu.memory_space<vmem>>, vector<16xf32>,
      tpu.vector_store %arg22[%swap3A_536], %min3A_529 {strides = array<i32>} : memref<128xf32, #tpu.memory_space<vmem>>, vector<16xf32>,
      %get3A_538 = arith.constant 112 : index
      %get3A_539 = tpu.vector_load %arg13[%get3A_538] {strides = array<i32>} : memref<128xi32, #tpu.memory_space<vmem>>, vector<16xi32>,
      %get3A_540 = arith.constant 112 : index
      %get3A_541 = tpu.vector_load %arg14[%get3A_540] {strides = array<i32>} : memref<128xi32, #tpu.memory_space<vmem>>, vector<16xi32>,
      %gather3A_542 = tpu.vector_load_idx %arg23[%get3A_539] : memref<10240xf32, #tpu.memory_space<vmem>>[vector<16xi32>], vector<16xf32>,
      %gather3A_543 = tpu.vector_load_idx %arg23[%get3A_541] : memref<10240xf32, #tpu.memory_space<vmem>>[vector<16xi32>], vector<16xf32>,
      %sub3A_544 = arith.subf %gather3A_542, %gather3A_543 : vector<16xf32>
      %gather3A_545 = tpu.vector_load_idx %arg24[%get3A_539] : memref<10240xf32, #tpu.memory_space<vmem>>[vector<16xi32>], vector<16xf32>,
      %gather3A_546 = tpu.vector_load_idx %arg24[%get3A_541] : memref<10240xf32, #tpu.memory_space<vmem>>[vector<16xi32>], vector<16xf32>,
      %sub3A_547 = arith.subf %gather3A_545, %gather3A_546 : vector<16xf32>
      %gather3A_548 = tpu.vector_load_idx %arg25[%get3A_539] : memref<10240xf32, #tpu.memory_space<vmem>>[vector<16xi32>], vector<16xf32>,
      %gather3A_549 = tpu.vector_load_idx %arg25[%get3A_541] : memref<10240xf32, #tpu.memory_space<vmem>>[vector<16xi32>], vector<16xf32>,
      %sub3A_550 = arith.subf %gather3A_548, %gather3A_549 : vector<16xf32>
      %mul3A_551 = arith.mulf %sub3A_544, %sub3A_544 : vector<16xf32>
      %mul3A_552 = arith.mulf %sub3A_547, %sub3A_547 : vector<16xf32>
      %add3A_553 = arith.addf %mul3A_551, %mul3A_552 : vector<16xf32>
      %mul3A_554 = arith.mulf %sub3A_550, %sub3A_550 : vector<16xf32>
      %add3A_555 = arith.addf %add3A_553, %mul3A_554 : vector<16xf32>
      %jit3A_556 = arith.constant 9.99999997E-7 : f32
      %jit3A_557 = arith.constant 1.000000e+06 : f32
      %max3A_558 = vector.broadcast %jit3A_556 : f32 to vector<16xf32>
      %max3A_559 = arith.maximumf %max3A_558, %add3A_555 : vector<16xf32>
      %min3A_560 = vector.broadcast %jit3A_557 : f32 to vector<16xf32>
      %min3A_561 = arith.minimumf %min3A_560, %max3A_559 : vector<16xf32>
      %swap3A_562 = arith.constant 112 : index
      %swap3A_563 = tpu.vector_load %arg19[%swap3A_562] {strides = array<i32>} : memref<128xf32, #tpu.memory_space<vmem>>, vector<16xf32>,
      tpu.vector_store %arg19[%swap3A_562], %sub3A_544 {strides = array<i32>} : memref<128xf32, #tpu.memory_space<vmem>>, vector<16xf32>,
      %swap3A_564 = arith.constant 112 : index
      %swap3A_565 = tpu.vector_load %arg20[%swap3A_564] {strides = array<i32>} : memref<128xf32, #tpu.memory_space<vmem>>, vector<16xf32>,
      tpu.vector_store %arg20[%swap3A_564], %sub3A_547 {strides = array<i32>} : memref<128xf32, #tpu.memory_space<vmem>>, vector<16xf32>,
      %swap3A_566 = arith.constant 112 : index
      %swap3A_567 = tpu.vector_load %arg21[%swap3A_566] {strides = array<i32>} : memref<128xf32, #tpu.memory_space<vmem>>, vector<16xf32>,
      tpu.vector_store %arg21[%swap3A_566], %sub3A_550 {strides = array<i32>} : memref<128xf32, #tpu.memory_space<vmem>>, vector<16xf32>,
      %swap3A_568 = arith.constant 112 : index
      %swap3A_569 = tpu.vector_load %arg22[%swap3A_568] {strides = array<i32>} : memref<128xf32, #tpu.memory_space<vmem>>, vector<16xf32>,
      tpu.vector_store %arg22[%swap3A_568], %min3A_561 {strides = array<i32>} : memref<128xf32, #tpu.memory_space<vmem>>, vector<16xf32>,
      %scan3A_570 = arith.constant 0 : i32
      %scan3A_571 = arith.constant 128 : i32
      %scan3A_572 = arith.addi %scan3A_570, %scan3A_571 : i32
      %scan3A_573 = arith.constant 1 : i32
      scf.for %scan3A_590 = %scan3A_570 to %scan3A_572 step %scan3A_573  : i32 {
        %get3A_591 = arith.index_cast %scan3A_590 : i32 to index
        %get3A_592 = arith.constant 0 : index
        %get3A_593 = tpu.vector_load %arg17[%get3A_591, %get3A_592] {strides = array<i32>} : memref<128x128xf32, #tpu.memory_space<vmem>>, vector<16xf32>,
        %get3A_594 = arith.index_cast %scan3A_590 : i32 to index
        %get3A_595 = arith.constant 0 : index
        %get3A_596 = tpu.vector_load %arg18[%get3A_594, %get3A_595] {strides = array<i32>} : memref<128x128xf32, #tpu.memory_space<vmem>>, vector<16xf32>,
        %add3A_597 = arith.addf %get3A_593, %get3A_596 : vector<16xf32>
        %swap3A_598 = arith.index_cast %scan3A_590 : i32 to index
        %swap3A_599 = arith.constant 0 : index
        %swap3A_600 = tpu.vector_load %arg17[%swap3A_598, %swap3A_599] {strides = array<i32>} : memref<128x128xf32, #tpu.memory_space<vmem>>, vector<16xf32>,
        tpu.vector_store %arg17[%swap3A_598, %swap3A_599], %add3A_597 {strides = array<i32>} : memref<128x128xf32, #tpu.memory_space<vmem>>, vector<16xf32>,
        %get3A_601 = arith.index_cast %scan3A_590 : i32 to index
        %get3A_602 = arith.constant 16 : index
        %get3A_603 = tpu.vector_load %arg17[%get3A_601, %get3A_602] {strides = array<i32>} : memref<128x128xf32, #tpu.memory_space<vmem>>, vector<16xf32>,
        %get3A_604 = arith.index_cast %scan3A_590 : i32 to index
        %get3A_605 = arith.constant 16 : index
        %get3A_606 = tpu.vector_load %arg18[%get3A_604, %get3A_605] {strides = array<i32>} : memref<128x128xf32, #tpu.memory_space<vmem>>, vector<16xf32>,
        %add3A_607 = arith.addf %get3A_603, %get3A_606 : vector<16xf32>
        %swap3A_608 = arith.index_cast %scan3A_590 : i32 to index
        %swap3A_609 = arith.constant 16 : index
        %swap3A_610 = tpu.vector_load %arg17[%swap3A_608, %swap3A_609] {strides = array<i32>} : memref<128x128xf32, #tpu.memory_space<vmem>>, vector<16xf32>,
        tpu.vector_store %arg17[%swap3A_608, %swap3A_609], %add3A_607 {strides = array<i32>} : memref<128x128xf32, #tpu.memory_space<vmem>>, vector<16xf32>,
        %get3A_611 = arith.index_cast %scan3A_590 : i32 to index
        %get3A_612 = arith.constant 32 : index
        %get3A_613 = tpu.vector_load %arg17[%get3A_611, %get3A_612] {strides = array<i32>} : memref<128x128xf32, #tpu.memory_space<vmem>>, vector<16xf32>,
        %get3A_614 = arith.index_cast %scan3A_590 : i32 to index
        %get3A_615 = arith.constant 32 : index
        %get3A_616 = tpu.vector_load %arg18[%get3A_614, %get3A_615] {strides = array<i32>} : memref<128x128xf32, #tpu.memory_space<vmem>>, vector<16xf32>,
        %add3A_617 = arith.addf %get3A_613, %get3A_616 : vector<16xf32>
        %swap3A_618 = arith.index_cast %scan3A_590 : i32 to index
        %swap3A_619 = arith.constant 32 : index
        %swap3A_620 = tpu.vector_load %arg17[%swap3A_618, %swap3A_619] {strides = array<i32>} : memref<128x128xf32, #tpu.memory_space<vmem>>, vector<16xf32>,
        tpu.vector_store %arg17[%swap3A_618, %swap3A_619], %add3A_617 {strides = array<i32>} : memref<128x128xf32, #tpu.memory_space<vmem>>, vector<16xf32>,
        %get3A_621 = arith.index_cast %scan3A_590 : i32 to index
        %get3A_622 = arith.constant 48 : index
        %get3A_623 = tpu.vector_load %arg17[%get3A_621, %get3A_622] {strides = array<i32>} : memref<128x128xf32, #tpu.memory_space<vmem>>, vector<16xf32>,
        %get3A_624 = arith.index_cast %scan3A_590 : i32 to index
        %get3A_625 = arith.constant 48 : index
        %get3A_626 = tpu.vector_load %arg18[%get3A_624, %get3A_625] {strides = array<i32>} : memref<128x128xf32, #tpu.memory_space<vmem>>, vector<16xf32>,
        %add3A_627 = arith.addf %get3A_623, %get3A_626 : vector<16xf32>
        %swap3A_628 = arith.index_cast %scan3A_590 : i32 to index
        %swap3A_629 = arith.constant 48 : index
        %swap3A_630 = tpu.vector_load %arg17[%swap3A_628, %swap3A_629] {strides = array<i32>} : memref<128x128xf32, #tpu.memory_space<vmem>>, vector<16xf32>,
        tpu.vector_store %arg17[%swap3A_628, %swap3A_629], %add3A_627 {strides = array<i32>} : memref<128x128xf32, #tpu.memory_space<vmem>>, vector<16xf32>,
        %get3A_631 = arith.index_cast %scan3A_590 : i32 to index
        %get3A_632 = arith.constant 64 : index
        %get3A_633 = tpu.vector_load %arg17[%get3A_631, %get3A_632] {strides = array<i32>} : memref<128x128xf32, #tpu.memory_space<vmem>>, vector<16xf32>,
        %get3A_634 = arith.index_cast %scan3A_590 : i32 to index
        %get3A_635 = arith.constant 64 : index
        %get3A_636 = tpu.vector_load %arg18[%get3A_634, %get3A_635] {strides = array<i32>} : memref<128x128xf32, #tpu.memory_space<vmem>>, vector<16xf32>,
        %add3A_637 = arith.addf %get3A_633, %get3A_636 : vector<16xf32>
        %swap3A_638 = arith.index_cast %scan3A_590 : i32 to index
        %swap3A_639 = arith.constant 64 : index
        %swap3A_640 = tpu.vector_load %arg17[%swap3A_638, %swap3A_639] {strides = array<i32>} : memref<128x128xf32, #tpu.memory_space<vmem>>, vector<16xf32>,
        tpu.vector_store %arg17[%swap3A_638, %swap3A_639], %add3A_637 {strides = array<i32>} : memref<128x128xf32, #tpu.memory_space<vmem>>, vector<16xf32>,
        %get3A_641 = arith.index_cast %scan3A_590 : i32 to index
        %get3A_642 = arith.constant 80 : index
        %get3A_643 = tpu.vector_load %arg17[%get3A_641, %get3A_642] {strides = array<i32>} : memref<128x128xf32, #tpu.memory_space<vmem>>, vector<16xf32>,
        %get3A_644 = arith.index_cast %scan3A_590 : i32 to index
        %get3A_645 = arith.constant 80 : index
        %get3A_646 = tpu.vector_load %arg18[%get3A_644, %get3A_645] {strides = array<i32>} : memref<128x128xf32, #tpu.memory_space<vmem>>, vector<16xf32>,
        %add3A_647 = arith.addf %get3A_643, %get3A_646 : vector<16xf32>
        %swap3A_648 = arith.index_cast %scan3A_590 : i32 to index
        %swap3A_649 = arith.constant 80 : index
        %swap3A_650 = tpu.vector_load %arg17[%swap3A_648, %swap3A_649] {strides = array<i32>} : memref<128x128xf32, #tpu.memory_space<vmem>>, vector<16xf32>,
        tpu.vector_store %arg17[%swap3A_648, %swap3A_649], %add3A_647 {strides = array<i32>} : memref<128x128xf32, #tpu.memory_space<vmem>>, vector<16xf32>,
        %get3A_651 = arith.index_cast %scan3A_590 : i32 to index
        %get3A_652 = arith.constant 96 : index
        %get3A_653 = tpu.vector_load %arg17[%get3A_651, %get3A_652] {strides = array<i32>} : memref<128x128xf32, #tpu.memory_space<vmem>>, vector<16xf32>,
        %get3A_654 = arith.index_cast %scan3A_590 : i32 to index
        %get3A_655 = arith.constant 96 : index
        %get3A_656 = tpu.vector_load %arg18[%get3A_654, %get3A_655] {strides = array<i32>} : memref<128x128xf32, #tpu.memory_space<vmem>>, vector<16xf32>,
        %add3A_657 = arith.addf %get3A_653, %get3A_656 : vector<16xf32>
        %swap3A_658 = arith.index_cast %scan3A_590 : i32 to index
        %swap3A_659 = arith.constant 96 : index
        %swap3A_660 = tpu.vector_load %arg17[%swap3A_658, %swap3A_659] {strides = array<i32>} : memref<128x128xf32, #tpu.memory_space<vmem>>, vector<16xf32>,
        tpu.vector_store %arg17[%swap3A_658, %swap3A_659], %add3A_657 {strides = array<i32>} : memref<128x128xf32, #tpu.memory_space<vmem>>, vector<16xf32>,
        %get3A_661 = arith.index_cast %scan3A_590 : i32 to index
        %get3A_662 = arith.constant 112 : index
        %get3A_663 = tpu.vector_load %arg17[%get3A_661, %get3A_662] {strides = array<i32>} : memref<128x128xf32, #tpu.memory_space<vmem>>, vector<16xf32>,
        %get3A_664 = arith.index_cast %scan3A_590 : i32 to index
        %get3A_665 = arith.constant 112 : index
        %get3A_666 = tpu.vector_load %arg18[%get3A_664, %get3A_665] {strides = array<i32>} : memref<128x128xf32, #tpu.memory_space<vmem>>, vector<16xf32>,
        %add3A_667 = arith.addf %get3A_663, %get3A_666 : vector<16xf32>
        %swap3A_668 = arith.index_cast %scan3A_590 : i32 to index
        %swap3A_669 = arith.constant 112 : index
        %swap3A_670 = tpu.vector_load %arg17[%swap3A_668, %swap3A_669] {strides = array<i32>} : memref<128x128xf32, #tpu.memory_space<vmem>>, vector<16xf32>,
        tpu.vector_store %arg17[%swap3A_668, %swap3A_669], %add3A_667 {strides = array<i32>} : memref<128x128xf32, #tpu.memory_space<vmem>>, vector<16xf32>,
      }
      %scan3A_574 = arith.constant 128 : i32
      %mul3A_575 = arith.constant 128 : i32
      %mul3A_576 = arith.muli %add3A_307, %mul3A_575 : i32
      %dma_start3A_577 = arith.constant 0 : i32
      %dma_start3A_578 = tpu.memref_slice %arg9[%mul3A_576, %dma_start3A_577] : memref<327680x128xf32, #tpu.memory_space<hbm>> -> memref<128x128xf32, #tpu.memory_space<hbm>>
      %dma_start3A_579 = arith.constant 0 : i32
      %dma_start3A_580 = tpu.memref_slice %arg9[%mul3A_576, %dma_start3A_579] : memref<327680x128xf32, #tpu.memory_space<hbm>> -> memref<128x128xf32, #tpu.memory_space<hbm>>
      tpu.enqueue_dma source(%arg17 : memref<128x128xf32, #tpu.memory_space<vmem>>) target(%dma_start3A_580 : memref<128x128xf32, #tpu.memory_space<hbm>>) target_semaphore(%arg31 : memref<!tpu.dma_semaphore, #tpu.memory_space<semaphore_mem>>)
      %run_scoped3A_581 = arith.constant 0 : i32
      "tpu.region"() ({
        %run_scoped3A_590 = tpu.sem_alloc : memref<!tpu.dma_semaphore, #tpu.memory_space<semaphore_mem>>
        %dma_start3A_591 = tpu.memref_slice %arg10[%run_scoped3A_581, %mul3A_576] : memref<4x327680xf32, #tpu.memory_space<hbm>> -> memref<1x128xf32, #tpu.memory_space<hbm>>
        %dma_start3A_592 = tpu.memref_squeeze %dma_start3A_591 : memref<1x128xf32, #tpu.memory_space<hbm>> -> memref<128xf32, #tpu.memory_space<hbm>>
        %dma_start3A_593 = tpu.memref_slice %arg10[%run_scoped3A_581, %mul3A_576] : memref<4x327680xf32, #tpu.memory_space<hbm>> -> memref<1x128xf32, #tpu.memory_space<hbm>>
        %dma_start3A_594 = tpu.memref_squeeze %dma_start3A_593 : memref<1x128xf32, #tpu.memory_space<hbm>> -> memref<128xf32, #tpu.memory_space<hbm>>
        tpu.enqueue_dma source(%arg19 : memref<128xf32, #tpu.memory_space<vmem>>) target(%dma_start3A_594 : memref<128xf32, #tpu.memory_space<hbm>>) target_semaphore(%run_scoped3A_590 : memref<!tpu.dma_semaphore, #tpu.memory_space<semaphore_mem>>)
        %dma_wait3A_595 = tpu.memref_slice %arg10[%run_scoped3A_581, %mul3A_576] : memref<4x327680xf32, #tpu.memory_space<hbm>> -> memref<1x128xf32, #tpu.memory_space<hbm>>
        %dma_wait3A_596 = tpu.memref_squeeze %dma_wait3A_595 : memref<1x128xf32, #tpu.memory_space<hbm>> -> memref<128xf32, #tpu.memory_space<hbm>>
        %dma_wait3A_597 = tpu.memref_slice %arg10[%run_scoped3A_581, %mul3A_576] : memref<4x327680xf32, #tpu.memory_space<hbm>> -> memref<1x128xf32, #tpu.memory_space<hbm>>
        %dma_wait3A_598 = tpu.memref_squeeze %dma_wait3A_597 : memref<1x128xf32, #tpu.memory_space<hbm>> -> memref<128xf32, #tpu.memory_space<hbm>>
        tpu.wait_dma2 semaphore(%run_scoped3A_590 : memref<!tpu.dma_semaphore, #tpu.memory_space<semaphore_mem>>) src(%arg19 : memref<128xf32, #tpu.memory_space<vmem>>) dst(%dma_wait3A_598 : memref<128xf32, #tpu.memory_space<hbm>>)
        tpu.yield
      }) : () -> ()
      %run_scoped3A_582 = arith.constant 1 : i32
      "tpu.region"() ({
        %run_scoped3A_590 = tpu.sem_alloc : memref<!tpu.dma_semaphore, #tpu.memory_space<semaphore_mem>>
        %dma_start3A_591 = tpu.memref_slice %arg10[%run_scoped3A_582, %mul3A_576] : memref<4x327680xf32, #tpu.memory_space<hbm>> -> memref<1x128xf32, #tpu.memory_space<hbm>>
        %dma_start3A_592 = tpu.memref_squeeze %dma_start3A_591 : memref<1x128xf32, #tpu.memory_space<hbm>> -> memref<128xf32, #tpu.memory_space<hbm>>
        %dma_start3A_593 = tpu.memref_slice %arg10[%run_scoped3A_582, %mul3A_576] : memref<4x327680xf32, #tpu.memory_space<hbm>> -> memref<1x128xf32, #tpu.memory_space<hbm>>
        %dma_start3A_594 = tpu.memref_squeeze %dma_start3A_593 : memref<1x128xf32, #tpu.memory_space<hbm>> -> memref<128xf32, #tpu.memory_space<hbm>>
        tpu.enqueue_dma source(%arg20 : memref<128xf32, #tpu.memory_space<vmem>>) target(%dma_start3A_594 : memref<128xf32, #tpu.memory_space<hbm>>) target_semaphore(%run_scoped3A_590 : memref<!tpu.dma_semaphore, #tpu.memory_space<semaphore_mem>>)
        %dma_wait3A_595 = tpu.memref_slice %arg10[%run_scoped3A_582, %mul3A_576] : memref<4x327680xf32, #tpu.memory_space<hbm>> -> memref<1x128xf32, #tpu.memory_space<hbm>>
        %dma_wait3A_596 = tpu.memref_squeeze %dma_wait3A_595 : memref<1x128xf32, #tpu.memory_space<hbm>> -> memref<128xf32, #tpu.memory_space<hbm>>
        %dma_wait3A_597 = tpu.memref_slice %arg10[%run_scoped3A_582, %mul3A_576] : memref<4x327680xf32, #tpu.memory_space<hbm>> -> memref<1x128xf32, #tpu.memory_space<hbm>>
        %dma_wait3A_598 = tpu.memref_squeeze %dma_wait3A_597 : memref<1x128xf32, #tpu.memory_space<hbm>> -> memref<128xf32, #tpu.memory_space<hbm>>
        tpu.wait_dma2 semaphore(%run_scoped3A_590 : memref<!tpu.dma_semaphore, #tpu.memory_space<semaphore_mem>>) src(%arg20 : memref<128xf32, #tpu.memory_space<vmem>>) dst(%dma_wait3A_598 : memref<128xf32, #tpu.memory_space<hbm>>)
        tpu.yield
      }) : () -> ()
      %run_scoped3A_583 = arith.constant 2 : i32
      "tpu.region"() ({
        %run_scoped3A_590 = tpu.sem_alloc : memref<!tpu.dma_semaphore, #tpu.memory_space<semaphore_mem>>
        %dma_start3A_591 = tpu.memref_slice %arg10[%run_scoped3A_583, %mul3A_576] : memref<4x327680xf32, #tpu.memory_space<hbm>> -> memref<1x128xf32, #tpu.memory_space<hbm>>
        %dma_start3A_592 = tpu.memref_squeeze %dma_start3A_591 : memref<1x128xf32, #tpu.memory_space<hbm>> -> memref<128xf32, #tpu.memory_space<hbm>>
        %dma_start3A_593 = tpu.memref_slice %arg10[%run_scoped3A_583, %mul3A_576] : memref<4x327680xf32, #tpu.memory_space<hbm>> -> memref<1x128xf32, #tpu.memory_space<hbm>>
        %dma_start3A_594 = tpu.memref_squeeze %dma_start3A_593 : memref<1x128xf32, #tpu.memory_space<hbm>> -> memref<128xf32, #tpu.memory_space<hbm>>
        tpu.enqueue_dma source(%arg21 : memref<128xf32, #tpu.memory_space<vmem>>) target(%dma_start3A_594 : memref<128xf32, #tpu.memory_space<hbm>>) target_semaphore(%run_scoped3A_590 : memref<!tpu.dma_semaphore, #tpu.memory_space<semaphore_mem>>)
        %dma_wait3A_595 = tpu.memref_slice %arg10[%run_scoped3A_583, %mul3A_576] : memref<4x327680xf32, #tpu.memory_space<hbm>> -> memref<1x128xf32, #tpu.memory_space<hbm>>
        %dma_wait3A_596 = tpu.memref_squeeze %dma_wait3A_595 : memref<1x128xf32, #tpu.memory_space<hbm>> -> memref<128xf32, #tpu.memory_space<hbm>>
        %dma_wait3A_597 = tpu.memref_slice %arg10[%run_scoped3A_583, %mul3A_576] : memref<4x327680xf32, #tpu.memory_space<hbm>> -> memref<1x128xf32, #tpu.memory_space<hbm>>
        %dma_wait3A_598 = tpu.memref_squeeze %dma_wait3A_597 : memref<1x128xf32, #tpu.memory_space<hbm>> -> memref<128xf32, #tpu.memory_space<hbm>>
        tpu.wait_dma2 semaphore(%run_scoped3A_590 : memref<!tpu.dma_semaphore, #tpu.memory_space<semaphore_mem>>) src(%arg21 : memref<128xf32, #tpu.memory_space<vmem>>) dst(%dma_wait3A_598 : memref<128xf32, #tpu.memory_space<hbm>>)
        tpu.yield
      }) : () -> ()
      %run_scoped3A_584 = arith.constant 3 : i32
      "tpu.region"() ({
        %run_scoped3A_590 = tpu.sem_alloc : memref<!tpu.dma_semaphore, #tpu.memory_space<semaphore_mem>>
        %dma_start3A_591 = tpu.memref_slice %arg10[%run_scoped3A_584, %mul3A_576] : memref<4x327680xf32, #tpu.memory_space<hbm>> -> memref<1x128xf32, #tpu.memory_space<hbm>>
        %dma_start3A_592 = tpu.memref_squeeze %dma_start3A_591 : memref<1x128xf32, #tpu.memory_space<hbm>> -> memref<128xf32, #tpu.memory_space<hbm>>
        %dma_start3A_593 = tpu.memref_slice %arg10[%run_scoped3A_584, %mul3A_576] : memref<4x327680xf32, #tpu.memory_space<hbm>> -> memref<1x128xf32, #tpu.memory_space<hbm>>
        %dma_start3A_594 = tpu.memref_squeeze %dma_start3A_593 : memref<1x128xf32, #tpu.memory_space<hbm>> -> memref<128xf32, #tpu.memory_space<hbm>>
        tpu.enqueue_dma source(%arg22 : memref<128xf32, #tpu.memory_space<vmem>>) target(%dma_start3A_594 : memref<128xf32, #tpu.memory_space<hbm>>) target_semaphore(%run_scoped3A_590 : memref<!tpu.dma_semaphore, #tpu.memory_space<semaphore_mem>>)
        %dma_wait3A_595 = tpu.memref_slice %arg10[%run_scoped3A_584, %mul3A_576] : memref<4x327680xf32, #tpu.memory_space<hbm>> -> memref<1x128xf32, #tpu.memory_space<hbm>>
        %dma_wait3A_596 = tpu.memref_squeeze %dma_wait3A_595 : memref<1x128xf32, #tpu.memory_space<hbm>> -> memref<128xf32, #tpu.memory_space<hbm>>
        %dma_wait3A_597 = tpu.memref_slice %arg10[%run_scoped3A_584, %mul3A_576] : memref<4x327680xf32, #tpu.memory_space<hbm>> -> memref<1x128xf32, #tpu.memory_space<hbm>>
        %dma_wait3A_598 = tpu.memref_squeeze %dma_wait3A_597 : memref<1x128xf32, #tpu.memory_space<hbm>> -> memref<128xf32, #tpu.memory_space<hbm>>
        tpu.wait_dma2 semaphore(%run_scoped3A_590 : memref<!tpu.dma_semaphore, #tpu.memory_space<semaphore_mem>>) src(%arg22 : memref<128xf32, #tpu.memory_space<vmem>>) dst(%dma_wait3A_598 : memref<128xf32, #tpu.memory_space<hbm>>)
        tpu.yield
      }) : () -> ()
      %lt3A_585 = arith.constant 39 : i32
      %lt3A_586 = arith.cmpi slt, %scan3A_31, %lt3A_585 : i32
      %convert_element_type3A_587 = arith.extui %lt3A_586 : i1 to i32
      %cond3A_588 = arith.constant 0 : i32
      %cond3A_589 = arith.cmpi ne, %convert_element_type3A_587, %cond3A_588 : i32
      scf.if %cond3A_589 {
        %dma_wait3A_590 = arith.constant 0 : i32
        %dma_wait3A_591 = arith.constant 0 : i32
        %dma_wait3A_592 = tpu.memref_slice %arg9[%dma_wait3A_590, %dma_wait3A_591] : memref<327680x128xf32, #tpu.memory_space<hbm>> -> memref<128x128xf32, #tpu.memory_space<hbm>>
        %dma_wait3A_593 = arith.constant 0 : i32
        %dma_wait3A_594 = arith.constant 0 : i32
        %dma_wait3A_595 = tpu.memref_slice %arg9[%dma_wait3A_593, %dma_wait3A_594] : memref<327680x128xf32, #tpu.memory_space<hbm>> -> memref<128x128xf32, #tpu.memory_space<hbm>>
        tpu.wait_dma2 semaphore(%arg31 : memref<!tpu.dma_semaphore, #tpu.memory_space<semaphore_mem>>) src(%arg17 : memref<128x128xf32, #tpu.memory_space<vmem>>) dst(%dma_wait3A_595 : memref<128x128xf32, #tpu.memory_space<hbm>>)
        %add3A_596 = arith.constant 3 : i32
        %add3A_597 = arith.addi %add3A_34, %add3A_596 : i32
        "tpu.region"() ({
          %run_scoped3A_604 = tpu.sem_alloc : memref<!tpu.dma_semaphore, #tpu.memory_space<semaphore_mem>>
          %dma_start3A_605 = arith.constant 0 : i32
          %dma_start3A_606 = tpu.memref_slice %arg7[%add3A_597, %dma_start3A_605] : memref<2560x128xi32, #tpu.memory_space<hbm>> -> memref<1x128xi32, #tpu.memory_space<hbm>>
          %dma_start3A_607 = tpu.memref_squeeze %dma_start3A_606 : memref<1x128xi32, #tpu.memory_space<hbm>> -> memref<128xi32, #tpu.memory_space<hbm>>
          %dma_start3A_608 = arith.constant 0 : i32
          %dma_start3A_609 = tpu.memref_slice %arg7[%add3A_597, %dma_start3A_608] : memref<2560x128xi32, #tpu.memory_space<hbm>> -> memref<1x128xi32, #tpu.memory_space<hbm>>
          %dma_start3A_610 = tpu.memref_squeeze %dma_start3A_609 : memref<1x128xi32, #tpu.memory_space<hbm>> -> memref<128xi32, #tpu.memory_space<hbm>>
          tpu.enqueue_dma source(%dma_start3A_610 : memref<128xi32, #tpu.memory_space<hbm>>) target(%arg13 : memref<128xi32, #tpu.memory_space<vmem>>) target_semaphore(%run_scoped3A_604 : memref<!tpu.dma_semaphore, #tpu.memory_space<semaphore_mem>>)
          %dma_wait3A_611 = arith.constant 0 : i32
          %dma_wait3A_612 = tpu.memref_slice %arg7[%add3A_597, %dma_wait3A_611] : memref<2560x128xi32, #tpu.memory_space<hbm>> -> memref<1x128xi32, #tpu.memory_space<hbm>>
          %dma_wait3A_613 = tpu.memref_squeeze %dma_wait3A_612 : memref<1x128xi32, #tpu.memory_space<hbm>> -> memref<128xi32, #tpu.memory_space<hbm>>
          %dma_wait3A_614 = arith.constant 0 : i32
          %dma_wait3A_615 = tpu.memref_slice %arg7[%add3A_597, %dma_wait3A_614] : memref<2560x128xi32, #tpu.memory_space<hbm>> -> memref<1x128xi32, #tpu.memory_space<hbm>>
          %dma_wait3A_616 = tpu.memref_squeeze %dma_wait3A_615 : memref<1x128xi32, #tpu.memory_space<hbm>> -> memref<128xi32, #tpu.memory_space<hbm>>
          tpu.wait_dma2 semaphore(%run_scoped3A_604 : memref<!tpu.dma_semaphore, #tpu.memory_space<semaphore_mem>>) src(%dma_wait3A_616 : memref<128xi32, #tpu.memory_space<hbm>>) dst(%arg13 : memref<128xi32, #tpu.memory_space<vmem>>)
          tpu.yield
        }) : () -> ()
        "tpu.region"() ({
          %run_scoped3A_604 = tpu.sem_alloc : memref<!tpu.dma_semaphore, #tpu.memory_space<semaphore_mem>>
          %dma_start3A_605 = arith.constant 0 : i32
          %dma_start3A_606 = tpu.memref_slice %arg8[%add3A_597, %dma_start3A_605] : memref<2560x128xi32, #tpu.memory_space<hbm>> -> memref<1x128xi32, #tpu.memory_space<hbm>>
          %dma_start3A_607 = tpu.memref_squeeze %dma_start3A_606 : memref<1x128xi32, #tpu.memory_space<hbm>> -> memref<128xi32, #tpu.memory_space<hbm>>
          %dma_start3A_608 = arith.constant 0 : i32
          %dma_start3A_609 = tpu.memref_slice %arg8[%add3A_597, %dma_start3A_608] : memref<2560x128xi32, #tpu.memory_space<hbm>> -> memref<1x128xi32, #tpu.memory_space<hbm>>
          %dma_start3A_610 = tpu.memref_squeeze %dma_start3A_609 : memref<1x128xi32, #tpu.memory_space<hbm>> -> memref<128xi32, #tpu.memory_space<hbm>>
          tpu.enqueue_dma source(%dma_start3A_610 : memref<128xi32, #tpu.memory_space<hbm>>) target(%arg14 : memref<128xi32, #tpu.memory_space<vmem>>) target_semaphore(%run_scoped3A_604 : memref<!tpu.dma_semaphore, #tpu.memory_space<semaphore_mem>>)
          %dma_wait3A_611 = arith.constant 0 : i32
          %dma_wait3A_612 = tpu.memref_slice %arg8[%add3A_597, %dma_wait3A_611] : memref<2560x128xi32, #tpu.memory_space<hbm>> -> memref<1x128xi32, #tpu.memory_space<hbm>>
          %dma_wait3A_613 = tpu.memref_squeeze %dma_wait3A_612 : memref<1x128xi32, #tpu.memory_space<hbm>> -> memref<128xi32, #tpu.memory_space<hbm>>
          %dma_wait3A_614 = arith.constant 0 : i32
          %dma_wait3A_615 = tpu.memref_slice %arg8[%add3A_597, %dma_wait3A_614] : memref<2560x128xi32, #tpu.memory_space<hbm>> -> memref<1x128xi32, #tpu.memory_space<hbm>>
          %dma_wait3A_616 = tpu.memref_squeeze %dma_wait3A_615 : memref<1x128xi32, #tpu.memory_space<hbm>> -> memref<128xi32, #tpu.memory_space<hbm>>
          tpu.wait_dma2 semaphore(%run_scoped3A_604 : memref<!tpu.dma_semaphore, #tpu.memory_space<semaphore_mem>>) src(%dma_wait3A_616 : memref<128xi32, #tpu.memory_space<hbm>>) dst(%arg14 : memref<128xi32, #tpu.memory_space<vmem>>)
          tpu.yield
        }) : () -> ()
        %dma_start3A_598 = arith.constant 0 : i32
        %dma_start3A_599 = arith.constant 0 : i32
        %dma_start3A_600 = tpu.memref_slice %arg2[%dma_start3A_598, %dma_start3A_599] : memref<10000x128xf32, #tpu.memory_space<hbm>> -> memref<10000x128xf32, #tpu.memory_space<hbm>>
        tpu.enqueue_indirect_dma source(%dma_start3A_600 : memref<10000x128xf32, #tpu.memory_space<hbm>>) target(%arg17 : memref<128x128xf32, #tpu.memory_space<vmem>>) offsets(%arg13 : memref<128xi32, #tpu.memory_space<vmem>>) semaphore(%arg28 : memref<!tpu.dma_semaphore, #tpu.memory_space<semaphore_mem>>)
        %dma_start3A_601 = arith.constant 0 : i32
        %dma_start3A_602 = arith.constant 0 : i32
        %dma_start3A_603 = tpu.memref_slice %arg3[%dma_start3A_601, %dma_start3A_602] : memref<10000x128xf32, #tpu.memory_space<hbm>> -> memref<10000x128xf32, #tpu.memory_space<hbm>>
        tpu.enqueue_indirect_dma source(%dma_start3A_603 : memref<10000x128xf32, #tpu.memory_space<hbm>>) target(%arg18 : memref<128x128xf32, #tpu.memory_space<vmem>>) offsets(%arg14 : memref<128xi32, #tpu.memory_space<vmem>>) semaphore(%arg29 : memref<!tpu.dma_semaphore, #tpu.memory_space<semaphore_mem>>)
      } else {
      }
    }
    %scan3A_19 = arith.constant 40 : i32
    %dma_wait3A = arith.constant 0 : i32
    %dma_wait3A_20 = arith.constant 0 : i32
    %dma_wait3A_21 = tpu.memref_slice %arg9[%dma_wait3A, %dma_wait3A_20] : memref<327680x128xf32, #tpu.memory_space<hbm>> -> memref<128x128xf32, #tpu.memory_space<hbm>>
    %dma_wait3A_22 = arith.constant 0 : i32
    %dma_wait3A_23 = arith.constant 0 : i32
    %dma_wait3A_24 = tpu.memref_slice %arg9[%dma_wait3A_22, %dma_wait3A_23] : memref<327680x128xf32, #tpu.memory_space<hbm>> -> memref<128x128xf32, #tpu.memory_space<hbm>>
    tpu.wait_dma2 semaphore(%arg30 : memref<!tpu.dma_semaphore, #tpu.memory_space<semaphore_mem>>) src(%arg15 : memref<128x128xf32, #tpu.memory_space<vmem>>) dst(%dma_wait3A_24 : memref<128x128xf32, #tpu.memory_space<hbm>>)
    %dma_wait3A_25 = arith.constant 0 : i32
    %dma_wait3A_26 = arith.constant 0 : i32
    %dma_wait3A_27 = tpu.memref_slice %arg9[%dma_wait3A_25, %dma_wait3A_26] : memref<327680x128xf32, #tpu.memory_space<hbm>> -> memref<128x128xf32, #tpu.memory_space<hbm>>
    %dma_wait3A_28 = arith.constant 0 : i32
    %dma_wait3A_29 = arith.constant 0 : i32
    %dma_wait3A_30 = tpu.memref_slice %arg9[%dma_wait3A_28, %dma_wait3A_29] : memref<327680x128xf32, #tpu.memory_space<hbm>> -> memref<128x128xf32, #tpu.memory_space<hbm>>
    tpu.wait_dma2 semaphore(%arg31 : memref<!tpu.dma_semaphore, #tpu.memory_space<semaphore_mem>>) src(%arg17 : memref<128x128xf32, #tpu.memory_space<vmem>>) dst(%dma_wait3A_30 : memref<128x128xf32, #tpu.memory_space<hbm>>)
    return
  }
}

#map = affine_map<(d0, d1) -> (0, 0)>
#map1 = affine_map<(d0, d1) -> (0)>
module attributes {stable_mosaic.version = 14 : i64} {
  func.func @_sc_gather_body(%arg0: i32, %arg1: i32, %arg2: memref<10000x128xf32, #tpu.memory_space<hbm>>, %arg3: memref<10000x128xf32, #tpu.memory_space<hbm>>, %arg4: memref<10240xf32, #tpu.memory_space<hbm>>, %arg5: memref<10240xf32, #tpu.memory_space<hbm>>, %arg6: memref<10240xf32, #tpu.memory_space<hbm>>, %arg7: memref<2560x128xi32, #tpu.memory_space<hbm>>, %arg8: memref<2560x128xi32, #tpu.memory_space<hbm>>, %arg9: memref<327680x128xf32, #tpu.memory_space<hbm>>, %arg10: memref<4x327680xf32, #tpu.memory_space<hbm>>, %arg11: memref<128xi32, #tpu.memory_space<vmem>>, %arg12: memref<128xi32, #tpu.memory_space<vmem>>, %arg13: memref<128xi32, #tpu.memory_space<vmem>>, %arg14: memref<128xi32, #tpu.memory_space<vmem>>, %arg15: memref<128x128xf32, #tpu.memory_space<vmem>>, %arg16: memref<128x128xf32, #tpu.memory_space<vmem>>, %arg17: memref<128x128xf32, #tpu.memory_space<vmem>>, %arg18: memref<128x128xf32, #tpu.memory_space<vmem>>, %arg19: memref<128xf32, #tpu.memory_space<vmem>>, %arg20: memref<128xf32, #tpu.memory_space<vmem>>, %arg21: memref<128xf32, #tpu.memory_space<vmem>>, %arg22: memref<128xf32, #tpu.memory_space<vmem>>, %arg23: memref<10240xf32, #tpu.memory_space<vmem>>, %arg24: memref<10240xf32, #tpu.memory_space<vmem>>, %arg25: memref<10240xf32, #tpu.memory_space<vmem>>, %arg26: memref<!tpu.dma_semaphore, #tpu.memory_space<semaphore_mem>>, %arg27: memref<!tpu.dma_semaphore, #tpu.memory_space<semaphore_mem>>, %arg28: memref<!tpu.dma_semaphore, #tpu.memory_space<semaphore_mem>>, %arg29: memref<!tpu.dma_semaphore, #tpu.memory_space<semaphore_mem>>, %arg30: memref<!tpu.dma_semaphore, #tpu.memory_space<semaphore_mem>>, %arg31: memref<!tpu.dma_semaphore, #tpu.memory_space<semaphore_mem>>) attributes {dimension_semantics = [#tpu.dimension_semantics<core_parallel>, #tpu.dimension_semantics<subcore_parallel>], iteration_bounds = array<i64: 2, 16>, scalar_prefetch = 0 : i64, scratch_operands = 21 : i64, tpu.core_type = #tpu.core_type<sc_vector_subcore>, window_params = [{transform_indices = #map}, {transform_indices = #map}, {transform_indices = #map1}, {transform_indices = #map1}, {transform_indices = #map1}, {transform_indices = #map}, {transform_indices = #map}, {transform_indices = #map}, {transform_indices = #map}]} {
    %mul3A = arith.constant 2 : i32
    %mul3A_0 = arith.muli %arg1, %mul3A : i32
    %add3A = arith.addi %mul3A_0, %arg0 : i32
    %mul3A_1 = arith.constant 80 : i32
    %mul3A_2 = arith.muli %add3A, %mul3A_1 : i32
    "tpu.region"() ({
      %run_scoped3A = tpu.sem_alloc : memref<!tpu.dma_semaphore, #tpu.memory_space<semaphore_mem>>
      tpu.enqueue_dma source(%arg4 : memref<10240xf32, #tpu.memory_space<hbm>>) target(%arg23 : memref<10240xf32, #tpu.memory_space<vmem>>) target_semaphore(%run_scoped3A : memref<!tpu.dma_semaphore, #tpu.memory_space<semaphore_mem>>)
      tpu.wait_dma2 semaphore(%run_scoped3A : memref<!tpu.dma_semaphore, #tpu.memory_space<semaphore_mem>>) src(%arg4 : memref<10240xf32, #tpu.memory_space<hbm>>) dst(%arg23 : memref<10240xf32, #tpu.memory_space<vmem>>)
      tpu.yield
    }) : () -> ()
    "tpu.region"() ({
      %run_scoped3A = tpu.sem_alloc : memref<!tpu.dma_semaphore, #tpu.memory_space<semaphore_mem>>
      tpu.enqueue_dma source(%arg5 : memref<10240xf32, #tpu.memory_space<hbm>>) target(%arg24 : memref<10240xf32, #tpu.memory_space<vmem>>) target_semaphore(%run_scoped3A : memref<!tpu.dma_semaphore, #tpu.memory_space<semaphore_mem>>)
      tpu.wait_dma2 semaphore(%run_scoped3A : memref<!tpu.dma_semaphore, #tpu.memory_space<semaphore_mem>>) src(%arg5 : memref<10240xf32, #tpu.memory_space<hbm>>) dst(%arg24 : memref<10240xf32, #tpu.memory_space<vmem>>)
      tpu.yield
    }) : () -> ()
    "tpu.region"() ({
      %run_scoped3A = tpu.sem_alloc : memref<!tpu.dma_semaphore, #tpu.memory_space<semaphore_mem>>
      tpu.enqueue_dma source(%arg6 : memref<10240xf32, #tpu.memory_space<hbm>>) target(%arg25 : memref<10240xf32, #tpu.memory_space<vmem>>) target_semaphore(%run_scoped3A : memref<!tpu.dma_semaphore, #tpu.memory_space<semaphore_mem>>)
      tpu.wait_dma2 semaphore(%run_scoped3A : memref<!tpu.dma_semaphore, #tpu.memory_space<semaphore_mem>>) src(%arg6 : memref<10240xf32, #tpu.memory_space<hbm>>) dst(%arg25 : memref<10240xf32, #tpu.memory_space<vmem>>)
      tpu.yield
    }) : () -> ()
    "tpu.region"() ({
      %run_scoped3A = tpu.sem_alloc : memref<!tpu.dma_semaphore, #tpu.memory_space<semaphore_mem>>
      %dma_start3A_31 = arith.constant 0 : i32
      %dma_start3A_32 = tpu.memref_slice %arg7[%mul3A_2, %dma_start3A_31] : memref<2560x128xi32, #tpu.memory_space<hbm>> -> memref<1x128xi32, #tpu.memory_space<hbm>>
      %dma_start3A_33 = tpu.memref_squeeze %dma_start3A_32 : memref<1x128xi32, #tpu.memory_space<hbm>> -> memref<128xi32, #tpu.memory_space<hbm>>
      %dma_start3A_34 = arith.constant 0 : i32
      %dma_start3A_35 = tpu.memref_slice %arg7[%mul3A_2, %dma_start3A_34] : memref<2560x128xi32, #tpu.memory_space<hbm>> -> memref<1x128xi32, #tpu.memory_space<hbm>>
      %dma_start3A_36 = tpu.memref_squeeze %dma_start3A_35 : memref<1x128xi32, #tpu.memory_space<hbm>> -> memref<128xi32, #tpu.memory_space<hbm>>
      tpu.enqueue_dma source(%dma_start3A_36 : memref<128xi32, #tpu.memory_space<hbm>>) target(%arg11 : memref<128xi32, #tpu.memory_space<vmem>>) target_semaphore(%run_scoped3A : memref<!tpu.dma_semaphore, #tpu.memory_space<semaphore_mem>>)
      %dma_wait3A_37 = arith.constant 0 : i32
      %dma_wait3A_38 = tpu.memref_slice %arg7[%mul3A_2, %dma_wait3A_37] : memref<2560x128xi32, #tpu.memory_space<hbm>> -> memref<1x128xi32, #tpu.memory_space<hbm>>
      %dma_wait3A_39 = tpu.memref_squeeze %dma_wait3A_38 : memref<1x128xi32, #tpu.memory_space<hbm>> -> memref<128xi32, #tpu.memory_space<hbm>>
      %dma_wait3A_40 = arith.constant 0 : i32
      %dma_wait3A_41 = tpu.memref_slice %arg7[%mul3A_2, %dma_wait3A_40] : memref<2560x128xi32, #tpu.memory_space<hbm>> -> memref<1x128xi32, #tpu.memory_space<hbm>>
      %dma_wait3A_42 = tpu.memref_squeeze %dma_wait3A_41 : memref<1x128xi32, #tpu.memory_space<hbm>> -> memref<128xi32, #tpu.memory_space<hbm>>
      tpu.wait_dma2 semaphore(%run_scoped3A : memref<!tpu.dma_semaphore, #tpu.memory_space<semaphore_mem>>) src(%dma_wait3A_42 : memref<128xi32, #tpu.memory_space<hbm>>) dst(%arg11 : memref<128xi32, #tpu.memory_space<vmem>>)
      tpu.yield
    }) : () -> ()
    "tpu.region"() ({
      %run_scoped3A = tpu.sem_alloc : memref<!tpu.dma_semaphore, #tpu.memory_space<semaphore_mem>>
      %dma_start3A_31 = arith.constant 0 : i32
      %dma_start3A_32 = tpu.memref_slice %arg8[%mul3A_2, %dma_start3A_31] : memref<2560x128xi32, #tpu.memory_space<hbm>> -> memref<1x128xi32, #tpu.memory_space<hbm>>
      %dma_start3A_33 = tpu.memref_squeeze %dma_start3A_32 : memref<1x128xi32, #tpu.memory_space<hbm>> -> memref<128xi32, #tpu.memory_space<hbm>>
      %dma_start3A_34 = arith.constant 0 : i32
      %dma_start3A_35 = tpu.memref_slice %arg8[%mul3A_2, %dma_start3A_34] : memref<2560x128xi32, #tpu.memory_space<hbm>> -> memref<1x128xi32, #tpu.memory_space<hbm>>
      %dma_start3A_36 = tpu.memref_squeeze %dma_start3A_35 : memref<1x128xi32, #tpu.memory_space<hbm>> -> memref<128xi32, #tpu.memory_space<hbm>>
      tpu.enqueue_dma source(%dma_start3A_36 : memref<128xi32, #tpu.memory_space<hbm>>) target(%arg12 : memref<128xi32, #tpu.memory_space<vmem>>) target_semaphore(%run_scoped3A : memref<!tpu.dma_semaphore, #tpu.memory_space<semaphore_mem>>)
      %dma_wait3A_37 = arith.constant 0 : i32
      %dma_wait3A_38 = tpu.memref_slice %arg8[%mul3A_2, %dma_wait3A_37] : memref<2560x128xi32, #tpu.memory_space<hbm>> -> memref<1x128xi32, #tpu.memory_space<hbm>>
      %dma_wait3A_39 = tpu.memref_squeeze %dma_wait3A_38 : memref<1x128xi32, #tpu.memory_space<hbm>> -> memref<128xi32, #tpu.memory_space<hbm>>
      %dma_wait3A_40 = arith.constant 0 : i32
      %dma_wait3A_41 = tpu.memref_slice %arg8[%mul3A_2, %dma_wait3A_40] : memref<2560x128xi32, #tpu.memory_space<hbm>> -> memref<1x128xi32, #tpu.memory_space<hbm>>
      %dma_wait3A_42 = tpu.memref_squeeze %dma_wait3A_41 : memref<1x128xi32, #tpu.memory_space<hbm>> -> memref<128xi32, #tpu.memory_space<hbm>>
      tpu.wait_dma2 semaphore(%run_scoped3A : memref<!tpu.dma_semaphore, #tpu.memory_space<semaphore_mem>>) src(%dma_wait3A_42 : memref<128xi32, #tpu.memory_space<hbm>>) dst(%arg12 : memref<128xi32, #tpu.memory_space<vmem>>)
      tpu.yield
    }) : () -> ()
    %dma_start3A = arith.constant 0 : i32
    %dma_start3A_3 = arith.constant 0 : i32
    %dma_start3A_4 = tpu.memref_slice %arg2[%dma_start3A, %dma_start3A_3] : memref<10000x128xf32, #tpu.memory_space<hbm>> -> memref<10000x128xf32, #tpu.memory_space<hbm>>
    tpu.enqueue_indirect_dma source(%dma_start3A_4 : memref<10000x128xf32, #tpu.memory_space<hbm>>) target(%arg15 : memref<128x128xf32, #tpu.memory_space<vmem>>) offsets(%arg11 : memref<128xi32, #tpu.memory_space<vmem>>) semaphore(%arg26 : memref<!tpu.dma_semaphore, #tpu.memory_space<semaphore_mem>>)
    %dma_start3A_5 = arith.constant 0 : i32
    %dma_start3A_6 = arith.constant 0 : i32
    %dma_start3A_7 = tpu.memref_slice %arg3[%dma_start3A_5, %dma_start3A_6] : memref<10000x128xf32, #tpu.memory_space<hbm>> -> memref<10000x128xf32, #tpu.memory_space<hbm>>
    tpu.enqueue_indirect_dma source(%dma_start3A_7 : memref<10000x128xf32, #tpu.memory_space<hbm>>) target(%arg16 : memref<128x128xf32, #tpu.memory_space<vmem>>) offsets(%arg12 : memref<128xi32, #tpu.memory_space<vmem>>) semaphore(%arg27 : memref<!tpu.dma_semaphore, #tpu.memory_space<semaphore_mem>>)
    %add3A_8 = arith.constant 1 : i32
    %add3A_9 = arith.addi %mul3A_2, %add3A_8 : i32
    "tpu.region"() ({
      %run_scoped3A = tpu.sem_alloc : memref<!tpu.dma_semaphore, #tpu.memory_space<semaphore_mem>>
      %dma_start3A_31 = arith.constant 0 : i32
      %dma_start3A_32 = tpu.memref_slice %arg7[%add3A_9, %dma_start3A_31] : memref<2560x128xi32, #tpu.memory_space<hbm>> -> memref<1x128xi32, #tpu.memory_space<hbm>>
      %dma_start3A_33 = tpu.memref_squeeze %dma_start3A_32 : memref<1x128xi32, #tpu.memory_space<hbm>> -> memref<128xi32, #tpu.memory_space<hbm>>
      %dma_start3A_34 = arith.constant 0 : i32
      %dma_start3A_35 = tpu.memref_slice %arg7[%add3A_9, %dma_start3A_34] : memref<2560x128xi32, #tpu.memory_space<hbm>> -> memref<1x128xi32, #tpu.memory_space<hbm>>
      %dma_start3A_36 = tpu.memref_squeeze %dma_start3A_35 : memref<1x128xi32, #tpu.memory_space<hbm>> -> memref<128xi32, #tpu.memory_space<hbm>>
      tpu.enqueue_dma source(%dma_start3A_36 : memref<128xi32, #tpu.memory_space<hbm>>) target(%arg13 : memref<128xi32, #tpu.memory_space<vmem>>) target_semaphore(%run_scoped3A : memref<!tpu.dma_semaphore, #tpu.memory_space<semaphore_mem>>)
      %dma_wait3A_37 = arith.constant 0 : i32
      %dma_wait3A_38 = tpu.memref_slice %arg7[%add3A_9, %dma_wait3A_37] : memref<2560x128xi32, #tpu.memory_space<hbm>> -> memref<1x128xi32, #tpu.memory_space<hbm>>
      %dma_wait3A_39 = tpu.memref_squeeze %dma_wait3A_38 : memref<1x128xi32, #tpu.memory_space<hbm>> -> memref<128xi32, #tpu.memory_space<hbm>>
      %dma_wait3A_40 = arith.constant 0 : i32
      %dma_wait3A_41 = tpu.memref_slice %arg7[%add3A_9, %dma_wait3A_40] : memref<2560x128xi32, #tpu.memory_space<hbm>> -> memref<1x128xi32, #tpu.memory_space<hbm>>
      %dma_wait3A_42 = tpu.memref_squeeze %dma_wait3A_41 : memref<1x128xi32, #tpu.memory_space<hbm>> -> memref<128xi32, #tpu.memory_space<hbm>>
      tpu.wait_dma2 semaphore(%run_scoped3A : memref<!tpu.dma_semaphore, #tpu.memory_space<semaphore_mem>>) src(%dma_wait3A_42 : memref<128xi32, #tpu.memory_space<hbm>>) dst(%arg13 : memref<128xi32, #tpu.memory_space<vmem>>)
      tpu.yield
    }) : () -> ()
    "tpu.region"() ({
      %run_scoped3A = tpu.sem_alloc : memref<!tpu.dma_semaphore, #tpu.memory_space<semaphore_mem>>
      %dma_start3A_31 = arith.constant 0 : i32
      %dma_start3A_32 = tpu.memref_slice %arg8[%add3A_9, %dma_start3A_31] : memref<2560x128xi32, #tpu.memory_space<hbm>> -> memref<1x128xi32, #tpu.memory_space<hbm>>
      %dma_start3A_33 = tpu.memref_squeeze %dma_start3A_32 : memref<1x128xi32, #tpu.memory_space<hbm>> -> memref<128xi32, #tpu.memory_space<hbm>>
      %dma_start3A_34 = arith.constant 0 : i32
      %dma_start3A_35 = tpu.memref_slice %arg8[%add3A_9, %dma_start3A_34] : memref<2560x128xi32, #tpu.memory_space<hbm>> -> memref<1x128xi32, #tpu.memory_space<hbm>>
      %dma_start3A_36 = tpu.memref_squeeze %dma_start3A_35 : memref<1x128xi32, #tpu.memory_space<hbm>> -> memref<128xi32, #tpu.memory_space<hbm>>
      tpu.enqueue_dma source(%dma_start3A_36 : memref<128xi32, #tpu.memory_space<hbm>>) target(%arg14 : memref<128xi32, #tpu.memory_space<vmem>>) target_semaphore(%run_scoped3A : memref<!tpu.dma_semaphore, #tpu.memory_space<semaphore_mem>>)
      %dma_wait3A_37 = arith.constant 0 : i32
      %dma_wait3A_38 = tpu.memref_slice %arg8[%add3A_9, %dma_wait3A_37] : memref<2560x128xi32, #tpu.memory_space<hbm>> -> memref<1x128xi32, #tpu.memory_space<hbm>>
      %dma_wait3A_39 = tpu.memref_squeeze %dma_wait3A_38 : memref<1x128xi32, #tpu.memory_space<hbm>> -> memref<128xi32, #tpu.memory_space<hbm>>
      %dma_wait3A_40 = arith.constant 0 : i32
      %dma_wait3A_41 = tpu.memref_slice %arg8[%add3A_9, %dma_wait3A_40] : memref<2560x128xi32, #tpu.memory_space<hbm>> -> memref<1x128xi32, #tpu.memory_space<hbm>>
      %dma_wait3A_42 = tpu.memref_squeeze %dma_wait3A_41 : memref<1x128xi32, #tpu.memory_space<hbm>> -> memref<128xi32, #tpu.memory_space<hbm>>
      tpu.wait_dma2 semaphore(%run_scoped3A : memref<!tpu.dma_semaphore, #tpu.memory_space<semaphore_mem>>) src(%dma_wait3A_42 : memref<128xi32, #tpu.memory_space<hbm>>) dst(%arg14 : memref<128xi32, #tpu.memory_space<vmem>>)
      tpu.yield
    }) : () -> ()
    %dma_start3A_10 = arith.constant 0 : i32
    %dma_start3A_11 = arith.constant 0 : i32
    %dma_start3A_12 = tpu.memref_slice %arg2[%dma_start3A_10, %dma_start3A_11] : memref<10000x128xf32, #tpu.memory_space<hbm>> -> memref<10000x128xf32, #tpu.memory_space<hbm>>
    tpu.enqueue_indirect_dma source(%dma_start3A_12 : memref<10000x128xf32, #tpu.memory_space<hbm>>) target(%arg17 : memref<128x128xf32, #tpu.memory_space<vmem>>) offsets(%arg13 : memref<128xi32, #tpu.memory_space<vmem>>) semaphore(%arg28 : memref<!tpu.dma_semaphore, #tpu.memory_space<semaphore_mem>>)
    %dma_start3A_13 = arith.constant 0 : i32
    %dma_start3A_14 = arith.constant 0 : i32
    %dma_start3A_15 = tpu.memref_slice %arg3[%dma_start3A_13, %dma_start3A_14] : memref<10000x128xf32, #tpu.memory_space<hbm>> -> memref<10000x128xf32, #tpu.memory_space<hbm>>
    tpu.enqueue_indirect_dma source(%dma_start3A_15 : memref<10000x128xf32, #tpu.memory_space<hbm>>) target(%arg18 : memref<128x128xf32, #tpu.memory_space<vmem>>) offsets(%arg14 : memref<128xi32, #tpu.memory_space<vmem>>) semaphore(%arg29 : memref<!tpu.dma_semaphore, #tpu.memory_space<semaphore_mem>>)
    %scan3A = arith.constant 0 : i32
    %scan3A_16 = arith.constant 40 : i32
    %scan3A_17 = arith.addi %scan3A, %scan3A_16 : i32
    %scan3A_18 = arith.constant 1 : i32
    scf.for %scan3A_31 = %scan3A to %scan3A_17 step %scan3A_18  : i32 {
      %mul3A_32 = arith.constant 2 : i32
      %mul3A_33 = arith.muli %mul3A_32, %scan3A_31 : i32
      %add3A_34 = arith.addi %mul3A_2, %mul3A_33 : i32
      %dma_wait3A_35 = arith.constant 0 : i32
      %dma_wait3A_36 = arith.constant 0 : i32
      %dma_wait3A_37 = tpu.memref_slice %arg2[%dma_wait3A_35, %dma_wait3A_36] : memref<10000x128xf32, #tpu.memory_space<hbm>> -> memref<10000x128xf32, #tpu.memory_space<hbm>>
      tpu.wait_indirect_dma semaphore(%arg26 : memref<!tpu.dma_semaphore, #tpu.memory_space<semaphore_mem>>) src(%dma_wait3A_37 : memref<10000x128xf32, #tpu.memory_space<hbm>>) dst(%arg15 : memref<128x128xf32, #tpu.memory_space<vmem>>)
      %dma_wait3A_38 = arith.constant 0 : i32
      %dma_wait3A_39 = arith.constant 0 : i32
      %dma_wait3A_40 = tpu.memref_slice %arg3[%dma_wait3A_38, %dma_wait3A_39] : memref<10000x128xf32, #tpu.memory_space<hbm>> -> memref<10000x128xf32, #tpu.memory_space<hbm>>
      tpu.wait_indirect_dma semaphore(%arg27 : memref<!tpu.dma_semaphore, #tpu.memory_space<semaphore_mem>>) src(%dma_wait3A_40 : memref<10000x128xf32, #tpu.memory_space<hbm>>) dst(%arg16 : memref<128x128xf32, #tpu.memory_space<vmem>>)
      %get3A = arith.constant 0 : index
      %get3A_41 = tpu.vector_load %arg11[%get3A] {strides = array<i32>} : memref<128xi32, #tpu.memory_space<vmem>>, vector<16xi32>,
      %get3A_42 = arith.constant 0 : index
      %get3A_43 = tpu.vector_load %arg12[%get3A_42] {strides = array<i32>} : memref<128xi32, #tpu.memory_space<vmem>>, vector<16xi32>,
      %gather3A = tpu.vector_load_idx %arg23[%get3A_41] : memref<10240xf32, #tpu.memory_space<vmem>>[vector<16xi32>], vector<16xf32>,
      %gather3A_44 = tpu.vector_load_idx %arg23[%get3A_43] : memref<10240xf32, #tpu.memory_space<vmem>>[vector<16xi32>], vector<16xf32>,
      %sub3A = arith.subf %gather3A, %gather3A_44 : vector<16xf32>
      %gather3A_45 = tpu.vector_load_idx %arg24[%get3A_41] : memref<10240xf32, #tpu.memory_space<vmem>>[vector<16xi32>], vector<16xf32>,
      %gather3A_46 = tpu.vector_load_idx %arg24[%get3A_43] : memref<10240xf32, #tpu.memory_space<vmem>>[vector<16xi32>], vector<16xf32>,
      %sub3A_47 = arith.subf %gather3A_45, %gather3A_46 : vector<16xf32>
      %gather3A_48 = tpu.vector_load_idx %arg25[%get3A_41] : memref<10240xf32, #tpu.memory_space<vmem>>[vector<16xi32>], vector<16xf32>,
      %gather3A_49 = tpu.vector_load_idx %arg25[%get3A_43] : memref<10240xf32, #tpu.memory_space<vmem>>[vector<16xi32>], vector<16xf32>,
      %sub3A_50 = arith.subf %gather3A_48, %gather3A_49 : vector<16xf32>
      %mul3A_51 = arith.mulf %sub3A, %sub3A : vector<16xf32>
      %mul3A_52 = arith.mulf %sub3A_47, %sub3A_47 : vector<16xf32>
      %add3A_53 = arith.addf %mul3A_51, %mul3A_52 : vector<16xf32>
      %mul3A_54 = arith.mulf %sub3A_50, %sub3A_50 : vector<16xf32>
      %add3A_55 = arith.addf %add3A_53, %mul3A_54 : vector<16xf32>
      %jit3A = arith.constant 9.99999997E-7 : f32
      %jit3A_56 = arith.constant 1.000000e+06 : f32
      %max3A = vector.broadcast %jit3A : f32 to vector<16xf32>
      %max3A_57 = arith.maximumf %max3A, %add3A_55 : vector<16xf32>
      %min3A = vector.broadcast %jit3A_56 : f32 to vector<16xf32>
      %min3A_58 = arith.minimumf %min3A, %max3A_57 : vector<16xf32>
      %swap3A = arith.constant 0 : index
      %swap3A_59 = tpu.vector_load %arg19[%swap3A] {strides = array<i32>} : memref<128xf32, #tpu.memory_space<vmem>>, vector<16xf32>,
      tpu.vector_store %arg19[%swap3A], %sub3A {strides = array<i32>} : memref<128xf32, #tpu.memory_space<vmem>>, vector<16xf32>,
      %swap3A_60 = arith.constant 0 : index
      %swap3A_61 = tpu.vector_load %arg20[%swap3A_60] {strides = array<i32>} : memref<128xf32, #tpu.memory_space<vmem>>, vector<16xf32>,
      tpu.vector_store %arg20[%swap3A_60], %sub3A_47 {strides = array<i32>} : memref<128xf32, #tpu.memory_space<vmem>>, vector<16xf32>,
      %swap3A_62 = arith.constant 0 : index
      %swap3A_63 = tpu.vector_load %arg21[%swap3A_62] {strides = array<i32>} : memref<128xf32, #tpu.memory_space<vmem>>, vector<16xf32>,
      tpu.vector_store %arg21[%swap3A_62], %sub3A_50 {strides = array<i32>} : memref<128xf32, #tpu.memory_space<vmem>>, vector<16xf32>,
      %swap3A_64 = arith.constant 0 : index
      %swap3A_65 = tpu.vector_load %arg22[%swap3A_64] {strides = array<i32>} : memref<128xf32, #tpu.memory_space<vmem>>, vector<16xf32>,
      tpu.vector_store %arg22[%swap3A_64], %min3A_58 {strides = array<i32>} : memref<128xf32, #tpu.memory_space<vmem>>, vector<16xf32>,
      %get3A_66 = arith.constant 16 : index
      %get3A_67 = tpu.vector_load %arg11[%get3A_66] {strides = array<i32>} : memref<128xi32, #tpu.memory_space<vmem>>, vector<16xi32>,
      %get3A_68 = arith.constant 16 : index
      %get3A_69 = tpu.vector_load %arg12[%get3A_68] {strides = array<i32>} : memref<128xi32, #tpu.memory_space<vmem>>, vector<16xi32>,
      %gather3A_70 = tpu.vector_load_idx %arg23[%get3A_67] : memref<10240xf32, #tpu.memory_space<vmem>>[vector<16xi32>], vector<16xf32>,
      %gather3A_71 = tpu.vector_load_idx %arg23[%get3A_69] : memref<10240xf32, #tpu.memory_space<vmem>>[vector<16xi32>], vector<16xf32>,
      %sub3A_72 = arith.subf %gather3A_70, %gather3A_71 : vector<16xf32>
      %gather3A_73 = tpu.vector_load_idx %arg24[%get3A_67] : memref<10240xf32, #tpu.memory_space<vmem>>[vector<16xi32>], vector<16xf32>,
      %gather3A_74 = tpu.vector_load_idx %arg24[%get3A_69] : memref<10240xf32, #tpu.memory_space<vmem>>[vector<16xi32>], vector<16xf32>,
      %sub3A_75 = arith.subf %gather3A_73, %gather3A_74 : vector<16xf32>
      %gather3A_76 = tpu.vector_load_idx %arg25[%get3A_67] : memref<10240xf32, #tpu.memory_space<vmem>>[vector<16xi32>], vector<16xf32>,
      %gather3A_77 = tpu.vector_load_idx %arg25[%get3A_69] : memref<10240xf32, #tpu.memory_space<vmem>>[vector<16xi32>], vector<16xf32>,
      %sub3A_78 = arith.subf %gather3A_76, %gather3A_77 : vector<16xf32>
      %mul3A_79 = arith.mulf %sub3A_72, %sub3A_72 : vector<16xf32>
      %mul3A_80 = arith.mulf %sub3A_75, %sub3A_75 : vector<16xf32>
      %add3A_81 = arith.addf %mul3A_79, %mul3A_80 : vector<16xf32>
      %mul3A_82 = arith.mulf %sub3A_78, %sub3A_78 : vector<16xf32>
      %add3A_83 = arith.addf %add3A_81, %mul3A_82 : vector<16xf32>
      %jit3A_84 = arith.constant 9.99999997E-7 : f32
      %jit3A_85 = arith.constant 1.000000e+06 : f32
      %max3A_86 = vector.broadcast %jit3A_84 : f32 to vector<16xf32>
      %max3A_87 = arith.maximumf %max3A_86, %add3A_83 : vector<16xf32>
      %min3A_88 = vector.broadcast %jit3A_85 : f32 to vector<16xf32>
      %min3A_89 = arith.minimumf %min3A_88, %max3A_87 : vector<16xf32>
      %swap3A_90 = arith.constant 16 : index
      %swap3A_91 = tpu.vector_load %arg19[%swap3A_90] {strides = array<i32>} : memref<128xf32, #tpu.memory_space<vmem>>, vector<16xf32>,
      tpu.vector_store %arg19[%swap3A_90], %sub3A_72 {strides = array<i32>} : memref<128xf32, #tpu.memory_space<vmem>>, vector<16xf32>,
      %swap3A_92 = arith.constant 16 : index
      %swap3A_93 = tpu.vector_load %arg20[%swap3A_92] {strides = array<i32>} : memref<128xf32, #tpu.memory_space<vmem>>, vector<16xf32>,
      tpu.vector_store %arg20[%swap3A_92], %sub3A_75 {strides = array<i32>} : memref<128xf32, #tpu.memory_space<vmem>>, vector<16xf32>,
      %swap3A_94 = arith.constant 16 : index
      %swap3A_95 = tpu.vector_load %arg21[%swap3A_94] {strides = array<i32>} : memref<128xf32, #tpu.memory_space<vmem>>, vector<16xf32>,
      tpu.vector_store %arg21[%swap3A_94], %sub3A_78 {strides = array<i32>} : memref<128xf32, #tpu.memory_space<vmem>>, vector<16xf32>,
      %swap3A_96 = arith.constant 16 : index
      %swap3A_97 = tpu.vector_load %arg22[%swap3A_96] {strides = array<i32>} : memref<128xf32, #tpu.memory_space<vmem>>, vector<16xf32>,
      tpu.vector_store %arg22[%swap3A_96], %min3A_89 {strides = array<i32>} : memref<128xf32, #tpu.memory_space<vmem>>, vector<16xf32>,
      %get3A_98 = arith.constant 32 : index
      %get3A_99 = tpu.vector_load %arg11[%get3A_98] {strides = array<i32>} : memref<128xi32, #tpu.memory_space<vmem>>, vector<16xi32>,
      %get3A_100 = arith.constant 32 : index
      %get3A_101 = tpu.vector_load %arg12[%get3A_100] {strides = array<i32>} : memref<128xi32, #tpu.memory_space<vmem>>, vector<16xi32>,
      %gather3A_102 = tpu.vector_load_idx %arg23[%get3A_99] : memref<10240xf32, #tpu.memory_space<vmem>>[vector<16xi32>], vector<16xf32>,
      %gather3A_103 = tpu.vector_load_idx %arg23[%get3A_101] : memref<10240xf32, #tpu.memory_space<vmem>>[vector<16xi32>], vector<16xf32>,
      %sub3A_104 = arith.subf %gather3A_102, %gather3A_103 : vector<16xf32>
      %gather3A_105 = tpu.vector_load_idx %arg24[%get3A_99] : memref<10240xf32, #tpu.memory_space<vmem>>[vector<16xi32>], vector<16xf32>,
      %gather3A_106 = tpu.vector_load_idx %arg24[%get3A_101] : memref<10240xf32, #tpu.memory_space<vmem>>[vector<16xi32>], vector<16xf32>,
      %sub3A_107 = arith.subf %gather3A_105, %gather3A_106 : vector<16xf32>
      %gather3A_108 = tpu.vector_load_idx %arg25[%get3A_99] : memref<10240xf32, #tpu.memory_space<vmem>>[vector<16xi32>], vector<16xf32>,
      %gather3A_109 = tpu.vector_load_idx %arg25[%get3A_101] : memref<10240xf32, #tpu.memory_space<vmem>>[vector<16xi32>], vector<16xf32>,
      %sub3A_110 = arith.subf %gather3A_108, %gather3A_109 : vector<16xf32>
      %mul3A_111 = arith.mulf %sub3A_104, %sub3A_104 : vector<16xf32>
      %mul3A_112 = arith.mulf %sub3A_107, %sub3A_107 : vector<16xf32>
      %add3A_113 = arith.addf %mul3A_111, %mul3A_112 : vector<16xf32>
      %mul3A_114 = arith.mulf %sub3A_110, %sub3A_110 : vector<16xf32>
      %add3A_115 = arith.addf %add3A_113, %mul3A_114 : vector<16xf32>
      %jit3A_116 = arith.constant 9.99999997E-7 : f32
      %jit3A_117 = arith.constant 1.000000e+06 : f32
      %max3A_118 = vector.broadcast %jit3A_116 : f32 to vector<16xf32>
      %max3A_119 = arith.maximumf %max3A_118, %add3A_115 : vector<16xf32>
      %min3A_120 = vector.broadcast %jit3A_117 : f32 to vector<16xf32>
      %min3A_121 = arith.minimumf %min3A_120, %max3A_119 : vector<16xf32>
      %swap3A_122 = arith.constant 32 : index
      %swap3A_123 = tpu.vector_load %arg19[%swap3A_122] {strides = array<i32>} : memref<128xf32, #tpu.memory_space<vmem>>, vector<16xf32>,
      tpu.vector_store %arg19[%swap3A_122], %sub3A_104 {strides = array<i32>} : memref<128xf32, #tpu.memory_space<vmem>>, vector<16xf32>,
      %swap3A_124 = arith.constant 32 : index
      %swap3A_125 = tpu.vector_load %arg20[%swap3A_124] {strides = array<i32>} : memref<128xf32, #tpu.memory_space<vmem>>, vector<16xf32>,
      tpu.vector_store %arg20[%swap3A_124], %sub3A_107 {strides = array<i32>} : memref<128xf32, #tpu.memory_space<vmem>>, vector<16xf32>,
      %swap3A_126 = arith.constant 32 : index
      %swap3A_127 = tpu.vector_load %arg21[%swap3A_126] {strides = array<i32>} : memref<128xf32, #tpu.memory_space<vmem>>, vector<16xf32>,
      tpu.vector_store %arg21[%swap3A_126], %sub3A_110 {strides = array<i32>} : memref<128xf32, #tpu.memory_space<vmem>>, vector<16xf32>,
      %swap3A_128 = arith.constant 32 : index
      %swap3A_129 = tpu.vector_load %arg22[%swap3A_128] {strides = array<i32>} : memref<128xf32, #tpu.memory_space<vmem>>, vector<16xf32>,
      tpu.vector_store %arg22[%swap3A_128], %min3A_121 {strides = array<i32>} : memref<128xf32, #tpu.memory_space<vmem>>, vector<16xf32>,
      %get3A_130 = arith.constant 48 : index
      %get3A_131 = tpu.vector_load %arg11[%get3A_130] {strides = array<i32>} : memref<128xi32, #tpu.memory_space<vmem>>, vector<16xi32>,
      %get3A_132 = arith.constant 48 : index
      %get3A_133 = tpu.vector_load %arg12[%get3A_132] {strides = array<i32>} : memref<128xi32, #tpu.memory_space<vmem>>, vector<16xi32>,
      %gather3A_134 = tpu.vector_load_idx %arg23[%get3A_131] : memref<10240xf32, #tpu.memory_space<vmem>>[vector<16xi32>], vector<16xf32>,
      %gather3A_135 = tpu.vector_load_idx %arg23[%get3A_133] : memref<10240xf32, #tpu.memory_space<vmem>>[vector<16xi32>], vector<16xf32>,
      %sub3A_136 = arith.subf %gather3A_134, %gather3A_135 : vector<16xf32>
      %gather3A_137 = tpu.vector_load_idx %arg24[%get3A_131] : memref<10240xf32, #tpu.memory_space<vmem>>[vector<16xi32>], vector<16xf32>,
      %gather3A_138 = tpu.vector_load_idx %arg24[%get3A_133] : memref<10240xf32, #tpu.memory_space<vmem>>[vector<16xi32>], vector<16xf32>,
      %sub3A_139 = arith.subf %gather3A_137, %gather3A_138 : vector<16xf32>
      %gather3A_140 = tpu.vector_load_idx %arg25[%get3A_131] : memref<10240xf32, #tpu.memory_space<vmem>>[vector<16xi32>], vector<16xf32>,
      %gather3A_141 = tpu.vector_load_idx %arg25[%get3A_133] : memref<10240xf32, #tpu.memory_space<vmem>>[vector<16xi32>], vector<16xf32>,
      %sub3A_142 = arith.subf %gather3A_140, %gather3A_141 : vector<16xf32>
      %mul3A_143 = arith.mulf %sub3A_136, %sub3A_136 : vector<16xf32>
      %mul3A_144 = arith.mulf %sub3A_139, %sub3A_139 : vector<16xf32>
      %add3A_145 = arith.addf %mul3A_143, %mul3A_144 : vector<16xf32>
      %mul3A_146 = arith.mulf %sub3A_142, %sub3A_142 : vector<16xf32>
      %add3A_147 = arith.addf %add3A_145, %mul3A_146 : vector<16xf32>
      %jit3A_148 = arith.constant 9.99999997E-7 : f32
      %jit3A_149 = arith.constant 1.000000e+06 : f32
      %max3A_150 = vector.broadcast %jit3A_148 : f32 to vector<16xf32>
      %max3A_151 = arith.maximumf %max3A_150, %add3A_147 : vector<16xf32>
      %min3A_152 = vector.broadcast %jit3A_149 : f32 to vector<16xf32>
      %min3A_153 = arith.minimumf %min3A_152, %max3A_151 : vector<16xf32>
      %swap3A_154 = arith.constant 48 : index
      %swap3A_155 = tpu.vector_load %arg19[%swap3A_154] {strides = array<i32>} : memref<128xf32, #tpu.memory_space<vmem>>, vector<16xf32>,
      tpu.vector_store %arg19[%swap3A_154], %sub3A_136 {strides = array<i32>} : memref<128xf32, #tpu.memory_space<vmem>>, vector<16xf32>,
      %swap3A_156 = arith.constant 48 : index
      %swap3A_157 = tpu.vector_load %arg20[%swap3A_156] {strides = array<i32>} : memref<128xf32, #tpu.memory_space<vmem>>, vector<16xf32>,
      tpu.vector_store %arg20[%swap3A_156], %sub3A_139 {strides = array<i32>} : memref<128xf32, #tpu.memory_space<vmem>>, vector<16xf32>,
      %swap3A_158 = arith.constant 48 : index
      %swap3A_159 = tpu.vector_load %arg21[%swap3A_158] {strides = array<i32>} : memref<128xf32, #tpu.memory_space<vmem>>, vector<16xf32>,
      tpu.vector_store %arg21[%swap3A_158], %sub3A_142 {strides = array<i32>} : memref<128xf32, #tpu.memory_space<vmem>>, vector<16xf32>,
      %swap3A_160 = arith.constant 48 : index
      %swap3A_161 = tpu.vector_load %arg22[%swap3A_160] {strides = array<i32>} : memref<128xf32, #tpu.memory_space<vmem>>, vector<16xf32>,
      tpu.vector_store %arg22[%swap3A_160], %min3A_153 {strides = array<i32>} : memref<128xf32, #tpu.memory_space<vmem>>, vector<16xf32>,
      %get3A_162 = arith.constant 64 : index
      %get3A_163 = tpu.vector_load %arg11[%get3A_162] {strides = array<i32>} : memref<128xi32, #tpu.memory_space<vmem>>, vector<16xi32>,
      %get3A_164 = arith.constant 64 : index
      %get3A_165 = tpu.vector_load %arg12[%get3A_164] {strides = array<i32>} : memref<128xi32, #tpu.memory_space<vmem>>, vector<16xi32>,
      %gather3A_166 = tpu.vector_load_idx %arg23[%get3A_163] : memref<10240xf32, #tpu.memory_space<vmem>>[vector<16xi32>], vector<16xf32>,
      %gather3A_167 = tpu.vector_load_idx %arg23[%get3A_165] : memref<10240xf32, #tpu.memory_space<vmem>>[vector<16xi32>], vector<16xf32>,
      %sub3A_168 = arith.subf %gather3A_166, %gather3A_167 : vector<16xf32>
      %gather3A_169 = tpu.vector_load_idx %arg24[%get3A_163] : memref<10240xf32, #tpu.memory_space<vmem>>[vector<16xi32>], vector<16xf32>,
      %gather3A_170 = tpu.vector_load_idx %arg24[%get3A_165] : memref<10240xf32, #tpu.memory_space<vmem>>[vector<16xi32>], vector<16xf32>,
      %sub3A_171 = arith.subf %gather3A_169, %gather3A_170 : vector<16xf32>
      %gather3A_172 = tpu.vector_load_idx %arg25[%get3A_163] : memref<10240xf32, #tpu.memory_space<vmem>>[vector<16xi32>], vector<16xf32>,
      %gather3A_173 = tpu.vector_load_idx %arg25[%get3A_165] : memref<10240xf32, #tpu.memory_space<vmem>>[vector<16xi32>], vector<16xf32>,
      %sub3A_174 = arith.subf %gather3A_172, %gather3A_173 : vector<16xf32>
      %mul3A_175 = arith.mulf %sub3A_168, %sub3A_168 : vector<16xf32>
      %mul3A_176 = arith.mulf %sub3A_171, %sub3A_171 : vector<16xf32>
      %add3A_177 = arith.addf %mul3A_175, %mul3A_176 : vector<16xf32>
      %mul3A_178 = arith.mulf %sub3A_174, %sub3A_174 : vector<16xf32>
      %add3A_179 = arith.addf %add3A_177, %mul3A_178 : vector<16xf32>
      %jit3A_180 = arith.constant 9.99999997E-7 : f32
      %jit3A_181 = arith.constant 1.000000e+06 : f32
      %max3A_182 = vector.broadcast %jit3A_180 : f32 to vector<16xf32>
      %max3A_183 = arith.maximumf %max3A_182, %add3A_179 : vector<16xf32>
      %min3A_184 = vector.broadcast %jit3A_181 : f32 to vector<16xf32>
      %min3A_185 = arith.minimumf %min3A_184, %max3A_183 : vector<16xf32>
      %swap3A_186 = arith.constant 64 : index
      %swap3A_187 = tpu.vector_load %arg19[%swap3A_186] {strides = array<i32>} : memref<128xf32, #tpu.memory_space<vmem>>, vector<16xf32>,
      tpu.vector_store %arg19[%swap3A_186], %sub3A_168 {strides = array<i32>} : memref<128xf32, #tpu.memory_space<vmem>>, vector<16xf32>,
      %swap3A_188 = arith.constant 64 : index
      %swap3A_189 = tpu.vector_load %arg20[%swap3A_188] {strides = array<i32>} : memref<128xf32, #tpu.memory_space<vmem>>, vector<16xf32>,
      tpu.vector_store %arg20[%swap3A_188], %sub3A_171 {strides = array<i32>} : memref<128xf32, #tpu.memory_space<vmem>>, vector<16xf32>,
      %swap3A_190 = arith.constant 64 : index
      %swap3A_191 = tpu.vector_load %arg21[%swap3A_190] {strides = array<i32>} : memref<128xf32, #tpu.memory_space<vmem>>, vector<16xf32>,
      tpu.vector_store %arg21[%swap3A_190], %sub3A_174 {strides = array<i32>} : memref<128xf32, #tpu.memory_space<vmem>>, vector<16xf32>,
      %swap3A_192 = arith.constant 64 : index
      %swap3A_193 = tpu.vector_load %arg22[%swap3A_192] {strides = array<i32>} : memref<128xf32, #tpu.memory_space<vmem>>, vector<16xf32>,
      tpu.vector_store %arg22[%swap3A_192], %min3A_185 {strides = array<i32>} : memref<128xf32, #tpu.memory_space<vmem>>, vector<16xf32>,
      %get3A_194 = arith.constant 80 : index
      %get3A_195 = tpu.vector_load %arg11[%get3A_194] {strides = array<i32>} : memref<128xi32, #tpu.memory_space<vmem>>, vector<16xi32>,
      %get3A_196 = arith.constant 80 : index
      %get3A_197 = tpu.vector_load %arg12[%get3A_196] {strides = array<i32>} : memref<128xi32, #tpu.memory_space<vmem>>, vector<16xi32>,
      %gather3A_198 = tpu.vector_load_idx %arg23[%get3A_195] : memref<10240xf32, #tpu.memory_space<vmem>>[vector<16xi32>], vector<16xf32>,
      %gather3A_199 = tpu.vector_load_idx %arg23[%get3A_197] : memref<10240xf32, #tpu.memory_space<vmem>>[vector<16xi32>], vector<16xf32>,
      %sub3A_200 = arith.subf %gather3A_198, %gather3A_199 : vector<16xf32>
      %gather3A_201 = tpu.vector_load_idx %arg24[%get3A_195] : memref<10240xf32, #tpu.memory_space<vmem>>[vector<16xi32>], vector<16xf32>,
      %gather3A_202 = tpu.vector_load_idx %arg24[%get3A_197] : memref<10240xf32, #tpu.memory_space<vmem>>[vector<16xi32>], vector<16xf32>,
      %sub3A_203 = arith.subf %gather3A_201, %gather3A_202 : vector<16xf32>
      %gather3A_204 = tpu.vector_load_idx %arg25[%get3A_195] : memref<10240xf32, #tpu.memory_space<vmem>>[vector<16xi32>], vector<16xf32>,
      %gather3A_205 = tpu.vector_load_idx %arg25[%get3A_197] : memref<10240xf32, #tpu.memory_space<vmem>>[vector<16xi32>], vector<16xf32>,
      %sub3A_206 = arith.subf %gather3A_204, %gather3A_205 : vector<16xf32>
      %mul3A_207 = arith.mulf %sub3A_200, %sub3A_200 : vector<16xf32>
      %mul3A_208 = arith.mulf %sub3A_203, %sub3A_203 : vector<16xf32>
      %add3A_209 = arith.addf %mul3A_207, %mul3A_208 : vector<16xf32>
      %mul3A_210 = arith.mulf %sub3A_206, %sub3A_206 : vector<16xf32>
      %add3A_211 = arith.addf %add3A_209, %mul3A_210 : vector<16xf32>
      %jit3A_212 = arith.constant 9.99999997E-7 : f32
      %jit3A_213 = arith.constant 1.000000e+06 : f32
      %max3A_214 = vector.broadcast %jit3A_212 : f32 to vector<16xf32>
      %max3A_215 = arith.maximumf %max3A_214, %add3A_211 : vector<16xf32>
      %min3A_216 = vector.broadcast %jit3A_213 : f32 to vector<16xf32>
      %min3A_217 = arith.minimumf %min3A_216, %max3A_215 : vector<16xf32>
      %swap3A_218 = arith.constant 80 : index
      %swap3A_219 = tpu.vector_load %arg19[%swap3A_218] {strides = array<i32>} : memref<128xf32, #tpu.memory_space<vmem>>, vector<16xf32>,
      tpu.vector_store %arg19[%swap3A_218], %sub3A_200 {strides = array<i32>} : memref<128xf32, #tpu.memory_space<vmem>>, vector<16xf32>,
      %swap3A_220 = arith.constant 80 : index
      %swap3A_221 = tpu.vector_load %arg20[%swap3A_220] {strides = array<i32>} : memref<128xf32, #tpu.memory_space<vmem>>, vector<16xf32>,
      tpu.vector_store %arg20[%swap3A_220], %sub3A_203 {strides = array<i32>} : memref<128xf32, #tpu.memory_space<vmem>>, vector<16xf32>,
      %swap3A_222 = arith.constant 80 : index
      %swap3A_223 = tpu.vector_load %arg21[%swap3A_222] {strides = array<i32>} : memref<128xf32, #tpu.memory_space<vmem>>, vector<16xf32>,
      tpu.vector_store %arg21[%swap3A_222], %sub3A_206 {strides = array<i32>} : memref<128xf32, #tpu.memory_space<vmem>>, vector<16xf32>,
      %swap3A_224 = arith.constant 80 : index
      %swap3A_225 = tpu.vector_load %arg22[%swap3A_224] {strides = array<i32>} : memref<128xf32, #tpu.memory_space<vmem>>, vector<16xf32>,
      tpu.vector_store %arg22[%swap3A_224], %min3A_217 {strides = array<i32>} : memref<128xf32, #tpu.memory_space<vmem>>, vector<16xf32>,
      %get3A_226 = arith.constant 96 : index
      %get3A_227 = tpu.vector_load %arg11[%get3A_226] {strides = array<i32>} : memref<128xi32, #tpu.memory_space<vmem>>, vector<16xi32>,
      %get3A_228 = arith.constant 96 : index
      %get3A_229 = tpu.vector_load %arg12[%get3A_228] {strides = array<i32>} : memref<128xi32, #tpu.memory_space<vmem>>, vector<16xi32>,
      %gather3A_230 = tpu.vector_load_idx %arg23[%get3A_227] : memref<10240xf32, #tpu.memory_space<vmem>>[vector<16xi32>], vector<16xf32>,
      %gather3A_231 = tpu.vector_load_idx %arg23[%get3A_229] : memref<10240xf32, #tpu.memory_space<vmem>>[vector<16xi32>], vector<16xf32>,
      %sub3A_232 = arith.subf %gather3A_230, %gather3A_231 : vector<16xf32>
      %gather3A_233 = tpu.vector_load_idx %arg24[%get3A_227] : memref<10240xf32, #tpu.memory_space<vmem>>[vector<16xi32>], vector<16xf32>,
      %gather3A_234 = tpu.vector_load_idx %arg24[%get3A_229] : memref<10240xf32, #tpu.memory_space<vmem>>[vector<16xi32>], vector<16xf32>,
      %sub3A_235 = arith.subf %gather3A_233, %gather3A_234 : vector<16xf32>
      %gather3A_236 = tpu.vector_load_idx %arg25[%get3A_227] : memref<10240xf32, #tpu.memory_space<vmem>>[vector<16xi32>], vector<16xf32>,
      %gather3A_237 = tpu.vector_load_idx %arg25[%get3A_229] : memref<10240xf32, #tpu.memory_space<vmem>>[vector<16xi32>], vector<16xf32>,
      %sub3A_238 = arith.subf %gather3A_236, %gather3A_237 : vector<16xf32>
      %mul3A_239 = arith.mulf %sub3A_232, %sub3A_232 : vector<16xf32>
      %mul3A_240 = arith.mulf %sub3A_235, %sub3A_235 : vector<16xf32>
      %add3A_241 = arith.addf %mul3A_239, %mul3A_240 : vector<16xf32>
      %mul3A_242 = arith.mulf %sub3A_238, %sub3A_238 : vector<16xf32>
      %add3A_243 = arith.addf %add3A_241, %mul3A_242 : vector<16xf32>
      %jit3A_244 = arith.constant 9.99999997E-7 : f32
      %jit3A_245 = arith.constant 1.000000e+06 : f32
      %max3A_246 = vector.broadcast %jit3A_244 : f32 to vector<16xf32>
      %max3A_247 = arith.maximumf %max3A_246, %add3A_243 : vector<16xf32>
      %min3A_248 = vector.broadcast %jit3A_245 : f32 to vector<16xf32>
      %min3A_249 = arith.minimumf %min3A_248, %max3A_247 : vector<16xf32>
      %swap3A_250 = arith.constant 96 : index
      %swap3A_251 = tpu.vector_load %arg19[%swap3A_250] {strides = array<i32>} : memref<128xf32, #tpu.memory_space<vmem>>, vector<16xf32>,
      tpu.vector_store %arg19[%swap3A_250], %sub3A_232 {strides = array<i32>} : memref<128xf32, #tpu.memory_space<vmem>>, vector<16xf32>,
      %swap3A_252 = arith.constant 96 : index
      %swap3A_253 = tpu.vector_load %arg20[%swap3A_252] {strides = array<i32>} : memref<128xf32, #tpu.memory_space<vmem>>, vector<16xf32>,
      tpu.vector_store %arg20[%swap3A_252], %sub3A_235 {strides = array<i32>} : memref<128xf32, #tpu.memory_space<vmem>>, vector<16xf32>,
      %swap3A_254 = arith.constant 96 : index
      %swap3A_255 = tpu.vector_load %arg21[%swap3A_254] {strides = array<i32>} : memref<128xf32, #tpu.memory_space<vmem>>, vector<16xf32>,
      tpu.vector_store %arg21[%swap3A_254], %sub3A_238 {strides = array<i32>} : memref<128xf32, #tpu.memory_space<vmem>>, vector<16xf32>,
      %swap3A_256 = arith.constant 96 : index
      %swap3A_257 = tpu.vector_load %arg22[%swap3A_256] {strides = array<i32>} : memref<128xf32, #tpu.memory_space<vmem>>, vector<16xf32>,
      tpu.vector_store %arg22[%swap3A_256], %min3A_249 {strides = array<i32>} : memref<128xf32, #tpu.memory_space<vmem>>, vector<16xf32>,
      %get3A_258 = arith.constant 112 : index
      %get3A_259 = tpu.vector_load %arg11[%get3A_258] {strides = array<i32>} : memref<128xi32, #tpu.memory_space<vmem>>, vector<16xi32>,
      %get3A_260 = arith.constant 112 : index
      %get3A_261 = tpu.vector_load %arg12[%get3A_260] {strides = array<i32>} : memref<128xi32, #tpu.memory_space<vmem>>, vector<16xi32>,
      %gather3A_262 = tpu.vector_load_idx %arg23[%get3A_259] : memref<10240xf32, #tpu.memory_space<vmem>>[vector<16xi32>], vector<16xf32>,
      %gather3A_263 = tpu.vector_load_idx %arg23[%get3A_261] : memref<10240xf32, #tpu.memory_space<vmem>>[vector<16xi32>], vector<16xf32>,
      %sub3A_264 = arith.subf %gather3A_262, %gather3A_263 : vector<16xf32>
      %gather3A_265 = tpu.vector_load_idx %arg24[%get3A_259] : memref<10240xf32, #tpu.memory_space<vmem>>[vector<16xi32>], vector<16xf32>,
      %gather3A_266 = tpu.vector_load_idx %arg24[%get3A_261] : memref<10240xf32, #tpu.memory_space<vmem>>[vector<16xi32>], vector<16xf32>,
      %sub3A_267 = arith.subf %gather3A_265, %gather3A_266 : vector<16xf32>
      %gather3A_268 = tpu.vector_load_idx %arg25[%get3A_259] : memref<10240xf32, #tpu.memory_space<vmem>>[vector<16xi32>], vector<16xf32>,
      %gather3A_269 = tpu.vector_load_idx %arg25[%get3A_261] : memref<10240xf32, #tpu.memory_space<vmem>>[vector<16xi32>], vector<16xf32>,
      %sub3A_270 = arith.subf %gather3A_268, %gather3A_269 : vector<16xf32>
      %mul3A_271 = arith.mulf %sub3A_264, %sub3A_264 : vector<16xf32>
      %mul3A_272 = arith.mulf %sub3A_267, %sub3A_267 : vector<16xf32>
      %add3A_273 = arith.addf %mul3A_271, %mul3A_272 : vector<16xf32>
      %mul3A_274 = arith.mulf %sub3A_270, %sub3A_270 : vector<16xf32>
      %add3A_275 = arith.addf %add3A_273, %mul3A_274 : vector<16xf32>
      %jit3A_276 = arith.constant 9.99999997E-7 : f32
      %jit3A_277 = arith.constant 1.000000e+06 : f32
      %max3A_278 = vector.broadcast %jit3A_276 : f32 to vector<16xf32>
      %max3A_279 = arith.maximumf %max3A_278, %add3A_275 : vector<16xf32>
      %min3A_280 = vector.broadcast %jit3A_277 : f32 to vector<16xf32>
      %min3A_281 = arith.minimumf %min3A_280, %max3A_279 : vector<16xf32>
      %swap3A_282 = arith.constant 112 : index
      %swap3A_283 = tpu.vector_load %arg19[%swap3A_282] {strides = array<i32>} : memref<128xf32, #tpu.memory_space<vmem>>, vector<16xf32>,
      tpu.vector_store %arg19[%swap3A_282], %sub3A_264 {strides = array<i32>} : memref<128xf32, #tpu.memory_space<vmem>>, vector<16xf32>,
      %swap3A_284 = arith.constant 112 : index
      %swap3A_285 = tpu.vector_load %arg20[%swap3A_284] {strides = array<i32>} : memref<128xf32, #tpu.memory_space<vmem>>, vector<16xf32>,
      tpu.vector_store %arg20[%swap3A_284], %sub3A_267 {strides = array<i32>} : memref<128xf32, #tpu.memory_space<vmem>>, vector<16xf32>,
      %swap3A_286 = arith.constant 112 : index
      %swap3A_287 = tpu.vector_load %arg21[%swap3A_286] {strides = array<i32>} : memref<128xf32, #tpu.memory_space<vmem>>, vector<16xf32>,
      tpu.vector_store %arg21[%swap3A_286], %sub3A_270 {strides = array<i32>} : memref<128xf32, #tpu.memory_space<vmem>>, vector<16xf32>,
      %swap3A_288 = arith.constant 112 : index
      %swap3A_289 = tpu.vector_load %arg22[%swap3A_288] {strides = array<i32>} : memref<128xf32, #tpu.memory_space<vmem>>, vector<16xf32>,
      tpu.vector_store %arg22[%swap3A_288], %min3A_281 {strides = array<i32>} : memref<128xf32, #tpu.memory_space<vmem>>, vector<16xf32>,
      %scan3A_290 = arith.constant 0 : i32
      %scan3A_291 = arith.constant 128 : i32
      %scan3A_292 = arith.addi %scan3A_290, %scan3A_291 : i32
      %scan3A_293 = arith.constant 1 : i32
      scf.for %scan3A_590 = %scan3A_290 to %scan3A_292 step %scan3A_293  : i32 {
        %get3A_591 = arith.index_cast %scan3A_590 : i32 to index
        %get3A_592 = arith.constant 0 : index
        %get3A_593 = tpu.vector_load %arg15[%get3A_591, %get3A_592] {strides = array<i32>} : memref<128x128xf32, #tpu.memory_space<vmem>>, vector<16xf32>,
        %get3A_594 = arith.index_cast %scan3A_590 : i32 to index
        %get3A_595 = arith.constant 0 : index
        %get3A_596 = tpu.vector_load %arg16[%get3A_594, %get3A_595] {strides = array<i32>} : memref<128x128xf32, #tpu.memory_space<vmem>>, vector<16xf32>,
        %add3A_597 = arith.addf %get3A_593, %get3A_596 : vector<16xf32>
        %swap3A_598 = arith.index_cast %scan3A_590 : i32 to index
        %swap3A_599 = arith.constant 0 : index
        %swap3A_600 = tpu.vector_load %arg15[%swap3A_598, %swap3A_599] {strides = array<i32>} : memref<128x128xf32, #tpu.memory_space<vmem>>, vector<16xf32>,
        tpu.vector_store %arg15[%swap3A_598, %swap3A_599], %add3A_597 {strides = array<i32>} : memref<128x128xf32, #tpu.memory_space<vmem>>, vector<16xf32>,
        %get3A_601 = arith.index_cast %scan3A_590 : i32 to index
        %get3A_602 = arith.constant 16 : index
        %get3A_603 = tpu.vector_load %arg15[%get3A_601, %get3A_602] {strides = array<i32>} : memref<128x128xf32, #tpu.memory_space<vmem>>, vector<16xf32>,
        %get3A_604 = arith.index_cast %scan3A_590 : i32 to index
        %get3A_605 = arith.constant 16 : index
        %get3A_606 = tpu.vector_load %arg16[%get3A_604, %get3A_605] {strides = array<i32>} : memref<128x128xf32, #tpu.memory_space<vmem>>, vector<16xf32>,
        %add3A_607 = arith.addf %get3A_603, %get3A_606 : vector<16xf32>
        %swap3A_608 = arith.index_cast %scan3A_590 : i32 to index
        %swap3A_609 = arith.constant 16 : index
        %swap3A_610 = tpu.vector_load %arg15[%swap3A_608, %swap3A_609] {strides = array<i32>} : memref<128x128xf32, #tpu.memory_space<vmem>>, vector<16xf32>,
        tpu.vector_store %arg15[%swap3A_608, %swap3A_609], %add3A_607 {strides = array<i32>} : memref<128x128xf32, #tpu.memory_space<vmem>>, vector<16xf32>,
        %get3A_611 = arith.index_cast %scan3A_590 : i32 to index
        %get3A_612 = arith.constant 32 : index
        %get3A_613 = tpu.vector_load %arg15[%get3A_611, %get3A_612] {strides = array<i32>} : memref<128x128xf32, #tpu.memory_space<vmem>>, vector<16xf32>,
        %get3A_614 = arith.index_cast %scan3A_590 : i32 to index
        %get3A_615 = arith.constant 32 : index
        %get3A_616 = tpu.vector_load %arg16[%get3A_614, %get3A_615] {strides = array<i32>} : memref<128x128xf32, #tpu.memory_space<vmem>>, vector<16xf32>,
        %add3A_617 = arith.addf %get3A_613, %get3A_616 : vector<16xf32>
        %swap3A_618 = arith.index_cast %scan3A_590 : i32 to index
        %swap3A_619 = arith.constant 32 : index
        %swap3A_620 = tpu.vector_load %arg15[%swap3A_618, %swap3A_619] {strides = array<i32>} : memref<128x128xf32, #tpu.memory_space<vmem>>, vector<16xf32>,
        tpu.vector_store %arg15[%swap3A_618, %swap3A_619], %add3A_617 {strides = array<i32>} : memref<128x128xf32, #tpu.memory_space<vmem>>, vector<16xf32>,
        %get3A_621 = arith.index_cast %scan3A_590 : i32 to index
        %get3A_622 = arith.constant 48 : index
        %get3A_623 = tpu.vector_load %arg15[%get3A_621, %get3A_622] {strides = array<i32>} : memref<128x128xf32, #tpu.memory_space<vmem>>, vector<16xf32>,
        %get3A_624 = arith.index_cast %scan3A_590 : i32 to index
        %get3A_625 = arith.constant 48 : index
        %get3A_626 = tpu.vector_load %arg16[%get3A_624, %get3A_625] {strides = array<i32>} : memref<128x128xf32, #tpu.memory_space<vmem>>, vector<16xf32>,
        %add3A_627 = arith.addf %get3A_623, %get3A_626 : vector<16xf32>
        %swap3A_628 = arith.index_cast %scan3A_590 : i32 to index
        %swap3A_629 = arith.constant 48 : index
        %swap3A_630 = tpu.vector_load %arg15[%swap3A_628, %swap3A_629] {strides = array<i32>} : memref<128x128xf32, #tpu.memory_space<vmem>>, vector<16xf32>,
        tpu.vector_store %arg15[%swap3A_628, %swap3A_629], %add3A_627 {strides = array<i32>} : memref<128x128xf32, #tpu.memory_space<vmem>>, vector<16xf32>,
        %get3A_631 = arith.index_cast %scan3A_590 : i32 to index
        %get3A_632 = arith.constant 64 : index
        %get3A_633 = tpu.vector_load %arg15[%get3A_631, %get3A_632] {strides = array<i32>} : memref<128x128xf32, #tpu.memory_space<vmem>>, vector<16xf32>,
        %get3A_634 = arith.index_cast %scan3A_590 : i32 to index
        %get3A_635 = arith.constant 64 : index
        %get3A_636 = tpu.vector_load %arg16[%get3A_634, %get3A_635] {strides = array<i32>} : memref<128x128xf32, #tpu.memory_space<vmem>>, vector<16xf32>,
        %add3A_637 = arith.addf %get3A_633, %get3A_636 : vector<16xf32>
        %swap3A_638 = arith.index_cast %scan3A_590 : i32 to index
        %swap3A_639 = arith.constant 64 : index
        %swap3A_640 = tpu.vector_load %arg15[%swap3A_638, %swap3A_639] {strides = array<i32>} : memref<128x128xf32, #tpu.memory_space<vmem>>, vector<16xf32>,
        tpu.vector_store %arg15[%swap3A_638, %swap3A_639], %add3A_637 {strides = array<i32>} : memref<128x128xf32, #tpu.memory_space<vmem>>, vector<16xf32>,
        %get3A_641 = arith.index_cast %scan3A_590 : i32 to index
        %get3A_642 = arith.constant 80 : index
        %get3A_643 = tpu.vector_load %arg15[%get3A_641, %get3A_642] {strides = array<i32>} : memref<128x128xf32, #tpu.memory_space<vmem>>, vector<16xf32>,
        %get3A_644 = arith.index_cast %scan3A_590 : i32 to index
        %get3A_645 = arith.constant 80 : index
        %get3A_646 = tpu.vector_load %arg16[%get3A_644, %get3A_645] {strides = array<i32>} : memref<128x128xf32, #tpu.memory_space<vmem>>, vector<16xf32>,
        %add3A_647 = arith.addf %get3A_643, %get3A_646 : vector<16xf32>
        %swap3A_648 = arith.index_cast %scan3A_590 : i32 to index
        %swap3A_649 = arith.constant 80 : index
        %swap3A_650 = tpu.vector_load %arg15[%swap3A_648, %swap3A_649] {strides = array<i32>} : memref<128x128xf32, #tpu.memory_space<vmem>>, vector<16xf32>,
        tpu.vector_store %arg15[%swap3A_648, %swap3A_649], %add3A_647 {strides = array<i32>} : memref<128x128xf32, #tpu.memory_space<vmem>>, vector<16xf32>,
        %get3A_651 = arith.index_cast %scan3A_590 : i32 to index
        %get3A_652 = arith.constant 96 : index
        %get3A_653 = tpu.vector_load %arg15[%get3A_651, %get3A_652] {strides = array<i32>} : memref<128x128xf32, #tpu.memory_space<vmem>>, vector<16xf32>,
        %get3A_654 = arith.index_cast %scan3A_590 : i32 to index
        %get3A_655 = arith.constant 96 : index
        %get3A_656 = tpu.vector_load %arg16[%get3A_654, %get3A_655] {strides = array<i32>} : memref<128x128xf32, #tpu.memory_space<vmem>>, vector<16xf32>,
        %add3A_657 = arith.addf %get3A_653, %get3A_656 : vector<16xf32>
        %swap3A_658 = arith.index_cast %scan3A_590 : i32 to index
        %swap3A_659 = arith.constant 96 : index
        %swap3A_660 = tpu.vector_load %arg15[%swap3A_658, %swap3A_659] {strides = array<i32>} : memref<128x128xf32, #tpu.memory_space<vmem>>, vector<16xf32>,
        tpu.vector_store %arg15[%swap3A_658, %swap3A_659], %add3A_657 {strides = array<i32>} : memref<128x128xf32, #tpu.memory_space<vmem>>, vector<16xf32>,
        %get3A_661 = arith.index_cast %scan3A_590 : i32 to index
        %get3A_662 = arith.constant 112 : index
        %get3A_663 = tpu.vector_load %arg15[%get3A_661, %get3A_662] {strides = array<i32>} : memref<128x128xf32, #tpu.memory_space<vmem>>, vector<16xf32>,
        %get3A_664 = arith.index_cast %scan3A_590 : i32 to index
        %get3A_665 = arith.constant 112 : index
        %get3A_666 = tpu.vector_load %arg16[%get3A_664, %get3A_665] {strides = array<i32>} : memref<128x128xf32, #tpu.memory_space<vmem>>, vector<16xf32>,
        %add3A_667 = arith.addf %get3A_663, %get3A_666 : vector<16xf32>
        %swap3A_668 = arith.index_cast %scan3A_590 : i32 to index
        %swap3A_669 = arith.constant 112 : index
        %swap3A_670 = tpu.vector_load %arg15[%swap3A_668, %swap3A_669] {strides = array<i32>} : memref<128x128xf32, #tpu.memory_space<vmem>>, vector<16xf32>,
        tpu.vector_store %arg15[%swap3A_668, %swap3A_669], %add3A_667 {strides = array<i32>} : memref<128x128xf32, #tpu.memory_space<vmem>>, vector<16xf32>,
      }
      %scan3A_294 = arith.constant 128 : i32
      %mul3A_295 = arith.constant 128 : i32
      %mul3A_296 = arith.muli %add3A_34, %mul3A_295 : i32
      %dma_start3A_297 = arith.constant 0 : i32
      %dma_start3A_298 = tpu.memref_slice %arg9[%mul3A_296, %dma_start3A_297] : memref<327680x128xf32, #tpu.memory_space<hbm>> -> memref<128x128xf32, #tpu.memory_space<hbm>>
      %dma_start3A_299 = arith.constant 0 : i32
      %dma_start3A_300 = tpu.memref_slice %arg9[%mul3A_296, %dma_start3A_299] : memref<327680x128xf32, #tpu.memory_space<hbm>> -> memref<128x128xf32, #tpu.memory_space<hbm>>
      tpu.enqueue_dma source(%arg15 : memref<128x128xf32, #tpu.memory_space<vmem>>) target(%dma_start3A_300 : memref<128x128xf32, #tpu.memory_space<hbm>>) target_semaphore(%arg30 : memref<!tpu.dma_semaphore, #tpu.memory_space<semaphore_mem>>)
      %run_scoped3A = arith.constant 0 : i32
      "tpu.region"() ({
        %run_scoped3A_590 = tpu.sem_alloc : memref<!tpu.dma_semaphore, #tpu.memory_space<semaphore_mem>>
        %dma_start3A_591 = tpu.memref_slice %arg10[%run_scoped3A, %mul3A_296] : memref<4x327680xf32, #tpu.memory_space<hbm>> -> memref<1x128xf32, #tpu.memory_space<hbm>>
        %dma_start3A_592 = tpu.memref_squeeze %dma_start3A_591 : memref<1x128xf32, #tpu.memory_space<hbm>> -> memref<128xf32, #tpu.memory_space<hbm>>
        %dma_start3A_593 = tpu.memref_slice %arg10[%run_scoped3A, %mul3A_296] : memref<4x327680xf32, #tpu.memory_space<hbm>> -> memref<1x128xf32, #tpu.memory_space<hbm>>
        %dma_start3A_594 = tpu.memref_squeeze %dma_start3A_593 : memref<1x128xf32, #tpu.memory_space<hbm>> -> memref<128xf32, #tpu.memory_space<hbm>>
        tpu.enqueue_dma source(%arg19 : memref<128xf32, #tpu.memory_space<vmem>>) target(%dma_start3A_594 : memref<128xf32, #tpu.memory_space<hbm>>) target_semaphore(%run_scoped3A_590 : memref<!tpu.dma_semaphore, #tpu.memory_space<semaphore_mem>>)
        %dma_wait3A_595 = tpu.memref_slice %arg10[%run_scoped3A, %mul3A_296] : memref<4x327680xf32, #tpu.memory_space<hbm>> -> memref<1x128xf32, #tpu.memory_space<hbm>>
        %dma_wait3A_596 = tpu.memref_squeeze %dma_wait3A_595 : memref<1x128xf32, #tpu.memory_space<hbm>> -> memref<128xf32, #tpu.memory_space<hbm>>
        %dma_wait3A_597 = tpu.memref_slice %arg10[%run_scoped3A, %mul3A_296] : memref<4x327680xf32, #tpu.memory_space<hbm>> -> memref<1x128xf32, #tpu.memory_space<hbm>>
        %dma_wait3A_598 = tpu.memref_squeeze %dma_wait3A_597 : memref<1x128xf32, #tpu.memory_space<hbm>> -> memref<128xf32, #tpu.memory_space<hbm>>
        tpu.wait_dma2 semaphore(%run_scoped3A_590 : memref<!tpu.dma_semaphore, #tpu.memory_space<semaphore_mem>>) src(%arg19 : memref<128xf32, #tpu.memory_space<vmem>>) dst(%dma_wait3A_598 : memref<128xf32, #tpu.memory_space<hbm>>)
        tpu.yield
      }) : () -> ()
      %run_scoped3A_301 = arith.constant 1 : i32
      "tpu.region"() ({
        %run_scoped3A_590 = tpu.sem_alloc : memref<!tpu.dma_semaphore, #tpu.memory_space<semaphore_mem>>
        %dma_start3A_591 = tpu.memref_slice %arg10[%run_scoped3A_301, %mul3A_296] : memref<4x327680xf32, #tpu.memory_space<hbm>> -> memref<1x128xf32, #tpu.memory_space<hbm>>
        %dma_start3A_592 = tpu.memref_squeeze %dma_start3A_591 : memref<1x128xf32, #tpu.memory_space<hbm>> -> memref<128xf32, #tpu.memory_space<hbm>>
        %dma_start3A_593 = tpu.memref_slice %arg10[%run_scoped3A_301, %mul3A_296] : memref<4x327680xf32, #tpu.memory_space<hbm>> -> memref<1x128xf32, #tpu.memory_space<hbm>>
        %dma_start3A_594 = tpu.memref_squeeze %dma_start3A_593 : memref<1x128xf32, #tpu.memory_space<hbm>> -> memref<128xf32, #tpu.memory_space<hbm>>
        tpu.enqueue_dma source(%arg20 : memref<128xf32, #tpu.memory_space<vmem>>) target(%dma_start3A_594 : memref<128xf32, #tpu.memory_space<hbm>>) target_semaphore(%run_scoped3A_590 : memref<!tpu.dma_semaphore, #tpu.memory_space<semaphore_mem>>)
        %dma_wait3A_595 = tpu.memref_slice %arg10[%run_scoped3A_301, %mul3A_296] : memref<4x327680xf32, #tpu.memory_space<hbm>> -> memref<1x128xf32, #tpu.memory_space<hbm>>
        %dma_wait3A_596 = tpu.memref_squeeze %dma_wait3A_595 : memref<1x128xf32, #tpu.memory_space<hbm>> -> memref<128xf32, #tpu.memory_space<hbm>>
        %dma_wait3A_597 = tpu.memref_slice %arg10[%run_scoped3A_301, %mul3A_296] : memref<4x327680xf32, #tpu.memory_space<hbm>> -> memref<1x128xf32, #tpu.memory_space<hbm>>
        %dma_wait3A_598 = tpu.memref_squeeze %dma_wait3A_597 : memref<1x128xf32, #tpu.memory_space<hbm>> -> memref<128xf32, #tpu.memory_space<hbm>>
        tpu.wait_dma2 semaphore(%run_scoped3A_590 : memref<!tpu.dma_semaphore, #tpu.memory_space<semaphore_mem>>) src(%arg20 : memref<128xf32, #tpu.memory_space<vmem>>) dst(%dma_wait3A_598 : memref<128xf32, #tpu.memory_space<hbm>>)
        tpu.yield
      }) : () -> ()
      %run_scoped3A_302 = arith.constant 2 : i32
      "tpu.region"() ({
        %run_scoped3A_590 = tpu.sem_alloc : memref<!tpu.dma_semaphore, #tpu.memory_space<semaphore_mem>>
        %dma_start3A_591 = tpu.memref_slice %arg10[%run_scoped3A_302, %mul3A_296] : memref<4x327680xf32, #tpu.memory_space<hbm>> -> memref<1x128xf32, #tpu.memory_space<hbm>>
        %dma_start3A_592 = tpu.memref_squeeze %dma_start3A_591 : memref<1x128xf32, #tpu.memory_space<hbm>> -> memref<128xf32, #tpu.memory_space<hbm>>
        %dma_start3A_593 = tpu.memref_slice %arg10[%run_scoped3A_302, %mul3A_296] : memref<4x327680xf32, #tpu.memory_space<hbm>> -> memref<1x128xf32, #tpu.memory_space<hbm>>
        %dma_start3A_594 = tpu.memref_squeeze %dma_start3A_593 : memref<1x128xf32, #tpu.memory_space<hbm>> -> memref<128xf32, #tpu.memory_space<hbm>>
        tpu.enqueue_dma source(%arg21 : memref<128xf32, #tpu.memory_space<vmem>>) target(%dma_start3A_594 : memref<128xf32, #tpu.memory_space<hbm>>) target_semaphore(%run_scoped3A_590 : memref<!tpu.dma_semaphore, #tpu.memory_space<semaphore_mem>>)
        %dma_wait3A_595 = tpu.memref_slice %arg10[%run_scoped3A_302, %mul3A_296] : memref<4x327680xf32, #tpu.memory_space<hbm>> -> memref<1x128xf32, #tpu.memory_space<hbm>>
        %dma_wait3A_596 = tpu.memref_squeeze %dma_wait3A_595 : memref<1x128xf32, #tpu.memory_space<hbm>> -> memref<128xf32, #tpu.memory_space<hbm>>
        %dma_wait3A_597 = tpu.memref_slice %arg10[%run_scoped3A_302, %mul3A_296] : memref<4x327680xf32, #tpu.memory_space<hbm>> -> memref<1x128xf32, #tpu.memory_space<hbm>>
        %dma_wait3A_598 = tpu.memref_squeeze %dma_wait3A_597 : memref<1x128xf32, #tpu.memory_space<hbm>> -> memref<128xf32, #tpu.memory_space<hbm>>
        tpu.wait_dma2 semaphore(%run_scoped3A_590 : memref<!tpu.dma_semaphore, #tpu.memory_space<semaphore_mem>>) src(%arg21 : memref<128xf32, #tpu.memory_space<vmem>>) dst(%dma_wait3A_598 : memref<128xf32, #tpu.memory_space<hbm>>)
        tpu.yield
      }) : () -> ()
      %run_scoped3A_303 = arith.constant 3 : i32
      "tpu.region"() ({
        %run_scoped3A_590 = tpu.sem_alloc : memref<!tpu.dma_semaphore, #tpu.memory_space<semaphore_mem>>
        %dma_start3A_591 = tpu.memref_slice %arg10[%run_scoped3A_303, %mul3A_296] : memref<4x327680xf32, #tpu.memory_space<hbm>> -> memref<1x128xf32, #tpu.memory_space<hbm>>
        %dma_start3A_592 = tpu.memref_squeeze %dma_start3A_591 : memref<1x128xf32, #tpu.memory_space<hbm>> -> memref<128xf32, #tpu.memory_space<hbm>>
        %dma_start3A_593 = tpu.memref_slice %arg10[%run_scoped3A_303, %mul3A_296] : memref<4x327680xf32, #tpu.memory_space<hbm>> -> memref<1x128xf32, #tpu.memory_space<hbm>>
        %dma_start3A_594 = tpu.memref_squeeze %dma_start3A_593 : memref<1x128xf32, #tpu.memory_space<hbm>> -> memref<128xf32, #tpu.memory_space<hbm>>
        tpu.enqueue_dma source(%arg22 : memref<128xf32, #tpu.memory_space<vmem>>) target(%dma_start3A_594 : memref<128xf32, #tpu.memory_space<hbm>>) target_semaphore(%run_scoped3A_590 : memref<!tpu.dma_semaphore, #tpu.memory_space<semaphore_mem>>)
        %dma_wait3A_595 = tpu.memref_slice %arg10[%run_scoped3A_303, %mul3A_296] : memref<4x327680xf32, #tpu.memory_space<hbm>> -> memref<1x128xf32, #tpu.memory_space<hbm>>
        %dma_wait3A_596 = tpu.memref_squeeze %dma_wait3A_595 : memref<1x128xf32, #tpu.memory_space<hbm>> -> memref<128xf32, #tpu.memory_space<hbm>>
        %dma_wait3A_597 = tpu.memref_slice %arg10[%run_scoped3A_303, %mul3A_296] : memref<4x327680xf32, #tpu.memory_space<hbm>> -> memref<1x128xf32, #tpu.memory_space<hbm>>
        %dma_wait3A_598 = tpu.memref_squeeze %dma_wait3A_597 : memref<1x128xf32, #tpu.memory_space<hbm>> -> memref<128xf32, #tpu.memory_space<hbm>>
        tpu.wait_dma2 semaphore(%run_scoped3A_590 : memref<!tpu.dma_semaphore, #tpu.memory_space<semaphore_mem>>) src(%arg22 : memref<128xf32, #tpu.memory_space<vmem>>) dst(%dma_wait3A_598 : memref<128xf32, #tpu.memory_space<hbm>>)
        tpu.yield
      }) : () -> ()
      %lt3A = arith.constant 39 : i32
      %lt3A_304 = arith.cmpi slt, %scan3A_31, %lt3A : i32
      %convert_element_type3A = arith.extui %lt3A_304 : i1 to i32
      %cond3A = arith.constant 0 : i32
      %cond3A_305 = arith.cmpi ne, %convert_element_type3A, %cond3A : i32
      scf.if %cond3A_305 {
        %dma_wait3A_590 = arith.constant 0 : i32
        %dma_wait3A_591 = arith.constant 0 : i32
        %dma_wait3A_592 = tpu.memref_slice %arg9[%dma_wait3A_590, %dma_wait3A_591] : memref<327680x128xf32, #tpu.memory_space<hbm>> -> memref<128x128xf32, #tpu.memory_space<hbm>>
        %dma_wait3A_593 = arith.constant 0 : i32
        %dma_wait3A_594 = arith.constant 0 : i32
        %dma_wait3A_595 = tpu.memref_slice %arg9[%dma_wait3A_593, %dma_wait3A_594] : memref<327680x128xf32, #tpu.memory_space<hbm>> -> memref<128x128xf32, #tpu.memory_space<hbm>>
        tpu.wait_dma2 semaphore(%arg30 : memref<!tpu.dma_semaphore, #tpu.memory_space<semaphore_mem>>) src(%arg15 : memref<128x128xf32, #tpu.memory_space<vmem>>) dst(%dma_wait3A_595 : memref<128x128xf32, #tpu.memory_space<hbm>>)
        %add3A_596 = arith.constant 2 : i32
        %add3A_597 = arith.addi %add3A_34, %add3A_596 : i32
        "tpu.region"() ({
          %run_scoped3A_604 = tpu.sem_alloc : memref<!tpu.dma_semaphore, #tpu.memory_space<semaphore_mem>>
          %dma_start3A_605 = arith.constant 0 : i32
          %dma_start3A_606 = tpu.memref_slice %arg7[%add3A_597, %dma_start3A_605] : memref<2560x128xi32, #tpu.memory_space<hbm>> -> memref<1x128xi32, #tpu.memory_space<hbm>>
          %dma_start3A_607 = tpu.memref_squeeze %dma_start3A_606 : memref<1x128xi32, #tpu.memory_space<hbm>> -> memref<128xi32, #tpu.memory_space<hbm>>
          %dma_start3A_608 = arith.constant 0 : i32
          %dma_start3A_609 = tpu.memref_slice %arg7[%add3A_597, %dma_start3A_608] : memref<2560x128xi32, #tpu.memory_space<hbm>> -> memref<1x128xi32, #tpu.memory_space<hbm>>
          %dma_start3A_610 = tpu.memref_squeeze %dma_start3A_609 : memref<1x128xi32, #tpu.memory_space<hbm>> -> memref<128xi32, #tpu.memory_space<hbm>>
          tpu.enqueue_dma source(%dma_start3A_610 : memref<128xi32, #tpu.memory_space<hbm>>) target(%arg11 : memref<128xi32, #tpu.memory_space<vmem>>) target_semaphore(%run_scoped3A_604 : memref<!tpu.dma_semaphore, #tpu.memory_space<semaphore_mem>>)
          %dma_wait3A_611 = arith.constant 0 : i32
          %dma_wait3A_612 = tpu.memref_slice %arg7[%add3A_597, %dma_wait3A_611] : memref<2560x128xi32, #tpu.memory_space<hbm>> -> memref<1x128xi32, #tpu.memory_space<hbm>>
          %dma_wait3A_613 = tpu.memref_squeeze %dma_wait3A_612 : memref<1x128xi32, #tpu.memory_space<hbm>> -> memref<128xi32, #tpu.memory_space<hbm>>
          %dma_wait3A_614 = arith.constant 0 : i32
          %dma_wait3A_615 = tpu.memref_slice %arg7[%add3A_597, %dma_wait3A_614] : memref<2560x128xi32, #tpu.memory_space<hbm>> -> memref<1x128xi32, #tpu.memory_space<hbm>>
          %dma_wait3A_616 = tpu.memref_squeeze %dma_wait3A_615 : memref<1x128xi32, #tpu.memory_space<hbm>> -> memref<128xi32, #tpu.memory_space<hbm>>
          tpu.wait_dma2 semaphore(%run_scoped3A_604 : memref<!tpu.dma_semaphore, #tpu.memory_space<semaphore_mem>>) src(%dma_wait3A_616 : memref<128xi32, #tpu.memory_space<hbm>>) dst(%arg11 : memref<128xi32, #tpu.memory_space<vmem>>)
          tpu.yield
        }) : () -> ()
        "tpu.region"() ({
          %run_scoped3A_604 = tpu.sem_alloc : memref<!tpu.dma_semaphore, #tpu.memory_space<semaphore_mem>>
          %dma_start3A_605 = arith.constant 0 : i32
          %dma_start3A_606 = tpu.memref_slice %arg8[%add3A_597, %dma_start3A_605] : memref<2560x128xi32, #tpu.memory_space<hbm>> -> memref<1x128xi32, #tpu.memory_space<hbm>>
          %dma_start3A_607 = tpu.memref_squeeze %dma_start3A_606 : memref<1x128xi32, #tpu.memory_space<hbm>> -> memref<128xi32, #tpu.memory_space<hbm>>
          %dma_start3A_608 = arith.constant 0 : i32
          %dma_start3A_609 = tpu.memref_slice %arg8[%add3A_597, %dma_start3A_608] : memref<2560x128xi32, #tpu.memory_space<hbm>> -> memref<1x128xi32, #tpu.memory_space<hbm>>
          %dma_start3A_610 = tpu.memref_squeeze %dma_start3A_609 : memref<1x128xi32, #tpu.memory_space<hbm>> -> memref<128xi32, #tpu.memory_space<hbm>>
          tpu.enqueue_dma source(%dma_start3A_610 : memref<128xi32, #tpu.memory_space<hbm>>) target(%arg12 : memref<128xi32, #tpu.memory_space<vmem>>) target_semaphore(%run_scoped3A_604 : memref<!tpu.dma_semaphore, #tpu.memory_space<semaphore_mem>>)
          %dma_wait3A_611 = arith.constant 0 : i32
          %dma_wait3A_612 = tpu.memref_slice %arg8[%add3A_597, %dma_wait3A_611] : memref<2560x128xi32, #tpu.memory_space<hbm>> -> memref<1x128xi32, #tpu.memory_space<hbm>>
          %dma_wait3A_613 = tpu.memref_squeeze %dma_wait3A_612 : memref<1x128xi32, #tpu.memory_space<hbm>> -> memref<128xi32, #tpu.memory_space<hbm>>
          %dma_wait3A_614 = arith.constant 0 : i32
          %dma_wait3A_615 = tpu.memref_slice %arg8[%add3A_597, %dma_wait3A_614] : memref<2560x128xi32, #tpu.memory_space<hbm>> -> memref<1x128xi32, #tpu.memory_space<hbm>>
          %dma_wait3A_616 = tpu.memref_squeeze %dma_wait3A_615 : memref<1x128xi32, #tpu.memory_space<hbm>> -> memref<128xi32, #tpu.memory_space<hbm>>
          tpu.wait_dma2 semaphore(%run_scoped3A_604 : memref<!tpu.dma_semaphore, #tpu.memory_space<semaphore_mem>>) src(%dma_wait3A_616 : memref<128xi32, #tpu.memory_space<hbm>>) dst(%arg12 : memref<128xi32, #tpu.memory_space<vmem>>)
          tpu.yield
        }) : () -> ()
        %dma_start3A_598 = arith.constant 0 : i32
        %dma_start3A_599 = arith.constant 0 : i32
        %dma_start3A_600 = tpu.memref_slice %arg2[%dma_start3A_598, %dma_start3A_599] : memref<10000x128xf32, #tpu.memory_space<hbm>> -> memref<10000x128xf32, #tpu.memory_space<hbm>>
        tpu.enqueue_indirect_dma source(%dma_start3A_600 : memref<10000x128xf32, #tpu.memory_space<hbm>>) target(%arg15 : memref<128x128xf32, #tpu.memory_space<vmem>>) offsets(%arg11 : memref<128xi32, #tpu.memory_space<vmem>>) semaphore(%arg26 : memref<!tpu.dma_semaphore, #tpu.memory_space<semaphore_mem>>)
        %dma_start3A_601 = arith.constant 0 : i32
        %dma_start3A_602 = arith.constant 0 : i32
        %dma_start3A_603 = tpu.memref_slice %arg3[%dma_start3A_601, %dma_start3A_602] : memref<10000x128xf32, #tpu.memory_space<hbm>> -> memref<10000x128xf32, #tpu.memory_space<hbm>>
        tpu.enqueue_indirect_dma source(%dma_start3A_603 : memref<10000x128xf32, #tpu.memory_space<hbm>>) target(%arg16 : memref<128x128xf32, #tpu.memory_space<vmem>>) offsets(%arg12 : memref<128xi32, #tpu.memory_space<vmem>>) semaphore(%arg27 : memref<!tpu.dma_semaphore, #tpu.memory_space<semaphore_mem>>)
      } else {
      }
      %add3A_306 = arith.constant 1 : i32
      %add3A_307 = arith.addi %add3A_34, %add3A_306 : i32
      %dma_wait3A_308 = arith.constant 0 : i32
      %dma_wait3A_309 = arith.constant 0 : i32
      %dma_wait3A_310 = tpu.memref_slice %arg2[%dma_wait3A_308, %dma_wait3A_309] : memref<10000x128xf32, #tpu.memory_space<hbm>> -> memref<10000x128xf32, #tpu.memory_space<hbm>>
      tpu.wait_indirect_dma semaphore(%arg28 : memref<!tpu.dma_semaphore, #tpu.memory_space<semaphore_mem>>) src(%dma_wait3A_310 : memref<10000x128xf32, #tpu.memory_space<hbm>>) dst(%arg17 : memref<128x128xf32, #tpu.memory_space<vmem>>)
      %dma_wait3A_311 = arith.constant 0 : i32
      %dma_wait3A_312 = arith.constant 0 : i32
      %dma_wait3A_313 = tpu.memref_slice %arg3[%dma_wait3A_311, %dma_wait3A_312] : memref<10000x128xf32, #tpu.memory_space<hbm>> -> memref<10000x128xf32, #tpu.memory_space<hbm>>
      tpu.wait_indirect_dma semaphore(%arg29 : memref<!tpu.dma_semaphore, #tpu.memory_space<semaphore_mem>>) src(%dma_wait3A_313 : memref<10000x128xf32, #tpu.memory_space<hbm>>) dst(%arg18 : memref<128x128xf32, #tpu.memory_space<vmem>>)
      %get3A_314 = arith.constant 0 : index
      %get3A_315 = tpu.vector_load %arg13[%get3A_314] {strides = array<i32>} : memref<128xi32, #tpu.memory_space<vmem>>, vector<16xi32>,
      %get3A_316 = arith.constant 0 : index
      %get3A_317 = tpu.vector_load %arg14[%get3A_316] {strides = array<i32>} : memref<128xi32, #tpu.memory_space<vmem>>, vector<16xi32>,
      %gather3A_318 = tpu.vector_load_idx %arg23[%get3A_315] : memref<10240xf32, #tpu.memory_space<vmem>>[vector<16xi32>], vector<16xf32>,
      %gather3A_319 = tpu.vector_load_idx %arg23[%get3A_317] : memref<10240xf32, #tpu.memory_space<vmem>>[vector<16xi32>], vector<16xf32>,
      %sub3A_320 = arith.subf %gather3A_318, %gather3A_319 : vector<16xf32>
      %gather3A_321 = tpu.vector_load_idx %arg24[%get3A_315] : memref<10240xf32, #tpu.memory_space<vmem>>[vector<16xi32>], vector<16xf32>,
      %gather3A_322 = tpu.vector_load_idx %arg24[%get3A_317] : memref<10240xf32, #tpu.memory_space<vmem>>[vector<16xi32>], vector<16xf32>,
      %sub3A_323 = arith.subf %gather3A_321, %gather3A_322 : vector<16xf32>
      %gather3A_324 = tpu.vector_load_idx %arg25[%get3A_315] : memref<10240xf32, #tpu.memory_space<vmem>>[vector<16xi32>], vector<16xf32>,
      %gather3A_325 = tpu.vector_load_idx %arg25[%get3A_317] : memref<10240xf32, #tpu.memory_space<vmem>>[vector<16xi32>], vector<16xf32>,
      %sub3A_326 = arith.subf %gather3A_324, %gather3A_325 : vector<16xf32>
      %mul3A_327 = arith.mulf %sub3A_320, %sub3A_320 : vector<16xf32>
      %mul3A_328 = arith.mulf %sub3A_323, %sub3A_323 : vector<16xf32>
      %add3A_329 = arith.addf %mul3A_327, %mul3A_328 : vector<16xf32>
      %mul3A_330 = arith.mulf %sub3A_326, %sub3A_326 : vector<16xf32>
      %add3A_331 = arith.addf %add3A_329, %mul3A_330 : vector<16xf32>
      %jit3A_332 = arith.constant 9.99999997E-7 : f32
      %jit3A_333 = arith.constant 1.000000e+06 : f32
      %max3A_334 = vector.broadcast %jit3A_332 : f32 to vector<16xf32>
      %max3A_335 = arith.maximumf %max3A_334, %add3A_331 : vector<16xf32>
      %min3A_336 = vector.broadcast %jit3A_333 : f32 to vector<16xf32>
      %min3A_337 = arith.minimumf %min3A_336, %max3A_335 : vector<16xf32>
      %swap3A_338 = arith.constant 0 : index
      %swap3A_339 = tpu.vector_load %arg19[%swap3A_338] {strides = array<i32>} : memref<128xf32, #tpu.memory_space<vmem>>, vector<16xf32>,
      tpu.vector_store %arg19[%swap3A_338], %sub3A_320 {strides = array<i32>} : memref<128xf32, #tpu.memory_space<vmem>>, vector<16xf32>,
      %swap3A_340 = arith.constant 0 : index
      %swap3A_341 = tpu.vector_load %arg20[%swap3A_340] {strides = array<i32>} : memref<128xf32, #tpu.memory_space<vmem>>, vector<16xf32>,
      tpu.vector_store %arg20[%swap3A_340], %sub3A_323 {strides = array<i32>} : memref<128xf32, #tpu.memory_space<vmem>>, vector<16xf32>,
      %swap3A_342 = arith.constant 0 : index
      %swap3A_343 = tpu.vector_load %arg21[%swap3A_342] {strides = array<i32>} : memref<128xf32, #tpu.memory_space<vmem>>, vector<16xf32>,
      tpu.vector_store %arg21[%swap3A_342], %sub3A_326 {strides = array<i32>} : memref<128xf32, #tpu.memory_space<vmem>>, vector<16xf32>,
      %swap3A_344 = arith.constant 0 : index
      %swap3A_345 = tpu.vector_load %arg22[%swap3A_344] {strides = array<i32>} : memref<128xf32, #tpu.memory_space<vmem>>, vector<16xf32>,
      tpu.vector_store %arg22[%swap3A_344], %min3A_337 {strides = array<i32>} : memref<128xf32, #tpu.memory_space<vmem>>, vector<16xf32>,
      %get3A_346 = arith.constant 16 : index
      %get3A_347 = tpu.vector_load %arg13[%get3A_346] {strides = array<i32>} : memref<128xi32, #tpu.memory_space<vmem>>, vector<16xi32>,
      %get3A_348 = arith.constant 16 : index
      %get3A_349 = tpu.vector_load %arg14[%get3A_348] {strides = array<i32>} : memref<128xi32, #tpu.memory_space<vmem>>, vector<16xi32>,
      %gather3A_350 = tpu.vector_load_idx %arg23[%get3A_347] : memref<10240xf32, #tpu.memory_space<vmem>>[vector<16xi32>], vector<16xf32>,
      %gather3A_351 = tpu.vector_load_idx %arg23[%get3A_349] : memref<10240xf32, #tpu.memory_space<vmem>>[vector<16xi32>], vector<16xf32>,
      %sub3A_352 = arith.subf %gather3A_350, %gather3A_351 : vector<16xf32>
      %gather3A_353 = tpu.vector_load_idx %arg24[%get3A_347] : memref<10240xf32, #tpu.memory_space<vmem>>[vector<16xi32>], vector<16xf32>,
      %gather3A_354 = tpu.vector_load_idx %arg24[%get3A_349] : memref<10240xf32, #tpu.memory_space<vmem>>[vector<16xi32>], vector<16xf32>,
      %sub3A_355 = arith.subf %gather3A_353, %gather3A_354 : vector<16xf32>
      %gather3A_356 = tpu.vector_load_idx %arg25[%get3A_347] : memref<10240xf32, #tpu.memory_space<vmem>>[vector<16xi32>], vector<16xf32>,
      %gather3A_357 = tpu.vector_load_idx %arg25[%get3A_349] : memref<10240xf32, #tpu.memory_space<vmem>>[vector<16xi32>], vector<16xf32>,
      %sub3A_358 = arith.subf %gather3A_356, %gather3A_357 : vector<16xf32>
      %mul3A_359 = arith.mulf %sub3A_352, %sub3A_352 : vector<16xf32>
      %mul3A_360 = arith.mulf %sub3A_355, %sub3A_355 : vector<16xf32>
      %add3A_361 = arith.addf %mul3A_359, %mul3A_360 : vector<16xf32>
      %mul3A_362 = arith.mulf %sub3A_358, %sub3A_358 : vector<16xf32>
      %add3A_363 = arith.addf %add3A_361, %mul3A_362 : vector<16xf32>
      %jit3A_364 = arith.constant 9.99999997E-7 : f32
      %jit3A_365 = arith.constant 1.000000e+06 : f32
      %max3A_366 = vector.broadcast %jit3A_364 : f32 to vector<16xf32>
      %max3A_367 = arith.maximumf %max3A_366, %add3A_363 : vector<16xf32>
      %min3A_368 = vector.broadcast %jit3A_365 : f32 to vector<16xf32>
      %min3A_369 = arith.minimumf %min3A_368, %max3A_367 : vector<16xf32>
      %swap3A_370 = arith.constant 16 : index
      %swap3A_371 = tpu.vector_load %arg19[%swap3A_370] {strides = array<i32>} : memref<128xf32, #tpu.memory_space<vmem>>, vector<16xf32>,
      tpu.vector_store %arg19[%swap3A_370], %sub3A_352 {strides = array<i32>} : memref<128xf32, #tpu.memory_space<vmem>>, vector<16xf32>,
      %swap3A_372 = arith.constant 16 : index
      %swap3A_373 = tpu.vector_load %arg20[%swap3A_372] {strides = array<i32>} : memref<128xf32, #tpu.memory_space<vmem>>, vector<16xf32>,
      tpu.vector_store %arg20[%swap3A_372], %sub3A_355 {strides = array<i32>} : memref<128xf32, #tpu.memory_space<vmem>>, vector<16xf32>,
      %swap3A_374 = arith.constant 16 : index
      %swap3A_375 = tpu.vector_load %arg21[%swap3A_374] {strides = array<i32>} : memref<128xf32, #tpu.memory_space<vmem>>, vector<16xf32>,
      tpu.vector_store %arg21[%swap3A_374], %sub3A_358 {strides = array<i32>} : memref<128xf32, #tpu.memory_space<vmem>>, vector<16xf32>,
      %swap3A_376 = arith.constant 16 : index
      %swap3A_377 = tpu.vector_load %arg22[%swap3A_376] {strides = array<i32>} : memref<128xf32, #tpu.memory_space<vmem>>, vector<16xf32>,
      tpu.vector_store %arg22[%swap3A_376], %min3A_369 {strides = array<i32>} : memref<128xf32, #tpu.memory_space<vmem>>, vector<16xf32>,
      %get3A_378 = arith.constant 32 : index
      %get3A_379 = tpu.vector_load %arg13[%get3A_378] {strides = array<i32>} : memref<128xi32, #tpu.memory_space<vmem>>, vector<16xi32>,
      %get3A_380 = arith.constant 32 : index
      %get3A_381 = tpu.vector_load %arg14[%get3A_380] {strides = array<i32>} : memref<128xi32, #tpu.memory_space<vmem>>, vector<16xi32>,
      %gather3A_382 = tpu.vector_load_idx %arg23[%get3A_379] : memref<10240xf32, #tpu.memory_space<vmem>>[vector<16xi32>], vector<16xf32>,
      %gather3A_383 = tpu.vector_load_idx %arg23[%get3A_381] : memref<10240xf32, #tpu.memory_space<vmem>>[vector<16xi32>], vector<16xf32>,
      %sub3A_384 = arith.subf %gather3A_382, %gather3A_383 : vector<16xf32>
      %gather3A_385 = tpu.vector_load_idx %arg24[%get3A_379] : memref<10240xf32, #tpu.memory_space<vmem>>[vector<16xi32>], vector<16xf32>,
      %gather3A_386 = tpu.vector_load_idx %arg24[%get3A_381] : memref<10240xf32, #tpu.memory_space<vmem>>[vector<16xi32>], vector<16xf32>,
      %sub3A_387 = arith.subf %gather3A_385, %gather3A_386 : vector<16xf32>
      %gather3A_388 = tpu.vector_load_idx %arg25[%get3A_379] : memref<10240xf32, #tpu.memory_space<vmem>>[vector<16xi32>], vector<16xf32>,
      %gather3A_389 = tpu.vector_load_idx %arg25[%get3A_381] : memref<10240xf32, #tpu.memory_space<vmem>>[vector<16xi32>], vector<16xf32>,
      %sub3A_390 = arith.subf %gather3A_388, %gather3A_389 : vector<16xf32>
      %mul3A_391 = arith.mulf %sub3A_384, %sub3A_384 : vector<16xf32>
      %mul3A_392 = arith.mulf %sub3A_387, %sub3A_387 : vector<16xf32>
      %add3A_393 = arith.addf %mul3A_391, %mul3A_392 : vector<16xf32>
      %mul3A_394 = arith.mulf %sub3A_390, %sub3A_390 : vector<16xf32>
      %add3A_395 = arith.addf %add3A_393, %mul3A_394 : vector<16xf32>
      %jit3A_396 = arith.constant 9.99999997E-7 : f32
      %jit3A_397 = arith.constant 1.000000e+06 : f32
      %max3A_398 = vector.broadcast %jit3A_396 : f32 to vector<16xf32>
      %max3A_399 = arith.maximumf %max3A_398, %add3A_395 : vector<16xf32>
      %min3A_400 = vector.broadcast %jit3A_397 : f32 to vector<16xf32>
      %min3A_401 = arith.minimumf %min3A_400, %max3A_399 : vector<16xf32>
      %swap3A_402 = arith.constant 32 : index
      %swap3A_403 = tpu.vector_load %arg19[%swap3A_402] {strides = array<i32>} : memref<128xf32, #tpu.memory_space<vmem>>, vector<16xf32>,
      tpu.vector_store %arg19[%swap3A_402], %sub3A_384 {strides = array<i32>} : memref<128xf32, #tpu.memory_space<vmem>>, vector<16xf32>,
      %swap3A_404 = arith.constant 32 : index
      %swap3A_405 = tpu.vector_load %arg20[%swap3A_404] {strides = array<i32>} : memref<128xf32, #tpu.memory_space<vmem>>, vector<16xf32>,
      tpu.vector_store %arg20[%swap3A_404], %sub3A_387 {strides = array<i32>} : memref<128xf32, #tpu.memory_space<vmem>>, vector<16xf32>,
      %swap3A_406 = arith.constant 32 : index
      %swap3A_407 = tpu.vector_load %arg21[%swap3A_406] {strides = array<i32>} : memref<128xf32, #tpu.memory_space<vmem>>, vector<16xf32>,
      tpu.vector_store %arg21[%swap3A_406], %sub3A_390 {strides = array<i32>} : memref<128xf32, #tpu.memory_space<vmem>>, vector<16xf32>,
      %swap3A_408 = arith.constant 32 : index
      %swap3A_409 = tpu.vector_load %arg22[%swap3A_408] {strides = array<i32>} : memref<128xf32, #tpu.memory_space<vmem>>, vector<16xf32>,
      tpu.vector_store %arg22[%swap3A_408], %min3A_401 {strides = array<i32>} : memref<128xf32, #tpu.memory_space<vmem>>, vector<16xf32>,
      %get3A_410 = arith.constant 48 : index
      %get3A_411 = tpu.vector_load %arg13[%get3A_410] {strides = array<i32>} : memref<128xi32, #tpu.memory_space<vmem>>, vector<16xi32>,
      %get3A_412 = arith.constant 48 : index
      %get3A_413 = tpu.vector_load %arg14[%get3A_412] {strides = array<i32>} : memref<128xi32, #tpu.memory_space<vmem>>, vector<16xi32>,
      %gather3A_414 = tpu.vector_load_idx %arg23[%get3A_411] : memref<10240xf32, #tpu.memory_space<vmem>>[vector<16xi32>], vector<16xf32>,
      %gather3A_415 = tpu.vector_load_idx %arg23[%get3A_413] : memref<10240xf32, #tpu.memory_space<vmem>>[vector<16xi32>], vector<16xf32>,
      %sub3A_416 = arith.subf %gather3A_414, %gather3A_415 : vector<16xf32>
      %gather3A_417 = tpu.vector_load_idx %arg24[%get3A_411] : memref<10240xf32, #tpu.memory_space<vmem>>[vector<16xi32>], vector<16xf32>,
      %gather3A_418 = tpu.vector_load_idx %arg24[%get3A_413] : memref<10240xf32, #tpu.memory_space<vmem>>[vector<16xi32>], vector<16xf32>,
      %sub3A_419 = arith.subf %gather3A_417, %gather3A_418 : vector<16xf32>
      %gather3A_420 = tpu.vector_load_idx %arg25[%get3A_411] : memref<10240xf32, #tpu.memory_space<vmem>>[vector<16xi32>], vector<16xf32>,
      %gather3A_421 = tpu.vector_load_idx %arg25[%get3A_413] : memref<10240xf32, #tpu.memory_space<vmem>>[vector<16xi32>], vector<16xf32>,
      %sub3A_422 = arith.subf %gather3A_420, %gather3A_421 : vector<16xf32>
      %mul3A_423 = arith.mulf %sub3A_416, %sub3A_416 : vector<16xf32>
      %mul3A_424 = arith.mulf %sub3A_419, %sub3A_419 : vector<16xf32>
      %add3A_425 = arith.addf %mul3A_423, %mul3A_424 : vector<16xf32>
      %mul3A_426 = arith.mulf %sub3A_422, %sub3A_422 : vector<16xf32>
      %add3A_427 = arith.addf %add3A_425, %mul3A_426 : vector<16xf32>
      %jit3A_428 = arith.constant 9.99999997E-7 : f32
      %jit3A_429 = arith.constant 1.000000e+06 : f32
      %max3A_430 = vector.broadcast %jit3A_428 : f32 to vector<16xf32>
      %max3A_431 = arith.maximumf %max3A_430, %add3A_427 : vector<16xf32>
      %min3A_432 = vector.broadcast %jit3A_429 : f32 to vector<16xf32>
      %min3A_433 = arith.minimumf %min3A_432, %max3A_431 : vector<16xf32>
      %swap3A_434 = arith.constant 48 : index
      %swap3A_435 = tpu.vector_load %arg19[%swap3A_434] {strides = array<i32>} : memref<128xf32, #tpu.memory_space<vmem>>, vector<16xf32>,
      tpu.vector_store %arg19[%swap3A_434], %sub3A_416 {strides = array<i32>} : memref<128xf32, #tpu.memory_space<vmem>>, vector<16xf32>,
      %swap3A_436 = arith.constant 48 : index
      %swap3A_437 = tpu.vector_load %arg20[%swap3A_436] {strides = array<i32>} : memref<128xf32, #tpu.memory_space<vmem>>, vector<16xf32>,
      tpu.vector_store %arg20[%swap3A_436], %sub3A_419 {strides = array<i32>} : memref<128xf32, #tpu.memory_space<vmem>>, vector<16xf32>,
      %swap3A_438 = arith.constant 48 : index
      %swap3A_439 = tpu.vector_load %arg21[%swap3A_438] {strides = array<i32>} : memref<128xf32, #tpu.memory_space<vmem>>, vector<16xf32>,
      tpu.vector_store %arg21[%swap3A_438], %sub3A_422 {strides = array<i32>} : memref<128xf32, #tpu.memory_space<vmem>>, vector<16xf32>,
      %swap3A_440 = arith.constant 48 : index
      %swap3A_441 = tpu.vector_load %arg22[%swap3A_440] {strides = array<i32>} : memref<128xf32, #tpu.memory_space<vmem>>, vector<16xf32>,
      tpu.vector_store %arg22[%swap3A_440], %min3A_433 {strides = array<i32>} : memref<128xf32, #tpu.memory_space<vmem>>, vector<16xf32>,
      %get3A_442 = arith.constant 64 : index
      %get3A_443 = tpu.vector_load %arg13[%get3A_442] {strides = array<i32>} : memref<128xi32, #tpu.memory_space<vmem>>, vector<16xi32>,
      %get3A_444 = arith.constant 64 : index
      %get3A_445 = tpu.vector_load %arg14[%get3A_444] {strides = array<i32>} : memref<128xi32, #tpu.memory_space<vmem>>, vector<16xi32>,
      %gather3A_446 = tpu.vector_load_idx %arg23[%get3A_443] : memref<10240xf32, #tpu.memory_space<vmem>>[vector<16xi32>], vector<16xf32>,
      %gather3A_447 = tpu.vector_load_idx %arg23[%get3A_445] : memref<10240xf32, #tpu.memory_space<vmem>>[vector<16xi32>], vector<16xf32>,
      %sub3A_448 = arith.subf %gather3A_446, %gather3A_447 : vector<16xf32>
      %gather3A_449 = tpu.vector_load_idx %arg24[%get3A_443] : memref<10240xf32, #tpu.memory_space<vmem>>[vector<16xi32>], vector<16xf32>,
      %gather3A_450 = tpu.vector_load_idx %arg24[%get3A_445] : memref<10240xf32, #tpu.memory_space<vmem>>[vector<16xi32>], vector<16xf32>,
      %sub3A_451 = arith.subf %gather3A_449, %gather3A_450 : vector<16xf32>
      %gather3A_452 = tpu.vector_load_idx %arg25[%get3A_443] : memref<10240xf32, #tpu.memory_space<vmem>>[vector<16xi32>], vector<16xf32>,
      %gather3A_453 = tpu.vector_load_idx %arg25[%get3A_445] : memref<10240xf32, #tpu.memory_space<vmem>>[vector<16xi32>], vector<16xf32>,
      %sub3A_454 = arith.subf %gather3A_452, %gather3A_453 : vector<16xf32>
      %mul3A_455 = arith.mulf %sub3A_448, %sub3A_448 : vector<16xf32>
      %mul3A_456 = arith.mulf %sub3A_451, %sub3A_451 : vector<16xf32>
      %add3A_457 = arith.addf %mul3A_455, %mul3A_456 : vector<16xf32>
      %mul3A_458 = arith.mulf %sub3A_454, %sub3A_454 : vector<16xf32>
      %add3A_459 = arith.addf %add3A_457, %mul3A_458 : vector<16xf32>
      %jit3A_460 = arith.constant 9.99999997E-7 : f32
      %jit3A_461 = arith.constant 1.000000e+06 : f32
      %max3A_462 = vector.broadcast %jit3A_460 : f32 to vector<16xf32>
      %max3A_463 = arith.maximumf %max3A_462, %add3A_459 : vector<16xf32>
      %min3A_464 = vector.broadcast %jit3A_461 : f32 to vector<16xf32>
      %min3A_465 = arith.minimumf %min3A_464, %max3A_463 : vector<16xf32>
      %swap3A_466 = arith.constant 64 : index
      %swap3A_467 = tpu.vector_load %arg19[%swap3A_466] {strides = array<i32>} : memref<128xf32, #tpu.memory_space<vmem>>, vector<16xf32>,
      tpu.vector_store %arg19[%swap3A_466], %sub3A_448 {strides = array<i32>} : memref<128xf32, #tpu.memory_space<vmem>>, vector<16xf32>,
      %swap3A_468 = arith.constant 64 : index
      %swap3A_469 = tpu.vector_load %arg20[%swap3A_468] {strides = array<i32>} : memref<128xf32, #tpu.memory_space<vmem>>, vector<16xf32>,
      tpu.vector_store %arg20[%swap3A_468], %sub3A_451 {strides = array<i32>} : memref<128xf32, #tpu.memory_space<vmem>>, vector<16xf32>,
      %swap3A_470 = arith.constant 64 : index
      %swap3A_471 = tpu.vector_load %arg21[%swap3A_470] {strides = array<i32>} : memref<128xf32, #tpu.memory_space<vmem>>, vector<16xf32>,
      tpu.vector_store %arg21[%swap3A_470], %sub3A_454 {strides = array<i32>} : memref<128xf32, #tpu.memory_space<vmem>>, vector<16xf32>,
      %swap3A_472 = arith.constant 64 : index
      %swap3A_473 = tpu.vector_load %arg22[%swap3A_472] {strides = array<i32>} : memref<128xf32, #tpu.memory_space<vmem>>, vector<16xf32>,
      tpu.vector_store %arg22[%swap3A_472], %min3A_465 {strides = array<i32>} : memref<128xf32, #tpu.memory_space<vmem>>, vector<16xf32>,
      %get3A_474 = arith.constant 80 : index
      %get3A_475 = tpu.vector_load %arg13[%get3A_474] {strides = array<i32>} : memref<128xi32, #tpu.memory_space<vmem>>, vector<16xi32>,
      %get3A_476 = arith.constant 80 : index
      %get3A_477 = tpu.vector_load %arg14[%get3A_476] {strides = array<i32>} : memref<128xi32, #tpu.memory_space<vmem>>, vector<16xi32>,
      %gather3A_478 = tpu.vector_load_idx %arg23[%get3A_475] : memref<10240xf32, #tpu.memory_space<vmem>>[vector<16xi32>], vector<16xf32>,
      %gather3A_479 = tpu.vector_load_idx %arg23[%get3A_477] : memref<10240xf32, #tpu.memory_space<vmem>>[vector<16xi32>], vector<16xf32>,
      %sub3A_480 = arith.subf %gather3A_478, %gather3A_479 : vector<16xf32>
      %gather3A_481 = tpu.vector_load_idx %arg24[%get3A_475] : memref<10240xf32, #tpu.memory_space<vmem>>[vector<16xi32>], vector<16xf32>,
      %gather3A_482 = tpu.vector_load_idx %arg24[%get3A_477] : memref<10240xf32, #tpu.memory_space<vmem>>[vector<16xi32>], vector<16xf32>,
      %sub3A_483 = arith.subf %gather3A_481, %gather3A_482 : vector<16xf32>
      %gather3A_484 = tpu.vector_load_idx %arg25[%get3A_475] : memref<10240xf32, #tpu.memory_space<vmem>>[vector<16xi32>], vector<16xf32>,
      %gather3A_485 = tpu.vector_load_idx %arg25[%get3A_477] : memref<10240xf32, #tpu.memory_space<vmem>>[vector<16xi32>], vector<16xf32>,
      %sub3A_486 = arith.subf %gather3A_484, %gather3A_485 : vector<16xf32>
      %mul3A_487 = arith.mulf %sub3A_480, %sub3A_480 : vector<16xf32>
      %mul3A_488 = arith.mulf %sub3A_483, %sub3A_483 : vector<16xf32>
      %add3A_489 = arith.addf %mul3A_487, %mul3A_488 : vector<16xf32>
      %mul3A_490 = arith.mulf %sub3A_486, %sub3A_486 : vector<16xf32>
      %add3A_491 = arith.addf %add3A_489, %mul3A_490 : vector<16xf32>
      %jit3A_492 = arith.constant 9.99999997E-7 : f32
      %jit3A_493 = arith.constant 1.000000e+06 : f32
      %max3A_494 = vector.broadcast %jit3A_492 : f32 to vector<16xf32>
      %max3A_495 = arith.maximumf %max3A_494, %add3A_491 : vector<16xf32>
      %min3A_496 = vector.broadcast %jit3A_493 : f32 to vector<16xf32>
      %min3A_497 = arith.minimumf %min3A_496, %max3A_495 : vector<16xf32>
      %swap3A_498 = arith.constant 80 : index
      %swap3A_499 = tpu.vector_load %arg19[%swap3A_498] {strides = array<i32>} : memref<128xf32, #tpu.memory_space<vmem>>, vector<16xf32>,
      tpu.vector_store %arg19[%swap3A_498], %sub3A_480 {strides = array<i32>} : memref<128xf32, #tpu.memory_space<vmem>>, vector<16xf32>,
      %swap3A_500 = arith.constant 80 : index
      %swap3A_501 = tpu.vector_load %arg20[%swap3A_500] {strides = array<i32>} : memref<128xf32, #tpu.memory_space<vmem>>, vector<16xf32>,
      tpu.vector_store %arg20[%swap3A_500], %sub3A_483 {strides = array<i32>} : memref<128xf32, #tpu.memory_space<vmem>>, vector<16xf32>,
      %swap3A_502 = arith.constant 80 : index
      %swap3A_503 = tpu.vector_load %arg21[%swap3A_502] {strides = array<i32>} : memref<128xf32, #tpu.memory_space<vmem>>, vector<16xf32>,
      tpu.vector_store %arg21[%swap3A_502], %sub3A_486 {strides = array<i32>} : memref<128xf32, #tpu.memory_space<vmem>>, vector<16xf32>,
      %swap3A_504 = arith.constant 80 : index
      %swap3A_505 = tpu.vector_load %arg22[%swap3A_504] {strides = array<i32>} : memref<128xf32, #tpu.memory_space<vmem>>, vector<16xf32>,
      tpu.vector_store %arg22[%swap3A_504], %min3A_497 {strides = array<i32>} : memref<128xf32, #tpu.memory_space<vmem>>, vector<16xf32>,
      %get3A_506 = arith.constant 96 : index
      %get3A_507 = tpu.vector_load %arg13[%get3A_506] {strides = array<i32>} : memref<128xi32, #tpu.memory_space<vmem>>, vector<16xi32>,
      %get3A_508 = arith.constant 96 : index
      %get3A_509 = tpu.vector_load %arg14[%get3A_508] {strides = array<i32>} : memref<128xi32, #tpu.memory_space<vmem>>, vector<16xi32>,
      %gather3A_510 = tpu.vector_load_idx %arg23[%get3A_507] : memref<10240xf32, #tpu.memory_space<vmem>>[vector<16xi32>], vector<16xf32>,
      %gather3A_511 = tpu.vector_load_idx %arg23[%get3A_509] : memref<10240xf32, #tpu.memory_space<vmem>>[vector<16xi32>], vector<16xf32>,
      %sub3A_512 = arith.subf %gather3A_510, %gather3A_511 : vector<16xf32>
      %gather3A_513 = tpu.vector_load_idx %arg24[%get3A_507] : memref<10240xf32, #tpu.memory_space<vmem>>[vector<16xi32>], vector<16xf32>,
      %gather3A_514 = tpu.vector_load_idx %arg24[%get3A_509] : memref<10240xf32, #tpu.memory_space<vmem>>[vector<16xi32>], vector<16xf32>,
      %sub3A_515 = arith.subf %gather3A_513, %gather3A_514 : vector<16xf32>
      %gather3A_516 = tpu.vector_load_idx %arg25[%get3A_507] : memref<10240xf32, #tpu.memory_space<vmem>>[vector<16xi32>], vector<16xf32>,
      %gather3A_517 = tpu.vector_load_idx %arg25[%get3A_509] : memref<10240xf32, #tpu.memory_space<vmem>>[vector<16xi32>], vector<16xf32>,
      %sub3A_518 = arith.subf %gather3A_516, %gather3A_517 : vector<16xf32>
      %mul3A_519 = arith.mulf %sub3A_512, %sub3A_512 : vector<16xf32>
      %mul3A_520 = arith.mulf %sub3A_515, %sub3A_515 : vector<16xf32>
      %add3A_521 = arith.addf %mul3A_519, %mul3A_520 : vector<16xf32>
      %mul3A_522 = arith.mulf %sub3A_518, %sub3A_518 : vector<16xf32>
      %add3A_523 = arith.addf %add3A_521, %mul3A_522 : vector<16xf32>
      %jit3A_524 = arith.constant 9.99999997E-7 : f32
      %jit3A_525 = arith.constant 1.000000e+06 : f32
      %max3A_526 = vector.broadcast %jit3A_524 : f32 to vector<16xf32>
      %max3A_527 = arith.maximumf %max3A_526, %add3A_523 : vector<16xf32>
      %min3A_528 = vector.broadcast %jit3A_525 : f32 to vector<16xf32>
      %min3A_529 = arith.minimumf %min3A_528, %max3A_527 : vector<16xf32>
      %swap3A_530 = arith.constant 96 : index
      %swap3A_531 = tpu.vector_load %arg19[%swap3A_530] {strides = array<i32>} : memref<128xf32, #tpu.memory_space<vmem>>, vector<16xf32>,
      tpu.vector_store %arg19[%swap3A_530], %sub3A_512 {strides = array<i32>} : memref<128xf32, #tpu.memory_space<vmem>>, vector<16xf32>,
      %swap3A_532 = arith.constant 96 : index
      %swap3A_533 = tpu.vector_load %arg20[%swap3A_532] {strides = array<i32>} : memref<128xf32, #tpu.memory_space<vmem>>, vector<16xf32>,
      tpu.vector_store %arg20[%swap3A_532], %sub3A_515 {strides = array<i32>} : memref<128xf32, #tpu.memory_space<vmem>>, vector<16xf32>,
      %swap3A_534 = arith.constant 96 : index
      %swap3A_535 = tpu.vector_load %arg21[%swap3A_534] {strides = array<i32>} : memref<128xf32, #tpu.memory_space<vmem>>, vector<16xf32>,
      tpu.vector_store %arg21[%swap3A_534], %sub3A_518 {strides = array<i32>} : memref<128xf32, #tpu.memory_space<vmem>>, vector<16xf32>,
      %swap3A_536 = arith.constant 96 : index
      %swap3A_537 = tpu.vector_load %arg22[%swap3A_536] {strides = array<i32>} : memref<128xf32, #tpu.memory_space<vmem>>, vector<16xf32>,
      tpu.vector_store %arg22[%swap3A_536], %min3A_529 {strides = array<i32>} : memref<128xf32, #tpu.memory_space<vmem>>, vector<16xf32>,
      %get3A_538 = arith.constant 112 : index
      %get3A_539 = tpu.vector_load %arg13[%get3A_538] {strides = array<i32>} : memref<128xi32, #tpu.memory_space<vmem>>, vector<16xi32>,
      %get3A_540 = arith.constant 112 : index
      %get3A_541 = tpu.vector_load %arg14[%get3A_540] {strides = array<i32>} : memref<128xi32, #tpu.memory_space<vmem>>, vector<16xi32>,
      %gather3A_542 = tpu.vector_load_idx %arg23[%get3A_539] : memref<10240xf32, #tpu.memory_space<vmem>>[vector<16xi32>], vector<16xf32>,
      %gather3A_543 = tpu.vector_load_idx %arg23[%get3A_541] : memref<10240xf32, #tpu.memory_space<vmem>>[vector<16xi32>], vector<16xf32>,
      %sub3A_544 = arith.subf %gather3A_542, %gather3A_543 : vector<16xf32>
      %gather3A_545 = tpu.vector_load_idx %arg24[%get3A_539] : memref<10240xf32, #tpu.memory_space<vmem>>[vector<16xi32>], vector<16xf32>,
      %gather3A_546 = tpu.vector_load_idx %arg24[%get3A_541] : memref<10240xf32, #tpu.memory_space<vmem>>[vector<16xi32>], vector<16xf32>,
      %sub3A_547 = arith.subf %gather3A_545, %gather3A_546 : vector<16xf32>
      %gather3A_548 = tpu.vector_load_idx %arg25[%get3A_539] : memref<10240xf32, #tpu.memory_space<vmem>>[vector<16xi32>], vector<16xf32>,
      %gather3A_549 = tpu.vector_load_idx %arg25[%get3A_541] : memref<10240xf32, #tpu.memory_space<vmem>>[vector<16xi32>], vector<16xf32>,
      %sub3A_550 = arith.subf %gather3A_548, %gather3A_549 : vector<16xf32>
      %mul3A_551 = arith.mulf %sub3A_544, %sub3A_544 : vector<16xf32>
      %mul3A_552 = arith.mulf %sub3A_547, %sub3A_547 : vector<16xf32>
      %add3A_553 = arith.addf %mul3A_551, %mul3A_552 : vector<16xf32>
      %mul3A_554 = arith.mulf %sub3A_550, %sub3A_550 : vector<16xf32>
      %add3A_555 = arith.addf %add3A_553, %mul3A_554 : vector<16xf32>
      %jit3A_556 = arith.constant 9.99999997E-7 : f32
      %jit3A_557 = arith.constant 1.000000e+06 : f32
      %max3A_558 = vector.broadcast %jit3A_556 : f32 to vector<16xf32>
      %max3A_559 = arith.maximumf %max3A_558, %add3A_555 : vector<16xf32>
      %min3A_560 = vector.broadcast %jit3A_557 : f32 to vector<16xf32>
      %min3A_561 = arith.minimumf %min3A_560, %max3A_559 : vector<16xf32>
      %swap3A_562 = arith.constant 112 : index
      %swap3A_563 = tpu.vector_load %arg19[%swap3A_562] {strides = array<i32>} : memref<128xf32, #tpu.memory_space<vmem>>, vector<16xf32>,
      tpu.vector_store %arg19[%swap3A_562], %sub3A_544 {strides = array<i32>} : memref<128xf32, #tpu.memory_space<vmem>>, vector<16xf32>,
      %swap3A_564 = arith.constant 112 : index
      %swap3A_565 = tpu.vector_load %arg20[%swap3A_564] {strides = array<i32>} : memref<128xf32, #tpu.memory_space<vmem>>, vector<16xf32>,
      tpu.vector_store %arg20[%swap3A_564], %sub3A_547 {strides = array<i32>} : memref<128xf32, #tpu.memory_space<vmem>>, vector<16xf32>,
      %swap3A_566 = arith.constant 112 : index
      %swap3A_567 = tpu.vector_load %arg21[%swap3A_566] {strides = array<i32>} : memref<128xf32, #tpu.memory_space<vmem>>, vector<16xf32>,
      tpu.vector_store %arg21[%swap3A_566], %sub3A_550 {strides = array<i32>} : memref<128xf32, #tpu.memory_space<vmem>>, vector<16xf32>,
      %swap3A_568 = arith.constant 112 : index
      %swap3A_569 = tpu.vector_load %arg22[%swap3A_568] {strides = array<i32>} : memref<128xf32, #tpu.memory_space<vmem>>, vector<16xf32>,
      tpu.vector_store %arg22[%swap3A_568], %min3A_561 {strides = array<i32>} : memref<128xf32, #tpu.memory_space<vmem>>, vector<16xf32>,
      %scan3A_570 = arith.constant 0 : i32
      %scan3A_571 = arith.constant 128 : i32
      %scan3A_572 = arith.addi %scan3A_570, %scan3A_571 : i32
      %scan3A_573 = arith.constant 1 : i32
      scf.for %scan3A_590 = %scan3A_570 to %scan3A_572 step %scan3A_573  : i32 {
        %get3A_591 = arith.index_cast %scan3A_590 : i32 to index
        %get3A_592 = arith.constant 0 : index
        %get3A_593 = tpu.vector_load %arg17[%get3A_591, %get3A_592] {strides = array<i32>} : memref<128x128xf32, #tpu.memory_space<vmem>>, vector<16xf32>,
        %get3A_594 = arith.index_cast %scan3A_590 : i32 to index
        %get3A_595 = arith.constant 0 : index
        %get3A_596 = tpu.vector_load %arg18[%get3A_594, %get3A_595] {strides = array<i32>} : memref<128x128xf32, #tpu.memory_space<vmem>>, vector<16xf32>,
        %add3A_597 = arith.addf %get3A_593, %get3A_596 : vector<16xf32>
        %swap3A_598 = arith.index_cast %scan3A_590 : i32 to index
        %swap3A_599 = arith.constant 0 : index
        %swap3A_600 = tpu.vector_load %arg17[%swap3A_598, %swap3A_599] {strides = array<i32>} : memref<128x128xf32, #tpu.memory_space<vmem>>, vector<16xf32>,
        tpu.vector_store %arg17[%swap3A_598, %swap3A_599], %add3A_597 {strides = array<i32>} : memref<128x128xf32, #tpu.memory_space<vmem>>, vector<16xf32>,
        %get3A_601 = arith.index_cast %scan3A_590 : i32 to index
        %get3A_602 = arith.constant 16 : index
        %get3A_603 = tpu.vector_load %arg17[%get3A_601, %get3A_602] {strides = array<i32>} : memref<128x128xf32, #tpu.memory_space<vmem>>, vector<16xf32>,
        %get3A_604 = arith.index_cast %scan3A_590 : i32 to index
        %get3A_605 = arith.constant 16 : index
        %get3A_606 = tpu.vector_load %arg18[%get3A_604, %get3A_605] {strides = array<i32>} : memref<128x128xf32, #tpu.memory_space<vmem>>, vector<16xf32>,
        %add3A_607 = arith.addf %get3A_603, %get3A_606 : vector<16xf32>
        %swap3A_608 = arith.index_cast %scan3A_590 : i32 to index
        %swap3A_609 = arith.constant 16 : index
        %swap3A_610 = tpu.vector_load %arg17[%swap3A_608, %swap3A_609] {strides = array<i32>} : memref<128x128xf32, #tpu.memory_space<vmem>>, vector<16xf32>,
        tpu.vector_store %arg17[%swap3A_608, %swap3A_609], %add3A_607 {strides = array<i32>} : memref<128x128xf32, #tpu.memory_space<vmem>>, vector<16xf32>,
        %get3A_611 = arith.index_cast %scan3A_590 : i32 to index
        %get3A_612 = arith.constant 32 : index
        %get3A_613 = tpu.vector_load %arg17[%get3A_611, %get3A_612] {strides = array<i32>} : memref<128x128xf32, #tpu.memory_space<vmem>>, vector<16xf32>,
        %get3A_614 = arith.index_cast %scan3A_590 : i32 to index
        %get3A_615 = arith.constant 32 : index
        %get3A_616 = tpu.vector_load %arg18[%get3A_614, %get3A_615] {strides = array<i32>} : memref<128x128xf32, #tpu.memory_space<vmem>>, vector<16xf32>,
        %add3A_617 = arith.addf %get3A_613, %get3A_616 : vector<16xf32>
        %swap3A_618 = arith.index_cast %scan3A_590 : i32 to index
        %swap3A_619 = arith.constant 32 : index
        %swap3A_620 = tpu.vector_load %arg17[%swap3A_618, %swap3A_619] {strides = array<i32>} : memref<128x128xf32, #tpu.memory_space<vmem>>, vector<16xf32>,
        tpu.vector_store %arg17[%swap3A_618, %swap3A_619], %add3A_617 {strides = array<i32>} : memref<128x128xf32, #tpu.memory_space<vmem>>, vector<16xf32>,
        %get3A_621 = arith.index_cast %scan3A_590 : i32 to index
        %get3A_622 = arith.constant 48 : index
        %get3A_623 = tpu.vector_load %arg17[%get3A_621, %get3A_622] {strides = array<i32>} : memref<128x128xf32, #tpu.memory_space<vmem>>, vector<16xf32>,
        %get3A_624 = arith.index_cast %scan3A_590 : i32 to index
        %get3A_625 = arith.constant 48 : index
        %get3A_626 = tpu.vector_load %arg18[%get3A_624, %get3A_625] {strides = array<i32>} : memref<128x128xf32, #tpu.memory_space<vmem>>, vector<16xf32>,
        %add3A_627 = arith.addf %get3A_623, %get3A_626 : vector<16xf32>
        %swap3A_628 = arith.index_cast %scan3A_590 : i32 to index
        %swap3A_629 = arith.constant 48 : index
        %swap3A_630 = tpu.vector_load %arg17[%swap3A_628, %swap3A_629] {strides = array<i32>} : memref<128x128xf32, #tpu.memory_space<vmem>>, vector<16xf32>,
        tpu.vector_store %arg17[%swap3A_628, %swap3A_629], %add3A_627 {strides = array<i32>} : memref<128x128xf32, #tpu.memory_space<vmem>>, vector<16xf32>,
        %get3A_631 = arith.index_cast %scan3A_590 : i32 to index
        %get3A_632 = arith.constant 64 : index
        %get3A_633 = tpu.vector_load %arg17[%get3A_631, %get3A_632] {strides = array<i32>} : memref<128x128xf32, #tpu.memory_space<vmem>>, vector<16xf32>,
        %get3A_634 = arith.index_cast %scan3A_590 : i32 to index
        %get3A_635 = arith.constant 64 : index
        %get3A_636 = tpu.vector_load %arg18[%get3A_634, %get3A_635] {strides = array<i32>} : memref<128x128xf32, #tpu.memory_space<vmem>>, vector<16xf32>,
        %add3A_637 = arith.addf %get3A_633, %get3A_636 : vector<16xf32>
        %swap3A_638 = arith.index_cast %scan3A_590 : i32 to index
        %swap3A_639 = arith.constant 64 : index
        %swap3A_640 = tpu.vector_load %arg17[%swap3A_638, %swap3A_639] {strides = array<i32>} : memref<128x128xf32, #tpu.memory_space<vmem>>, vector<16xf32>,
        tpu.vector_store %arg17[%swap3A_638, %swap3A_639], %add3A_637 {strides = array<i32>} : memref<128x128xf32, #tpu.memory_space<vmem>>, vector<16xf32>,
        %get3A_641 = arith.index_cast %scan3A_590 : i32 to index
        %get3A_642 = arith.constant 80 : index
        %get3A_643 = tpu.vector_load %arg17[%get3A_641, %get3A_642] {strides = array<i32>} : memref<128x128xf32, #tpu.memory_space<vmem>>, vector<16xf32>,
        %get3A_644 = arith.index_cast %scan3A_590 : i32 to index
        %get3A_645 = arith.constant 80 : index
        %get3A_646 = tpu.vector_load %arg18[%get3A_644, %get3A_645] {strides = array<i32>} : memref<128x128xf32, #tpu.memory_space<vmem>>, vector<16xf32>,
        %add3A_647 = arith.addf %get3A_643, %get3A_646 : vector<16xf32>
        %swap3A_648 = arith.index_cast %scan3A_590 : i32 to index
        %swap3A_649 = arith.constant 80 : index
        %swap3A_650 = tpu.vector_load %arg17[%swap3A_648, %swap3A_649] {strides = array<i32>} : memref<128x128xf32, #tpu.memory_space<vmem>>, vector<16xf32>,
        tpu.vector_store %arg17[%swap3A_648, %swap3A_649], %add3A_647 {strides = array<i32>} : memref<128x128xf32, #tpu.memory_space<vmem>>, vector<16xf32>,
        %get3A_651 = arith.index_cast %scan3A_590 : i32 to index
        %get3A_652 = arith.constant 96 : index
        %get3A_653 = tpu.vector_load %arg17[%get3A_651, %get3A_652] {strides = array<i32>} : memref<128x128xf32, #tpu.memory_space<vmem>>, vector<16xf32>,
        %get3A_654 = arith.index_cast %scan3A_590 : i32 to index
        %get3A_655 = arith.constant 96 : index
        %get3A_656 = tpu.vector_load %arg18[%get3A_654, %get3A_655] {strides = array<i32>} : memref<128x128xf32, #tpu.memory_space<vmem>>, vector<16xf32>,
        %add3A_657 = arith.addf %get3A_653, %get3A_656 : vector<16xf32>
        %swap3A_658 = arith.index_cast %scan3A_590 : i32 to index
        %swap3A_659 = arith.constant 96 : index
        %swap3A_660 = tpu.vector_load %arg17[%swap3A_658, %swap3A_659] {strides = array<i32>} : memref<128x128xf32, #tpu.memory_space<vmem>>, vector<16xf32>,
        tpu.vector_store %arg17[%swap3A_658, %swap3A_659], %add3A_657 {strides = array<i32>} : memref<128x128xf32, #tpu.memory_space<vmem>>, vector<16xf32>,
        %get3A_661 = arith.index_cast %scan3A_590 : i32 to index
        %get3A_662 = arith.constant 112 : index
        %get3A_663 = tpu.vector_load %arg17[%get3A_661, %get3A_662] {strides = array<i32>} : memref<128x128xf32, #tpu.memory_space<vmem>>, vector<16xf32>,
        %get3A_664 = arith.index_cast %scan3A_590 : i32 to index
        %get3A_665 = arith.constant 112 : index
        %get3A_666 = tpu.vector_load %arg18[%get3A_664, %get3A_665] {strides = array<i32>} : memref<128x128xf32, #tpu.memory_space<vmem>>, vector<16xf32>,
        %add3A_667 = arith.addf %get3A_663, %get3A_666 : vector<16xf32>
        %swap3A_668 = arith.index_cast %scan3A_590 : i32 to index
        %swap3A_669 = arith.constant 112 : index
        %swap3A_670 = tpu.vector_load %arg17[%swap3A_668, %swap3A_669] {strides = array<i32>} : memref<128x128xf32, #tpu.memory_space<vmem>>, vector<16xf32>,
        tpu.vector_store %arg17[%swap3A_668, %swap3A_669], %add3A_667 {strides = array<i32>} : memref<128x128xf32, #tpu.memory_space<vmem>>, vector<16xf32>,
      }
      %scan3A_574 = arith.constant 128 : i32
      %mul3A_575 = arith.constant 128 : i32
      %mul3A_576 = arith.muli %add3A_307, %mul3A_575 : i32
      %dma_start3A_577 = arith.constant 0 : i32
      %dma_start3A_578 = tpu.memref_slice %arg9[%mul3A_576, %dma_start3A_577] : memref<327680x128xf32, #tpu.memory_space<hbm>> -> memref<128x128xf32, #tpu.memory_space<hbm>>
      %dma_start3A_579 = arith.constant 0 : i32
      %dma_start3A_580 = tpu.memref_slice %arg9[%mul3A_576, %dma_start3A_579] : memref<327680x128xf32, #tpu.memory_space<hbm>> -> memref<128x128xf32, #tpu.memory_space<hbm>>
      tpu.enqueue_dma source(%arg17 : memref<128x128xf32, #tpu.memory_space<vmem>>) target(%dma_start3A_580 : memref<128x128xf32, #tpu.memory_space<hbm>>) target_semaphore(%arg31 : memref<!tpu.dma_semaphore, #tpu.memory_space<semaphore_mem>>)
      %run_scoped3A_581 = arith.constant 0 : i32
      "tpu.region"() ({
        %run_scoped3A_590 = tpu.sem_alloc : memref<!tpu.dma_semaphore, #tpu.memory_space<semaphore_mem>>
        %dma_start3A_591 = tpu.memref_slice %arg10[%run_scoped3A_581, %mul3A_576] : memref<4x327680xf32, #tpu.memory_space<hbm>> -> memref<1x128xf32, #tpu.memory_space<hbm>>
        %dma_start3A_592 = tpu.memref_squeeze %dma_start3A_591 : memref<1x128xf32, #tpu.memory_space<hbm>> -> memref<128xf32, #tpu.memory_space<hbm>>
        %dma_start3A_593 = tpu.memref_slice %arg10[%run_scoped3A_581, %mul3A_576] : memref<4x327680xf32, #tpu.memory_space<hbm>> -> memref<1x128xf32, #tpu.memory_space<hbm>>
        %dma_start3A_594 = tpu.memref_squeeze %dma_start3A_593 : memref<1x128xf32, #tpu.memory_space<hbm>> -> memref<128xf32, #tpu.memory_space<hbm>>
        tpu.enqueue_dma source(%arg19 : memref<128xf32, #tpu.memory_space<vmem>>) target(%dma_start3A_594 : memref<128xf32, #tpu.memory_space<hbm>>) target_semaphore(%run_scoped3A_590 : memref<!tpu.dma_semaphore, #tpu.memory_space<semaphore_mem>>)
        %dma_wait3A_595 = tpu.memref_slice %arg10[%run_scoped3A_581, %mul3A_576] : memref<4x327680xf32, #tpu.memory_space<hbm>> -> memref<1x128xf32, #tpu.memory_space<hbm>>
        %dma_wait3A_596 = tpu.memref_squeeze %dma_wait3A_595 : memref<1x128xf32, #tpu.memory_space<hbm>> -> memref<128xf32, #tpu.memory_space<hbm>>
        %dma_wait3A_597 = tpu.memref_slice %arg10[%run_scoped3A_581, %mul3A_576] : memref<4x327680xf32, #tpu.memory_space<hbm>> -> memref<1x128xf32, #tpu.memory_space<hbm>>
        %dma_wait3A_598 = tpu.memref_squeeze %dma_wait3A_597 : memref<1x128xf32, #tpu.memory_space<hbm>> -> memref<128xf32, #tpu.memory_space<hbm>>
        tpu.wait_dma2 semaphore(%run_scoped3A_590 : memref<!tpu.dma_semaphore, #tpu.memory_space<semaphore_mem>>) src(%arg19 : memref<128xf32, #tpu.memory_space<vmem>>) dst(%dma_wait3A_598 : memref<128xf32, #tpu.memory_space<hbm>>)
        tpu.yield
      }) : () -> ()
      %run_scoped3A_582 = arith.constant 1 : i32
      "tpu.region"() ({
        %run_scoped3A_590 = tpu.sem_alloc : memref<!tpu.dma_semaphore, #tpu.memory_space<semaphore_mem>>
        %dma_start3A_591 = tpu.memref_slice %arg10[%run_scoped3A_582, %mul3A_576] : memref<4x327680xf32, #tpu.memory_space<hbm>> -> memref<1x128xf32, #tpu.memory_space<hbm>>
        %dma_start3A_592 = tpu.memref_squeeze %dma_start3A_591 : memref<1x128xf32, #tpu.memory_space<hbm>> -> memref<128xf32, #tpu.memory_space<hbm>>
        %dma_start3A_593 = tpu.memref_slice %arg10[%run_scoped3A_582, %mul3A_576] : memref<4x327680xf32, #tpu.memory_space<hbm>> -> memref<1x128xf32, #tpu.memory_space<hbm>>
        %dma_start3A_594 = tpu.memref_squeeze %dma_start3A_593 : memref<1x128xf32, #tpu.memory_space<hbm>> -> memref<128xf32, #tpu.memory_space<hbm>>
        tpu.enqueue_dma source(%arg20 : memref<128xf32, #tpu.memory_space<vmem>>) target(%dma_start3A_594 : memref<128xf32, #tpu.memory_space<hbm>>) target_semaphore(%run_scoped3A_590 : memref<!tpu.dma_semaphore, #tpu.memory_space<semaphore_mem>>)
        %dma_wait3A_595 = tpu.memref_slice %arg10[%run_scoped3A_582, %mul3A_576] : memref<4x327680xf32, #tpu.memory_space<hbm>> -> memref<1x128xf32, #tpu.memory_space<hbm>>
        %dma_wait3A_596 = tpu.memref_squeeze %dma_wait3A_595 : memref<1x128xf32, #tpu.memory_space<hbm>> -> memref<128xf32, #tpu.memory_space<hbm>>
        %dma_wait3A_597 = tpu.memref_slice %arg10[%run_scoped3A_582, %mul3A_576] : memref<4x327680xf32, #tpu.memory_space<hbm>> -> memref<1x128xf32, #tpu.memory_space<hbm>>
        %dma_wait3A_598 = tpu.memref_squeeze %dma_wait3A_597 : memref<1x128xf32, #tpu.memory_space<hbm>> -> memref<128xf32, #tpu.memory_space<hbm>>
        tpu.wait_dma2 semaphore(%run_scoped3A_590 : memref<!tpu.dma_semaphore, #tpu.memory_space<semaphore_mem>>) src(%arg20 : memref<128xf32, #tpu.memory_space<vmem>>) dst(%dma_wait3A_598 : memref<128xf32, #tpu.memory_space<hbm>>)
        tpu.yield
      }) : () -> ()
      %run_scoped3A_583 = arith.constant 2 : i32
      "tpu.region"() ({
        %run_scoped3A_590 = tpu.sem_alloc : memref<!tpu.dma_semaphore, #tpu.memory_space<semaphore_mem>>
        %dma_start3A_591 = tpu.memref_slice %arg10[%run_scoped3A_583, %mul3A_576] : memref<4x327680xf32, #tpu.memory_space<hbm>> -> memref<1x128xf32, #tpu.memory_space<hbm>>
        %dma_start3A_592 = tpu.memref_squeeze %dma_start3A_591 : memref<1x128xf32, #tpu.memory_space<hbm>> -> memref<128xf32, #tpu.memory_space<hbm>>
        %dma_start3A_593 = tpu.memref_slice %arg10[%run_scoped3A_583, %mul3A_576] : memref<4x327680xf32, #tpu.memory_space<hbm>> -> memref<1x128xf32, #tpu.memory_space<hbm>>
        %dma_start3A_594 = tpu.memref_squeeze %dma_start3A_593 : memref<1x128xf32, #tpu.memory_space<hbm>> -> memref<128xf32, #tpu.memory_space<hbm>>
        tpu.enqueue_dma source(%arg21 : memref<128xf32, #tpu.memory_space<vmem>>) target(%dma_start3A_594 : memref<128xf32, #tpu.memory_space<hbm>>) target_semaphore(%run_scoped3A_590 : memref<!tpu.dma_semaphore, #tpu.memory_space<semaphore_mem>>)
        %dma_wait3A_595 = tpu.memref_slice %arg10[%run_scoped3A_583, %mul3A_576] : memref<4x327680xf32, #tpu.memory_space<hbm>> -> memref<1x128xf32, #tpu.memory_space<hbm>>
        %dma_wait3A_596 = tpu.memref_squeeze %dma_wait3A_595 : memref<1x128xf32, #tpu.memory_space<hbm>> -> memref<128xf32, #tpu.memory_space<hbm>>
        %dma_wait3A_597 = tpu.memref_slice %arg10[%run_scoped3A_583, %mul3A_576] : memref<4x327680xf32, #tpu.memory_space<hbm>> -> memref<1x128xf32, #tpu.memory_space<hbm>>
        %dma_wait3A_598 = tpu.memref_squeeze %dma_wait3A_597 : memref<1x128xf32, #tpu.memory_space<hbm>> -> memref<128xf32, #tpu.memory_space<hbm>>
        tpu.wait_dma2 semaphore(%run_scoped3A_590 : memref<!tpu.dma_semaphore, #tpu.memory_space<semaphore_mem>>) src(%arg21 : memref<128xf32, #tpu.memory_space<vmem>>) dst(%dma_wait3A_598 : memref<128xf32, #tpu.memory_space<hbm>>)
        tpu.yield
      }) : () -> ()
      %run_scoped3A_584 = arith.constant 3 : i32
      "tpu.region"() ({
        %run_scoped3A_590 = tpu.sem_alloc : memref<!tpu.dma_semaphore, #tpu.memory_space<semaphore_mem>>
        %dma_start3A_591 = tpu.memref_slice %arg10[%run_scoped3A_584, %mul3A_576] : memref<4x327680xf32, #tpu.memory_space<hbm>> -> memref<1x128xf32, #tpu.memory_space<hbm>>
        %dma_start3A_592 = tpu.memref_squeeze %dma_start3A_591 : memref<1x128xf32, #tpu.memory_space<hbm>> -> memref<128xf32, #tpu.memory_space<hbm>>
        %dma_start3A_593 = tpu.memref_slice %arg10[%run_scoped3A_584, %mul3A_576] : memref<4x327680xf32, #tpu.memory_space<hbm>> -> memref<1x128xf32, #tpu.memory_space<hbm>>
        %dma_start3A_594 = tpu.memref_squeeze %dma_start3A_593 : memref<1x128xf32, #tpu.memory_space<hbm>> -> memref<128xf32, #tpu.memory_space<hbm>>
        tpu.enqueue_dma source(%arg22 : memref<128xf32, #tpu.memory_space<vmem>>) target(%dma_start3A_594 : memref<128xf32, #tpu.memory_space<hbm>>) target_semaphore(%run_scoped3A_590 : memref<!tpu.dma_semaphore, #tpu.memory_space<semaphore_mem>>)
        %dma_wait3A_595 = tpu.memref_slice %arg10[%run_scoped3A_584, %mul3A_576] : memref<4x327680xf32, #tpu.memory_space<hbm>> -> memref<1x128xf32, #tpu.memory_space<hbm>>
        %dma_wait3A_596 = tpu.memref_squeeze %dma_wait3A_595 : memref<1x128xf32, #tpu.memory_space<hbm>> -> memref<128xf32, #tpu.memory_space<hbm>>
        %dma_wait3A_597 = tpu.memref_slice %arg10[%run_scoped3A_584, %mul3A_576] : memref<4x327680xf32, #tpu.memory_space<hbm>> -> memref<1x128xf32, #tpu.memory_space<hbm>>
        %dma_wait3A_598 = tpu.memref_squeeze %dma_wait3A_597 : memref<1x128xf32, #tpu.memory_space<hbm>> -> memref<128xf32, #tpu.memory_space<hbm>>
        tpu.wait_dma2 semaphore(%run_scoped3A_590 : memref<!tpu.dma_semaphore, #tpu.memory_space<semaphore_mem>>) src(%arg22 : memref<128xf32, #tpu.memory_space<vmem>>) dst(%dma_wait3A_598 : memref<128xf32, #tpu.memory_space<hbm>>)
        tpu.yield
      }) : () -> ()
      %lt3A_585 = arith.constant 39 : i32
      %lt3A_586 = arith.cmpi slt, %scan3A_31, %lt3A_585 : i32
      %convert_element_type3A_587 = arith.extui %lt3A_586 : i1 to i32
      %cond3A_588 = arith.constant 0 : i32
      %cond3A_589 = arith.cmpi ne, %convert_element_type3A_587, %cond3A_588 : i32
      scf.if %cond3A_589 {
        %dma_wait3A_590 = arith.constant 0 : i32
        %dma_wait3A_591 = arith.constant 0 : i32
        %dma_wait3A_592 = tpu.memref_slice %arg9[%dma_wait3A_590, %dma_wait3A_591] : memref<327680x128xf32, #tpu.memory_space<hbm>> -> memref<128x128xf32, #tpu.memory_space<hbm>>
        %dma_wait3A_593 = arith.constant 0 : i32
        %dma_wait3A_594 = arith.constant 0 : i32
        %dma_wait3A_595 = tpu.memref_slice %arg9[%dma_wait3A_593, %dma_wait3A_594] : memref<327680x128xf32, #tpu.memory_space<hbm>> -> memref<128x128xf32, #tpu.memory_space<hbm>>
        tpu.wait_dma2 semaphore(%arg31 : memref<!tpu.dma_semaphore, #tpu.memory_space<semaphore_mem>>) src(%arg17 : memref<128x128xf32, #tpu.memory_space<vmem>>) dst(%dma_wait3A_595 : memref<128x128xf32, #tpu.memory_space<hbm>>)
        %add3A_596 = arith.constant 3 : i32
        %add3A_597 = arith.addi %add3A_34, %add3A_596 : i32
        "tpu.region"() ({
          %run_scoped3A_604 = tpu.sem_alloc : memref<!tpu.dma_semaphore, #tpu.memory_space<semaphore_mem>>
          %dma_start3A_605 = arith.constant 0 : i32
          %dma_start3A_606 = tpu.memref_slice %arg7[%add3A_597, %dma_start3A_605] : memref<2560x128xi32, #tpu.memory_space<hbm>> -> memref<1x128xi32, #tpu.memory_space<hbm>>
          %dma_start3A_607 = tpu.memref_squeeze %dma_start3A_606 : memref<1x128xi32, #tpu.memory_space<hbm>> -> memref<128xi32, #tpu.memory_space<hbm>>
          %dma_start3A_608 = arith.constant 0 : i32
          %dma_start3A_609 = tpu.memref_slice %arg7[%add3A_597, %dma_start3A_608] : memref<2560x128xi32, #tpu.memory_space<hbm>> -> memref<1x128xi32, #tpu.memory_space<hbm>>
          %dma_start3A_610 = tpu.memref_squeeze %dma_start3A_609 : memref<1x128xi32, #tpu.memory_space<hbm>> -> memref<128xi32, #tpu.memory_space<hbm>>
          tpu.enqueue_dma source(%dma_start3A_610 : memref<128xi32, #tpu.memory_space<hbm>>) target(%arg13 : memref<128xi32, #tpu.memory_space<vmem>>) target_semaphore(%run_scoped3A_604 : memref<!tpu.dma_semaphore, #tpu.memory_space<semaphore_mem>>)
          %dma_wait3A_611 = arith.constant 0 : i32
          %dma_wait3A_612 = tpu.memref_slice %arg7[%add3A_597, %dma_wait3A_611] : memref<2560x128xi32, #tpu.memory_space<hbm>> -> memref<1x128xi32, #tpu.memory_space<hbm>>
          %dma_wait3A_613 = tpu.memref_squeeze %dma_wait3A_612 : memref<1x128xi32, #tpu.memory_space<hbm>> -> memref<128xi32, #tpu.memory_space<hbm>>
          %dma_wait3A_614 = arith.constant 0 : i32
          %dma_wait3A_615 = tpu.memref_slice %arg7[%add3A_597, %dma_wait3A_614] : memref<2560x128xi32, #tpu.memory_space<hbm>> -> memref<1x128xi32, #tpu.memory_space<hbm>>
          %dma_wait3A_616 = tpu.memref_squeeze %dma_wait3A_615 : memref<1x128xi32, #tpu.memory_space<hbm>> -> memref<128xi32, #tpu.memory_space<hbm>>
          tpu.wait_dma2 semaphore(%run_scoped3A_604 : memref<!tpu.dma_semaphore, #tpu.memory_space<semaphore_mem>>) src(%dma_wait3A_616 : memref<128xi32, #tpu.memory_space<hbm>>) dst(%arg13 : memref<128xi32, #tpu.memory_space<vmem>>)
          tpu.yield
        }) : () -> ()
        "tpu.region"() ({
          %run_scoped3A_604 = tpu.sem_alloc : memref<!tpu.dma_semaphore, #tpu.memory_space<semaphore_mem>>
          %dma_start3A_605 = arith.constant 0 : i32
          %dma_start3A_606 = tpu.memref_slice %arg8[%add3A_597, %dma_start3A_605] : memref<2560x128xi32, #tpu.memory_space<hbm>> -> memref<1x128xi32, #tpu.memory_space<hbm>>
          %dma_start3A_607 = tpu.memref_squeeze %dma_start3A_606 : memref<1x128xi32, #tpu.memory_space<hbm>> -> memref<128xi32, #tpu.memory_space<hbm>>
          %dma_start3A_608 = arith.constant 0 : i32
          %dma_start3A_609 = tpu.memref_slice %arg8[%add3A_597, %dma_start3A_608] : memref<2560x128xi32, #tpu.memory_space<hbm>> -> memref<1x128xi32, #tpu.memory_space<hbm>>
          %dma_start3A_610 = tpu.memref_squeeze %dma_start3A_609 : memref<1x128xi32, #tpu.memory_space<hbm>> -> memref<128xi32, #tpu.memory_space<hbm>>
          tpu.enqueue_dma source(%dma_start3A_610 : memref<128xi32, #tpu.memory_space<hbm>>) target(%arg14 : memref<128xi32, #tpu.memory_space<vmem>>) target_semaphore(%run_scoped3A_604 : memref<!tpu.dma_semaphore, #tpu.memory_space<semaphore_mem>>)
          %dma_wait3A_611 = arith.constant 0 : i32
          %dma_wait3A_612 = tpu.memref_slice %arg8[%add3A_597, %dma_wait3A_611] : memref<2560x128xi32, #tpu.memory_space<hbm>> -> memref<1x128xi32, #tpu.memory_space<hbm>>
          %dma_wait3A_613 = tpu.memref_squeeze %dma_wait3A_612 : memref<1x128xi32, #tpu.memory_space<hbm>> -> memref<128xi32, #tpu.memory_space<hbm>>
          %dma_wait3A_614 = arith.constant 0 : i32
          %dma_wait3A_615 = tpu.memref_slice %arg8[%add3A_597, %dma_wait3A_614] : memref<2560x128xi32, #tpu.memory_space<hbm>> -> memref<1x128xi32, #tpu.memory_space<hbm>>
          %dma_wait3A_616 = tpu.memref_squeeze %dma_wait3A_615 : memref<1x128xi32, #tpu.memory_space<hbm>> -> memref<128xi32, #tpu.memory_space<hbm>>
          tpu.wait_dma2 semaphore(%run_scoped3A_604 : memref<!tpu.dma_semaphore, #tpu.memory_space<semaphore_mem>>) src(%dma_wait3A_616 : memref<128xi32, #tpu.memory_space<hbm>>) dst(%arg14 : memref<128xi32, #tpu.memory_space<vmem>>)
          tpu.yield
        }) : () -> ()
        %dma_start3A_598 = arith.constant 0 : i32
        %dma_start3A_599 = arith.constant 0 : i32
        %dma_start3A_600 = tpu.memref_slice %arg2[%dma_start3A_598, %dma_start3A_599] : memref<10000x128xf32, #tpu.memory_space<hbm>> -> memref<10000x128xf32, #tpu.memory_space<hbm>>
        tpu.enqueue_indirect_dma source(%dma_start3A_600 : memref<10000x128xf32, #tpu.memory_space<hbm>>) target(%arg17 : memref<128x128xf32, #tpu.memory_space<vmem>>) offsets(%arg13 : memref<128xi32, #tpu.memory_space<vmem>>) semaphore(%arg28 : memref<!tpu.dma_semaphore, #tpu.memory_space<semaphore_mem>>)
        %dma_start3A_601 = arith.constant 0 : i32
        %dma_start3A_602 = arith.constant 0 : i32
        %dma_start3A_603 = tpu.memref_slice %arg3[%dma_start3A_601, %dma_start3A_602] : memref<10000x128xf32, #tpu.memory_space<hbm>> -> memref<10000x128xf32, #tpu.memory_space<hbm>>
        tpu.enqueue_indirect_dma source(%dma_start3A_603 : memref<10000x128xf32, #tpu.memory_space<hbm>>) target(%arg18 : memref<128x128xf32, #tpu.memory_space<vmem>>) offsets(%arg14 : memref<128xi32, #tpu.memory_space<vmem>>) semaphore(%arg29 : memref<!tpu.dma_semaphore, #tpu.memory_space<semaphore_mem>>)
      } else {
      }
    }
    %scan3A_19 = arith.constant 40 : i32
    %dma_wait3A = arith.constant 0 : i32
    %dma_wait3A_20 = arith.constant 0 : i32
    %dma_wait3A_21 = tpu.memref_slice %arg9[%dma_wait3A, %dma_wait3A_20] : memref<327680x128xf32, #tpu.memory_space<hbm>> -> memref<128x128xf32, #tpu.memory_space<hbm>>
    %dma_wait3A_22 = arith.constant 0 : i32
    %dma_wait3A_23 = arith.constant 0 : i32
    %dma_wait3A_24 = tpu.memref_slice %arg9[%dma_wait3A_22, %dma_wait3A_23] : memref<327680x128xf32, #tpu.memory_space<hbm>> -> memref<128x128xf32, #tpu.memory_space<hbm>>
    tpu.wait_dma2 semaphore(%arg30 : memref<!tpu.dma_semaphore, #tpu.memory_space<semaphore_mem>>) src(%arg15 : memref<128x128xf32, #tpu.memory_space<vmem>>) dst(%dma_wait3A_24 : memref<128x128xf32, #tpu.memory_space<hbm>>)
    %dma_wait3A_25 = arith.constant 0 : i32
    %dma_wait3A_26 = arith.constant 0 : i32
    %dma_wait3A_27 = tpu.memref_slice %arg9[%dma_wait3A_25, %dma_wait3A_26] : memref<327680x128xf32, #tpu.memory_space<hbm>> -> memref<128x128xf32, #tpu.memory_space<hbm>>
    %dma_wait3A_28 = arith.constant 0 : i32
    %dma_wait3A_29 = arith.constant 0 : i32
    %dma_wait3A_30 = tpu.memref_slice %arg9[%dma_wait3A_28, %dma_wait3A_29] : memref<327680x128xf32, #tpu.memory_space<hbm>> -> memref<128x128xf32, #tpu.memory_space<hbm>>
    tpu.wait_dma2 semaphore(%arg31 : memref<!tpu.dma_semaphore, #tpu.memory_space<semaphore_mem>>) src(%arg17 : memref<128x128xf32, #tpu.memory_space<vmem>>) dst(%dma_wait3A_30 : memref<128x128xf32, #tpu.memory_space<hbm>>)
    return
  }
}

module attributes {stable_mosaic.version = 14 : i64} {
  func.func @_precompute_body(%arg0: memref<10000x128xf32, #tpu.memory_space<vmem>>, %arg1: memref<10000x16xf32, #tpu.memory_space<vmem>>, %arg2: memref<128x128xf32, #tpu.memory_space<vmem>>, %arg3: memref<1x128xf32, #tpu.memory_space<vmem>>, %arg4: memref<16x128xf32, #tpu.memory_space<vmem>>, %arg5: memref<1x128xf32, #tpu.memory_space<vmem>>, %arg6: memref<128x128xf32, #tpu.memory_space<vmem>>, %arg7: memref<128x128xf32, #tpu.memory_space<vmem>>, %arg8: memref<1x128xf32, #tpu.memory_space<vmem>>, %arg9: memref<10000x128xf32, #tpu.memory_space<vmem>>, %arg10: memref<10000x128xf32, #tpu.memory_space<vmem>>, %arg11: memref<10000x128xf32, #tpu.memory_space<vmem>>) attributes {dimension_semantics = [], scalar_prefetch = 0 : i64, scratch_operands = 0 : i64, tpu.core_type = #tpu.core_type<tc>} {
    %get3A = arith.constant 0 : index
    %get3A_0 = arith.constant 0 : index
    %get3A_1 = vector.load %arg0[%get3A, %get3A_0] : memref<10000x128xf32, #tpu.memory_space<vmem>>, vector<10000x128xf32>
    %get3A_2 = arith.constant 0 : index
    %get3A_3 = arith.constant 0 : index
    %get3A_4 = vector.load %arg2[%get3A_2, %get3A_3] : memref<128x128xf32, #tpu.memory_space<vmem>>, vector<128x128xf32>
    %dot_general3A = arith.constant dense<0.000000e+00> : vector<10000x128xf32>
    %dot_general3A_5 = tpu.matmul %get3A_1, %get3A_4, %dot_general3A {dimension_numbers = #tpu.dot_dimension_numbers<[1], [0], [0], [1], [0, 0, 1, 1], [], []>, transpose_lhs_hint = false} : vector<10000x128xf32>, vector<128x128xf32>, vector<10000x128xf32> -> vector<10000x128xf32>
    %get3A_6 = arith.constant 0 : index
    %get3A_7 = arith.constant 0 : index
    %get3A_8 = vector.load %arg3[%get3A_6, %get3A_7] : memref<1x128xf32, #tpu.memory_space<vmem>>, vector<1x128xf32>
    %add3A = vector.broadcast %get3A_8 : vector<1x128xf32> to vector<10000x128xf32>
    %add3A_9 = arith.addf %dot_general3A_5, %add3A : vector<10000x128xf32>
    %get3A_10 = arith.constant 0 : index
    %get3A_11 = arith.constant 0 : index
    %get3A_12 = vector.load %arg1[%get3A_10, %get3A_11] : memref<10000x16xf32, #tpu.memory_space<vmem>>, vector<10000x16xf32>
    %get3A_13 = arith.constant 0 : index
    %get3A_14 = arith.constant 0 : index
    %get3A_15 = vector.load %arg4[%get3A_13, %get3A_14] : memref<16x128xf32, #tpu.memory_space<vmem>>, vector<16x128xf32>
    %dot_general3A_16 = arith.constant dense<0.000000e+00> : vector<10000x128xf32>
    %dot_general3A_17 = tpu.matmul %get3A_12, %get3A_15, %dot_general3A_16 {dimension_numbers = #tpu.dot_dimension_numbers<[1], [0], [0], [1], [0, 0, 1, 1], [], []>, transpose_lhs_hint = false} : vector<10000x16xf32>, vector<16x128xf32>, vector<10000x128xf32> -> vector<10000x128xf32>
    %add3A_18 = arith.addf %add3A_9, %dot_general3A_17 : vector<10000x128xf32>
    %get3A_19 = arith.constant 0 : index
    %get3A_20 = arith.constant 0 : index
    %get3A_21 = vector.load %arg5[%get3A_19, %get3A_20] : memref<1x128xf32, #tpu.memory_space<vmem>>, vector<1x128xf32>
    %add3A_22 = vector.broadcast %get3A_21 : vector<1x128xf32> to vector<10000x128xf32>
    %add3A_23 = arith.addf %add3A_18, %add3A_22 : vector<10000x128xf32>
    %swap3A = arith.constant 0 : index
    %swap3A_24 = arith.constant 0 : index
    %swap3A_25 = vector.load %arg9[%swap3A, %swap3A_24] : memref<10000x128xf32, #tpu.memory_space<vmem>>, vector<10000x128xf32>
    tpu.vector_store %arg9[%swap3A, %swap3A_24], %add3A_23 {strides = array<i32>} : memref<10000x128xf32, #tpu.memory_space<vmem>>, vector<10000x128xf32>,
    %get3A_26 = arith.constant 0 : index
    %get3A_27 = arith.constant 0 : index
    %get3A_28 = vector.load %arg6[%get3A_26, %get3A_27] : memref<128x128xf32, #tpu.memory_space<vmem>>, vector<128x128xf32>
    %dot_general3A_29 = arith.constant dense<0.000000e+00> : vector<10000x128xf32>
    %dot_general3A_30 = tpu.matmul %add3A_23, %get3A_28, %dot_general3A_29 {dimension_numbers = #tpu.dot_dimension_numbers<[1], [0], [0], [1], [0, 0, 1, 1], [], []>, transpose_lhs_hint = false} : vector<10000x128xf32>, vector<128x128xf32>, vector<10000x128xf32> -> vector<10000x128xf32>
    %get3A_31 = arith.constant 0 : index
    %get3A_32 = arith.constant 0 : index
    %get3A_33 = vector.load %arg8[%get3A_31, %get3A_32] : memref<1x128xf32, #tpu.memory_space<vmem>>, vector<1x128xf32>
    %add3A_34 = vector.broadcast %get3A_33 : vector<1x128xf32> to vector<10000x128xf32>
    %add3A_35 = arith.addf %dot_general3A_30, %add3A_34 : vector<10000x128xf32>
    %swap3A_36 = arith.constant 0 : index
    %swap3A_37 = arith.constant 0 : index
    %swap3A_38 = vector.load %arg10[%swap3A_36, %swap3A_37] : memref<10000x128xf32, #tpu.memory_space<vmem>>, vector<10000x128xf32>
    tpu.vector_store %arg10[%swap3A_36, %swap3A_37], %add3A_35 {strides = array<i32>} : memref<10000x128xf32, #tpu.memory_space<vmem>>, vector<10000x128xf32>,
    %get3A_39 = arith.constant 0 : index
    %get3A_40 = arith.constant 0 : index
    %get3A_41 = vector.load %arg7[%get3A_39, %get3A_40] : memref<128x128xf32, #tpu.memory_space<vmem>>, vector<128x128xf32>
    %dot_general3A_42 = arith.constant dense<0.000000e+00> : vector<10000x128xf32>
    %dot_general3A_43 = tpu.matmul %add3A_23, %get3A_41, %dot_general3A_42 {dimension_numbers = #tpu.dot_dimension_numbers<[1], [0], [0], [1], [0, 0, 1, 1], [], []>, transpose_lhs_hint = false} : vector<10000x128xf32>, vector<128x128xf32>, vector<10000x128xf32> -> vector<10000x128xf32>
    %swap3A_44 = arith.constant 0 : index
    %swap3A_45 = arith.constant 0 : index
    %swap3A_46 = vector.load %arg11[%swap3A_44, %swap3A_45] : memref<10000x128xf32, #tpu.memory_space<vmem>>, vector<10000x128xf32>
    tpu.vector_store %arg11[%swap3A_44, %swap3A_45], %dot_general3A_43 {strides = array<i32>} : memref<10000x128xf32, #tpu.memory_space<vmem>>, vector<10000x128xf32>,
    return
  }
}

module attributes {stable_mosaic.version = 14 : i64} {
  func.func @_edge_body(%arg0: i32, %arg1: memref<5120x128xf32, #tpu.memory_space<vmem>>, %arg2: memref<4x5120xf32, #tpu.memory_space<vmem>>, %arg3: memref<1x128xf32, #tpu.memory_space<vmem>>, %arg4: memref<128x128xf32, #tpu.memory_space<vmem>>, %arg5: memref<1x128xf32, #tpu.memory_space<vmem>>, %arg6: memref<128x128xf32, #tpu.memory_space<vmem>>, %arg7: memref<1x128xf32, #tpu.memory_space<vmem>>, %arg8: memref<1x128xf32, #tpu.memory_space<vmem>>, %arg9: memref<4x128xf32, #tpu.memory_space<vmem>>, %arg10: memref<1x128xf32, #tpu.memory_space<vmem>>, %arg11: memref<5120x128xf32, #tpu.memory_space<vmem>>, %arg12: memref<5120x128xf32, #tpu.memory_space<vmem>>) attributes {dimension_semantics = [#tpu.dimension_semantics<arbitrary>], iteration_bounds = array<i64: 64>, scalar_prefetch = 0 : i64, scratch_operands = 0 : i64, tpu.core_type = #tpu.core_type<tc>, window_params = [{transform_indices = @transform_0, window_bounds = array<i64: 5120, 128>}, {transform_indices = @transform_1, window_bounds = array<i64: 4, 5120>}, {pipeline_mode = #tpu.pipeline_mode<synchronous>, transform_indices = @transform_2, window_bounds = array<i64: 1, 128>}, {pipeline_mode = #tpu.pipeline_mode<synchronous>, transform_indices = @transform_3, window_bounds = array<i64: 128, 128>}, {pipeline_mode = #tpu.pipeline_mode<synchronous>, transform_indices = @transform_4, window_bounds = array<i64: 1, 128>}, {pipeline_mode = #tpu.pipeline_mode<synchronous>, transform_indices = @transform_5, window_bounds = array<i64: 128, 128>}, {pipeline_mode = #tpu.pipeline_mode<synchronous>, transform_indices = @transform_6, window_bounds = array<i64: 1, 128>}, {pipeline_mode = #tpu.pipeline_mode<synchronous>, transform_indices = @transform_7, window_bounds = array<i64: 1, 128>}, {pipeline_mode = #tpu.pipeline_mode<synchronous>, transform_indices = @transform_8, window_bounds = array<i64: 4, 128>}, {pipeline_mode = #tpu.pipeline_mode<synchronous>, transform_indices = @transform_9, window_bounds = array<i64: 1, 128>}, {transform_indices = @transform_10, window_bounds = array<i64: 5120, 128>}, {transform_indices = @transform_11, window_bounds = array<i64: 5120, 128>}]} {
    %get3A = arith.constant 0 : index
    %get3A_0 = arith.constant 0 : index
    %get3A_1 = vector.load %arg2[%get3A, %get3A_0] : memref<4x5120xf32, #tpu.memory_space<vmem>>, vector<4x5120xf32>
    %transpose3A = tpu.transpose %get3A_1, [1, 0] : vector<4x5120xf32> -> vector<5120x4xf32>
    %slice3A = vector.extract_strided_slice %transpose3A {offsets = [0, 3], sizes = [5120, 1], strides = [1, 1]} : vector<5120x4xf32> to vector<5120x1xf32>
    %get3A_2 = arith.constant 0 : index
    %get3A_3 = arith.constant 0 : index
    %get3A_4 = vector.load %arg1[%get3A_2, %get3A_3] : memref<5120x128xf32, #tpu.memory_space<vmem>>, vector<5120x128xf32>
    %get3A_5 = arith.constant 0 : index
    %get3A_6 = arith.constant 0 : index
    %get3A_7 = vector.load %arg3[%get3A_5, %get3A_6] : memref<1x128xf32, #tpu.memory_space<vmem>>, vector<1x128xf32>
    %mul3A = vector.broadcast %slice3A : vector<5120x1xf32> to vector<5120x128xf32>
    %mul3A_8 = vector.broadcast %get3A_7 : vector<1x128xf32> to vector<5120x128xf32>
    %mul3A_9 = arith.mulf %mul3A, %mul3A_8 : vector<5120x128xf32>
    %add3A = arith.addf %get3A_4, %mul3A_9 : vector<5120x128xf32>
    %logistic3A = arith.negf %add3A : vector<5120x128xf32>
    %logistic3A_10 = math.exp %logistic3A : vector<5120x128xf32>
    %logistic3A_11 = arith.constant 1.000000e+00 : f32
    %logistic3A_12 = vector.broadcast %logistic3A_11 : f32 to vector<5120x128xf32>
    %logistic3A_13 = arith.addf %logistic3A_12, %logistic3A_10 : vector<5120x128xf32>
    %logistic3A_14 = arith.divf %logistic3A_12, %logistic3A_13 : vector<5120x128xf32>
    %mul3A_15 = arith.mulf %add3A, %logistic3A_14 : vector<5120x128xf32>
    %get3A_16 = arith.constant 0 : index
    %get3A_17 = arith.constant 0 : index
    %get3A_18 = vector.load %arg4[%get3A_16, %get3A_17] : memref<128x128xf32, #tpu.memory_space<vmem>>, vector<128x128xf32>
    %dot_general3A = arith.constant dense<0.000000e+00> : vector<5120x128xf32>
    %dot_general3A_19 = tpu.matmul %mul3A_15, %get3A_18, %dot_general3A {dimension_numbers = #tpu.dot_dimension_numbers<[1], [0], [0], [1], [0, 0, 1, 1], [], []>, transpose_lhs_hint = false} : vector<5120x128xf32>, vector<128x128xf32>, vector<5120x128xf32> -> vector<5120x128xf32>
    %get3A_20 = arith.constant 0 : index
    %get3A_21 = arith.constant 0 : index
    %get3A_22 = vector.load %arg5[%get3A_20, %get3A_21] : memref<1x128xf32, #tpu.memory_space<vmem>>, vector<1x128xf32>
    %add3A_23 = vector.broadcast %get3A_22 : vector<1x128xf32> to vector<5120x128xf32>
    %add3A_24 = arith.addf %dot_general3A_19, %add3A_23 : vector<5120x128xf32>
    %logistic3A_25 = arith.negf %add3A_24 : vector<5120x128xf32>
    %logistic3A_26 = math.exp %logistic3A_25 : vector<5120x128xf32>
    %logistic3A_27 = arith.constant 1.000000e+00 : f32
    %logistic3A_28 = vector.broadcast %logistic3A_27 : f32 to vector<5120x128xf32>
    %logistic3A_29 = arith.addf %logistic3A_28, %logistic3A_26 : vector<5120x128xf32>
    %logistic3A_30 = arith.divf %logistic3A_28, %logistic3A_29 : vector<5120x128xf32>
    %mul3A_31 = arith.mulf %add3A_24, %logistic3A_30 : vector<5120x128xf32>
    %get3A_32 = arith.constant 0 : index
    %get3A_33 = arith.constant 0 : index
    %get3A_34 = vector.load %arg6[%get3A_32, %get3A_33] : memref<128x128xf32, #tpu.memory_space<vmem>>, vector<128x128xf32>
    %dot_general3A_35 = arith.constant dense<0.000000e+00> : vector<5120x128xf32>
    %dot_general3A_36 = tpu.matmul %mul3A_31, %get3A_34, %dot_general3A_35 {dimension_numbers = #tpu.dot_dimension_numbers<[1], [0], [0], [1], [0, 0, 1, 1], [], []>, transpose_lhs_hint = false} : vector<5120x128xf32>, vector<128x128xf32>, vector<5120x128xf32> -> vector<5120x128xf32>
    %get3A_37 = arith.constant 0 : index
    %get3A_38 = arith.constant 0 : index
    %get3A_39 = vector.load %arg7[%get3A_37, %get3A_38] : memref<1x128xf32, #tpu.memory_space<vmem>>, vector<1x128xf32>
    %add3A_40 = vector.broadcast %get3A_39 : vector<1x128xf32> to vector<5120x128xf32>
    %add3A_41 = arith.addf %dot_general3A_36, %add3A_40 : vector<5120x128xf32>
    %logistic3A_42 = arith.negf %add3A_41 : vector<5120x128xf32>
    %logistic3A_43 = math.exp %logistic3A_42 : vector<5120x128xf32>
    %logistic3A_44 = arith.constant 1.000000e+00 : f32
    %logistic3A_45 = vector.broadcast %logistic3A_44 : f32 to vector<5120x128xf32>
    %logistic3A_46 = arith.addf %logistic3A_45, %logistic3A_43 : vector<5120x128xf32>
    %logistic3A_47 = arith.divf %logistic3A_45, %logistic3A_46 : vector<5120x128xf32>
    %mul3A_48 = arith.mulf %add3A_41, %logistic3A_47 : vector<5120x128xf32>
    %get3A_49 = arith.constant 0 : index
    %get3A_50 = arith.constant 0 : index
    %get3A_51 = vector.load %arg8[%get3A_49, %get3A_50] : memref<1x128xf32, #tpu.memory_space<vmem>>, vector<1x128xf32>
    %mul3A_52 = vector.broadcast %get3A_51 : vector<1x128xf32> to vector<5120x128xf32>
    %mul3A_53 = arith.mulf %mul3A_48, %mul3A_52 : vector<5120x128xf32>
    %reduce_sum3A = arith.constant dense<0.000000e+00> : vector<5120xf32>
    %reduce_sum3A_54 = vector.multi_reduction <add>, %mul3A_53, %reduce_sum3A [1] : vector<5120x128xf32> to vector<5120xf32>
    %broadcast_in_dim3A = vector.shape_cast %reduce_sum3A_54 : vector<5120xf32> to vector<5120x1xf32>
    %jit3A = arith.constant -1.000000e+00 : f32
    %jit3A_55 = arith.constant 1.000000e+00 : f32
    %max3A = vector.broadcast %jit3A : f32 to vector<5120x1xf32>
    %max3A_56 = arith.maximumf %max3A, %broadcast_in_dim3A : vector<5120x1xf32>
    %min3A = vector.broadcast %jit3A_55 : f32 to vector<5120x1xf32>
    %min3A_57 = arith.minimumf %min3A, %max3A_56 : vector<5120x1xf32>
    %swap3A = arith.constant 0 : index
    %swap3A_58 = arith.constant 0 : index
    %swap3A_59 = vector.load %arg11[%swap3A, %swap3A_58] : memref<5120x128xf32, #tpu.memory_space<vmem>>, vector<5120x128xf32>
    tpu.vector_store %arg11[%swap3A, %swap3A_58], %mul3A_31 {strides = array<i32>} : memref<5120x128xf32, #tpu.memory_space<vmem>>, vector<5120x128xf32>,
    %get3A_60 = arith.constant 0 : index
    %get3A_61 = arith.constant 0 : index
    %get3A_62 = vector.load %arg9[%get3A_60, %get3A_61] : memref<4x128xf32, #tpu.memory_space<vmem>>, vector<4x128xf32>
    %dot_general3A_63 = arith.constant dense<0.000000e+00> : vector<5120x128xf32>
    %dot_general3A_64 = tpu.matmul %transpose3A, %get3A_62, %dot_general3A_63 {dimension_numbers = #tpu.dot_dimension_numbers<[1], [0], [0], [1], [0, 0, 1, 1], [], []>, transpose_lhs_hint = false} : vector<5120x4xf32>, vector<4x128xf32>, vector<5120x128xf32> -> vector<5120x128xf32>
    %mul3A_65 = vector.broadcast %min3A_57 : vector<5120x1xf32> to vector<5120x128xf32>
    %mul3A_66 = arith.mulf %mul3A_65, %dot_general3A_64 : vector<5120x128xf32>
    %get3A_67 = arith.constant 0 : index
    %get3A_68 = arith.constant 0 : index
    %get3A_69 = vector.load %arg10[%get3A_67, %get3A_68] : memref<1x128xf32, #tpu.memory_space<vmem>>, vector<1x128xf32>
    %add3A_70 = vector.broadcast %get3A_69 : vector<1x128xf32> to vector<5120x128xf32>
    %add3A_71 = arith.addf %mul3A_66, %add3A_70 : vector<5120x128xf32>
    %swap3A_72 = arith.constant 0 : index
    %swap3A_73 = arith.constant 0 : index
    %swap3A_74 = vector.load %arg12[%swap3A_72, %swap3A_73] : memref<5120x128xf32, #tpu.memory_space<vmem>>, vector<5120x128xf32>
    tpu.vector_store %arg12[%swap3A_72, %swap3A_73], %add3A_71 {strides = array<i32>} : memref<5120x128xf32, #tpu.memory_space<vmem>>, vector<5120x128xf32>,
    return
  }
  func.func @transform_0(%arg0: i32) -> (i32, i32) {
    %c0_i32 = arith.constant 0 : i32
    %c0_i32_0 = arith.constant 0 : i32
    return %arg0, %c0_i32 : i32, i32
  }
  func.func @transform_1(%arg0: i32) -> (i32, i32) {
    %c0_i32 = arith.constant 0 : i32
    %c0_i32_0 = arith.constant 0 : i32
    return %c0_i32, %arg0 : i32, i32
  }
  func.func @transform_2(%arg0: i32) -> (i32, i32) {
    %c0_i32 = arith.constant 0 : i32
    %c0_i32_0 = arith.constant 0 : i32
    %c0_i32_1 = arith.constant 0 : i32
    return %c0_i32, %c0_i32_0 : i32, i32
  }
  func.func @transform_3(%arg0: i32) -> (i32, i32) {
    %c0_i32 = arith.constant 0 : i32
    %c0_i32_0 = arith.constant 0 : i32
    %c0_i32_1 = arith.constant 0 : i32
    return %c0_i32, %c0_i32_0 : i32, i32
  }
  func.func @transform_4(%arg0: i32) -> (i32, i32) {
    %c0_i32 = arith.constant 0 : i32
    %c0_i32_0 = arith.constant 0 : i32
    %c0_i32_1 = arith.constant 0 : i32
    return %c0_i32, %c0_i32_0 : i32, i32
  }
  func.func @transform_5(%arg0: i32) -> (i32, i32) {
    %c0_i32 = arith.constant 0 : i32
    %c0_i32_0 = arith.constant 0 : i32
    %c0_i32_1 = arith.constant 0 : i32
    return %c0_i32, %c0_i32_0 : i32, i32
  }
  func.func @transform_6(%arg0: i32) -> (i32, i32) {
    %c0_i32 = arith.constant 0 : i32
    %c0_i32_0 = arith.constant 0 : i32
    %c0_i32_1 = arith.constant 0 : i32
    return %c0_i32, %c0_i32_0 : i32, i32
  }
  func.func @transform_7(%arg0: i32) -> (i32, i32) {
    %c0_i32 = arith.constant 0 : i32
    %c0_i32_0 = arith.constant 0 : i32
    %c0_i32_1 = arith.constant 0 : i32
    return %c0_i32, %c0_i32_0 : i32, i32
  }
  func.func @transform_8(%arg0: i32) -> (i32, i32) {
    %c0_i32 = arith.constant 0 : i32
    %c0_i32_0 = arith.constant 0 : i32
    %c0_i32_1 = arith.constant 0 : i32
    return %c0_i32, %c0_i32_0 : i32, i32
  }
  func.func @transform_9(%arg0: i32) -> (i32, i32) {
    %c0_i32 = arith.constant 0 : i32
    %c0_i32_0 = arith.constant 0 : i32
    %c0_i32_1 = arith.constant 0 : i32
    return %c0_i32, %c0_i32_0 : i32, i32
  }
  func.func @transform_10(%arg0: i32) -> (i32, i32) {
    %c0_i32 = arith.constant 0 : i32
    %c0_i32_0 = arith.constant 0 : i32
    return %arg0, %c0_i32 : i32, i32
  }
  func.func @transform_11(%arg0: i32) -> (i32, i32) {
    %c0_i32 = arith.constant 0 : i32
    %c0_i32_0 = arith.constant 0 : i32
    return %arg0, %c0_i32 : i32, i32
  }
}

module attributes {stable_mosaic.version = 14 : i64} {
  func.func @_node_mid_body(%arg0: memref<10000x128xf32, #tpu.memory_space<vmem>>, %arg1: memref<10000x128xf32, #tpu.memory_space<vmem>>, %arg2: memref<10000x16xf32, #tpu.memory_space<vmem>>, %arg3: memref<10000x16xf32, #tpu.memory_space<vmem>>, %arg4: memref<128x128xf32, #tpu.memory_space<vmem>>, %arg5: memref<128x128xf32, #tpu.memory_space<vmem>>, %arg6: memref<1x128xf32, #tpu.memory_space<vmem>>, %arg7: memref<128x128xf32, #tpu.memory_space<vmem>>, %arg8: memref<1x128xf32, #tpu.memory_space<vmem>>, %arg9: memref<1x128xf32, #tpu.memory_space<vmem>>, %arg10: memref<1x128xf32, #tpu.memory_space<vmem>>, %arg11: memref<128x128xf32, #tpu.memory_space<vmem>>, %arg12: memref<128x128xf32, #tpu.memory_space<vmem>>, %arg13: memref<1x128xf32, #tpu.memory_space<vmem>>, %arg14: memref<10000x128xf32, #tpu.memory_space<vmem>>, %arg15: memref<10000x16xf32, #tpu.memory_space<vmem>>, %arg16: memref<10000x128xf32, #tpu.memory_space<vmem>>, %arg17: memref<10000x128xf32, #tpu.memory_space<vmem>>) attributes {dimension_semantics = [], scalar_prefetch = 0 : i64, scratch_operands = 0 : i64, tpu.core_type = #tpu.core_type<tc>} {
    %get3A = arith.constant 0 : index
    %get3A_0 = arith.constant 0 : index
    %get3A_1 = vector.load %arg0[%get3A, %get3A_0] : memref<10000x128xf32, #tpu.memory_space<vmem>>, vector<10000x128xf32>
    %get3A_2 = arith.constant 0 : index
    %get3A_3 = arith.constant 0 : index
    %get3A_4 = vector.load %arg1[%get3A_2, %get3A_3] : memref<10000x128xf32, #tpu.memory_space<vmem>>, vector<10000x128xf32>
    %get3A_5 = arith.constant 0 : index
    %get3A_6 = arith.constant 0 : index
    %get3A_7 = vector.load %arg4[%get3A_5, %get3A_6] : memref<128x128xf32, #tpu.memory_space<vmem>>, vector<128x128xf32>
    %dot_general3A = arith.constant dense<0.000000e+00> : vector<10000x128xf32>
    %dot_general3A_8 = tpu.matmul %get3A_1, %get3A_7, %dot_general3A {dimension_numbers = #tpu.dot_dimension_numbers<[1], [0], [0], [1], [0, 0, 1, 1], [], []>, transpose_lhs_hint = false} : vector<10000x128xf32>, vector<128x128xf32>, vector<10000x128xf32> -> vector<10000x128xf32>
    %get3A_9 = arith.constant 0 : index
    %get3A_10 = arith.constant 0 : index
    %get3A_11 = vector.load %arg5[%get3A_9, %get3A_10] : memref<128x128xf32, #tpu.memory_space<vmem>>, vector<128x128xf32>
    %dot_general3A_12 = arith.constant dense<0.000000e+00> : vector<10000x128xf32>
    %dot_general3A_13 = tpu.matmul %get3A_4, %get3A_11, %dot_general3A_12 {dimension_numbers = #tpu.dot_dimension_numbers<[1], [0], [0], [1], [0, 0, 1, 1], [], []>, transpose_lhs_hint = false} : vector<10000x128xf32>, vector<128x128xf32>, vector<10000x128xf32> -> vector<10000x128xf32>
    %add3A = arith.addf %dot_general3A_8, %dot_general3A_13 : vector<10000x128xf32>
    %get3A_14 = arith.constant 0 : index
    %get3A_15 = arith.constant 0 : index
    %get3A_16 = vector.load %arg6[%get3A_14, %get3A_15] : memref<1x128xf32, #tpu.memory_space<vmem>>, vector<1x128xf32>
    %add3A_17 = vector.broadcast %get3A_16 : vector<1x128xf32> to vector<10000x128xf32>
    %add3A_18 = arith.addf %add3A, %add3A_17 : vector<10000x128xf32>
    %logistic3A = arith.negf %add3A_18 : vector<10000x128xf32>
    %logistic3A_19 = math.exp %logistic3A : vector<10000x128xf32>
    %logistic3A_20 = arith.constant 1.000000e+00 : f32
    %logistic3A_21 = vector.broadcast %logistic3A_20 : f32 to vector<10000x128xf32>
    %logistic3A_22 = arith.addf %logistic3A_21, %logistic3A_19 : vector<10000x128xf32>
    %logistic3A_23 = arith.divf %logistic3A_21, %logistic3A_22 : vector<10000x128xf32>
    %mul3A = arith.mulf %add3A_18, %logistic3A_23 : vector<10000x128xf32>
    %get3A_24 = arith.constant 0 : index
    %get3A_25 = arith.constant 0 : index
    %get3A_26 = vector.load %arg7[%get3A_24, %get3A_25] : memref<128x128xf32, #tpu.memory_space<vmem>>, vector<128x128xf32>
    %dot_general3A_27 = arith.constant dense<0.000000e+00> : vector<10000x128xf32>
    %dot_general3A_28 = tpu.matmul %mul3A, %get3A_26, %dot_general3A_27 {dimension_numbers = #tpu.dot_dimension_numbers<[1], [0], [0], [1], [0, 0, 1, 1], [], []>, transpose_lhs_hint = false} : vector<10000x128xf32>, vector<128x128xf32>, vector<10000x128xf32> -> vector<10000x128xf32>
    %get3A_29 = arith.constant 0 : index
    %get3A_30 = arith.constant 0 : index
    %get3A_31 = vector.load %arg8[%get3A_29, %get3A_30] : memref<1x128xf32, #tpu.memory_space<vmem>>, vector<1x128xf32>
    %add3A_32 = vector.broadcast %get3A_31 : vector<1x128xf32> to vector<10000x128xf32>
    %add3A_33 = arith.addf %dot_general3A_28, %add3A_32 : vector<10000x128xf32>
    %get3A_34 = arith.constant 0 : index
    %get3A_35 = arith.constant 0 : index
    %get3A_36 = vector.load %arg9[%get3A_34, %get3A_35] : memref<1x128xf32, #tpu.memory_space<vmem>>, vector<1x128xf32>
    %get3A_37 = arith.constant 0 : index
    %get3A_38 = arith.constant 0 : index
    %get3A_39 = vector.load %arg10[%get3A_37, %get3A_38] : memref<1x128xf32, #tpu.memory_space<vmem>>, vector<1x128xf32>
    %reduce_sum3A = arith.constant dense<0.000000e+00> : vector<10000xf32>
    %reduce_sum3A_40 = vector.multi_reduction <add>, %add3A_33, %reduce_sum3A [1] : vector<10000x128xf32> to vector<10000xf32>
    %broadcast_in_dim3A = vector.shape_cast %reduce_sum3A_40 : vector<10000xf32> to vector<10000x1xf32>
    %div3A = arith.constant 1.280000e+02 : f32
    %div3A_41 = vector.broadcast %div3A : f32 to vector<10000x1xf32>
    %div3A_42 = arith.divf %broadcast_in_dim3A, %div3A_41 : vector<10000x1xf32>
    %sub3A = vector.broadcast %div3A_42 : vector<10000x1xf32> to vector<10000x128xf32>
    %sub3A_43 = arith.subf %add3A_33, %sub3A : vector<10000x128xf32>
    %integer_pow3A = arith.mulf %sub3A_43, %sub3A_43 : vector<10000x128xf32>
    %reduce_sum3A_44 = arith.constant dense<0.000000e+00> : vector<10000xf32>
    %reduce_sum3A_45 = vector.multi_reduction <add>, %integer_pow3A, %reduce_sum3A_44 [1] : vector<10000x128xf32> to vector<10000xf32>
    %broadcast_in_dim3A_46 = vector.shape_cast %reduce_sum3A_45 : vector<10000xf32> to vector<10000x1xf32>
    %div3A_47 = arith.constant 1.280000e+02 : f32
    %div3A_48 = vector.broadcast %div3A_47 : f32 to vector<10000x1xf32>
    %div3A_49 = arith.divf %broadcast_in_dim3A_46, %div3A_48 : vector<10000x1xf32>
    %sub3A_50 = vector.broadcast %div3A_42 : vector<10000x1xf32> to vector<10000x128xf32>
    %sub3A_51 = arith.subf %add3A_33, %sub3A_50 : vector<10000x128xf32>
    %add3A_52 = arith.constant 9.99999974E-6 : f32
    %add3A_53 = vector.broadcast %add3A_52 : f32 to vector<10000x1xf32>
    %add3A_54 = arith.addf %div3A_49, %add3A_53 : vector<10000x1xf32>
    %rsqrt3A = math.rsqrt %add3A_54 : vector<10000x1xf32>
    %mul3A_55 = vector.broadcast %rsqrt3A : vector<10000x1xf32> to vector<10000x128xf32>
    %mul3A_56 = arith.mulf %sub3A_51, %mul3A_55 : vector<10000x128xf32>
    %mul3A_57 = vector.broadcast %get3A_36 : vector<1x128xf32> to vector<10000x128xf32>
    %mul3A_58 = arith.mulf %mul3A_56, %mul3A_57 : vector<10000x128xf32>
    %add3A_59 = vector.broadcast %get3A_39 : vector<1x128xf32> to vector<10000x128xf32>
    %add3A_60 = arith.addf %mul3A_58, %add3A_59 : vector<10000x128xf32>
    %swap3A = arith.constant 0 : index
    %swap3A_61 = arith.constant 0 : index
    %swap3A_62 = vector.load %arg14[%swap3A, %swap3A_61] : memref<10000x128xf32, #tpu.memory_space<vmem>>, vector<10000x128xf32>
    tpu.vector_store %arg14[%swap3A, %swap3A_61], %add3A_60 {strides = array<i32>} : memref<10000x128xf32, #tpu.memory_space<vmem>>, vector<10000x128xf32>,
    %get3A_63 = arith.constant 0 : index
    %get3A_64 = arith.constant 0 : index
    %get3A_65 = vector.load %arg2[%get3A_63, %get3A_64] : memref<10000x16xf32, #tpu.memory_space<vmem>>, vector<10000x16xf32>
    %get3A_66 = arith.constant 0 : index
    %get3A_67 = arith.constant 0 : index
    %get3A_68 = vector.load %arg3[%get3A_66, %get3A_67] : memref<10000x16xf32, #tpu.memory_space<vmem>>, vector<10000x16xf32>
    %slice3A = vector.extract_strided_slice %get3A_65 {offsets = [0, 3], sizes = [10000, 1], strides = [1, 1]} : vector<10000x16xf32> to vector<10000x1xf32>
    %add3A_69 = arith.constant 9.99999997E-7 : f32
    %add3A_70 = vector.broadcast %add3A_69 : f32 to vector<10000x1xf32>
    %add3A_71 = arith.addf %slice3A, %add3A_70 : vector<10000x1xf32>
    %div3A_72 = vector.broadcast %add3A_71 : vector<10000x1xf32> to vector<10000x16xf32>
    %div3A_73 = arith.divf %get3A_65, %div3A_72 : vector<10000x16xf32>
    %add3A_74 = arith.addf %get3A_68, %div3A_73 : vector<10000x16xf32>
    %swap3A_75 = arith.constant 0 : index
    %swap3A_76 = arith.constant 0 : index
    %swap3A_77 = vector.load %arg15[%swap3A_75, %swap3A_76] : memref<10000x16xf32, #tpu.memory_space<vmem>>, vector<10000x16xf32>
    tpu.vector_store %arg15[%swap3A_75, %swap3A_76], %add3A_74 {strides = array<i32>} : memref<10000x16xf32, #tpu.memory_space<vmem>>, vector<10000x16xf32>,
    %get3A_78 = arith.constant 0 : index
    %get3A_79 = arith.constant 0 : index
    %get3A_80 = vector.load %arg11[%get3A_78, %get3A_79] : memref<128x128xf32, #tpu.memory_space<vmem>>, vector<128x128xf32>
    %dot_general3A_81 = arith.constant dense<0.000000e+00> : vector<10000x128xf32>
    %dot_general3A_82 = tpu.matmul %add3A_60, %get3A_80, %dot_general3A_81 {dimension_numbers = #tpu.dot_dimension_numbers<[1], [0], [0], [1], [0, 0, 1, 1], [], []>, transpose_lhs_hint = false} : vector<10000x128xf32>, vector<128x128xf32>, vector<10000x128xf32> -> vector<10000x128xf32>
    %get3A_83 = arith.constant 0 : index
    %get3A_84 = arith.constant 0 : index
    %get3A_85 = vector.load %arg13[%get3A_83, %get3A_84] : memref<1x128xf32, #tpu.memory_space<vmem>>, vector<1x128xf32>
    %add3A_86 = vector.broadcast %get3A_85 : vector<1x128xf32> to vector<10000x128xf32>
    %add3A_87 = arith.addf %dot_general3A_82, %add3A_86 : vector<10000x128xf32>
    %swap3A_88 = arith.constant 0 : index
    %swap3A_89 = arith.constant 0 : index
    %swap3A_90 = vector.load %arg16[%swap3A_88, %swap3A_89] : memref<10000x128xf32, #tpu.memory_space<vmem>>, vector<10000x128xf32>
    tpu.vector_store %arg16[%swap3A_88, %swap3A_89], %add3A_87 {strides = array<i32>} : memref<10000x128xf32, #tpu.memory_space<vmem>>, vector<10000x128xf32>,
    %get3A_91 = arith.constant 0 : index
    %get3A_92 = arith.constant 0 : index
    %get3A_93 = vector.load %arg12[%get3A_91, %get3A_92] : memref<128x128xf32, #tpu.memory_space<vmem>>, vector<128x128xf32>
    %dot_general3A_94 = arith.constant dense<0.000000e+00> : vector<10000x128xf32>
    %dot_general3A_95 = tpu.matmul %add3A_60, %get3A_93, %dot_general3A_94 {dimension_numbers = #tpu.dot_dimension_numbers<[1], [0], [0], [1], [0, 0, 1, 1], [], []>, transpose_lhs_hint = false} : vector<10000x128xf32>, vector<128x128xf32>, vector<10000x128xf32> -> vector<10000x128xf32>
    %swap3A_96 = arith.constant 0 : index
    %swap3A_97 = arith.constant 0 : index
    %swap3A_98 = vector.load %arg17[%swap3A_96, %swap3A_97] : memref<10000x128xf32, #tpu.memory_space<vmem>>, vector<10000x128xf32>
    tpu.vector_store %arg17[%swap3A_96, %swap3A_97], %dot_general3A_95 {strides = array<i32>} : memref<10000x128xf32, #tpu.memory_space<vmem>>, vector<10000x128xf32>,
    return
  }
}

module attributes {stable_mosaic.version = 14 : i64} {
  func.func @_node_final_body(%arg0: memref<10000x128xf32, #tpu.memory_space<vmem>>, %arg1: memref<10000x128xf32, #tpu.memory_space<vmem>>, %arg2: memref<10000x16xf32, #tpu.memory_space<vmem>>, %arg3: memref<10000x16xf32, #tpu.memory_space<vmem>>, %arg4: memref<128x128xf32, #tpu.memory_space<vmem>>, %arg5: memref<128x128xf32, #tpu.memory_space<vmem>>, %arg6: memref<1x128xf32, #tpu.memory_space<vmem>>, %arg7: memref<128x128xf32, #tpu.memory_space<vmem>>, %arg8: memref<1x128xf32, #tpu.memory_space<vmem>>, %arg9: memref<1x128xf32, #tpu.memory_space<vmem>>, %arg10: memref<1x128xf32, #tpu.memory_space<vmem>>, %arg11: memref<128x64xf32, #tpu.memory_space<vmem>>, %arg12: memref<1x64xf32, #tpu.memory_space<vmem>>, %arg13: memref<64x16xf32, #tpu.memory_space<vmem>>, %arg14: memref<1x16xf32, #tpu.memory_space<vmem>>, %arg15: memref<10000x16xf32, #tpu.memory_space<vmem>>) attributes {dimension_semantics = [], scalar_prefetch = 0 : i64, scratch_operands = 0 : i64, tpu.core_type = #tpu.core_type<tc>} {
    %get3A = arith.constant 0 : index
    %get3A_0 = arith.constant 0 : index
    %get3A_1 = vector.load %arg0[%get3A, %get3A_0] : memref<10000x128xf32, #tpu.memory_space<vmem>>, vector<10000x128xf32>
    %get3A_2 = arith.constant 0 : index
    %get3A_3 = arith.constant 0 : index
    %get3A_4 = vector.load %arg1[%get3A_2, %get3A_3] : memref<10000x128xf32, #tpu.memory_space<vmem>>, vector<10000x128xf32>
    %get3A_5 = arith.constant 0 : index
    %get3A_6 = arith.constant 0 : index
    %get3A_7 = vector.load %arg4[%get3A_5, %get3A_6] : memref<128x128xf32, #tpu.memory_space<vmem>>, vector<128x128xf32>
    %dot_general3A = arith.constant dense<0.000000e+00> : vector<10000x128xf32>
    %dot_general3A_8 = tpu.matmul %get3A_1, %get3A_7, %dot_general3A {dimension_numbers = #tpu.dot_dimension_numbers<[1], [0], [0], [1], [0, 0, 1, 1], [], []>, transpose_lhs_hint = false} : vector<10000x128xf32>, vector<128x128xf32>, vector<10000x128xf32> -> vector<10000x128xf32>
    %get3A_9 = arith.constant 0 : index
    %get3A_10 = arith.constant 0 : index
    %get3A_11 = vector.load %arg5[%get3A_9, %get3A_10] : memref<128x128xf32, #tpu.memory_space<vmem>>, vector<128x128xf32>
    %dot_general3A_12 = arith.constant dense<0.000000e+00> : vector<10000x128xf32>
    %dot_general3A_13 = tpu.matmul %get3A_4, %get3A_11, %dot_general3A_12 {dimension_numbers = #tpu.dot_dimension_numbers<[1], [0], [0], [1], [0, 0, 1, 1], [], []>, transpose_lhs_hint = false} : vector<10000x128xf32>, vector<128x128xf32>, vector<10000x128xf32> -> vector<10000x128xf32>
    %add3A = arith.addf %dot_general3A_8, %dot_general3A_13 : vector<10000x128xf32>
    %get3A_14 = arith.constant 0 : index
    %get3A_15 = arith.constant 0 : index
    %get3A_16 = vector.load %arg6[%get3A_14, %get3A_15] : memref<1x128xf32, #tpu.memory_space<vmem>>, vector<1x128xf32>
    %add3A_17 = vector.broadcast %get3A_16 : vector<1x128xf32> to vector<10000x128xf32>
    %add3A_18 = arith.addf %add3A, %add3A_17 : vector<10000x128xf32>
    %logistic3A = arith.negf %add3A_18 : vector<10000x128xf32>
    %logistic3A_19 = math.exp %logistic3A : vector<10000x128xf32>
    %logistic3A_20 = arith.constant 1.000000e+00 : f32
    %logistic3A_21 = vector.broadcast %logistic3A_20 : f32 to vector<10000x128xf32>
    %logistic3A_22 = arith.addf %logistic3A_21, %logistic3A_19 : vector<10000x128xf32>
    %logistic3A_23 = arith.divf %logistic3A_21, %logistic3A_22 : vector<10000x128xf32>
    %mul3A = arith.mulf %add3A_18, %logistic3A_23 : vector<10000x128xf32>
    %get3A_24 = arith.constant 0 : index
    %get3A_25 = arith.constant 0 : index
    %get3A_26 = vector.load %arg7[%get3A_24, %get3A_25] : memref<128x128xf32, #tpu.memory_space<vmem>>, vector<128x128xf32>
    %dot_general3A_27 = arith.constant dense<0.000000e+00> : vector<10000x128xf32>
    %dot_general3A_28 = tpu.matmul %mul3A, %get3A_26, %dot_general3A_27 {dimension_numbers = #tpu.dot_dimension_numbers<[1], [0], [0], [1], [0, 0, 1, 1], [], []>, transpose_lhs_hint = false} : vector<10000x128xf32>, vector<128x128xf32>, vector<10000x128xf32> -> vector<10000x128xf32>
    %get3A_29 = arith.constant 0 : index
    %get3A_30 = arith.constant 0 : index
    %get3A_31 = vector.load %arg8[%get3A_29, %get3A_30] : memref<1x128xf32, #tpu.memory_space<vmem>>, vector<1x128xf32>
    %add3A_32 = vector.broadcast %get3A_31 : vector<1x128xf32> to vector<10000x128xf32>
    %add3A_33 = arith.addf %dot_general3A_28, %add3A_32 : vector<10000x128xf32>
    %get3A_34 = arith.constant 0 : index
    %get3A_35 = arith.constant 0 : index
    %get3A_36 = vector.load %arg9[%get3A_34, %get3A_35] : memref<1x128xf32, #tpu.memory_space<vmem>>, vector<1x128xf32>
    %get3A_37 = arith.constant 0 : index
    %get3A_38 = arith.constant 0 : index
    %get3A_39 = vector.load %arg10[%get3A_37, %get3A_38] : memref<1x128xf32, #tpu.memory_space<vmem>>, vector<1x128xf32>
    %reduce_sum3A = arith.constant dense<0.000000e+00> : vector<10000xf32>
    %reduce_sum3A_40 = vector.multi_reduction <add>, %add3A_33, %reduce_sum3A [1] : vector<10000x128xf32> to vector<10000xf32>
    %broadcast_in_dim3A = vector.shape_cast %reduce_sum3A_40 : vector<10000xf32> to vector<10000x1xf32>
    %div3A = arith.constant 1.280000e+02 : f32
    %div3A_41 = vector.broadcast %div3A : f32 to vector<10000x1xf32>
    %div3A_42 = arith.divf %broadcast_in_dim3A, %div3A_41 : vector<10000x1xf32>
    %sub3A = vector.broadcast %div3A_42 : vector<10000x1xf32> to vector<10000x128xf32>
    %sub3A_43 = arith.subf %add3A_33, %sub3A : vector<10000x128xf32>
    %integer_pow3A = arith.mulf %sub3A_43, %sub3A_43 : vector<10000x128xf32>
    %reduce_sum3A_44 = arith.constant dense<0.000000e+00> : vector<10000xf32>
    %reduce_sum3A_45 = vector.multi_reduction <add>, %integer_pow3A, %reduce_sum3A_44 [1] : vector<10000x128xf32> to vector<10000xf32>
    %broadcast_in_dim3A_46 = vector.shape_cast %reduce_sum3A_45 : vector<10000xf32> to vector<10000x1xf32>
    %div3A_47 = arith.constant 1.280000e+02 : f32
    %div3A_48 = vector.broadcast %div3A_47 : f32 to vector<10000x1xf32>
    %div3A_49 = arith.divf %broadcast_in_dim3A_46, %div3A_48 : vector<10000x1xf32>
    %sub3A_50 = vector.broadcast %div3A_42 : vector<10000x1xf32> to vector<10000x128xf32>
    %sub3A_51 = arith.subf %add3A_33, %sub3A_50 : vector<10000x128xf32>
    %add3A_52 = arith.constant 9.99999974E-6 : f32
    %add3A_53 = vector.broadcast %add3A_52 : f32 to vector<10000x1xf32>
    %add3A_54 = arith.addf %div3A_49, %add3A_53 : vector<10000x1xf32>
    %rsqrt3A = math.rsqrt %add3A_54 : vector<10000x1xf32>
    %mul3A_55 = vector.broadcast %rsqrt3A : vector<10000x1xf32> to vector<10000x128xf32>
    %mul3A_56 = arith.mulf %sub3A_51, %mul3A_55 : vector<10000x128xf32>
    %mul3A_57 = vector.broadcast %get3A_36 : vector<1x128xf32> to vector<10000x128xf32>
    %mul3A_58 = arith.mulf %mul3A_56, %mul3A_57 : vector<10000x128xf32>
    %add3A_59 = vector.broadcast %get3A_39 : vector<1x128xf32> to vector<10000x128xf32>
    %add3A_60 = arith.addf %mul3A_58, %add3A_59 : vector<10000x128xf32>
    %get3A_61 = arith.constant 0 : index
    %get3A_62 = arith.constant 0 : index
    %get3A_63 = vector.load %arg2[%get3A_61, %get3A_62] : memref<10000x16xf32, #tpu.memory_space<vmem>>, vector<10000x16xf32>
    %get3A_64 = arith.constant 0 : index
    %get3A_65 = arith.constant 0 : index
    %get3A_66 = vector.load %arg3[%get3A_64, %get3A_65] : memref<10000x16xf32, #tpu.memory_space<vmem>>, vector<10000x16xf32>
    %slice3A = vector.extract_strided_slice %get3A_63 {offsets = [0, 3], sizes = [10000, 1], strides = [1, 1]} : vector<10000x16xf32> to vector<10000x1xf32>
    %add3A_67 = arith.constant 9.99999997E-7 : f32
    %add3A_68 = vector.broadcast %add3A_67 : f32 to vector<10000x1xf32>
    %add3A_69 = arith.addf %slice3A, %add3A_68 : vector<10000x1xf32>
    %div3A_70 = vector.broadcast %add3A_69 : vector<10000x1xf32> to vector<10000x16xf32>
    %div3A_71 = arith.divf %get3A_63, %div3A_70 : vector<10000x16xf32>
    %add3A_72 = arith.addf %get3A_66, %div3A_71 : vector<10000x16xf32>
    %get3A_73 = arith.constant 0 : index
    %get3A_74 = arith.constant 0 : index
    %get3A_75 = vector.load %arg11[%get3A_73, %get3A_74] : memref<128x64xf32, #tpu.memory_space<vmem>>, vector<128x64xf32>
    %dot_general3A_76 = arith.constant dense<0.000000e+00> : vector<10000x64xf32>
    %dot_general3A_77 = tpu.matmul %add3A_60, %get3A_75, %dot_general3A_76 {dimension_numbers = #tpu.dot_dimension_numbers<[1], [0], [0], [1], [0, 0, 1, 1], [], []>, transpose_lhs_hint = false} : vector<10000x128xf32>, vector<128x64xf32>, vector<10000x64xf32> -> vector<10000x64xf32>
    %get3A_78 = arith.constant 0 : index
    %get3A_79 = arith.constant 0 : index
    %get3A_80 = vector.load %arg12[%get3A_78, %get3A_79] : memref<1x64xf32, #tpu.memory_space<vmem>>, vector<1x64xf32>
    %add3A_81 = vector.broadcast %get3A_80 : vector<1x64xf32> to vector<10000x64xf32>
    %add3A_82 = arith.addf %dot_general3A_77, %add3A_81 : vector<10000x64xf32>
    %logistic3A_83 = arith.negf %add3A_82 : vector<10000x64xf32>
    %logistic3A_84 = math.exp %logistic3A_83 : vector<10000x64xf32>
    %logistic3A_85 = arith.constant 1.000000e+00 : f32
    %logistic3A_86 = vector.broadcast %logistic3A_85 : f32 to vector<10000x64xf32>
    %logistic3A_87 = arith.addf %logistic3A_86, %logistic3A_84 : vector<10000x64xf32>
    %logistic3A_88 = arith.divf %logistic3A_86, %logistic3A_87 : vector<10000x64xf32>
    %mul3A_89 = arith.mulf %add3A_82, %logistic3A_88 : vector<10000x64xf32>
    %get3A_90 = arith.constant 0 : index
    %get3A_91 = arith.constant 0 : index
    %get3A_92 = vector.load %arg13[%get3A_90, %get3A_91] : memref<64x16xf32, #tpu.memory_space<vmem>>, vector<64x16xf32>
    %dot_general3A_93 = arith.constant dense<0.000000e+00> : vector<10000x16xf32>
    %dot_general3A_94 = tpu.matmul %mul3A_89, %get3A_92, %dot_general3A_93 {dimension_numbers = #tpu.dot_dimension_numbers<[1], [0], [0], [1], [0, 0, 1, 1], [], []>, transpose_lhs_hint = false} : vector<10000x64xf32>, vector<64x16xf32>, vector<10000x16xf32> -> vector<10000x16xf32>
    %get3A_95 = arith.constant 0 : index
    %get3A_96 = arith.constant 0 : index
    %get3A_97 = vector.load %arg14[%get3A_95, %get3A_96] : memref<1x16xf32, #tpu.memory_space<vmem>>, vector<1x16xf32>
    %add3A_98 = vector.broadcast %get3A_97 : vector<1x16xf32> to vector<10000x16xf32>
    %add3A_99 = arith.addf %dot_general3A_94, %add3A_98 : vector<10000x16xf32>
    %add3A_100 = arith.addf %add3A_72, %add3A_99 : vector<10000x16xf32>
    %swap3A = arith.constant 0 : index
    %swap3A_101 = arith.constant 0 : index
    %swap3A_102 = vector.load %arg15[%swap3A, %swap3A_101] : memref<10000x16xf32, #tpu.memory_space<vmem>>, vector<10000x16xf32>
    tpu.vector_store %arg15[%swap3A, %swap3A_101], %add3A_100 {strides = array<i32>} : memref<10000x16xf32, #tpu.memory_space<vmem>>, vector<10000x16xf32>,
    return
  }
}

</mosaic_0001>

<sc_bundles>
// kernel: kernel.11.cloned.1.call-start
scs
__scs_entry_jumppad:
0x0: {  	(pc) =	sbr.rel $0x88, $3  }
0x1: {  	(tag) =	ssettag $0x0;
	lr =	simm.s32 $0x1  }
0x2: {  	[smem:$0x3F88] =	sst lr;
	_ =	strace $0xD0000000  }
0x3: {  	_ = 	snop  }
0x4: {  	_ = 	snop  }
0x5: {  	_ = 	snop  }
0x6: {  	_ = 	snop  }
0x7: {  	_ = 	snop  }
__scs_overlays_trampoline_lowered:
0x8: {  	[smem:$0x3F97] =	sst s0  }
0x9: {  	[smem:$0x3F98] =	sst s1  }
0xa: {  	[smem:$0x3F99] =	sst s2  }
0xb: {  	[smem:$0x3F9A] =	sst s3  }
0xc: {  	[smem:$0x3F9B] =	sst s4  }
0xd: {  	[smem:$0x3F9C] =	sst s5  }
0xe: {  	[smem:$0x3F9D] =	sst s6  }
0xf: {  	[smem:$0x3F9E] =	sst s7  }
0x10: {  	[smem:$0x3F9F] =	sst s8  }
0x11: {  	[smem:$0x3FA0] =	sst s9;
	s0 =	simm.s32 @!p0 $0x0  }
0x12: {  	s1 =	sld [smem:$0x3F86];
	s0 =	simm.s32 @p0 $0x1  }
0x13: {  	[smem:$0x3FA1] =	sst s0;
	s0 =	simm.s32 @!p1 $0x0  }
0x14: {  	s2 =	sld [smem:$0x3F85];
	s0 =	simm.s32 @p1 $0x1  }
0x15: {  	[smem:$0x3FA2] =	sst s0;
	s0 =	simm.s32 @!p2 $0x0  }
0x16: {  	s3 =	sld [smem:$0x3FDB];
	s0 =	simm.s32 @p2 $0x1  }
0x17: {  	s4 =	simm.s32 $0x1BF5;
	[smem:$0x3FA4] =	sst s0  }
0x18: {  	s0 =	sld [smem:$0x3F87];
	_ =	swait.ge [sflag:s4], $0x0  }
0x19: {  	s7 =	sld [smem:$0x3F88]  }
0x1a: {  	s8 =	sadd.s32 $0xFFFFE003, lr  }
0x1b: {  	s9 =	sadd.s32 $0xFFFFFEF7, lr;
	s5 =	simm.s32 $0xFFFFFFFF;
	p2 =	slt.u32 s8, $0xFFFFF086  }
0x1c: {  	p1 =	slt.u32 s9, $0xF7A;
	s5 =	simm.s32 @!p2 $0x0  }
0x1d: {  	s5 =	simm.s32 @p1 $0x1;
	p0 =	seq.s32 s7, s2  }
0x1e: {  	s7 =	smul.u32 @!p0 $0xF7A, s2;
	p2 =	seq.s32 @!p0 s5, $0x0  }
0x1f: {  	s9 =	smul.u32 $0xF7A, s1;
	s8 =	simm.s32 @!p0 $0x1BF5;
	p2 =	por !p2, p0  }
0x20: {  	[sflag:s8] =	ssyncset.s32 @!p0 $0xFFFFF086;
	s6 =	sadd.s32 @!p0 s3, s7;
	s7 =	simm.s32 @!p0 $0x108  }
0x21: {  	s3 =	sadd.s32 s3, s9;
	s6 =	sadd.s32 @!p0 $0x88, s6;
	s7 =	simm.s32 @p2 $0x1082  }
0x22: {  	[simem:s7], [sflag:s8] =	dma.local @!p0 [hbm:s6], $0xF7A  }
0x23: {  	s9 =	sor.u32 $0xD0000000, s2;
	s6 =	simm.s32 $0x108;
	_ =	swait.ge @!p0 [sflag:s8], $0x0  }
0x24: {  	s3 =	sadd.s32 $0x88, s3;
	s6 =	simm.s32 @!p1 $0x1082;
	[sflag:s4] =	ssyncset.s32 $0xFFFFF086  }
0x25: {  	[simem:s6], [sflag:s4] =	dma.local [hbm:s3], $0xF7A  }
0x26: {  	[smem:$0x3F88] =	sst s1;
	(tag) =	ssettag s2;
	_ =	strace s9  }
0x27: {  	s1 =	sld [smem:$0x3F98]  }
0x28: {  	s2 =	sld [smem:$0x3F99]  }
0x29: {  	s4 =	sld [smem:$0x3F9B]  }
0x2a: {  	p0 =	seq.s32 s5, $0x0;
	s5 =	sld [smem:$0x3F9C]  }
0x2b: {  	s6 =	sld [smem:$0x3F9D]  }
0x2c: {  	s7 =	sld [smem:$0x3F9E]  }
0x2d: {  	s3 =	simm.s32 $0x108;
	s8 =	sld [smem:$0x3F9F]  }
0x2e: {  	s3 =	simm.s32 @!p0 $0x1082;
	s9 =	sld [smem:$0x3FA0]  }
0x2f: {  	lr =	sadd.s32 s0, s3;
	s0 =	sld [smem:$0x3F97]  }
0x30: {  	s3 =	sld [smem:$0x3F9A]  }
0x31: {  	[smem:$0x3FA3] =	sst s10  }
0x32: {  	s10 =	sld [smem:$0x3FA1];
	_ =	sdelay $0x3  }
0x33: {  	p0 =	seq.s32 s10, $0x1;
	s10 =	sld [smem:$0x3FA3];
	_ =	sdelay $0x3  }
0x34: {  	[smem:$0x3FA3] =	sst s10  }
0x35: {  	s10 =	sld [smem:$0x3FA2];
	_ =	sdelay $0x3  }
0x36: {  	p1 =	seq.s32 s10, $0x1;
	s10 =	sld [smem:$0x3FA3];
	_ =	sdelay $0x3  }
0x37: {  	[smem:$0x3FA3] =	sst s10  }
0x38: {  	s10 =	sld [smem:$0x3FA4]  }
0x39: {  	_ = 	snop;
	(pc) =	sbr.ind lr, $3  }
0x3a: {  	_ = 	snop  }
0x3b: {  	_ = 	snop  }
0x3c: {  	p2 =	seq.s32 s10, $0x1;
	s10 =	sld [smem:$0x3FA3]  }
0x3d: {  	_ =	shalt  }
0x3e: {  	_ =	shalt  }
0x3f: {  	_ =	shalt  }
0x40: {  	_ =	shalt  }
0x41: {  	_ =	shalt  }
0x42: {  	_ =	shalt  }
0x43: {  	_ =	shalt  }
0x44: {  	_ =	shalt  }
0x45: {  	_ =	shalt  }
0x46: {  	_ =	shalt  }
0x47: {  	_ =	shalt  }
0x48: {  	_ =	shalt  }
0x49: {  	_ =	shalt  }
0x4a: {  	_ =	shalt  }
0x4b: {  	_ =	shalt  }
0x4c: {  	_ =	shalt  }
0x4d: {  	_ =	shalt  }
0x4e: {  	_ =	shalt  }
0x4f: {  	_ =	shalt  }
0x50: {  	_ =	shalt  }
0x51: {  	_ =	shalt  }
0x52: {  	_ =	shalt  }
0x53: {  	_ =	shalt  }
0x54: {  	_ =	shalt  }
0x55: {  	_ =	shalt  }
0x56: {  	_ =	shalt  }
0x57: {  	_ =	shalt  }
0x58: {  	_ =	shalt  }
0x59: {  	_ =	shalt  }
0x5a: {  	_ =	shalt  }
0x5b: {  	_ =	shalt  }
0x5c: {  	_ =	shalt  }
0x5d: {  	_ =	shalt  }
0x5e: {  	_ =	shalt  }
0x5f: {  	_ =	shalt  }
0x60: {  	_ =	shalt  }
0x61: {  	_ =	shalt  }
0x62: {  	_ =	shalt  }
0x63: {  	_ =	shalt  }
0x64: {  	_ =	shalt  }
0x65: {  	_ =	shalt  }
0x66: {  	_ =	shalt  }
0x67: {  	_ =	shalt  }
0x68: {  	_ =	shalt  }
0x69: {  	_ =	shalt  }
0x6a: {  	_ =	shalt  }
0x6b: {  	_ =	shalt  }
0x6c: {  	_ =	shalt  }
0x6d: {  	_ =	shalt  }
0x6e: {  	_ =	shalt  }
0x6f: {  	_ =	shalt  }
0x70: {  	_ =	shalt  }
0x71: {  	_ =	shalt  }
0x72: {  	_ =	shalt  }
0x73: {  	_ =	shalt  }
0x74: {  	_ =	shalt  }
0x75: {  	_ =	shalt  }
0x76: {  	_ =	shalt  }
0x77: {  	_ =	shalt  }
0x78: {  	_ =	shalt  }
0x79: {  	_ =	shalt  }
0x7a: {  	_ =	shalt  }
0x7b: {  	_ =	shalt  }
0x7c: {  	_ =	shalt  }
0x7d: {  	_ =	shalt  }
0x7e: {  	_ =	shalt  }
0x7f: {  	_ =	shalt  }
0x80: {  	_ =	shalt  }
0x81: {  	_ =	shalt  }
0x82: {  	_ =	shalt  }
0x83: {  	_ =	shalt  }
0x84: {  	_ =	shalt  }
0x85: {  	_ =	shalt  }
0x86: {  	_ =	shalt  }
0x87: {  	_ =	shalt  }
.Lfunc_end0:
.L_simem_size_0:
called_computation_lowered:
.L_overlay_start_0:
0x88: {  	s2 =	sld [smem:$0x3FD9]  }
0x89: {  	s3 =	sld [smem:$0x3FFE];
	_ =	sdelay $0x1  }
0x8a: {  	s1 =	srdreg.scid  }
0x8b: {  	s0 =	sand.u32 $0x1, s1  }
0x8c: {  	s16 =	sshll.u32 s0, $0xA;
	s2 =	sadd.s32 s3, s2  }
0x8d: {  	s2 =	sadd.s32 s2, s16  }
0x8e: {  	[smem:$0x3FAF] =	sst s2  }
0x8f: {  	_ = 	snop  }
0x90: {  	(tm) =	ssettm $0x1  }
0x91: {  	s17 =	sld [smem:$0x3FFB];
	_ =	sdelay $0x3  }
0x92: {  	_ =	strace s17  }
0x93: {  	s2 =	sld [smem:$0x3FFC];
	_ =	sdelay $0x3  }
0x94: {  	_ =	strace s2  }
0x95: {  	s2 =	sld [smem:$0x3FFD];
	_ =	sdelay $0x3  }
0x96: {  	_ =	strace s2  }
0x97: {  	_ =	strace $0x8FFFFFFF  }
0x98: {  	s18 =	sld [smem:$0x3FDB];
	_ =	sdelay $0x1  }
0x99: {  	s19 =	simm.s32 $_scs_section_size  }
0x9a: {  	s4 =	simm.s32 $_size__tile_overlayer_lowered;
	s5 =	simm.s32 $_tile_overlayer_lowered  }
0x9b: {  	s22 =	simm.s32 $0x1BFF;
	s21 =	sshll.u32 s5, $0x1;
	s2 =	sadd.s32 s19, s18  }
0x9c: {  	s6 =	simm.s32 $0x0;
	s20 =	sshll.u32 s4, $0x1;
	s4 =	sadd.s32 s21, s2  }
0x9d: {  	[timem:s6], [sflag:s22] =	dma.local [hbm:s4], s20  }
0x9e: {  	_ =	swait.ge [sflag:s22], s20  }
0x9f: {  	s3 =	ssub.s32 $0x0, s20;
	[sflag:s22] =	ssyncset.done $0x0  }
0xa0: {  	[sflag:s22] =	ssyncadd.s32 s3;
	_ =	sdelay $0x1  }
0xa1: {  	s23 =	simm.s32 $0x1B8B  }
0xa2: {  	_ =	swait.ge [sflag:s23], $0x1  }
0xa3: {  	[sflag:s23] =	ssyncset.done $0x0  }
0xa4: {  	s25 =	simm.s32 $0x1B8E;
	s24 =	sld [smem:$0x3FFE];
	[sflag:s23] =	ssyncadd.s32 $0xFFFFFFFF  }
0xa5: {  	s26 =	simm.s32 $execute0_lowered;
	[smem:$0x3FD2] =	sst s25  }
0xa6: {  	s4 =	sshll.u32 s26, $0x1;
	_ =	strace $0x80000046;
	[dreg:$0x1] =	wrdreg $0xFFFFFFFF  }
0xa7: {  	s28 =	simm.s32 $_size_execute0_lowered;
	s2 =	sadd.s32 s2, s4;
	[dreg:$0x0] =	wrdreg $0x0  }
0xa8: {  	s4 =	sshll.u32 s28, $0x1;
	[dreg:$0x2] =	wrdreg s2  }
0xa9: {  	[dreg:$0x3] =	wrdreg s4  }
0xaa: {  	[dreg:$0x4] =	wrdreg $0xC0  }
0xab: {  	_ =	task [dreg:s6], $0x5FFFF  }
0xac: {  	[dreg:$0x1] =	wrdreg $0xFFFFFFFF  }
0xad: {  	[dreg:$0x0] =	wrdreg $0x60  }
0xae: {  	[dreg:$0x2] =	wrdreg s24  }
0xaf: {  	[dreg:$0x3] =	wrdreg $0x9  }
0xb0: {  	_ =	task.clear_ibuf [dreg:s6], $0x4FFFF;
	_ =	strace $0x90000046  }
0xb1: {  	s29 =	simm.s32 $0x9;
	_ =	strace $0x80000048  }
0xb2: {  	_ =	swait.ge [sflag:s29], $0x1  }
0xb3: {  	[sflag:s29] =	ssyncadd.s32 $0xFFFFFFFF  }
0xb4: {  	_ =	strace $0x90000048  }
0xb5: {  	_ =	sfence  }
0xb6: {  	s30 =	sld [smem:$0x0];
	_ =	sdelay $0x2  }
0xb7: {  	s31 =	sshll.u32 s1, $0xD;
	s1 =	sshrl.u32 s1, $0x2  }
0xb8: {  	s3 =	sand.u32 $0x4000, s31;
	s1 =	sadd.s32 s1, s30  }
0xb9: {  	s0 =	sor.u32 s3, s0;
	s1 =	sshll.u32 s1, $0x11  }
0xba: {  	s0 =	sor.u32 s1, s0  }
0xbb: {  	s0 =	sadd.s32 $0x8F2B, s0  }
0xbc: {  	[sflag:s0] =	ssyncadd.remote.s32 $0x1  }
0xbd: {  	_ =	sfence.sel $0xFFFF  }
0xbe: {  	[dreg:$0x0] =	wrdreg $0xFFFFFFFF;
	(pc) =	sbr.abs _section_cstart, $3  }
0xbf: {  	[dreg:$0x1] =	wrdreg $0xFFFFFFFF  }
0xc0: {  	_ =	task.clear_ibuf [dreg:s6], $0x2FFFF;
	_ =	strace $0x9FFFFFFF  }
0xc1: {  	(tm) =	ssettm $0x7FFFFFFF  }
tec
execute0_lowered:
.L_overlay_start_1:
0x0: {  	(tag) =	ssettag $0x1  }
0x1: {  	s0 =	rddreg [dreg:$0x0]  }
0x2: {  	s1 =	simm.s32 $0x0;
	s22 =	srdreg.scid;
	s5 =	stileid.u32  }
0x3: {  	s21 =	simm.s32 $0x10400;
	s31 =	simm.s32 $0x8200;
	s28 =	simm.s32 $0x2  }
0x4: {  	s13 =	simm.s32 $0x10380;
	s14 =	simm.s32 $0x3;
	s15 =	simm.s32 $0x4  }
0x5: {  	s20 =	simm.s32 $0x6;
	s12 =	simm.s32 $0x0;
	[smem:$0x7FF] =	sst s1  }
0x6: {  	s3 =	sadd.s32 $0x8600, s0;
	s4 =	sadd.s32 $0x76600, s0;
	s2 =	sadd.s32 $0x58000, s0  }
0x7: {  	s6 =	sadd.s32 $0x57A00, s0;
	s5 =	sshll.u32 s5, $0x1;
	s23 =	sadd.s32 $0x57400, s0  }
0x8: {  	s8 =	sadd.s32 $0x58600, s0;
	s9 =	sadd.s32 $0x62600, s0;
	s10 =	sadd.s32 $0xECA00, s0  }
0x9: {  	s11 =	sadd.s32 $0xC4A00, s0;
	s17 =	sadd.s32 $0xC4A10, s0;
	s18 =	sadd.s32 $0xC4A20, s0  }
0xa: {  	_ =	strace $0x80000047;
	[dreg:$0x2] =	wrdreg s2;
	s2 =	sand.u32 $0x1, s22  }
0xb: {  	s19 =	sadd.s32 $0xC4A30, s0;
	[dreg:$0x3] =	wrdreg s6;
	s5 =	sor.u32 s2, s5  }
0xc: {  	[dreg:$0x4] =	wrdreg s23;
	s2 =	ssub.s32 $0x2, s2;
	s24 =	smul.u32 $0x500, s5  }
0xd: {  	s22 =	simm.s32 $0x7;
	s7 =	sshrl.u32 s2, $0x1;
	s5 =	smul.u32 $0x50, s5  }
0xe: {  	s23 =	simm.s32 $0x12C00;
	s2 =	ssub.s32 s2, s7;
	s7 =	simm.s32 $0x10300  }
0xf: {  	[dreg:$0x5] =	wrdreg s5;
	s25 =	sor.u32 $0x10, s24;
	s26 =	sadd.s32 s8, s24  }
.Ltmp0:
0x10: {  	s6 =	sadd.s32 s9, s24;
	[dreg:$0x6] =	wrdreg s26;
	(pc) =	sbr.rel .LBB2_1-.Ltmp0, $4  }
0x11: {  	s30 =	smax.u32 s2, $0x1;
	s24 =	simm.s32 $0x15400;
	[dreg:$0x7] =	wrdreg s6  }
0x12: {  	s2 =	simm.s32 $0x1;
	s29 =	sadd.s32 s8, s25;
	[dreg:$0xa] =	wrdreg s30  }
0x13: {  	s5 =	sadd.s32 s9, s25;
	s25 =	simm.s32 $0x80;
	[dreg:$0x8] =	wrdreg s29  }
0x14: {  	s6 =	simm.s32 $0x10280;
	[dreg:$0x9] =	wrdreg s5;
	s5 =	simm.s32 $0x10200  }
.LBB2_8:
0x15: {  	s0 =	simm.s32 $0x5  }
0x16: {  	_ =	swait.ge [sflag:s0], $0x4000  }
0x17: {  	[sflag:s0] =	ssyncset.done $0x0  }
0x18: {  	[sflag:s0] =	ssyncadd.s32 $0xFFFFC000  }
0x19: {  	_ =	swait.ge [sflag:s20], $0x4000  }
0x1a: {  	s12 =	rddreg [dreg:$0xb]  }
0x1b: {  	s30 =	rddreg [dreg:$0xa];
	s12 =	sadd.s32 $0x1, s12  }
0x1c: {  	p0 =	sne.s32 s12, s30  }
.Ltmp1:
0x1d: {  	_ = 	snop;
	(pc) =	sbr.rel @!p0 .LBB2_9-.Ltmp1, $3  }
0x1e: {  	_ =	sdelay $0x1  }
0x1f: {  	[sflag:s20] =	ssyncset.done $0x0  }
0x20: {  	[sflag:s20] =	ssyncadd.s32 $0xFFFFC000  }
.LBB2_1:
0x21: {  	[dreg:$0xb] =	wrdreg s12  }
0x22: {  	s0 =	rddreg [dreg:$0x2]  }
0x23: {  	[tilespmem:s21], [sflag:$0x7] =	stream.linear.gather [hbm4b:s0+s1], $0x2800, $0x38;
	[tilespmem:$0x17C00] =	vst v63  }
0x24: {  	_ =	swait.ge [sflag:s22], $0x2800  }
0x25: {  	[sflag:s22] =	ssyncset.done $0x0  }
0x26: {  	s12 =	rddreg [dreg:$0x3];
	[sflag:s22] =	ssyncadd.s32 $0xFFFFD800  }
0x27: {  	[tilespmem:s23], [sflag:$0x7] =	stream.linear.gather [hbm4b:s12+s1], $0x2800, $0x38;
	[tilespmem:$0x17C00] =	vst v63  }
0x28: {  	_ =	swait.ge [sflag:s22], $0x2800  }
0x29: {  	[sflag:s22] =	ssyncset.done $0x0  }
0x2a: {  	s16 =	rddreg [dreg:$0x4];
	[sflag:s22] =	ssyncadd.s32 $0xFFFFD800  }
0x2b: {  	[tilespmem:s24], [sflag:$0x7] =	stream.linear.gather [hbm4b:s16+s1], $0x2800, $0x38;
	[tilespmem:$0x17C00] =	vst v63  }
0x2c: {  	_ =	swait.ge [sflag:s22], $0x2800  }
0x2d: {  	[sflag:s22] =	ssyncset.done $0x0  }
0x2e: {  	s26 =	rddreg [dreg:$0x6];
	[sflag:s22] =	ssyncadd.s32 $0xFFFFD800  }
0x2f: {  	[tilespmem:s1], [sflag:$0x7] =	stream.linear.gather [hbm4b:s26+s1], $0x80, $0x38;
	[tilespmem:$0x17C00] =	vst v63  }
0x30: {  	_ =	swait.ge [sflag:s22], $0x80  }
0x31: {  	[sflag:s22] =	ssyncset.done $0x0  }
0x32: {  	s29 =	rddreg [dreg:$0x7];
	[sflag:s22] =	ssyncadd.s32 $0xFFFFFF80  }
0x33: {  	[tilespmem:s25], [sflag:$0x7] =	stream.linear.gather [hbm4b:s29+s1], $0x80, $0x38;
	[tilespmem:$0x17C00] =	vst v63  }
0x34: {  	_ =	swait.ge [sflag:s22], $0x80  }
0x35: {  	[sflag:s22] =	ssyncset.done $0x0  }
0x36: {  	s30 =	simm.s32 $0x200;
	[sflag:s22] =	ssyncadd.s32 $0xFFFFFF80  }
0x37: {  	[tilespmem:s30], [sflag:$0x1] =	stream.indirect.gather [hbm4b:s3+s25], $0x80, s1, s25, $0xb8;
	[tilespmem:$0x17C00] =	vst v63  }
0x38: {  	s12 =	simm.s32 $0x4200  }
0x39: {  	[tilespmem:s12], [sflag:$0x2] =	stream.indirect.gather [hbm4b:s4+s25], $0x80, s25, s25, $0xb8;
	[tilespmem:$0x17C00] =	vst v63  }
0x3a: {  	s26 =	simm.s32 $0x100;
	s16 =	rddreg [dreg:$0x8]  }
0x3b: {  	[tilespmem:s26], [sflag:$0x7] =	stream.linear.gather [hbm4b:s16+s1], $0x80, $0x38;
	[tilespmem:$0x17C00] =	vst v63  }
0x3c: {  	_ =	swait.ge [sflag:s22], $0x80  }
0x3d: {  	[sflag:s22] =	ssyncset.done $0x0  }
0x3e: {  	s16 =	simm.s32 $0x180;
	s29 =	rddreg [dreg:$0x9];
	[sflag:s22] =	ssyncadd.s32 $0xFFFFFF80  }
0x3f: {  	[tilespmem:s16], [sflag:$0x7] =	stream.linear.gather [hbm4b:s29+s1], $0x80, $0x38;
	[tilespmem:$0x17C00] =	vst v63  }
0x40: {  	_ =	swait.ge [sflag:s22], $0x80  }
0x41: {  	[sflag:s22] =	ssyncset.done $0x0  }
0x42: {  	[sflag:s22] =	ssyncadd.s32 $0xFFFFFF80  }
0x43: {  	[tilespmem:s31], [sflag:$0x3] =	stream.indirect.gather [hbm4b:s3+s25], $0x80, s26, s25, $0xb8;
	[tilespmem:$0x17C00] =	vst v63  }
0x44: {  	s30 =	simm.s32 $0xC200  }
0x45: {  	[tilespmem:s30], [sflag:$0x4] =	stream.indirect.gather [hbm4b:s4+s25], $0x80, s16, s25, $0xb8;
	[tilespmem:$0x17C00] =	vst v63  }
0x46: {  	s16 =	simm.s32 $0x0  }
.LBB2_2:
0x47: {  	_ =	swait.ge [sflag:s2], $0x4000  }
0x48: {  	[sflag:s2] =	ssyncset.done $0x0  }
0x49: {  	[sflag:s2] =	ssyncadd.s32 $0xFFFFC000  }
0x4a: {  	_ =	swait.ge [sflag:s28], $0x4000  }
0x4b: {  	[sflag:s28] =	ssyncset.done $0x0  }
0x4c: {  	[sflag:s28] =	ssyncadd.s32 $0xFFFFC000  }
0x4d: {  	v0 =	vld [tilespmem:$0x0]  }
0x4e: {  	v1 =	vld [tilespmem:$0x80];
	_ =	sdelay $0x6  }
0x4f: {  	v2 =	vld.idx.msk [tilespmem:v0+s21+$0x0], $0xffff  }
0x50: {  	v3 =	vld.idx.msk [tilespmem:v1+s21+$0x0], $0xffff  }
0x51: {  	v4 =	vld.idx.msk [tilespmem:v0+s23+$0x0], $0xffff  }
0x52: {  	v5 =	vld.idx.msk [tilespmem:v1+s23+$0x0], $0xffff  }
0x53: {  	v0 =	vld.idx.msk [tilespmem:v0+s24+$0x0], $0xffff  }
0x54: {  	v1 =	vld.idx.msk [tilespmem:v1+s24+$0x0], $0xffff;
	_ =	sdelay $0x2  }
0x55: {  	v2 =	vsub.f32 v2, v3;
	v3 =	vsub.f32 v4, v5;
	_ =	sdelay $0x1  }
0x56: {  	v0 =	vsub.f32 v0, v1;
	v1 =	vmul.f32 v2, v2;
	v4 =	vmul.f32 v3, v3  }
0x57: {  	v5 =	vld [tilespmem:$0x10]  }
0x58: {  	v6 =	vld [tilespmem:$0x90];
	v1 =	vadd.f32 v4, v1;
	v4 =	vmul.f32 v0, v0;
	_ =	sdelay $0x1  }
0x59: {  	v1 =	vadd.f32 v4, v1  }
0x5a: {  	[tilespmem:$0x10200] =	vst v2  }
0x5b: {  	[tilespmem:$0x10280] =	vst v3;
	v1 =	vmax.f32 v1, $9.999999970e-07  }
0x5c: {  	[tilespmem:$0x10300] =	vst v0;
	v1 =	vmin.f32 v1, $1.000000000e+06  }
0x5d: {  	[tilespmem:$0x10380] =	vst v1  }
0x5e: {  	v0 =	vld.idx.msk [tilespmem:v5+s21+$0x0], $0xffff  }
0x5f: {  	v1 =	vld.idx.msk [tilespmem:v6+s21+$0x0], $0xffff  }
0x60: {  	v2 =	vld.idx.msk [tilespmem:v5+s23+$0x0], $0xffff  }
0x61: {  	v3 =	vld.idx.msk [tilespmem:v6+s23+$0x0], $0xffff  }
0x62: {  	v4 =	vld.idx.msk [tilespmem:v5+s24+$0x0], $0xffff  }
0x63: {  	v5 =	vld.idx.msk [tilespmem:v6+s24+$0x0], $0xffff;
	_ =	sdelay $0x2  }
0x64: {  	v0 =	vsub.f32 v0, v1;
	v1 =	vsub.f32 v2, v3;
	_ =	sdelay $0x1  }
0x65: {  	v2 =	vsub.f32 v4, v5;
	v3 =	vmul.f32 v0, v0;
	v4 =	vmul.f32 v1, v1  }
0x66: {  	v5 =	vld [tilespmem:$0x20]  }
0x67: {  	v6 =	vld [tilespmem:$0xA0];
	v3 =	vadd.f32 v4, v3;
	v4 =	vmul.f32 v2, v2;
	_ =	sdelay $0x1  }
0x68: {  	v3 =	vadd.f32 v4, v3  }
0x69: {  	[tilespmem:$0x10210] =	vst v0  }
0x6a: {  	[tilespmem:$0x10290] =	vst v1;
	v0 =	vmax.f32 v3, $9.999999970e-07  }
0x6b: {  	[tilespmem:$0x10310] =	vst v2;
	v0 =	vmin.f32 v0, $1.000000000e+06  }
0x6c: {  	[tilespmem:$0x10390] =	vst v0  }
0x6d: {  	v0 =	vld.idx.msk [tilespmem:v5+s21+$0x0], $0xffff  }
0x6e: {  	v1 =	vld.idx.msk [tilespmem:v6+s21+$0x0], $0xffff  }
0x6f: {  	v2 =	vld.idx.msk [tilespmem:v5+s23+$0x0], $0xffff  }
0x70: {  	v3 =	vld.idx.msk [tilespmem:v6+s23+$0x0], $0xffff  }
0x71: {  	v4 =	vld.idx.msk [tilespmem:v5+s24+$0x0], $0xffff  }
0x72: {  	v5 =	vld.idx.msk [tilespmem:v6+s24+$0x0], $0xffff;
	_ =	sdelay $0x2  }
0x73: {  	v0 =	vsub.f32 v0, v1;
	v1 =	vsub.f32 v2, v3;
	_ =	sdelay $0x1  }
0x74: {  	v2 =	vsub.f32 v4, v5;
	v3 =	vmul.f32 v0, v0;
	v4 =	vmul.f32 v1, v1  }
0x75: {  	v5 =	vld [tilespmem:$0x30]  }
0x76: {  	v6 =	vld [tilespmem:$0xB0];
	v3 =	vadd.f32 v4, v3;
	v4 =	vmul.f32 v2, v2;
	_ =	sdelay $0x1  }
0x77: {  	v3 =	vadd.f32 v4, v3  }
0x78: {  	[tilespmem:$0x10220] =	vst v0  }
0x79: {  	[tilespmem:$0x102A0] =	vst v1;
	v0 =	vmax.f32 v3, $9.999999970e-07  }
0x7a: {  	[tilespmem:$0x10320] =	vst v2;
	v0 =	vmin.f32 v0, $1.000000000e+06  }
0x7b: {  	[tilespmem:$0x103A0] =	vst v0  }
0x7c: {  	v0 =	vld.idx.msk [tilespmem:v5+s21+$0x0], $0xffff  }
0x7d: {  	v1 =	vld.idx.msk [tilespmem:v6+s21+$0x0], $0xffff  }
0x7e: {  	v2 =	vld.idx.msk [tilespmem:v5+s23+$0x0], $0xffff  }
0x7f: {  	v3 =	vld.idx.msk [tilespmem:v6+s23+$0x0], $0xffff  }
0x80: {  	v4 =	vld.idx.msk [tilespmem:v5+s24+$0x0], $0xffff  }
0x81: {  	v5 =	vld.idx.msk [tilespmem:v6+s24+$0x0], $0xffff;
	_ =	sdelay $0x2  }
0x82: {  	v0 =	vsub.f32 v0, v1;
	v1 =	vsub.f32 v2, v3;
	_ =	sdelay $0x1  }
0x83: {  	v2 =	vsub.f32 v4, v5;
	v3 =	vmul.f32 v0, v0;
	v4 =	vmul.f32 v1, v1  }
0x84: {  	v5 =	vld [tilespmem:$0x40]  }
0x85: {  	v6 =	vld [tilespmem:$0xC0];
	v3 =	vadd.f32 v4, v3;
	v4 =	vmul.f32 v2, v2;
	_ =	sdelay $0x1  }
0x86: {  	v3 =	vadd.f32 v4, v3  }
0x87: {  	[tilespmem:$0x10230] =	vst v0  }
0x88: {  	[tilespmem:$0x102B0] =	vst v1;
	v0 =	vmax.f32 v3, $9.999999970e-07  }
0x89: {  	[tilespmem:$0x10330] =	vst v2;
	v0 =	vmin.f32 v0, $1.000000000e+06  }
0x8a: {  	[tilespmem:$0x103B0] =	vst v0  }
0x8b: {  	v0 =	vld.idx.msk [tilespmem:v5+s21+$0x0], $0xffff  }
0x8c: {  	v1 =	vld.idx.msk [tilespmem:v6+s21+$0x0], $0xffff  }
0x8d: {  	v2 =	vld.idx.msk [tilespmem:v5+s23+$0x0], $0xffff  }
0x8e: {  	v3 =	vld.idx.msk [tilespmem:v6+s23+$0x0], $0xffff  }
0x8f: {  	v4 =	vld.idx.msk [tilespmem:v5+s24+$0x0], $0xffff  }
0x90: {  	v5 =	vld.idx.msk [tilespmem:v6+s24+$0x0], $0xffff;
	_ =	sdelay $0x2  }
0x91: {  	v0 =	vsub.f32 v0, v1;
	v1 =	vsub.f32 v2, v3;
	_ =	sdelay $0x1  }
0x92: {  	v2 =	vsub.f32 v4, v5;
	v3 =	vmul.f32 v0, v0;
	v4 =	vmul.f32 v1, v1  }
0x93: {  	v5 =	vld [tilespmem:$0x50]  }
0x94: {  	v6 =	vld [tilespmem:$0xD0];
	v3 =	vadd.f32 v4, v3;
	v4 =	vmul.f32 v2, v2;
	_ =	sdelay $0x1  }
0x95: {  	v3 =	vadd.f32 v4, v3  }
0x96: {  	[tilespmem:$0x10240] =	vst v0  }
0x97: {  	[tilespmem:$0x102C0] =	vst v1;
	v0 =	vmax.f32 v3, $9.999999970e-07  }
0x98: {  	[tilespmem:$0x10340] =	vst v2;
	v0 =	vmin.f32 v0, $1.000000000e+06  }
0x99: {  	[tilespmem:$0x103C0] =	vst v0  }
0x9a: {  	v0 =	vld.idx.msk [tilespmem:v5+s21+$0x0], $0xffff  }
0x9b: {  	v1 =	vld.idx.msk [tilespmem:v6+s21+$0x0], $0xffff  }
0x9c: {  	v2 =	vld.idx.msk [tilespmem:v5+s23+$0x0], $0xffff  }
0x9d: {  	v3 =	vld.idx.msk [tilespmem:v6+s23+$0x0], $0xffff  }
0x9e: {  	v4 =	vld.idx.msk [tilespmem:v5+s24+$0x0], $0xffff  }
0x9f: {  	v5 =	vld.idx.msk [tilespmem:v6+s24+$0x0], $0xffff;
	_ =	sdelay $0x2  }
0xa0: {  	v0 =	vsub.f32 v0, v1;
	v1 =	vsub.f32 v2, v3;
	_ =	sdelay $0x1  }
0xa1: {  	v2 =	vsub.f32 v4, v5;
	v3 =	vmul.f32 v0, v0;
	v4 =	vmul.f32 v1, v1  }
0xa2: {  	v5 =	vld [tilespmem:$0x60]  }
0xa3: {  	v6 =	vld [tilespmem:$0xE0];
	v3 =	vadd.f32 v4, v3;
	v4 =	vmul.f32 v2, v2;
	_ =	sdelay $0x1  }
0xa4: {  	v3 =	vadd.f32 v4, v3  }
0xa5: {  	[tilespmem:$0x10250] =	vst v0  }
0xa6: {  	[tilespmem:$0x102D0] =	vst v1;
	v0 =	vmax.f32 v3, $9.999999970e-07  }
0xa7: {  	[tilespmem:$0x10350] =	vst v2;
	v0 =	vmin.f32 v0, $1.000000000e+06  }
0xa8: {  	[tilespmem:$0x103D0] =	vst v0  }
0xa9: {  	v0 =	vld.idx.msk [tilespmem:v5+s21+$0x0], $0xffff  }
0xaa: {  	v1 =	vld.idx.msk [tilespmem:v6+s21+$0x0], $0xffff  }
0xab: {  	v2 =	vld.idx.msk [tilespmem:v5+s23+$0x0], $0xffff  }
0xac: {  	v3 =	vld.idx.msk [tilespmem:v6+s23+$0x0], $0xffff  }
0xad: {  	v4 =	vld.idx.msk [tilespmem:v5+s24+$0x0], $0xffff  }
0xae: {  	v5 =	vld.idx.msk [tilespmem:v6+s24+$0x0], $0xffff;
	_ =	sdelay $0x2  }
0xaf: {  	v0 =	vsub.f32 v0, v1;
	v1 =	vsub.f32 v2, v3;
	_ =	sdelay $0x1  }
0xb0: {  	v2 =	vsub.f32 v4, v5;
	v3 =	vmul.f32 v0, v0;
	v4 =	vmul.f32 v1, v1  }
0xb1: {  	v5 =	vld [tilespmem:$0x70]  }
0xb2: {  	v6 =	vld [tilespmem:$0xF0];
	v3 =	vadd.f32 v4, v3;
	v4 =	vmul.f32 v2, v2;
	_ =	sdelay $0x1  }
0xb3: {  	v3 =	vadd.f32 v4, v3  }
0xb4: {  	[tilespmem:$0x10260] =	vst v0  }
0xb5: {  	[tilespmem:$0x102E0] =	vst v1;
	v0 =	vmax.f32 v3, $9.999999970e-07  }
0xb6: {  	[tilespmem:$0x10360] =	vst v2;
	v0 =	vmin.f32 v0, $1.000000000e+06  }
0xb7: {  	[tilespmem:$0x103E0] =	vst v0  }
0xb8: {  	v0 =	vld.idx.msk [tilespmem:v5+s21+$0x0], $0xffff  }
0xb9: {  	v1 =	vld.idx.msk [tilespmem:v6+s21+$0x0], $0xffff  }
0xba: {  	v2 =	vld.idx.msk [tilespmem:v5+s23+$0x0], $0xffff  }
0xbb: {  	v3 =	vld.idx.msk [tilespmem:v6+s23+$0x0], $0xffff  }
0xbc: {  	v4 =	vld.idx.msk [tilespmem:v5+s24+$0x0], $0xffff  }
0xbd: {  	v5 =	vld.idx.msk [tilespmem:v6+s24+$0x0], $0xffff;
	_ =	sdelay $0x2  }
0xbe: {  	v0 =	vsub.f32 v0, v1;
	v1 =	vsub.f32 v2, v3;
	_ =	sdelay $0x1  }
0xbf: {  	v2 =	vsub.f32 v4, v5;
	v3 =	vmul.f32 v0, v0;
	v4 =	vmul.f32 v1, v1;
	_ =	sdelay $0x1  }
0xc0: {  	v3 =	vadd.f32 v4, v3;
	v4 =	vmul.f32 v2, v2;
	_ =	sdelay $0x1  }
0xc1: {  	v3 =	vadd.f32 v4, v3  }
0xc2: {  	[tilespmem:$0x10270] =	vst v0  }
0xc3: {  	[tilespmem:$0x102F0] =	vst v1;
	v0 =	vmax.f32 v3, $9.999999970e-07  }
0xc4: {  	[tilespmem:$0x10370] =	vst v2;
	v0 =	vmin.f32 v0, $1.000000000e+06  }
0xc5: {  	s26 =	simm.s32 $0x0;
	[tilespmem:$0x103F0] =	vst v0  }
0xc6: {  	v7 =	vld [tilespmem:s26+$0x4200]  }
0xc7: {  	v11 =	vld [tilespmem:s26+$0x4210]  }
0xc8: {  	v5 =	vld [tilespmem:s26+$0x4220]  }
0xc9: {  	v4 =	vld [tilespmem:s26+$0x4230]  }
0xca: {  	v3 =	vld [tilespmem:s26+$0x4240]  }
0xcb: {  	v2 =	vld [tilespmem:s26+$0x4250]  }
0xcc: {  	v1 =	vld [tilespmem:s26+$0x4260]  }
0xcd: {  	v0 =	vld [tilespmem:s26+$0x4270]  }
0xce: {  	v12 =	vld [tilespmem:s26+$0x200]  }
0xcf: {  	v13 =	vld [tilespmem:s26+$0x210]  }
0xd0: {  	v10 =	vld [tilespmem:s26+$0x220]  }
0xd1: {  	v9 =	vld [tilespmem:s26+$0x230]  }
0xd2: {  	v8 =	vld [tilespmem:s26+$0x240]  }
0xd3: {  	v6 =	vld [tilespmem:s26+$0x250];
	v12 =	vadd.f32 v7, v12  }
0xd4: {  	s0 =	simm.s32 $0x200;
	v11 =	vadd.f32 v11, v13;
	v7 =	vld [tilespmem:s26+$0x260]  }
.LBB2_3:
0xd5: {  	s12 =	sshra.s32 s0, $0x2;
	p0 =	sne.s32 s0, $0xFE00;
	[tilespmem:s26+$0x200] =	vst v12;
	v5 =	vadd.f32 v5, v10;
	v10 =	vld [tilespmem:s26+$0x270]  }
0xd6: {  	v12 =	vld [tilespmem:s12+$0x4200];
	[tilespmem:s26+$0x210] =	vst v11;
	v4 =	vadd.f32 v4, v9  }
0xd7: {  	v11 =	vld [tilespmem:s12+$0x4210];
	[tilespmem:s26+$0x220] =	vst v5;
	v3 =	vadd.f32 v3, v8  }
0xd8: {  	v5 =	vld [tilespmem:s12+$0x4220];
	[tilespmem:s26+$0x230] =	vst v4;
	v2 =	vadd.f32 v2, v6  }
0xd9: {  	v4 =	vld [tilespmem:s12+$0x4230];
	[tilespmem:s26+$0x240] =	vst v3;
	v1 =	vadd.f32 v1, v7  }
0xda: {  	v3 =	vld [tilespmem:s12+$0x4240];
	[tilespmem:s26+$0x250] =	vst v2;
	v0 =	vadd.f32 v0, v10  }
0xdb: {  	v2 =	vld [tilespmem:s12+$0x4250];
	[tilespmem:s26+$0x260] =	vst v1  }
0xdc: {  	v1 =	vld [tilespmem:s12+$0x4260];
	[tilespmem:s26+$0x270] =	vst v0;
	s26 =	smov.u32 s12  }
0xdd: {  	v0 =	vld [tilespmem:s26+$0x4270]  }
0xde: {  	v6 =	vld [tilespmem:s26+$0x200]  }
0xdf: {  	v7 =	vld [tilespmem:s26+$0x210]  }
.Ltmp2:
0xe0: {  	v10 =	vld [tilespmem:s26+$0x220];
	(pc) =	sbr.rel @p0 .LBB2_3-.Ltmp2, $4  }
0xe1: {  	v9 =	vld [tilespmem:s26+$0x230]  }
0xe2: {  	v8 =	vld [tilespmem:s26+$0x240]  }
0xe3: {  	v12 =	vadd.f32 v12, v6;
	v6 =	vld [tilespmem:s26+$0x250]  }
0xe4: {  	s0 =	sadd.s32 $0x200, s0;
	v11 =	vadd.f32 v11, v7;
	v7 =	vld [tilespmem:s26+$0x260]  }
0xe5: {  	[tilespmem:s26+$0x200] =	vst v12;
	v5 =	vadd.f32 v5, v10;
	v10 =	vld [tilespmem:s26+$0x270]  }
0xe6: {  	[tilespmem:s26+$0x210] =	vst v11;
	v4 =	vadd.f32 v4, v9  }
0xe7: {  	[tilespmem:s26+$0x220] =	vst v5;
	v3 =	vadd.f32 v3, v8  }
0xe8: {  	[tilespmem:s26+$0x230] =	vst v4;
	v2 =	vadd.f32 v2, v6  }
0xe9: {  	s0 =	sshll.u32 s16, $0x1;
	s12 =	rddreg [dreg:$0x5];
	[tilespmem:s26+$0x240] =	vst v3;
	v1 =	vadd.f32 v1, v7  }
0xea: {  	s0 =	sadd.s32 s12, s0;
	[tilespmem:s26+$0x250] =	vst v2;
	v0 =	vadd.f32 v0, v10  }
0xeb: {  	s12 =	sshll.u32 s0, $0xB;
	[tilespmem:s26+$0x260] =	vst v1  }
0xec: {  	s29 =	simm.s32 $0x200;
	s12 =	sadd.s32 s10, s12;
	[tilespmem:s26+$0x270] =	vst v0  }
0xed: {  	[hbm4b:s12+s1] =	stream.linear.scatter [tilespmem:s29], [sflag:$0x5], $0x4000, $0x38;
	[tilespmem:$0x17C00] =	vst v63  }
0xee: {  	s12 =	sshll.u32 s0, $0x6  }
0xef: {  	s30 =	sadd.s32 s11, s12  }
0xf0: {  	[hbm4b:s30+s1] =	stream.linear.scatter [tilespmem:s5], [sflag:$0x7], $0x80, $0x38;
	[tilespmem:$0x17C00] =	vst v63  }
0xf1: {  	_ =	swait.ge [sflag:s22], $0x80  }
0xf2: {  	[sflag:s22] =	ssyncset.done $0x0  }
0xf3: {  	s29 =	sadd.s32 s12, s17;
	[sflag:s22] =	ssyncadd.s32 $0xFFFFFF80  }
0xf4: {  	[hbm4b:s29+s1] =	stream.linear.scatter [tilespmem:s6], [sflag:$0x7], $0x80, $0x38;
	[tilespmem:$0x17C00] =	vst v63  }
0xf5: {  	_ =	swait.ge [sflag:s22], $0x80  }
0xf6: {  	[sflag:s22] =	ssyncset.done $0x0  }
0xf7: {  	s30 =	sadd.s32 s12, s18;
	[sflag:s22] =	ssyncadd.s32 $0xFFFFFF80  }
0xf8: {  	[hbm4b:s30+s1] =	stream.linear.scatter [tilespmem:s7], [sflag:$0x7], $0x80, $0x38;
	[tilespmem:$0x17C00] =	vst v63  }
0xf9: {  	_ =	swait.ge [sflag:s22], $0x80  }
0xfa: {  	[sflag:s22] =	ssyncset.done $0x0  }
0xfb: {  	s12 =	sadd.s32 s12, s19;
	[sflag:s22] =	ssyncadd.s32 $0xFFFFFF80  }
0xfc: {  	[hbm4b:s12+s1] =	stream.linear.scatter [tilespmem:s13], [sflag:$0x7], $0x80, $0x38;
	[tilespmem:$0x17C00] =	vst v63  }
0xfd: {  	_ =	swait.ge [sflag:s22], $0x80  }
0xfe: {  	p0 =	seq.s32 s16, $0x27;
	[sflag:s22] =	ssyncset.done $0x0  }
0xff: {  	s12 =	simm.s32 @!p0 $0x5;
	[sflag:s22] =	ssyncadd.s32 $0xFFFFFF80  }
0x100: {  	s26 =	sshll.u32 @!p0 s0, $0x4;
	_ =	swait.ge @!p0 [sflag:s12], $0x4000  }
0x101: {  	s26 =	sadd.s32 @!p0 $0x20, s26;
	[sflag:s12] =	ssyncset.done @!p0 $0x0  }
0x102: {  	s29 =	simm.s32 @!p0 $0x0;
	[sflag:s12] =	ssyncadd.s32 @!p0 $0xFFFFC000;
	s12 =	sadd.s32 @!p0 s8, s26  }
0x103: {  	[tilespmem:s29], [sflag:$0x7] =	stream.linear.gather @!p0 [hbm4b:s12+s29], $0x80, $0x38;
	[tilespmem:$0x17C00] =	vst v63  }
0x104: {  	s12 =	simm.s32 @!p0 $0x7  }
0x105: {  	_ =	swait.ge @!p0 [sflag:s12], $0x80  }
0x106: {  	[sflag:s12] =	ssyncset.done @!p0 $0x0  }
0x107: {  	s30 =	simm.s32 @!p0 $0x80;
	s26 =	sadd.s32 @!p0 s9, s26;
	[sflag:s12] =	ssyncadd.s32 @!p0 $0xFFFFFF80  }
0x108: {  	[tilespmem:s30], [sflag:$0x7] =	stream.linear.gather @!p0 [hbm4b:s26+s29], $0x80, $0x38;
	[tilespmem:$0x17C00] =	vst v63  }
0x109: {  	_ =	swait.ge @!p0 [sflag:s12], $0x80  }
0x10a: {  	[sflag:s12] =	ssyncset.done @!p0 $0x0  }
0x10b: {  	[sflag:s12] =	ssyncadd.s32 @!p0 $0xFFFFFF80;
	s12 =	simm.s32 @!p0 $0x200  }
0x10c: {  	[tilespmem:s12], [sflag:$0x1] =	stream.indirect.gather @!p0 [hbm4b:s3+s30], $0x80, s29, s30, $0xb8;
	[tilespmem:$0x17C00] =	vst v63  }
0x10d: {  	s12 =	simm.s32 @!p0 $0x4200  }
0x10e: {  	[tilespmem:s12], [sflag:$0x2] =	stream.indirect.gather @!p0 [hbm4b:s4+s30], $0x80, s30, s30, $0xb8;
	[tilespmem:$0x17C00] =	vst v63  }
0x10f: {  	_ =	swait.ge [sflag:s14], $0x4000  }
0x110: {  	[sflag:s14] =	ssyncset.done $0x0  }
0x111: {  	[sflag:s14] =	ssyncadd.s32 $0xFFFFC000  }
0x112: {  	_ =	swait.ge [sflag:s15], $0x4000  }
0x113: {  	[sflag:s15] =	ssyncset.done $0x0  }
0x114: {  	[sflag:s15] =	ssyncadd.s32 $0xFFFFC000  }
0x115: {  	v0 =	vld [tilespmem:$0x100]  }
0x116: {  	v1 =	vld [tilespmem:$0x180];
	_ =	sdelay $0x6  }
0x117: {  	v2 =	vld.idx.msk [tilespmem:v0+s21+$0x0], $0xffff  }
0x118: {  	v3 =	vld.idx.msk [tilespmem:v1+s21+$0x0], $0xffff  }
0x119: {  	v4 =	vld.idx.msk [tilespmem:v0+s23+$0x0], $0xffff  }
0x11a: {  	v5 =	vld.idx.msk [tilespmem:v1+s23+$0x0], $0xffff  }
0x11b: {  	v0 =	vld.idx.msk [tilespmem:v0+s24+$0x0], $0xffff  }
0x11c: {  	v1 =	vld.idx.msk [tilespmem:v1+s24+$0x0], $0xffff;
	_ =	sdelay $0x2  }
0x11d: {  	v2 =	vsub.f32 v2, v3;
	v3 =	vsub.f32 v4, v5;
	_ =	sdelay $0x1  }
0x11e: {  	v0 =	vsub.f32 v0, v1;
	v1 =	vmul.f32 v2, v2;
	v4 =	vmul.f32 v3, v3  }
0x11f: {  	v5 =	vld [tilespmem:$0x110]  }
0x120: {  	v6 =	vld [tilespmem:$0x190];
	v1 =	vadd.f32 v4, v1;
	v4 =	vmul.f32 v0, v0;
	_ =	sdelay $0x1  }
0x121: {  	v1 =	vadd.f32 v4, v1  }
0x122: {  	[tilespmem:$0x10200] =	vst v2  }
0x123: {  	[tilespmem:$0x10280] =	vst v3;
	v1 =	vmax.f32 v1, $9.999999970e-07  }
0x124: {  	[tilespmem:$0x10300] =	vst v0;
	v1 =	vmin.f32 v1, $1.000000000e+06  }
0x125: {  	[tilespmem:$0x10380] =	vst v1  }
0x126: {  	v0 =	vld.idx.msk [tilespmem:v5+s21+$0x0], $0xffff  }
0x127: {  	v1 =	vld.idx.msk [tilespmem:v6+s21+$0x0], $0xffff  }
0x128: {  	v2 =	vld.idx.msk [tilespmem:v5+s23+$0x0], $0xffff  }
0x129: {  	v3 =	vld.idx.msk [tilespmem:v6+s23+$0x0], $0xffff  }
0x12a: {  	v4 =	vld.idx.msk [tilespmem:v5+s24+$0x0], $0xffff  }
0x12b: {  	v5 =	vld.idx.msk [tilespmem:v6+s24+$0x0], $0xffff;
	_ =	sdelay $0x2  }
0x12c: {  	v0 =	vsub.f32 v0, v1;
	v1 =	vsub.f32 v2, v3;
	_ =	sdelay $0x1  }
0x12d: {  	v2 =	vsub.f32 v4, v5;
	v3 =	vmul.f32 v0, v0;
	v4 =	vmul.f32 v1, v1  }
0x12e: {  	v5 =	vld [tilespmem:$0x120]  }
0x12f: {  	v6 =	vld [tilespmem:$0x1A0];
	v3 =	vadd.f32 v4, v3;
	v4 =	vmul.f32 v2, v2;
	_ =	sdelay $0x1  }
0x130: {  	v3 =	vadd.f32 v4, v3  }
0x131: {  	[tilespmem:$0x10210] =	vst v0  }
0x132: {  	[tilespmem:$0x10290] =	vst v1;
	v0 =	vmax.f32 v3, $9.999999970e-07  }
0x133: {  	[tilespmem:$0x10310] =	vst v2;
	v0 =	vmin.f32 v0, $1.000000000e+06  }
0x134: {  	[tilespmem:$0x10390] =	vst v0  }
0x135: {  	v0 =	vld.idx.msk [tilespmem:v5+s21+$0x0], $0xffff  }
0x136: {  	v1 =	vld.idx.msk [tilespmem:v6+s21+$0x0], $0xffff  }
0x137: {  	v2 =	vld.idx.msk [tilespmem:v5+s23+$0x0], $0xffff  }
0x138: {  	v3 =	vld.idx.msk [tilespmem:v6+s23+$0x0], $0xffff  }
0x139: {  	v4 =	vld.idx.msk [tilespmem:v5+s24+$0x0], $0xffff  }
0x13a: {  	v5 =	vld.idx.msk [tilespmem:v6+s24+$0x0], $0xffff;
	_ =	sdelay $0x2  }
0x13b: {  	v0 =	vsub.f32 v0, v1;
	v1 =	vsub.f32 v2, v3;
	_ =	sdelay $0x1  }
0x13c: {  	v2 =	vsub.f32 v4, v5;
	v3 =	vmul.f32 v0, v0;
	v4 =	vmul.f32 v1, v1  }
0x13d: {  	v5 =	vld [tilespmem:$0x130]  }
0x13e: {  	v6 =	vld [tilespmem:$0x1B0];
	v3 =	vadd.f32 v4, v3;
	v4 =	vmul.f32 v2, v2;
	_ =	sdelay $0x1  }
0x13f: {  	v3 =	vadd.f32 v4, v3  }
0x140: {  	[tilespmem:$0x10220] =	vst v0  }
0x141: {  	[tilespmem:$0x102A0] =	vst v1;
	v0 =	vmax.f32 v3, $9.999999970e-07  }
0x142: {  	[tilespmem:$0x10320] =	vst v2;
	v0 =	vmin.f32 v0, $1.000000000e+06  }
0x143: {  	[tilespmem:$0x103A0] =	vst v0  }
0x144: {  	v0 =	vld.idx.msk [tilespmem:v5+s21+$0x0], $0xffff  }
0x145: {  	v1 =	vld.idx.msk [tilespmem:v6+s21+$0x0], $0xffff  }
0x146: {  	v2 =	vld.idx.msk [tilespmem:v5+s23+$0x0], $0xffff  }
0x147: {  	v3 =	vld.idx.msk [tilespmem:v6+s23+$0x0], $0xffff  }
0x148: {  	v4 =	vld.idx.msk [tilespmem:v5+s24+$0x0], $0xffff  }
0x149: {  	v5 =	vld.idx.msk [tilespmem:v6+s24+$0x0], $0xffff;
	_ =	sdelay $0x2  }
0x14a: {  	v0 =	vsub.f32 v0, v1;
	v1 =	vsub.f32 v2, v3;
	_ =	sdelay $0x1  }
0x14b: {  	v2 =	vsub.f32 v4, v5;
	v3 =	vmul.f32 v0, v0;
	v4 =	vmul.f32 v1, v1  }
0x14c: {  	v5 =	vld [tilespmem:$0x140]  }
0x14d: {  	v6 =	vld [tilespmem:$0x1C0];
	v3 =	vadd.f32 v4, v3;
	v4 =	vmul.f32 v2, v2;
	_ =	sdelay $0x1  }
0x14e: {  	v3 =	vadd.f32 v4, v3  }
0x14f: {  	[tilespmem:$0x10230] =	vst v0  }
0x150: {  	[tilespmem:$0x102B0] =	vst v1;
	v0 =	vmax.f32 v3, $9.999999970e-07  }
0x151: {  	[tilespmem:$0x10330] =	vst v2;
	v0 =	vmin.f32 v0, $1.000000000e+06  }
0x152: {  	[tilespmem:$0x103B0] =	vst v0  }
0x153: {  	v0 =	vld.idx.msk [tilespmem:v5+s21+$0x0], $0xffff  }
0x154: {  	v1 =	vld.idx.msk [tilespmem:v6+s21+$0x0], $0xffff  }
0x155: {  	v2 =	vld.idx.msk [tilespmem:v5+s23+$0x0], $0xffff  }
0x156: {  	v3 =	vld.idx.msk [tilespmem:v6+s23+$0x0], $0xffff  }
0x157: {  	v4 =	vld.idx.msk [tilespmem:v5+s24+$0x0], $0xffff  }
0x158: {  	v5 =	vld.idx.msk [tilespmem:v6+s24+$0x0], $0xffff;
	_ =	sdelay $0x2  }
0x159: {  	v0 =	vsub.f32 v0, v1;
	v1 =	vsub.f32 v2, v3;
	_ =	sdelay $0x1  }
0x15a: {  	v2 =	vsub.f32 v4, v5;
	v3 =	vmul.f32 v0, v0;
	v4 =	vmul.f32 v1, v1  }
0x15b: {  	v5 =	vld [tilespmem:$0x150]  }
0x15c: {  	v6 =	vld [tilespmem:$0x1D0];
	v3 =	vadd.f32 v4, v3;
	v4 =	vmul.f32 v2, v2;
	_ =	sdelay $0x1  }
0x15d: {  	v3 =	vadd.f32 v4, v3  }
0x15e: {  	[tilespmem:$0x10240] =	vst v0  }
0x15f: {  	[tilespmem:$0x102C0] =	vst v1;
	v0 =	vmax.f32 v3, $9.999999970e-07  }
0x160: {  	[tilespmem:$0x10340] =	vst v2;
	v0 =	vmin.f32 v0, $1.000000000e+06  }
0x161: {  	[tilespmem:$0x103C0] =	vst v0  }
0x162: {  	v0 =	vld.idx.msk [tilespmem:v5+s21+$0x0], $0xffff  }
0x163: {  	v1 =	vld.idx.msk [tilespmem:v6+s21+$0x0], $0xffff  }
0x164: {  	v2 =	vld.idx.msk [tilespmem:v5+s23+$0x0], $0xffff  }
0x165: {  	v3 =	vld.idx.msk [tilespmem:v6+s23+$0x0], $0xffff  }
0x166: {  	v4 =	vld.idx.msk [tilespmem:v5+s24+$0x0], $0xffff  }
0x167: {  	v5 =	vld.idx.msk [tilespmem:v6+s24+$0x0], $0xffff;
	_ =	sdelay $0x2  }
0x168: {  	v0 =	vsub.f32 v0, v1;
	v1 =	vsub.f32 v2, v3;
	_ =	sdelay $0x1  }
0x169: {  	v2 =	vsub.f32 v4, v5;
	v3 =	vmul.f32 v0, v0;
	v4 =	vmul.f32 v1, v1  }
0x16a: {  	v5 =	vld [tilespmem:$0x160]  }
0x16b: {  	v6 =	vld [tilespmem:$0x1E0];
	v3 =	vadd.f32 v4, v3;
	v4 =	vmul.f32 v2, v2;
	_ =	sdelay $0x1  }
0x16c: {  	v3 =	vadd.f32 v4, v3  }
0x16d: {  	[tilespmem:$0x10250] =	vst v0  }
0x16e: {  	[tilespmem:$0x102D0] =	vst v1;
	v0 =	vmax.f32 v3, $9.999999970e-07  }
0x16f: {  	[tilespmem:$0x10350] =	vst v2;
	v0 =	vmin.f32 v0, $1.000000000e+06  }
0x170: {  	[tilespmem:$0x103D0] =	vst v0  }
0x171: {  	v0 =	vld.idx.msk [tilespmem:v5+s21+$0x0], $0xffff  }
0x172: {  	v1 =	vld.idx.msk [tilespmem:v6+s21+$0x0], $0xffff  }
0x173: {  	v2 =	vld.idx.msk [tilespmem:v5+s23+$0x0], $0xffff  }
0x174: {  	v3 =	vld.idx.msk [tilespmem:v6+s23+$0x0], $0xffff  }
0x175: {  	v4 =	vld.idx.msk [tilespmem:v5+s24+$0x0], $0xffff  }
0x176: {  	v5 =	vld.idx.msk [tilespmem:v6+s24+$0x0], $0xffff;
	_ =	sdelay $0x2  }
0x177: {  	v0 =	vsub.f32 v0, v1;
	v1 =	vsub.f32 v2, v3;
	_ =	sdelay $0x1  }
0x178: {  	v2 =	vsub.f32 v4, v5;
	v3 =	vmul.f32 v0, v0;
	v4 =	vmul.f32 v1, v1  }
0x179: {  	v5 =	vld [tilespmem:$0x170]  }
0x17a: {  	v6 =	vld [tilespmem:$0x1F0];
	v3 =	vadd.f32 v4, v3;
	v4 =	vmul.f32 v2, v2;
	_ =	sdelay $0x1  }
0x17b: {  	v3 =	vadd.f32 v4, v3  }
0x17c: {  	[tilespmem:$0x10260] =	vst v0  }
0x17d: {  	[tilespmem:$0x102E0] =	vst v1;
	v0 =	vmax.f32 v3, $9.999999970e-07  }
0x17e: {  	[tilespmem:$0x10360] =	vst v2;
	v0 =	vmin.f32 v0, $1.000000000e+06  }
0x17f: {  	[tilespmem:$0x103E0] =	vst v0  }
0x180: {  	v0 =	vld.idx.msk [tilespmem:v5+s21+$0x0], $0xffff  }
0x181: {  	v1 =	vld.idx.msk [tilespmem:v6+s21+$0x0], $0xffff  }
0x182: {  	v2 =	vld.idx.msk [tilespmem:v5+s23+$0x0], $0xffff  }
0x183: {  	v3 =	vld.idx.msk [tilespmem:v6+s23+$0x0], $0xffff  }
0x184: {  	v4 =	vld.idx.msk [tilespmem:v5+s24+$0x0], $0xffff  }
0x185: {  	v5 =	vld.idx.msk [tilespmem:v6+s24+$0x0], $0xffff;
	_ =	sdelay $0x2  }
0x186: {  	v0 =	vsub.f32 v0, v1;
	v1 =	vsub.f32 v2, v3;
	_ =	sdelay $0x1  }
0x187: {  	v2 =	vsub.f32 v4, v5;
	v3 =	vmul.f32 v0, v0;
	v4 =	vmul.f32 v1, v1;
	_ =	sdelay $0x1  }
0x188: {  	v3 =	vadd.f32 v4, v3;
	v4 =	vmul.f32 v2, v2;
	_ =	sdelay $0x1  }
0x189: {  	v3 =	vadd.f32 v4, v3  }
0x18a: {  	[tilespmem:$0x10270] =	vst v0  }
0x18b: {  	[tilespmem:$0x102F0] =	vst v1;
	v0 =	vmax.f32 v3, $9.999999970e-07  }
0x18c: {  	[tilespmem:$0x10370] =	vst v2;
	v0 =	vmin.f32 v0, $1.000000000e+06  }
0x18d: {  	s26 =	simm.s32 $0x0;
	[tilespmem:$0x103F0] =	vst v0  }
0x18e: {  	v7 =	vld [tilespmem:s26+$0xC200]  }
0x18f: {  	v11 =	vld [tilespmem:s26+$0xC210]  }
0x190: {  	v5 =	vld [tilespmem:s26+$0xC220]  }
0x191: {  	v4 =	vld [tilespmem:s26+$0xC230]  }
0x192: {  	v3 =	vld [tilespmem:s26+$0xC240]  }
0x193: {  	v2 =	vld [tilespmem:s26+$0xC250]  }
0x194: {  	v1 =	vld [tilespmem:s26+$0xC260]  }
0x195: {  	v0 =	vld [tilespmem:s26+$0xC270]  }
0x196: {  	v12 =	vld [tilespmem:s26+$0x8200]  }
0x197: {  	v13 =	vld [tilespmem:s26+$0x8210]  }
0x198: {  	v10 =	vld [tilespmem:s26+$0x8220]  }
0x199: {  	v9 =	vld [tilespmem:s26+$0x8230]  }
0x19a: {  	v8 =	vld [tilespmem:s26+$0x8240]  }
0x19b: {  	v6 =	vld [tilespmem:s26+$0x8250];
	v12 =	vadd.f32 v7, v12  }
0x19c: {  	s12 =	simm.s32 $0x200;
	v11 =	vadd.f32 v11, v13;
	v7 =	vld [tilespmem:s26+$0x8260]  }
.LBB2_5:
0x19d: {  	s29 =	sshra.s32 s12, $0x2;
	p1 =	sne.s32 s12, $0xFE00;
	[tilespmem:s26+$0x8200] =	vst v12;
	v5 =	vadd.f32 v5, v10;
	v10 =	vld [tilespmem:s26+$0x8270]  }
0x19e: {  	v12 =	vld [tilespmem:s29+$0xC200];
	[tilespmem:s26+$0x8210] =	vst v11;
	v4 =	vadd.f32 v4, v9  }
0x19f: {  	v11 =	vld [tilespmem:s29+$0xC210];
	[tilespmem:s26+$0x8220] =	vst v5;
	v3 =	vadd.f32 v3, v8  }
0x1a0: {  	v5 =	vld [tilespmem:s29+$0xC220];
	[tilespmem:s26+$0x8230] =	vst v4;
	v2 =	vadd.f32 v2, v6  }
0x1a1: {  	v4 =	vld [tilespmem:s29+$0xC230];
	[tilespmem:s26+$0x8240] =	vst v3;
	v1 =	vadd.f32 v1, v7  }
0x1a2: {  	v3 =	vld [tilespmem:s29+$0xC240];
	[tilespmem:s26+$0x8250] =	vst v2;
	v0 =	vadd.f32 v0, v10  }
0x1a3: {  	v2 =	vld [tilespmem:s29+$0xC250];
	[tilespmem:s26+$0x8260] =	vst v1  }
0x1a4: {  	v1 =	vld [tilespmem:s29+$0xC260];
	[tilespmem:s26+$0x8270] =	vst v0;
	s26 =	smov.u32 s29  }
0x1a5: {  	v0 =	vld [tilespmem:s26+$0xC270]  }
0x1a6: {  	v6 =	vld [tilespmem:s26+$0x8200]  }
0x1a7: {  	v7 =	vld [tilespmem:s26+$0x8210]  }
.Ltmp3:
0x1a8: {  	v10 =	vld [tilespmem:s26+$0x8220];
	(pc) =	sbr.rel @p1 .LBB2_5-.Ltmp3, $4  }
0x1a9: {  	v9 =	vld [tilespmem:s26+$0x8230]  }
0x1aa: {  	v8 =	vld [tilespmem:s26+$0x8240]  }
0x1ab: {  	v12 =	vadd.f32 v12, v6;
	v6 =	vld [tilespmem:s26+$0x8250]  }
0x1ac: {  	s12 =	sadd.s32 $0x200, s12;
	v11 =	vadd.f32 v11, v7;
	v7 =	vld [tilespmem:s26+$0x8260]  }
0x1ad: {  	[tilespmem:s26+$0x8200] =	vst v12;
	v5 =	vadd.f32 v5, v10;
	v63 =	vld [tilespmem:s26+$0x8270]  }
0x1ae: {  	[tilespmem:s26+$0x8210] =	vst v11;
	v4 =	vadd.f32 v4, v9  }
0x1af: {  	[tilespmem:s26+$0x8220] =	vst v5;
	v3 =	vadd.f32 v3, v8  }
0x1b0: {  	[tilespmem:s26+$0x8230] =	vst v4;
	v2 =	vadd.f32 v2, v6  }
0x1b1: {  	s12 =	sshll.u32 s0, $0x7;
	[tilespmem:s26+$0x8240] =	vst v3;
	v1 =	vadd.f32 v1, v7  }
0x1b2: {  	s12 =	sor.u32 $0x80, s12;
	[tilespmem:s26+$0x8250] =	vst v2;
	v0 =	vadd.f32 v0, v63  }
0x1b3: {  	s29 =	sshll.u32 s12, $0x4;
	[tilespmem:s26+$0x8260] =	vst v1  }
0x1b4: {  	s12 =	sshrl.u32 s12, $0x1;
	s29 =	sadd.s32 s10, s29;
	[tilespmem:s26+$0x8270] =	vst v0  }
0x1b5: {  	[hbm4b:s29+s1] =	stream.linear.scatter [tilespmem:s31], [sflag:$0x6], $0x4000, $0x38;
	[tilespmem:$0x17C00] =	vst v63  }
0x1b6: {  	s30 =	sadd.s32 s11, s12  }
0x1b7: {  	[hbm4b:s30+s1] =	stream.linear.scatter [tilespmem:s5], [sflag:$0x7], $0x80, $0x38;
	[tilespmem:$0x17C00] =	vst v63  }
0x1b8: {  	_ =	swait.ge [sflag:s22], $0x80  }
0x1b9: {  	[sflag:s22] =	ssyncset.done $0x0  }
0x1ba: {  	s29 =	sadd.s32 s12, s17;
	[sflag:s22] =	ssyncadd.s32 $0xFFFFFF80  }
0x1bb: {  	[hbm4b:s29+s1] =	stream.linear.scatter [tilespmem:s6], [sflag:$0x7], $0x80, $0x38;
	[tilespmem:$0x17C00] =	vst v63  }
0x1bc: {  	_ =	swait.ge [sflag:s22], $0x80  }
0x1bd: {  	[sflag:s22] =	ssyncset.done $0x0  }
0x1be: {  	s30 =	sadd.s32 s12, s18;
	[sflag:s22] =	ssyncadd.s32 $0xFFFFFF80  }
0x1bf: {  	[hbm4b:s30+s1] =	stream.linear.scatter [tilespmem:s7], [sflag:$0x7], $0x80, $0x38;
	[tilespmem:$0x17C00] =	vst v63  }
0x1c0: {  	_ =	swait.ge [sflag:s22], $0x80  }
0x1c1: {  	[sflag:s22] =	ssyncset.done $0x0  }
.Ltmp4:
0x1c2: {  	s12 =	sadd.s32 s12, s19;
	[sflag:s22] =	ssyncadd.s32 $0xFFFFFF80;
	(pc) =	sbr.rel @p0 .LBB2_8-.Ltmp4, $4  }
0x1c3: {  	[hbm4b:s12+s1] =	stream.linear.scatter [tilespmem:s13], [sflag:$0x7], $0x80, $0x38;
	[tilespmem:$0x17C00] =	vst v63  }
0x1c4: {  	_ =	swait.ge [sflag:s22], $0x80  }
0x1c5: {  	[sflag:s22] =	ssyncset.done $0x0  }
0x1c6: {  	[sflag:s22] =	ssyncadd.s32 $0xFFFFFF80  }
0x1c7: {  	_ =	swait.ge [sflag:s20], $0x4000;
	s0 =	sshll.u32 s0, $0x4  }
0x1c8: {  	[sflag:s20] =	ssyncset.done $0x0;
	s0 =	sadd.s32 $0x30, s0  }
0x1c9: {  	s26 =	simm.s32 $0x100;
	[sflag:s20] =	ssyncadd.s32 $0xFFFFC000;
	s12 =	sadd.s32 s8, s0  }
0x1ca: {  	[tilespmem:s26], [sflag:$0x7] =	stream.linear.gather [hbm4b:s12+s1], $0x80, $0x38;
	[tilespmem:$0x17C00] =	vst v63  }
0x1cb: {  	_ =	swait.ge [sflag:s22], $0x80  }
0x1cc: {  	[sflag:s22] =	ssyncset.done $0x0  }
0x1cd: {  	s29 =	simm.s32 $0x180;
	s0 =	sadd.s32 s9, s0;
	[sflag:s22] =	ssyncadd.s32 $0xFFFFFF80  }
0x1ce: {  	[tilespmem:s29], [sflag:$0x7] =	stream.linear.gather [hbm4b:s0+s1], $0x80, $0x38;
	[tilespmem:$0x17C00] =	vst v63  }
0x1cf: {  	_ =	swait.ge [sflag:s22], $0x80  }
.Ltmp5:
0x1d0: {  	[sflag:s22] =	ssyncset.done $0x0;
	(pc) =	sbr.rel .LBB2_2-.Ltmp5, $4  }
0x1d1: {  	[sflag:s22] =	ssyncadd.s32 $0xFFFFFF80  }
0x1d2: {  	[tilespmem:s31], [sflag:$0x3] =	stream.indirect.gather [hbm4b:s3+s25], $0x80, s26, s25, $0xb8;
	[tilespmem:$0x17C00] =	vst v63  }
0x1d3: {  	s30 =	simm.s32 $0xC200;
	s16 =	sadd.s32 $0x1, s16  }
0x1d4: {  	[tilespmem:s30], [sflag:$0x4] =	stream.indirect.gather [hbm4b:s4+s25], $0x80, s29, s25, $0xb8;
	[tilespmem:$0x17C00] =	vst v63  }
.LBB2_9:
0x1d5: {  	_ =	sfence.sel $0x180000  }
0x1d6: {  	[bflag:$0x0] =	sbarrier.arrive $0xFFFF  }
0x1d7: {  	_ =	strace $0x90000047  }
0x1d8: {  	s0 =	stileid.u32;
	[bflag:$0x2] =	sbarrier.arrive $0xFFFF  }
0x1d9: {  	p0 =	sne.s32 s0, $0x0;
	s0 =	rddreg [dreg:$0x1]  }
0x1da: {  	s0 =	sadd.s32 @!p0 $0x100000, s0  }
0x1db: {  	[sflag:s0] =	ssyncadd.tile.s32 @!p0 $0x1;
	_ =	shalt  }
.Lfunc_end2:
_tile_overlayer_lowered:
.L_overlay_start_2:
0x1dc: {  	(tag) =	ssettag $0x2  }
0x1dd: {  	s0 =	rddreg [dreg:$0x0];
	s2 =	stileid.u32  }
0x1de: {  	s1 =	rddreg [dreg:$0x1];
	p0 =	sne.s32 s2, $0x0  }
0x1df: {  	s3 =	rddreg [dreg:$0x2];
	[bflag:$0x3] =	sbarrier.arrive $0xFFFF;
	s2 =	simm.s32 @!p0 $0x1C07  }
0x1e0: {  	[timem:s3], [sflag:s2] =	dma.local @!p0 [hbm:s0], s1  }
0x1e1: {  	s0 =	simm.s32 @!p0 $0x7  }
0x1e2: {  	_ =	swait.ge @!p0 [sflag:s0], s1  }
0x1e3: {  	s1 =	ssub.s32 @!p0 $0x0, s1;
	[sflag:s0] =	ssyncset.done @!p0 $0x0  }
0x1e4: {  	[sflag:s0] =	ssyncadd.s32 @!p0 s1  }
0x1e5: {  	[bflag:$0x3] =	sbarrier.arrive $0xFFFF  }
0x1e6: {  	_ =	shalt  }

// kernel: kernel.14.cloned.1.call-start
scs
__scs_entry_jumppad:
0x0: {  	(pc) =	sbr.rel $0x88, $3  }
0x1: {  	(tag) =	ssettag $0x0;
	lr =	simm.s32 $0x1  }
0x2: {  	[smem:$0x3F88] =	sst lr;
	_ =	strace $0xD0000000  }
0x3: {  	_ = 	snop  }
0x4: {  	_ = 	snop  }
0x5: {  	_ = 	snop  }
0x6: {  	_ = 	snop  }
0x7: {  	_ = 	snop  }
__scs_overlays_trampoline_lowered:
0x8: {  	[smem:$0x3F97] =	sst s0  }
0x9: {  	[smem:$0x3F98] =	sst s1  }
0xa: {  	[smem:$0x3F99] =	sst s2  }
0xb: {  	[smem:$0x3F9A] =	sst s3  }
0xc: {  	[smem:$0x3F9B] =	sst s4  }
0xd: {  	[smem:$0x3F9C] =	sst s5  }
0xe: {  	[smem:$0x3F9D] =	sst s6  }
0xf: {  	[smem:$0x3F9E] =	sst s7  }
0x10: {  	[smem:$0x3F9F] =	sst s8  }
0x11: {  	[smem:$0x3FA0] =	sst s9;
	s0 =	simm.s32 @!p0 $0x0  }
0x12: {  	s1 =	sld [smem:$0x3F86];
	s0 =	simm.s32 @p0 $0x1  }
0x13: {  	[smem:$0x3FA1] =	sst s0;
	s0 =	simm.s32 @!p1 $0x0  }
0x14: {  	s2 =	sld [smem:$0x3F85];
	s0 =	simm.s32 @p1 $0x1  }
0x15: {  	[smem:$0x3FA2] =	sst s0;
	s0 =	simm.s32 @!p2 $0x0  }
0x16: {  	s3 =	sld [smem:$0x3FDB];
	s0 =	simm.s32 @p2 $0x1  }
0x17: {  	s4 =	simm.s32 $0x1BF5;
	[smem:$0x3FA4] =	sst s0  }
0x18: {  	s0 =	sld [smem:$0x3F87];
	_ =	swait.ge [sflag:s4], $0x0  }
0x19: {  	s7 =	sld [smem:$0x3F88]  }
0x1a: {  	s8 =	sadd.s32 $0xFFFFE003, lr  }
0x1b: {  	s9 =	sadd.s32 $0xFFFFFEF7, lr;
	s5 =	simm.s32 $0xFFFFFFFF;
	p2 =	slt.u32 s8, $0xFFFFF086  }
0x1c: {  	p1 =	slt.u32 s9, $0xF7A;
	s5 =	simm.s32 @!p2 $0x0  }
0x1d: {  	s5 =	simm.s32 @p1 $0x1;
	p0 =	seq.s32 s7, s2  }
0x1e: {  	s7 =	smul.u32 @!p0 $0xF7A, s2;
	p2 =	seq.s32 @!p0 s5, $0x0  }
0x1f: {  	s9 =	smul.u32 $0xF7A, s1;
	s8 =	simm.s32 @!p0 $0x1BF5;
	p2 =	por !p2, p0  }
0x20: {  	[sflag:s8] =	ssyncset.s32 @!p0 $0xFFFFF086;
	s6 =	sadd.s32 @!p0 s3, s7;
	s7 =	simm.s32 @!p0 $0x108  }
0x21: {  	s3 =	sadd.s32 s3, s9;
	s6 =	sadd.s32 @!p0 $0x88, s6;
	s7 =	simm.s32 @p2 $0x1082  }
0x22: {  	[simem:s7], [sflag:s8] =	dma.local @!p0 [hbm:s6], $0xF7A  }
0x23: {  	s9 =	sor.u32 $0xD0000000, s2;
	s6 =	simm.s32 $0x108;
	_ =	swait.ge @!p0 [sflag:s8], $0x0  }
0x24: {  	s3 =	sadd.s32 $0x88, s3;
	s6 =	simm.s32 @!p1 $0x1082;
	[sflag:s4] =	ssyncset.s32 $0xFFFFF086  }
0x25: {  	[simem:s6], [sflag:s4] =	dma.local [hbm:s3], $0xF7A  }
0x26: {  	[smem:$0x3F88] =	sst s1;
	(tag) =	ssettag s2;
	_ =	strace s9  }
0x27: {  	s1 =	sld [smem:$0x3F98]  }
0x28: {  	s2 =	sld [smem:$0x3F99]  }
0x29: {  	s4 =	sld [smem:$0x3F9B]  }
0x2a: {  	p0 =	seq.s32 s5, $0x0;
	s5 =	sld [smem:$0x3F9C]  }
0x2b: {  	s6 =	sld [smem:$0x3F9D]  }
0x2c: {  	s7 =	sld [smem:$0x3F9E]  }
0x2d: {  	s3 =	simm.s32 $0x108;
	s8 =	sld [smem:$0x3F9F]  }
0x2e: {  	s3 =	simm.s32 @!p0 $0x1082;
	s9 =	sld [smem:$0x3FA0]  }
0x2f: {  	lr =	sadd.s32 s0, s3;
	s0 =	sld [smem:$0x3F97]  }
0x30: {  	s3 =	sld [smem:$0x3F9A]  }
0x31: {  	[smem:$0x3FA3] =	sst s10  }
0x32: {  	s10 =	sld [smem:$0x3FA1];
	_ =	sdelay $0x3  }
0x33: {  	p0 =	seq.s32 s10, $0x1;
	s10 =	sld [smem:$0x3FA3];
	_ =	sdelay $0x3  }
0x34: {  	[smem:$0x3FA3] =	sst s10  }
0x35: {  	s10 =	sld [smem:$0x3FA2];
	_ =	sdelay $0x3  }
0x36: {  	p1 =	seq.s32 s10, $0x1;
	s10 =	sld [smem:$0x3FA3];
	_ =	sdelay $0x3  }
0x37: {  	[smem:$0x3FA3] =	sst s10  }
0x38: {  	s10 =	sld [smem:$0x3FA4]  }
0x39: {  	_ = 	snop;
	(pc) =	sbr.ind lr, $3  }
0x3a: {  	_ = 	snop  }
0x3b: {  	_ = 	snop  }
0x3c: {  	p2 =	seq.s32 s10, $0x1;
	s10 =	sld [smem:$0x3FA3]  }
0x3d: {  	_ =	shalt  }
0x3e: {  	_ =	shalt  }
0x3f: {  	_ =	shalt  }
0x40: {  	_ =	shalt  }
0x41: {  	_ =	shalt  }
0x42: {  	_ =	shalt  }
0x43: {  	_ =	shalt  }
0x44: {  	_ =	shalt  }
0x45: {  	_ =	shalt  }
0x46: {  	_ =	shalt  }
0x47: {  	_ =	shalt  }
0x48: {  	_ =	shalt  }
0x49: {  	_ =	shalt  }
0x4a: {  	_ =	shalt  }
0x4b: {  	_ =	shalt  }
0x4c: {  	_ =	shalt  }
0x4d: {  	_ =	shalt  }
0x4e: {  	_ =	shalt  }
0x4f: {  	_ =	shalt  }
0x50: {  	_ =	shalt  }
0x51: {  	_ =	shalt  }
0x52: {  	_ =	shalt  }
0x53: {  	_ =	shalt  }
0x54: {  	_ =	shalt  }
0x55: {  	_ =	shalt  }
0x56: {  	_ =	shalt  }
0x57: {  	_ =	shalt  }
0x58: {  	_ =	shalt  }
0x59: {  	_ =	shalt  }
0x5a: {  	_ =	shalt  }
0x5b: {  	_ =	shalt  }
0x5c: {  	_ =	shalt  }
0x5d: {  	_ =	shalt  }
0x5e: {  	_ =	shalt  }
0x5f: {  	_ =	shalt  }
0x60: {  	_ =	shalt  }
0x61: {  	_ =	shalt  }
0x62: {  	_ =	shalt  }
0x63: {  	_ =	shalt  }
0x64: {  	_ =	shalt  }
0x65: {  	_ =	shalt  }
0x66: {  	_ =	shalt  }
0x67: {  	_ =	shalt  }
0x68: {  	_ =	shalt  }
0x69: {  	_ =	shalt  }
0x6a: {  	_ =	shalt  }
0x6b: {  	_ =	shalt  }
0x6c: {  	_ =	shalt  }
0x6d: {  	_ =	shalt  }
0x6e: {  	_ =	shalt  }
0x6f: {  	_ =	shalt  }
0x70: {  	_ =	shalt  }
0x71: {  	_ =	shalt  }
0x72: {  	_ =	shalt  }
0x73: {  	_ =	shalt  }
0x74: {  	_ =	shalt  }
0x75: {  	_ =	shalt  }
0x76: {  	_ =	shalt  }
0x77: {  	_ =	shalt  }
0x78: {  	_ =	shalt  }
0x79: {  	_ =	shalt  }
0x7a: {  	_ =	shalt  }
0x7b: {  	_ =	shalt  }
0x7c: {  	_ =	shalt  }
0x7d: {  	_ =	shalt  }
0x7e: {  	_ =	shalt  }
0x7f: {  	_ =	shalt  }
0x80: {  	_ =	shalt  }
0x81: {  	_ =	shalt  }
0x82: {  	_ =	shalt  }
0x83: {  	_ =	shalt  }
0x84: {  	_ =	shalt  }
0x85: {  	_ =	shalt  }
0x86: {  	_ =	shalt  }
0x87: {  	_ =	shalt  }
.Lfunc_end0:
.L_simem_size_0:
called_computation.1_lowered:
.L_overlay_start_0:
0x88: {  	s2 =	sld [smem:$0x3FD9]  }
0x89: {  	s3 =	sld [smem:$0x3FFE];
	_ =	sdelay $0x1  }
0x8a: {  	s1 =	srdreg.scid  }
0x8b: {  	s0 =	sand.u32 $0x1, s1  }
0x8c: {  	s16 =	sshll.u32 s0, $0xA;
	s2 =	sadd.s32 s3, s2  }
0x8d: {  	s2 =	sadd.s32 s2, s16  }
0x8e: {  	[smem:$0x3FAF] =	sst s2  }
0x8f: {  	_ = 	snop  }
0x90: {  	(tm) =	ssettm $0x1  }
0x91: {  	s17 =	sld [smem:$0x3FFB];
	_ =	sdelay $0x3  }
0x92: {  	_ =	strace s17  }
0x93: {  	s2 =	sld [smem:$0x3FFC];
	_ =	sdelay $0x3  }
0x94: {  	_ =	strace s2  }
0x95: {  	s2 =	sld [smem:$0x3FFD];
	_ =	sdelay $0x3  }
0x96: {  	_ =	strace s2  }
0x97: {  	_ =	strace $0x8FFFFFFF  }
0x98: {  	s18 =	sld [smem:$0x3FDB];
	_ =	sdelay $0x1  }
0x99: {  	s19 =	simm.s32 $_scs_section_size  }
0x9a: {  	s4 =	simm.s32 $_size__tile_overlayer_lowered;
	s5 =	simm.s32 $_tile_overlayer_lowered  }
0x9b: {  	s22 =	simm.s32 $0x1BFF;
	s21 =	sshll.u32 s5, $0x1;
	s2 =	sadd.s32 s19, s18  }
0x9c: {  	s6 =	simm.s32 $0x0;
	s20 =	sshll.u32 s4, $0x1;
	s4 =	sadd.s32 s21, s2  }
0x9d: {  	[timem:s6], [sflag:s22] =	dma.local [hbm:s4], s20  }
0x9e: {  	_ =	swait.ge [sflag:s22], s20  }
0x9f: {  	s3 =	ssub.s32 $0x0, s20;
	[sflag:s22] =	ssyncset.done $0x0  }
0xa0: {  	[sflag:s22] =	ssyncadd.s32 s3;
	_ =	sdelay $0x1  }
0xa1: {  	s23 =	simm.s32 $0x1B8B  }
0xa2: {  	_ =	swait.ge [sflag:s23], $0x1  }
0xa3: {  	[sflag:s23] =	ssyncset.done $0x0  }
0xa4: {  	s25 =	simm.s32 $0x1B8E;
	s24 =	sld [smem:$0x3FFE];
	[sflag:s23] =	ssyncadd.s32 $0xFFFFFFFF  }
0xa5: {  	s26 =	simm.s32 $execute0_lowered;
	[smem:$0x3FD2] =	sst s25  }
0xa6: {  	s4 =	sshll.u32 s26, $0x1;
	_ =	strace $0x80000049;
	[dreg:$0x1] =	wrdreg $0xFFFFFFFF  }
0xa7: {  	s28 =	simm.s32 $_size_execute0_lowered;
	s2 =	sadd.s32 s2, s4;
	[dreg:$0x0] =	wrdreg $0x0  }
0xa8: {  	s4 =	sshll.u32 s28, $0x1;
	[dreg:$0x2] =	wrdreg s2  }
0xa9: {  	[dreg:$0x3] =	wrdreg s4  }
0xaa: {  	[dreg:$0x4] =	wrdreg $0xC0  }
0xab: {  	_ =	task [dreg:s6], $0x5FFFF  }
0xac: {  	[dreg:$0x1] =	wrdreg $0xFFFFFFFF  }
0xad: {  	[dreg:$0x0] =	wrdreg $0x60  }
0xae: {  	[dreg:$0x2] =	wrdreg s24  }
0xaf: {  	[dreg:$0x3] =	wrdreg $0x81000  }
0xb0: {  	[dreg:$0x4] =	wrdreg $0x9  }
0xb1: {  	_ =	task.clear_ibuf [dreg:s6], $0x5FFFF;
	_ =	strace $0x90000049  }
0xb2: {  	s29 =	simm.s32 $0x9;
	_ =	strace $0x8000004B  }
0xb3: {  	_ =	swait.ge [sflag:s29], $0x1  }
0xb4: {  	[sflag:s29] =	ssyncadd.s32 $0xFFFFFFFF  }
0xb5: {  	_ =	strace $0x9000004B  }
0xb6: {  	_ =	sfence  }
0xb7: {  	s30 =	sld [smem:$0x0];
	_ =	sdelay $0x2  }
0xb8: {  	s31 =	sshll.u32 s1, $0xD;
	s1 =	sshrl.u32 s1, $0x2  }
0xb9: {  	s3 =	sand.u32 $0x4000, s31;
	s1 =	sadd.s32 s1, s30  }
0xba: {  	s0 =	sor.u32 s3, s0;
	s1 =	sshll.u32 s1, $0x11  }
0xbb: {  	s0 =	sor.u32 s1, s0  }
0xbc: {  	s0 =	sadd.s32 $0x8F2B, s0  }
0xbd: {  	[sflag:s0] =	ssyncadd.remote.s32 $0x1  }
0xbe: {  	_ =	sfence.sel $0xFFFF  }
0xbf: {  	[dreg:$0x0] =	wrdreg $0xFFFFFFFF;
	(pc) =	sbr.abs _section_cstart, $3  }
0xc0: {  	[dreg:$0x1] =	wrdreg $0xFFFFFFFF  }
0xc1: {  	_ =	task.clear_ibuf [dreg:s6], $0x2FFFF;
	_ =	strace $0x9FFFFFFF  }
0xc2: {  	(tm) =	ssettm $0x7FFFFFFF  }
0xc3: {  	_ =	shalt  }
tec
execute0_lowered:
.L_overlay_start_1:
0x0: {  	(tag) =	ssettag $0x1  }
0x1: {  	s6 =	rddreg [dreg:$0x0]  }
0x2: {  	s2 =	rddreg [dreg:$0x1];
	s1 =	stileid.u32  }
0x3: {  	s0 =	rddreg [dreg:$0x2];
	s3 =	simm.s32 $0x0;
	s8 =	srdreg.scid  }
0x4: {  	s19 =	simm.s32 $0x100;
	s20 =	simm.s32 $0x80;
	s21 =	simm.s32 $0x4100  }
0x5: {  	s22 =	simm.s32 $0x1;
	s23 =	simm.s32 $0x3;
	s7 =	smul.u32 $0x50000, s1  }
0x6: {  	s24 =	simm.s32 $0x2;
	s25 =	simm.s32 $0x4;
	s5 =	smul.u32 $0xA00, s1  }
0x7: {  	s26 =	simm.s32 $0x0;
	[smem:$0x7FF] =	sst s3;
	s4 =	smul.u32 $0x2800, s1  }
0x8: {  	s17 =	sand.u32 $0x1, s8;
	s31 =	sshll.u32 s1, $0x6;
	_ =	strace $0x8000004A  }
0x9: {  	s9 =	ssub.s32 $0x2, s17;
	s8 =	sor.u32 $0x1C05, s31;
	s14 =	sadd.s32 s7, s6  }
0xa: {  	s16 =	sadd.s32 s5, s6;
	s30 =	sadd.s32 s4, s6;
	s5 =	sadd.s32 $0xECA00, s6  }
0xb: {  	s6 =	sadd.s32 $0x114A00, s6;
	s10 =	sshrl.u32 s9, $0x1;
	s7 =	sshrl.u32 s7, $0x2  }
.Ltmp0:
0xc: {  	s15 =	ssub.s32 s9, s10;
	s18 =	sadd.s32 s7, s2;
	(pc) =	sbr.rel .LBB2_1-.Ltmp0, $4  }
0xd: {  	s7 =	sadd.s32 $0xC4A00, s30;
	s9 =	sadd.s32 $0xAEE400, s14;
	s10 =	sadd.s32 $0x6C600, s16  }
0xe: {  	p0 =	sne.s32 s17, $0x0;
	s12 =	sadd.s32 $0xAEEC00, s14;
	s13 =	sadd.s32 $0x5EE400, s14  }
0xf: {  	s11 =	sadd.s32 $0x6C610, s16;
	s14 =	sadd.s32 $0x5EEC00, s14;
	s16 =	sadd.s32 $0x6C630, s16  }
0x10: {  	s15 =	smax.u32 s15, $0x1;
	s17 =	sshrl.u32 s18, $0x3;
	s18 =	simm.s32 $0x5  }
.LBB2_7:
0x11: {  	[tilespmem:s21], [sflag:$0x2] =	stream.linear.gather [hbm4b:s30+s3], $0x4000, $0x38;
	[tilespmem:$0x1C100] =	vst v63  }
0x12: {  	s28 =	smov.u32 s6  }
.LBB2_8:
0x13: {  	_ =	swait.ge [sflag:s22], $0x4000  }
0x14: {  	[sflag:s22] =	ssyncset.done $0x0  }
0x15: {  	[sflag:s22] =	ssyncadd.s32 $0xFFFFC000  }
0x16: {  	[spmem:s2] =	stream.indirect.scatter.add.f32 [tilespmem:s19], [sflag:$0x3], $0x80, s3, s20, $0xb8;
	[tilespmem:$0x1C100] =	vst v63  }
0x17: {  	_ =	swait.ge [sflag:s24], $0x4000  }
0x18: {  	[sflag:s24] =	ssyncset.done $0x0  }
0x19: {  	[sflag:s24] =	ssyncadd.s32 $0xFFFFC000  }
0x1a: {  	[spmem:s2] =	stream.indirect.scatter.add.f32 [tilespmem:s21], [sflag:$0x4], $0x80, s20, s20, $0xb8;
	[tilespmem:$0x1C100] =	vst v63  }
0x1b: {  	_ =	swait.ge [sflag:s23], $0x4000  }
0x1c: {  	[sflag:s23] =	ssyncset.done $0x0  }
0x1d: {  	[sflag:s23] =	ssyncadd.s32 $0xFFFFC000  }
0x1e: {  	_ =	swait.ge [sflag:s25], $0x4000  }
0x1f: {  	s26 =	sadd.s32 $0x1, s26;
	[sflag:s25] =	ssyncset.done $0x0  }
0x20: {  	p1 =	sne.s32 s26, s15;
	[sflag:s25] =	ssyncadd.s32 $0xFFFFC000  }
.Ltmp1:
0x21: {  	s28 =	sadd.s32 s28, s4;
	[bflag:$0x0] =	sbarrier.arrive $0xFFFF;
	(pc) =	sbr.rel @!p1 .LBB2_9-.Ltmp1, $4  }
0x22: {  	[hbm:s28], [sflag:s8] =	dma.local [spmem:s17], $0x2800  }
0x23: {  	_ =	swait.ge [sflag:s18], $0x2800  }
0x24: {  	[sflag:s18] =	ssyncset.done $0x0  }
0x25: {  	[sflag:s18] =	ssyncadd.s32 $0xFFFFD800  }
.LBB2_1:
0x26: {  	[spmem:s17], [sflag:s8] =	dma.local [hbm:s7], $0x2800  }
0x27: {  	_ =	swait.ge [sflag:s18], $0x2800  }
0x28: {  	[sflag:s18] =	ssyncset.done $0x0  }
0x29: {  	[sflag:s18] =	ssyncadd.s32 $0xFFFFD800  }
.Ltmp2:
0x2a: {  	[bflag:$0x0] =	sbarrier.arrive $0xFFFF;
	(pc) =	sbr.rel @p0 .LBB2_5-.Ltmp2, $4  }
0x2b: {  	[tilespmem:s3], [sflag:$0x5] =	stream.linear.gather [hbm4b:s10+s3], $0x80, $0x38;
	[tilespmem:$0x1C100] =	vst v63  }
0x2c: {  	_ =	swait.ge [sflag:s18], $0x80  }
0x2d: {  	[sflag:s18] =	ssyncset.done $0x0  }
0x2e: {  	s28 =	simm.s32 $0x0;
	[sflag:s18] =	ssyncadd.s32 $0xFFFFFF80  }
0x2f: {  	[tilespmem:s19], [sflag:$0x1] =	stream.linear.gather [hbm4b:s13+s28], $0x4000, $0x38;
	[tilespmem:$0x1C100] =	vst v63  }
0x30: {  	_ = 	snop  }
0x31: {  	[tilespmem:s20], [sflag:$0x5] =	stream.linear.gather [hbm4b:s11+s28], $0x80, $0x38;
	[tilespmem:$0x1C100] =	vst v63  }
0x32: {  	_ =	swait.ge [sflag:s18], $0x80  }
0x33: {  	[sflag:s18] =	ssyncset.done $0x0  }
0x34: {  	[sflag:s18] =	ssyncadd.s32 $0xFFFFFF80  }
0x35: {  	[tilespmem:s21], [sflag:$0x2] =	stream.linear.gather [hbm4b:s14+s28], $0x4000, $0x38;
	[tilespmem:$0x1C100] =	vst v63  }
0x36: {  	_ =	swait.ge [sflag:s22], $0x4000  }
0x37: {  	[sflag:s22] =	ssyncset.done $0x0  }
0x38: {  	[sflag:s22] =	ssyncadd.s32 $0xFFFFC000  }
0x39: {  	[spmem:s2] =	stream.indirect.scatter.add.f32 [tilespmem:s19], [sflag:$0x3], $0x80, s3, s20, $0xb8;
	[tilespmem:$0x1C100] =	vst v63  }
0x3a: {  	_ =	swait.ge [sflag:s23], $0x4000  }
0x3b: {  	[sflag:s23] =	ssyncset.done $0x0  }
0x3c: {  	s28 =	sadd.s32 $0xFFFFFFF0, s16;
	[sflag:s23] =	ssyncadd.s32 $0xFFFFC000  }
0x3d: {  	[tilespmem:s3], [sflag:$0x5] =	stream.linear.gather [hbm4b:s28+s3], $0x80, $0x38;
	[tilespmem:$0x1C100] =	vst v63  }
0x3e: {  	_ =	swait.ge [sflag:s18], $0x80  }
0x3f: {  	s29 =	sadd.s32 $0x0, s13;
	[sflag:s18] =	ssyncset.done $0x0  }
0x40: {  	s28 =	sadd.s32 $0x1000, s29;
	[sflag:s18] =	ssyncadd.s32 $0xFFFFFF80  }
0x41: {  	[tilespmem:s19], [sflag:$0x1] =	stream.linear.gather [hbm4b:s28+s3], $0x4000, $0x38;
	[tilespmem:$0x1C100] =	vst v63  }
0x42: {  	_ =	swait.ge [sflag:s24], $0x4000  }
0x43: {  	[sflag:s24] =	ssyncset.done $0x0  }
0x44: {  	[sflag:s24] =	ssyncadd.s32 $0xFFFFC000  }
0x45: {  	[spmem:s2] =	stream.indirect.scatter.add.f32 [tilespmem:s21], [sflag:$0x4], $0x80, s20, s20, $0xb8;
	[tilespmem:$0x1C100] =	vst v63  }
0x46: {  	_ =	swait.ge [sflag:s25], $0x4000  }
0x47: {  	[sflag:s25] =	ssyncset.done $0x0  }
0x48: {  	[sflag:s25] =	ssyncadd.s32 $0xFFFFC000  }
0x49: {  	[tilespmem:s20], [sflag:$0x5] =	stream.linear.gather [hbm4b:s16+s3], $0x80, $0x38;
	[tilespmem:$0x1C100] =	vst v63  }
0x4a: {  	_ =	swait.ge [sflag:s18], $0x80  }
0x4b: {  	s30 =	sadd.s32 $0x1800, s29;
	[sflag:s18] =	ssyncset.done $0x0  }
0x4c: {  	s29 =	sadd.s32 $0x20, s16;
	s28 =	simm.s32 $0x1000;
	[sflag:s18] =	ssyncadd.s32 $0xFFFFFF80  }
.LBB2_3:
0x4d: {  	[tilespmem:s21], [sflag:$0x2] =	stream.linear.gather [hbm4b:s30+s3], $0x4000, $0x38;
	[tilespmem:$0x1C100] =	vst v63  }
0x4e: {  	s30 =	smov.u32 s28  }
0x4f: {  	p1 =	seq.s32 s28, $0x4E000;
	s28 =	sadd.s32 $0x1000, s28;
	_ =	swait.ge [sflag:s22], $0x4000  }
0x50: {  	[sflag:s22] =	ssyncset.done $0x0  }
0x51: {  	[sflag:s22] =	ssyncadd.s32 $0xFFFFC000  }
0x52: {  	[spmem:s2] =	stream.indirect.scatter.add.f32 [tilespmem:s19], [sflag:$0x3], $0x80, s3, s20, $0xb8;
	[tilespmem:$0x1C100] =	vst v63  }
0x53: {  	_ =	swait.ge [sflag:s23], $0x4000  }
0x54: {  	[sflag:s23] =	ssyncset.done $0x0  }
0x55: {  	s31 =	sadd.s32 $0xFFFFFFF0, s29;
	[sflag:s23] =	ssyncadd.s32 $0xFFFFC000  }
0x56: {  	[tilespmem:s3], [sflag:$0x5] =	stream.linear.gather [hbm4b:s31+s3], $0x80, $0x38;
	[tilespmem:$0x1C100] =	vst v63  }
0x57: {  	_ =	swait.ge [sflag:s18], $0x80  }
0x58: {  	s30 =	sadd.s32 s30, s13;
	[sflag:s18] =	ssyncset.done $0x0  }
0x59: {  	s31 =	sadd.s32 $0x1000, s30;
	[sflag:s18] =	ssyncadd.s32 $0xFFFFFF80  }
0x5a: {  	[tilespmem:s19], [sflag:$0x1] =	stream.linear.gather [hbm4b:s31+s3], $0x4000, $0x38;
	[tilespmem:$0x1C100] =	vst v63  }
0x5b: {  	_ =	swait.ge [sflag:s24], $0x4000  }
0x5c: {  	[sflag:s24] =	ssyncset.done $0x0  }
0x5d: {  	[sflag:s24] =	ssyncadd.s32 $0xFFFFC000  }
0x5e: {  	[spmem:s2] =	stream.indirect.scatter.add.f32 [tilespmem:s21], [sflag:$0x4], $0x80, s20, s20, $0xb8;
	[tilespmem:$0x1C100] =	vst v63  }
0x5f: {  	_ =	swait.ge [sflag:s25], $0x4000  }
0x60: {  	[sflag:s25] =	ssyncset.done $0x0  }
.Ltmp3:
0x61: {  	[sflag:s25] =	ssyncadd.s32 $0xFFFFC000;
	(pc) =	sbr.rel @!p1 .LBB2_3-.Ltmp3, $4  }
0x62: {  	[tilespmem:s20], [sflag:$0x5] =	stream.linear.gather [hbm4b:s29+s3], $0x80, $0x38;
	[tilespmem:$0x1C100] =	vst v63  }
0x63: {  	_ =	swait.ge [sflag:s18], $0x80  }
0x64: {  	[sflag:s18] =	ssyncset.done $0x0  }
0x65: {  	s30 =	sadd.s32 $0x1800, s30;
	s29 =	sadd.s32 $0x20, s29;
	[sflag:s18] =	ssyncadd.s32 $0xFFFFFF80  }
.Ltmp4:
0x66: {  	(pc) =	sbr.rel .LBB2_8-.Ltmp4, $3  }
0x67: {  	_ =	sdelay $0x1  }
0x68: {  	[tilespmem:s21], [sflag:$0x2] =	stream.linear.gather [hbm4b:s30+s3], $0x4000, $0x38;
	[tilespmem:$0x1C100] =	vst v63  }
0x69: {  	s28 =	smov.u32 s5  }
.LBB2_5:
0x6a: {  	[tilespmem:s19], [sflag:$0x1] =	stream.linear.gather [hbm4b:s9+s28], $0x4000, $0x38;
	[tilespmem:$0x1C100] =	vst v63  }
0x6b: {  	_ = 	snop  }
0x6c: {  	[tilespmem:s20], [sflag:$0x5] =	stream.linear.gather [hbm4b:s11+s28], $0x80, $0x38;
	[tilespmem:$0x1C100] =	vst v63  }
0x6d: {  	_ =	swait.ge [sflag:s18], $0x80  }
0x6e: {  	[sflag:s18] =	ssyncset.done $0x0  }
0x6f: {  	[sflag:s18] =	ssyncadd.s32 $0xFFFFFF80  }
0x70: {  	[tilespmem:s21], [sflag:$0x2] =	stream.linear.gather [hbm4b:s12+s28], $0x4000, $0x38;
	[tilespmem:$0x1C100] =	vst v63  }
0x71: {  	_ =	swait.ge [sflag:s22], $0x4000  }
0x72: {  	[sflag:s22] =	ssyncset.done $0x0  }
0x73: {  	[sflag:s22] =	ssyncadd.s32 $0xFFFFC000  }
0x74: {  	[spmem:s2] =	stream.indirect.scatter.add.f32 [tilespmem:s19], [sflag:$0x3], $0x80, s3, s20, $0xb8;
	[tilespmem:$0x1C100] =	vst v63  }
0x75: {  	_ =	swait.ge [sflag:s23], $0x4000  }
0x76: {  	[sflag:s23] =	ssyncset.done $0x0  }
0x77: {  	s28 =	sadd.s32 $0xFFFFFFF0, s16;
	[sflag:s23] =	ssyncadd.s32 $0xFFFFC000  }
0x78: {  	[tilespmem:s3], [sflag:$0x5] =	stream.linear.gather [hbm4b:s28+s3], $0x80, $0x38;
	[tilespmem:$0x1C100] =	vst v63  }
0x79: {  	_ =	swait.ge [sflag:s18], $0x80  }
0x7a: {  	s29 =	sadd.s32 $0x0, s9;
	[sflag:s18] =	ssyncset.done $0x0  }
0x7b: {  	s28 =	sadd.s32 $0x1000, s29;
	[sflag:s18] =	ssyncadd.s32 $0xFFFFFF80  }
0x7c: {  	[tilespmem:s19], [sflag:$0x1] =	stream.linear.gather [hbm4b:s28+s3], $0x4000, $0x38;
	[tilespmem:$0x1C100] =	vst v63  }
0x7d: {  	_ =	swait.ge [sflag:s24], $0x4000  }
0x7e: {  	[sflag:s24] =	ssyncset.done $0x0  }
0x7f: {  	[sflag:s24] =	ssyncadd.s32 $0xFFFFC000  }
0x80: {  	[spmem:s2] =	stream.indirect.scatter.add.f32 [tilespmem:s21], [sflag:$0x4], $0x80, s20, s20, $0xb8;
	[tilespmem:$0x1C100] =	vst v63  }
0x81: {  	_ =	swait.ge [sflag:s25], $0x4000  }
0x82: {  	[sflag:s25] =	ssyncset.done $0x0  }
0x83: {  	[sflag:s25] =	ssyncadd.s32 $0xFFFFC000  }
0x84: {  	[tilespmem:s20], [sflag:$0x5] =	stream.linear.gather [hbm4b:s16+s3], $0x80, $0x38;
	[tilespmem:$0x1C100] =	vst v63  }
0x85: {  	_ =	swait.ge [sflag:s18], $0x80  }
0x86: {  	s30 =	sadd.s32 $0x1800, s29;
	[sflag:s18] =	ssyncset.done $0x0  }
0x87: {  	s29 =	sadd.s32 $0x20, s16;
	s28 =	simm.s32 $0x1000;
	[sflag:s18] =	ssyncadd.s32 $0xFFFFFF80  }
.LBB2_6:
0x88: {  	[tilespmem:s21], [sflag:$0x2] =	stream.linear.gather [hbm4b:s30+s3], $0x4000, $0x38;
	[tilespmem:$0x1C100] =	vst v63  }
0x89: {  	s30 =	smov.u32 s28  }
0x8a: {  	p1 =	sne.s32 s28, $0x4E000;
	s28 =	sadd.s32 $0x1000, s28;
	_ =	swait.ge [sflag:s22], $0x4000  }
0x8b: {  	[sflag:s22] =	ssyncset.done $0x0  }
0x8c: {  	[sflag:s22] =	ssyncadd.s32 $0xFFFFC000  }
0x8d: {  	[spmem:s2] =	stream.indirect.scatter.add.f32 [tilespmem:s19], [sflag:$0x3], $0x80, s3, s20, $0xb8;
	[tilespmem:$0x1C100] =	vst v63  }
0x8e: {  	_ =	swait.ge [sflag:s23], $0x4000  }
0x8f: {  	[sflag:s23] =	ssyncset.done $0x0  }
0x90: {  	s31 =	sadd.s32 $0xFFFFFFF0, s29;
	[sflag:s23] =	ssyncadd.s32 $0xFFFFC000  }
0x91: {  	[tilespmem:s3], [sflag:$0x5] =	stream.linear.gather [hbm4b:s31+s3], $0x80, $0x38;
	[tilespmem:$0x1C100] =	vst v63  }
0x92: {  	_ =	swait.ge [sflag:s18], $0x80  }
0x93: {  	s30 =	sadd.s32 s30, s9;
	[sflag:s18] =	ssyncset.done $0x0  }
0x94: {  	s31 =	sadd.s32 $0x1000, s30;
	[sflag:s18] =	ssyncadd.s32 $0xFFFFFF80  }
0x95: {  	[tilespmem:s19], [sflag:$0x1] =	stream.linear.gather [hbm4b:s31+s3], $0x4000, $0x38;
	[tilespmem:$0x1C100] =	vst v63  }
0x96: {  	_ =	swait.ge [sflag:s24], $0x4000  }
0x97: {  	[sflag:s24] =	ssyncset.done $0x0  }
0x98: {  	[sflag:s24] =	ssyncadd.s32 $0xFFFFC000  }
0x99: {  	[spmem:s2] =	stream.indirect.scatter.add.f32 [tilespmem:s21], [sflag:$0x4], $0x80, s20, s20, $0xb8;
	[tilespmem:$0x1C100] =	vst v63  }
0x9a: {  	_ =	swait.ge [sflag:s25], $0x4000  }
0x9b: {  	[sflag:s25] =	ssyncset.done $0x0  }
.Ltmp5:
0x9c: {  	[sflag:s25] =	ssyncadd.s32 $0xFFFFC000;
	(pc) =	sbr.rel @p1 .LBB2_6-.Ltmp5, $4  }
0x9d: {  	[tilespmem:s20], [sflag:$0x5] =	stream.linear.gather [hbm4b:s29+s3], $0x80, $0x38;
	[tilespmem:$0x1C100] =	vst v63  }
0x9e: {  	_ =	swait.ge [sflag:s18], $0x80  }
0x9f: {  	[sflag:s18] =	ssyncset.done $0x0  }
0xa0: {  	s30 =	sadd.s32 $0x1800, s30;
	s29 =	sadd.s32 $0x20, s29;
	[sflag:s18] =	ssyncadd.s32 $0xFFFFFF80  }
.Ltmp6:
0xa1: {  	_ = 	snop;
	(pc) =	sbr.rel .LBB2_7-.Ltmp6, $1  }
0xa2: {  	_ =	sdelay $0x3  }
.LBB2_9:
0xa3: {  	_ =	sfence.sel $0x180000  }
0xa4: {  	[bflag:$0x0] =	sbarrier.arrive $0xFFFF  }
0xa5: {  	p0 =	sne.s32 s1, $0x0;
	_ =	strace $0x9000004A  }
0xa6: {  	s0 =	sadd.s32 @!p0 $0x100000, s0;
	[bflag:$0x2] =	sbarrier.arrive $0xFFFF  }
0xa7: {  	[sflag:s0] =	ssyncadd.tile.s32 @!p0 $0x1;
	_ =	shalt  }
.Lfunc_end2:
_tile_overlayer_lowered:
.L_overlay_start_2:
0xa8: {  	(tag) =	ssettag $0x2  }
0xa9: {  	s0 =	rddreg [dreg:$0x0];
	s2 =	stileid.u32  }
0xaa: {  	s1 =	rddreg [dreg:$0x1];
	p0 =	sne.s32 s2, $0x0  }
0xab: {  	s3 =	rddreg [dreg:$0x2];
	[bflag:$0x3] =	sbarrier.arrive $0xFFFF;
	s2 =	simm.s32 @!p0 $0x1C05  }
0xac: {  	[timem:s3], [sflag:s2] =	dma.local @!p0 [hbm:s0], s1  }
0xad: {  	s0 =	simm.s32 @!p0 $0x5  }
0xae: {  	_ =	swait.ge @!p0 [sflag:s0], s1  }
0xaf: {  	s1 =	ssub.s32 @!p0 $0x0, s1;
	[sflag:s0] =	ssyncset.done @!p0 $0x0  }
0xb0: {  	[sflag:s0] =	ssyncadd.s32 @!p0 s1  }
0xb1: {  	[bflag:$0x3] =	sbarrier.arrive $0xFFFF  }
0xb2: {  	_ =	shalt  }

// kernel: kernel.17.cloned.1.call-start
scs
__scs_entry_jumppad:
0x0: {  	(pc) =	sbr.rel $0x88, $3  }
0x1: {  	(tag) =	ssettag $0x0;
	lr =	simm.s32 $0x1  }
0x2: {  	[smem:$0x3F88] =	sst lr;
	_ =	strace $0xD0000000  }
0x3: {  	_ = 	snop  }
0x4: {  	_ = 	snop  }
0x5: {  	_ = 	snop  }
0x6: {  	_ = 	snop  }
0x7: {  	_ = 	snop  }
__scs_overlays_trampoline_lowered:
0x8: {  	[smem:$0x3F97] =	sst s0  }
0x9: {  	[smem:$0x3F98] =	sst s1  }
0xa: {  	[smem:$0x3F99] =	sst s2  }
0xb: {  	[smem:$0x3F9A] =	sst s3  }
0xc: {  	[smem:$0x3F9B] =	sst s4  }
0xd: {  	[smem:$0x3F9C] =	sst s5  }
0xe: {  	[smem:$0x3F9D] =	sst s6  }
0xf: {  	[smem:$0x3F9E] =	sst s7  }
0x10: {  	[smem:$0x3F9F] =	sst s8  }
0x11: {  	[smem:$0x3FA0] =	sst s9;
	s0 =	simm.s32 @!p0 $0x0  }
0x12: {  	s1 =	sld [smem:$0x3F86];
	s0 =	simm.s32 @p0 $0x1  }
0x13: {  	[smem:$0x3FA1] =	sst s0;
	s0 =	simm.s32 @!p1 $0x0  }
0x14: {  	s2 =	sld [smem:$0x3F85];
	s0 =	simm.s32 @p1 $0x1  }
0x15: {  	[smem:$0x3FA2] =	sst s0;
	s0 =	simm.s32 @!p2 $0x0  }
0x16: {  	s3 =	sld [smem:$0x3FDB];
	s0 =	simm.s32 @p2 $0x1  }
0x17: {  	s4 =	simm.s32 $0x1BF5;
	[smem:$0x3FA4] =	sst s0  }
0x18: {  	s0 =	sld [smem:$0x3F87];
	_ =	swait.ge [sflag:s4], $0x0  }
0x19: {  	s7 =	sld [smem:$0x3F88]  }
0x1a: {  	s8 =	sadd.s32 $0xFFFFE003, lr  }
0x1b: {  	s9 =	sadd.s32 $0xFFFFFEF7, lr;
	s5 =	simm.s32 $0xFFFFFFFF;
	p2 =	slt.u32 s8, $0xFFFFF086  }
0x1c: {  	p1 =	slt.u32 s9, $0xF7A;
	s5 =	simm.s32 @!p2 $0x0  }
0x1d: {  	s5 =	simm.s32 @p1 $0x1;
	p0 =	seq.s32 s7, s2  }
0x1e: {  	s7 =	smul.u32 @!p0 $0xF7A, s2;
	p2 =	seq.s32 @!p0 s5, $0x0  }
0x1f: {  	s9 =	smul.u32 $0xF7A, s1;
	s8 =	simm.s32 @!p0 $0x1BF5;
	p2 =	por !p2, p0  }
0x20: {  	[sflag:s8] =	ssyncset.s32 @!p0 $0xFFFFF086;
	s6 =	sadd.s32 @!p0 s3, s7;
	s7 =	simm.s32 @!p0 $0x108  }
0x21: {  	s3 =	sadd.s32 s3, s9;
	s6 =	sadd.s32 @!p0 $0x88, s6;
	s7 =	simm.s32 @p2 $0x1082  }
0x22: {  	[simem:s7], [sflag:s8] =	dma.local @!p0 [hbm:s6], $0xF7A  }
0x23: {  	s9 =	sor.u32 $0xD0000000, s2;
	s6 =	simm.s32 $0x108;
	_ =	swait.ge @!p0 [sflag:s8], $0x0  }
0x24: {  	s3 =	sadd.s32 $0x88, s3;
	s6 =	simm.s32 @!p1 $0x1082;
	[sflag:s4] =	ssyncset.s32 $0xFFFFF086  }
0x25: {  	[simem:s6], [sflag:s4] =	dma.local [hbm:s3], $0xF7A  }
0x26: {  	[smem:$0x3F88] =	sst s1;
	(tag) =	ssettag s2;
	_ =	strace s9  }
0x27: {  	s1 =	sld [smem:$0x3F98]  }
0x28: {  	s2 =	sld [smem:$0x3F99]  }
0x29: {  	s4 =	sld [smem:$0x3F9B]  }
0x2a: {  	p0 =	seq.s32 s5, $0x0;
	s5 =	sld [smem:$0x3F9C]  }
0x2b: {  	s6 =	sld [smem:$0x3F9D]  }
0x2c: {  	s7 =	sld [smem:$0x3F9E]  }
0x2d: {  	s3 =	simm.s32 $0x108;
	s8 =	sld [smem:$0x3F9F]  }
0x2e: {  	s3 =	simm.s32 @!p0 $0x1082;
	s9 =	sld [smem:$0x3FA0]  }
0x2f: {  	lr =	sadd.s32 s0, s3;
	s0 =	sld [smem:$0x3F97]  }
0x30: {  	s3 =	sld [smem:$0x3F9A]  }
0x31: {  	[smem:$0x3FA3] =	sst s10  }
0x32: {  	s10 =	sld [smem:$0x3FA1];
	_ =	sdelay $0x3  }
0x33: {  	p0 =	seq.s32 s10, $0x1;
	s10 =	sld [smem:$0x3FA3];
	_ =	sdelay $0x3  }
0x34: {  	[smem:$0x3FA3] =	sst s10  }
0x35: {  	s10 =	sld [smem:$0x3FA2];
	_ =	sdelay $0x3  }
0x36: {  	p1 =	seq.s32 s10, $0x1;
	s10 =	sld [smem:$0x3FA3];
	_ =	sdelay $0x3  }
0x37: {  	[smem:$0x3FA3] =	sst s10  }
0x38: {  	s10 =	sld [smem:$0x3FA4]  }
0x39: {  	_ = 	snop;
	(pc) =	sbr.ind lr, $3  }
0x3a: {  	_ = 	snop  }
0x3b: {  	_ = 	snop  }
0x3c: {  	p2 =	seq.s32 s10, $0x1;
	s10 =	sld [smem:$0x3FA3]  }
0x3d: {  	_ =	shalt  }
0x3e: {  	_ =	shalt  }
0x3f: {  	_ =	shalt  }
0x40: {  	_ =	shalt  }
0x41: {  	_ =	shalt  }
0x42: {  	_ =	shalt  }
0x43: {  	_ =	shalt  }
0x44: {  	_ =	shalt  }
0x45: {  	_ =	shalt  }
0x46: {  	_ =	shalt  }
0x47: {  	_ =	shalt  }
0x48: {  	_ =	shalt  }
0x49: {  	_ =	shalt  }
0x4a: {  	_ =	shalt  }
0x4b: {  	_ =	shalt  }
0x4c: {  	_ =	shalt  }
0x4d: {  	_ =	shalt  }
0x4e: {  	_ =	shalt  }
0x4f: {  	_ =	shalt  }
0x50: {  	_ =	shalt  }
0x51: {  	_ =	shalt  }
0x52: {  	_ =	shalt  }
0x53: {  	_ =	shalt  }
0x54: {  	_ =	shalt  }
0x55: {  	_ =	shalt  }
0x56: {  	_ =	shalt  }
0x57: {  	_ =	shalt  }
0x58: {  	_ =	shalt  }
0x59: {  	_ =	shalt  }
0x5a: {  	_ =	shalt  }
0x5b: {  	_ =	shalt  }
0x5c: {  	_ =	shalt  }
0x5d: {  	_ =	shalt  }
0x5e: {  	_ =	shalt  }
0x5f: {  	_ =	shalt  }
0x60: {  	_ =	shalt  }
0x61: {  	_ =	shalt  }
0x62: {  	_ =	shalt  }
0x63: {  	_ =	shalt  }
0x64: {  	_ =	shalt  }
0x65: {  	_ =	shalt  }
0x66: {  	_ =	shalt  }
0x67: {  	_ =	shalt  }
0x68: {  	_ =	shalt  }
0x69: {  	_ =	shalt  }
0x6a: {  	_ =	shalt  }
0x6b: {  	_ =	shalt  }
0x6c: {  	_ =	shalt  }
0x6d: {  	_ =	shalt  }
0x6e: {  	_ =	shalt  }
0x6f: {  	_ =	shalt  }
0x70: {  	_ =	shalt  }
0x71: {  	_ =	shalt  }
0x72: {  	_ =	shalt  }
0x73: {  	_ =	shalt  }
0x74: {  	_ =	shalt  }
0x75: {  	_ =	shalt  }
0x76: {  	_ =	shalt  }
0x77: {  	_ =	shalt  }
0x78: {  	_ =	shalt  }
0x79: {  	_ =	shalt  }
0x7a: {  	_ =	shalt  }
0x7b: {  	_ =	shalt  }
0x7c: {  	_ =	shalt  }
0x7d: {  	_ =	shalt  }
0x7e: {  	_ =	shalt  }
0x7f: {  	_ =	shalt  }
0x80: {  	_ =	shalt  }
0x81: {  	_ =	shalt  }
0x82: {  	_ =	shalt  }
0x83: {  	_ =	shalt  }
0x84: {  	_ =	shalt  }
0x85: {  	_ =	shalt  }
0x86: {  	_ =	shalt  }
0x87: {  	_ =	shalt  }
.Lfunc_end0:
.L_simem_size_0:
called_computation.2_lowered:
.L_overlay_start_0:
0x88: {  	s2 =	sld [smem:$0x3FD9]  }
0x89: {  	s3 =	sld [smem:$0x3FFE];
	_ =	sdelay $0x1  }
0x8a: {  	s1 =	srdreg.scid  }
0x8b: {  	s0 =	sand.u32 $0x1, s1  }
0x8c: {  	s17 =	sshll.u32 s0, $0xA;
	s2 =	sadd.s32 s3, s2  }
0x8d: {  	s2 =	sadd.s32 s2, s17  }
0x8e: {  	[smem:$0x3FAF] =	sst s2  }
0x8f: {  	_ = 	snop  }
0x90: {  	s2 =	sld [smem:$0x3FD0];
	(tm) =	ssettm $0x1  }
0x91: {  	s18 =	sld [smem:$0x3FFB];
	_ =	sdelay $0x3  }
0x92: {  	_ =	strace s18  }
0x93: {  	s3 =	sld [smem:$0x3FFC];
	_ =	sdelay $0x3  }
0x94: {  	_ =	strace s3  }
0x95: {  	s3 =	sld [smem:$0x3FFD];
	_ =	sdelay $0x3  }
0x96: {  	_ =	strace s3  }
0x97: {  	_ =	strace $0x8FFFFFFF  }
0x98: {  	s19 =	sld [smem:$0x3FDB];
	_ =	sdelay $0x1  }
0x99: {  	s4 =	simm.s32 $_scs_section_size  }
0x9a: {  	s5 =	simm.s32 $_size__tile_overlayer_lowered;
	s6 =	simm.s32 $_tile_overlayer_lowered  }
0x9b: {  	s22 =	simm.s32 $0x1BFF;
	s21 =	sshll.u32 s6, $0x1;
	s3 =	sadd.s32 s4, s19  }
0x9c: {  	s7 =	simm.s32 $0x0;
	s20 =	sshll.u32 s5, $0x1;
	s5 =	sadd.s32 s21, s3  }
0x9d: {  	[timem:s7], [sflag:s22] =	dma.local [hbm:s5], s20  }
0x9e: {  	_ =	swait.ge [sflag:s22], s20  }
0x9f: {  	s4 =	ssub.s32 $0x0, s20;
	[sflag:s22] =	ssyncset.done $0x0  }
0xa0: {  	[sflag:s22] =	ssyncadd.s32 s4;
	_ =	sdelay $0x1  }
0xa1: {  	s23 =	simm.s32 $0x1B8B  }
0xa2: {  	_ =	swait.ge [sflag:s23], $0x1  }
0xa3: {  	[sflag:s23] =	ssyncset.done $0x0  }
0xa4: {  	s25 =	simm.s32 $0x1B8E;
	s24 =	sld [smem:$0x3FFE];
	[sflag:s23] =	ssyncadd.s32 $0xFFFFFFFF  }
0xa5: {  	s26 =	simm.s32 $execute0_lowered;
	[smem:$0x3FD2] =	sst s25  }
0xa6: {  	s5 =	sshll.u32 s26, $0x1;
	_ =	strace $0x8000004C;
	[dreg:$0x1] =	wrdreg $0xFFFFFFFF  }
0xa7: {  	s28 =	simm.s32 $_size_execute0_lowered;
	s3 =	sadd.s32 s3, s5;
	[dreg:$0x0] =	wrdreg $0x0  }
0xa8: {  	s5 =	sshll.u32 s28, $0x1;
	[dreg:$0x2] =	wrdreg s3  }
0xa9: {  	[dreg:$0x3] =	wrdreg s5  }
0xaa: {  	[dreg:$0x4] =	wrdreg $0xC0  }
0xab: {  	_ =	task [dreg:s7], $0x5FFFF  }
0xac: {  	[dreg:$0x1] =	wrdreg $0xFFFFFFFF  }
0xad: {  	[dreg:$0x0] =	wrdreg $0x60  }
0xae: {  	[dreg:$0x2] =	wrdreg s24  }
0xaf: {  	[dreg:$0x3] =	wrdreg s2  }
0xb0: {  	[dreg:$0x4] =	wrdreg $0x9  }
0xb1: {  	_ =	task.clear_ibuf [dreg:s7], $0x5FFFF;
	_ =	strace $0x9000004C  }
0xb2: {  	s29 =	simm.s32 $0x9;
	_ =	strace $0x8000004E  }
0xb3: {  	_ =	swait.ge [sflag:s29], $0x1  }
0xb4: {  	[sflag:s29] =	ssyncadd.s32 $0xFFFFFFFF  }
0xb5: {  	_ =	strace $0x9000004E  }
0xb6: {  	_ =	sfence  }
0xb7: {  	s30 =	sld [smem:$0x0];
	_ =	sdelay $0x2  }
0xb8: {  	s31 =	sshll.u32 s1, $0xD;
	s1 =	sshrl.u32 s1, $0x2  }
0xb9: {  	s3 =	sand.u32 $0x4000, s31;
	s1 =	sadd.s32 s1, s30  }
0xba: {  	s0 =	sor.u32 s3, s0;
	s1 =	sshll.u32 s1, $0x11  }
0xbb: {  	s0 =	sor.u32 s1, s0  }
0xbc: {  	s0 =	sadd.s32 $0x8F2B, s0  }
0xbd: {  	[sflag:s0] =	ssyncadd.remote.s32 $0x1  }
0xbe: {  	_ =	sfence.sel $0xFFFF  }
0xbf: {  	[dreg:$0x0] =	wrdreg $0xFFFFFFFF;
	(pc) =	sbr.abs _section_cstart, $3  }
0xc0: {  	[dreg:$0x1] =	wrdreg $0xFFFFFFFF  }
0xc1: {  	_ =	task.clear_ibuf [dreg:s7], $0x2FFFF;
	_ =	strace $0x9FFFFFFF  }
0xc2: {  	(tm) =	ssettm $0x7FFFFFFF  }
0xc3: {  	_ =	shalt  }
tec
execute0_lowered:
.L_overlay_start_1:
0x0: {  	(tag) =	ssettag $0x1  }
0x1: {  	s0 =	rddreg [dreg:$0x0];
	s2 =	simm.s32 $0x0  }
0x2: {  	s1 =	srdreg.scid;
	s3 =	stileid.u32;
	s21 =	simm.s32 $0x10400  }
0x3: {  	s22 =	simm.s32 $0x7;
	s31 =	simm.s32 $0x8200;
	s28 =	simm.s32 $0x10200  }
0x4: {  	s13 =	simm.s32 $0x10380;
	s14 =	simm.s32 $0x3;
	s15 =	simm.s32 $0x4  }
0x5: {  	s20 =	simm.s32 $0x6;
	s12 =	simm.s32 $0x0;
	[smem:$0x7FF] =	sst s2  }
0x6: {  	s4 =	sadd.s32 $0x76600, s0;
	s5 =	sadd.s32 $0x9600, s0;
	s6 =	sadd.s32 $0x30E00, s0  }
0x7: {  	s23 =	sadd.s32 $0x30800, s0;
	s8 =	sadd.s32 $0x58600, s0;
	s9 =	sadd.s32 $0x62600, s0  }
0x8: {  	s1 =	sand.u32 $0x1, s1;
	s10 =	sadd.s32 $0x5EE400, s0;
	s11 =	sadd.s32 $0x113C00, s0  }
0x9: {  	s3 =	sshll.u32 s3, $0x1;
	s17 =	sadd.s32 $0x113C10, s0;
	s18 =	sadd.s32 $0x113C20, s0  }
0xa: {  	s19 =	sadd.s32 $0x113C30, s0;
	_ =	strace $0x8000004D;
	s3 =	sor.u32 s1, s3  }
0xb: {  	[dreg:$0x3] =	wrdreg s6;
	s1 =	ssub.s32 $0x2, s1;
	s24 =	smul.u32 $0x500, s3  }
0xc: {  	[dreg:$0x4] =	wrdreg s23;
	s7 =	sshrl.u32 s1, $0x1;
	s3 =	smul.u32 $0x50, s3  }
0xd: {  	s23 =	simm.s32 $0x12C00;
	s1 =	ssub.s32 s1, s7;
	s7 =	simm.s32 $0x10300  }
0xe: {  	[dreg:$0x5] =	wrdreg s3;
	s25 =	sor.u32 $0x10, s24;
	s26 =	sadd.s32 s8, s24  }
.Ltmp0:
0xf: {  	s6 =	sadd.s32 s9, s24;
	[dreg:$0x6] =	wrdreg s26;
	(pc) =	sbr.rel .LBB2_1-.Ltmp0, $4  }
0x10: {  	s30 =	smax.u32 s1, $0x1;
	s24 =	simm.s32 $0x15400;
	[dreg:$0x7] =	wrdreg s6  }
0x11: {  	s1 =	simm.s32 $0x2;
	s29 =	sadd.s32 s8, s25;
	[dreg:$0xa] =	wrdreg s30  }
0x12: {  	s3 =	sadd.s32 s9, s25;
	s25 =	simm.s32 $0x80;
	[dreg:$0x8] =	wrdreg s29  }
0x13: {  	s6 =	simm.s32 $0x10280;
	[dreg:$0x9] =	wrdreg s3;
	s3 =	simm.s32 $0x1  }
.LBB2_8:
0x14: {  	s0 =	simm.s32 $0x5  }
0x15: {  	_ =	swait.ge [sflag:s0], $0x4000  }
0x16: {  	[sflag:s0] =	ssyncset.done $0x0  }
0x17: {  	[sflag:s0] =	ssyncadd.s32 $0xFFFFC000  }
0x18: {  	_ =	swait.ge [sflag:s20], $0x4000  }
0x19: {  	s12 =	rddreg [dreg:$0xb]  }
0x1a: {  	s30 =	rddreg [dreg:$0xa];
	s12 =	sadd.s32 $0x1, s12  }
0x1b: {  	p0 =	sne.s32 s12, s30  }
.Ltmp1:
0x1c: {  	_ = 	snop;
	(pc) =	sbr.rel @!p0 .LBB2_9-.Ltmp1, $3  }
0x1d: {  	_ =	sdelay $0x1  }
0x1e: {  	[sflag:s20] =	ssyncset.done $0x0  }
0x1f: {  	[sflag:s20] =	ssyncadd.s32 $0xFFFFC000  }
.LBB2_1:
0x20: {  	[dreg:$0xb] =	wrdreg s12  }
0x21: {  	s0 =	rddreg [dreg:$0x3]  }
0x22: {  	[tilespmem:s21], [sflag:$0x7] =	stream.linear.gather [hbm4b:s0+s2], $0x2800, $0x38;
	[tilespmem:$0x17C00] =	vst v63  }
0x23: {  	_ =	swait.ge [sflag:s22], $0x2800  }
0x24: {  	[sflag:s22] =	ssyncset.done $0x0  }
0x25: {  	s12 =	rddreg [dreg:$0x4];
	[sflag:s22] =	ssyncadd.s32 $0xFFFFD800  }
0x26: {  	[tilespmem:s23], [sflag:$0x7] =	stream.linear.gather [hbm4b:s12+s2], $0x2800, $0x38;
	[tilespmem:$0x17C00] =	vst v63  }
0x27: {  	_ =	swait.ge [sflag:s22], $0x2800  }
0x28: {  	[sflag:s22] =	ssyncset.done $0x0  }
0x29: {  	[sflag:s22] =	ssyncadd.s32 $0xFFFFD800  }
0x2a: {  	s16 =	rddreg [dreg:$0x1]  }
0x2b: {  	[tilespmem:s24], [sflag:$0x7] =	stream.linear.gather [hbm4b:s16+s2], $0x2800, $0x38;
	[tilespmem:$0x17C00] =	vst v63  }
0x2c: {  	_ =	swait.ge [sflag:s22], $0x2800  }
0x2d: {  	[sflag:s22] =	ssyncset.done $0x0  }
0x2e: {  	s26 =	rddreg [dreg:$0x6];
	[sflag:s22] =	ssyncadd.s32 $0xFFFFD800  }
0x2f: {  	[tilespmem:s2], [sflag:$0x7] =	stream.linear.gather [hbm4b:s26+s2], $0x80, $0x38;
	[tilespmem:$0x17C00] =	vst v63  }
0x30: {  	_ =	swait.ge [sflag:s22], $0x80  }
0x31: {  	[sflag:s22] =	ssyncset.done $0x0  }
0x32: {  	s29 =	rddreg [dreg:$0x7];
	[sflag:s22] =	ssyncadd.s32 $0xFFFFFF80  }
0x33: {  	[tilespmem:s25], [sflag:$0x7] =	stream.linear.gather [hbm4b:s29+s2], $0x80, $0x38;
	[tilespmem:$0x17C00] =	vst v63  }
0x34: {  	_ =	swait.ge [sflag:s22], $0x80  }
0x35: {  	[sflag:s22] =	ssyncset.done $0x0  }
0x36: {  	s30 =	simm.s32 $0x200;
	[sflag:s22] =	ssyncadd.s32 $0xFFFFFF80  }
0x37: {  	[tilespmem:s30], [sflag:$0x1] =	stream.indirect.gather [hbm4b:s4+s25], $0x80, s2, s25, $0xb8;
	[tilespmem:$0x17C00] =	vst v63  }
0x38: {  	s12 =	simm.s32 $0x4200  }
0x39: {  	[tilespmem:s12], [sflag:$0x2] =	stream.indirect.gather [hbm4b:s5+s25], $0x80, s25, s25, $0xb8;
	[tilespmem:$0x17C00] =	vst v63  }
0x3a: {  	s26 =	simm.s32 $0x100;
	s16 =	rddreg [dreg:$0x8]  }
0x3b: {  	[tilespmem:s26], [sflag:$0x7] =	stream.linear.gather [hbm4b:s16+s2], $0x80, $0x38;
	[tilespmem:$0x17C00] =	vst v63  }
0x3c: {  	_ =	swait.ge [sflag:s22], $0x80  }
0x3d: {  	[sflag:s22] =	ssyncset.done $0x0  }
0x3e: {  	s16 =	simm.s32 $0x180;
	s29 =	rddreg [dreg:$0x9];
	[sflag:s22] =	ssyncadd.s32 $0xFFFFFF80  }
0x3f: {  	[tilespmem:s16], [sflag:$0x7] =	stream.linear.gather [hbm4b:s29+s2], $0x80, $0x38;
	[tilespmem:$0x17C00] =	vst v63  }
0x40: {  	_ =	swait.ge [sflag:s22], $0x80  }
0x41: {  	[sflag:s22] =	ssyncset.done $0x0  }
0x42: {  	[sflag:s22] =	ssyncadd.s32 $0xFFFFFF80  }
0x43: {  	[tilespmem:s31], [sflag:$0x3] =	stream.indirect.gather [hbm4b:s4+s25], $0x80, s26, s25, $0xb8;
	[tilespmem:$0x17C00] =	vst v63  }
0x44: {  	s30 =	simm.s32 $0xC200  }
0x45: {  	[tilespmem:s30], [sflag:$0x4] =	stream.indirect.gather [hbm4b:s5+s25], $0x80, s16, s25, $0xb8;
	[tilespmem:$0x17C00] =	vst v63  }
0x46: {  	s16 =	simm.s32 $0x0  }
.LBB2_2:
0x47: {  	_ =	swait.ge [sflag:s3], $0x4000  }
0x48: {  	[sflag:s3] =	ssyncset.done $0x0  }
0x49: {  	[sflag:s3] =	ssyncadd.s32 $0xFFFFC000  }
0x4a: {  	_ =	swait.ge [sflag:s1], $0x4000  }
0x4b: {  	[sflag:s1] =	ssyncset.done $0x0  }
0x4c: {  	[sflag:s1] =	ssyncadd.s32 $0xFFFFC000  }
0x4d: {  	v0 =	vld [tilespmem:$0x0]  }
0x4e: {  	v1 =	vld [tilespmem:$0x80];
	_ =	sdelay $0x6  }
0x4f: {  	v2 =	vld.idx.msk [tilespmem:v0+s21+$0x0], $0xffff  }
0x50: {  	v3 =	vld.idx.msk [tilespmem:v1+s21+$0x0], $0xffff  }
0x51: {  	v4 =	vld.idx.msk [tilespmem:v0+s23+$0x0], $0xffff  }
0x52: {  	v5 =	vld.idx.msk [tilespmem:v1+s23+$0x0], $0xffff  }
0x53: {  	v0 =	vld.idx.msk [tilespmem:v0+s24+$0x0], $0xffff  }
0x54: {  	v1 =	vld.idx.msk [tilespmem:v1+s24+$0x0], $0xffff;
	_ =	sdelay $0x2  }
0x55: {  	v2 =	vsub.f32 v2, v3;
	v3 =	vsub.f32 v4, v5;
	_ =	sdelay $0x1  }
0x56: {  	v0 =	vsub.f32 v0, v1;
	v1 =	vmul.f32 v2, v2;
	v4 =	vmul.f32 v3, v3  }
0x57: {  	v5 =	vld [tilespmem:$0x10]  }
0x58: {  	v6 =	vld [tilespmem:$0x90];
	v1 =	vadd.f32 v4, v1;
	v4 =	vmul.f32 v0, v0;
	_ =	sdelay $0x1  }
0x59: {  	v1 =	vadd.f32 v4, v1  }
0x5a: {  	[tilespmem:$0x10200] =	vst v2  }
0x5b: {  	[tilespmem:$0x10280] =	vst v3;
	v1 =	vmax.f32 v1, $9.999999970e-07  }
0x5c: {  	[tilespmem:$0x10300] =	vst v0;
	v1 =	vmin.f32 v1, $1.000000000e+06  }
0x5d: {  	[tilespmem:$0x10380] =	vst v1  }
0x5e: {  	v0 =	vld.idx.msk [tilespmem:v5+s21+$0x0], $0xffff  }
0x5f: {  	v1 =	vld.idx.msk [tilespmem:v6+s21+$0x0], $0xffff  }
0x60: {  	v2 =	vld.idx.msk [tilespmem:v5+s23+$0x0], $0xffff  }
0x61: {  	v3 =	vld.idx.msk [tilespmem:v6+s23+$0x0], $0xffff  }
0x62: {  	v4 =	vld.idx.msk [tilespmem:v5+s24+$0x0], $0xffff  }
0x63: {  	v5 =	vld.idx.msk [tilespmem:v6+s24+$0x0], $0xffff;
	_ =	sdelay $0x2  }
0x64: {  	v0 =	vsub.f32 v0, v1;
	v1 =	vsub.f32 v2, v3;
	_ =	sdelay $0x1  }
0x65: {  	v2 =	vsub.f32 v4, v5;
	v3 =	vmul.f32 v0, v0;
	v4 =	vmul.f32 v1, v1  }
0x66: {  	v5 =	vld [tilespmem:$0x20]  }
0x67: {  	v6 =	vld [tilespmem:$0xA0];
	v3 =	vadd.f32 v4, v3;
	v4 =	vmul.f32 v2, v2;
	_ =	sdelay $0x1  }
0x68: {  	v3 =	vadd.f32 v4, v3  }
0x69: {  	[tilespmem:$0x10210] =	vst v0  }
0x6a: {  	[tilespmem:$0x10290] =	vst v1;
	v0 =	vmax.f32 v3, $9.999999970e-07  }
0x6b: {  	[tilespmem:$0x10310] =	vst v2;
	v0 =	vmin.f32 v0, $1.000000000e+06  }
0x6c: {  	[tilespmem:$0x10390] =	vst v0  }
0x6d: {  	v0 =	vld.idx.msk [tilespmem:v5+s21+$0x0], $0xffff  }
0x6e: {  	v1 =	vld.idx.msk [tilespmem:v6+s21+$0x0], $0xffff  }
0x6f: {  	v2 =	vld.idx.msk [tilespmem:v5+s23+$0x0], $0xffff  }
0x70: {  	v3 =	vld.idx.msk [tilespmem:v6+s23+$0x0], $0xffff  }
0x71: {  	v4 =	vld.idx.msk [tilespmem:v5+s24+$0x0], $0xffff  }
0x72: {  	v5 =	vld.idx.msk [tilespmem:v6+s24+$0x0], $0xffff;
	_ =	sdelay $0x2  }
0x73: {  	v0 =	vsub.f32 v0, v1;
	v1 =	vsub.f32 v2, v3;
	_ =	sdelay $0x1  }
0x74: {  	v2 =	vsub.f32 v4, v5;
	v3 =	vmul.f32 v0, v0;
	v4 =	vmul.f32 v1, v1  }
0x75: {  	v5 =	vld [tilespmem:$0x30]  }
0x76: {  	v6 =	vld [tilespmem:$0xB0];
	v3 =	vadd.f32 v4, v3;
	v4 =	vmul.f32 v2, v2;
	_ =	sdelay $0x1  }
0x77: {  	v3 =	vadd.f32 v4, v3  }
0x78: {  	[tilespmem:$0x10220] =	vst v0  }
0x79: {  	[tilespmem:$0x102A0] =	vst v1;
	v0 =	vmax.f32 v3, $9.999999970e-07  }
0x7a: {  	[tilespmem:$0x10320] =	vst v2;
	v0 =	vmin.f32 v0, $1.000000000e+06  }
0x7b: {  	[tilespmem:$0x103A0] =	vst v0  }
0x7c: {  	v0 =	vld.idx.msk [tilespmem:v5+s21+$0x0], $0xffff  }
0x7d: {  	v1 =	vld.idx.msk [tilespmem:v6+s21+$0x0], $0xffff  }
0x7e: {  	v2 =	vld.idx.msk [tilespmem:v5+s23+$0x0], $0xffff  }
0x7f: {  	v3 =	vld.idx.msk [tilespmem:v6+s23+$0x0], $0xffff  }
0x80: {  	v4 =	vld.idx.msk [tilespmem:v5+s24+$0x0], $0xffff  }
0x81: {  	v5 =	vld.idx.msk [tilespmem:v6+s24+$0x0], $0xffff;
	_ =	sdelay $0x2  }
0x82: {  	v0 =	vsub.f32 v0, v1;
	v1 =	vsub.f32 v2, v3;
	_ =	sdelay $0x1  }
0x83: {  	v2 =	vsub.f32 v4, v5;
	v3 =	vmul.f32 v0, v0;
	v4 =	vmul.f32 v1, v1  }
0x84: {  	v5 =	vld [tilespmem:$0x40]  }
0x85: {  	v6 =	vld [tilespmem:$0xC0];
	v3 =	vadd.f32 v4, v3;
	v4 =	vmul.f32 v2, v2;
	_ =	sdelay $0x1  }
0x86: {  	v3 =	vadd.f32 v4, v3  }
0x87: {  	[tilespmem:$0x10230] =	vst v0  }
0x88: {  	[tilespmem:$0x102B0] =	vst v1;
	v0 =	vmax.f32 v3, $9.999999970e-07  }
0x89: {  	[tilespmem:$0x10330] =	vst v2;
	v0 =	vmin.f32 v0, $1.000000000e+06  }
0x8a: {  	[tilespmem:$0x103B0] =	vst v0  }
0x8b: {  	v0 =	vld.idx.msk [tilespmem:v5+s21+$0x0], $0xffff  }
0x8c: {  	v1 =	vld.idx.msk [tilespmem:v6+s21+$0x0], $0xffff  }
0x8d: {  	v2 =	vld.idx.msk [tilespmem:v5+s23+$0x0], $0xffff  }
0x8e: {  	v3 =	vld.idx.msk [tilespmem:v6+s23+$0x0], $0xffff  }
0x8f: {  	v4 =	vld.idx.msk [tilespmem:v5+s24+$0x0], $0xffff  }
0x90: {  	v5 =	vld.idx.msk [tilespmem:v6+s24+$0x0], $0xffff;
	_ =	sdelay $0x2  }
0x91: {  	v0 =	vsub.f32 v0, v1;
	v1 =	vsub.f32 v2, v3;
	_ =	sdelay $0x1  }
0x92: {  	v2 =	vsub.f32 v4, v5;
	v3 =	vmul.f32 v0, v0;
	v4 =	vmul.f32 v1, v1  }
0x93: {  	v5 =	vld [tilespmem:$0x50]  }
0x94: {  	v6 =	vld [tilespmem:$0xD0];
	v3 =	vadd.f32 v4, v3;
	v4 =	vmul.f32 v2, v2;
	_ =	sdelay $0x1  }
0x95: {  	v3 =	vadd.f32 v4, v3  }
0x96: {  	[tilespmem:$0x10240] =	vst v0  }
0x97: {  	[tilespmem:$0x102C0] =	vst v1;
	v0 =	vmax.f32 v3, $9.999999970e-07  }
0x98: {  	[tilespmem:$0x10340] =	vst v2;
	v0 =	vmin.f32 v0, $1.000000000e+06  }
0x99: {  	[tilespmem:$0x103C0] =	vst v0  }
0x9a: {  	v0 =	vld.idx.msk [tilespmem:v5+s21+$0x0], $0xffff  }
0x9b: {  	v1 =	vld.idx.msk [tilespmem:v6+s21+$0x0], $0xffff  }
0x9c: {  	v2 =	vld.idx.msk [tilespmem:v5+s23+$0x0], $0xffff  }
0x9d: {  	v3 =	vld.idx.msk [tilespmem:v6+s23+$0x0], $0xffff  }
0x9e: {  	v4 =	vld.idx.msk [tilespmem:v5+s24+$0x0], $0xffff  }
0x9f: {  	v5 =	vld.idx.msk [tilespmem:v6+s24+$0x0], $0xffff;
	_ =	sdelay $0x2  }
0xa0: {  	v0 =	vsub.f32 v0, v1;
	v1 =	vsub.f32 v2, v3;
	_ =	sdelay $0x1  }
0xa1: {  	v2 =	vsub.f32 v4, v5;
	v3 =	vmul.f32 v0, v0;
	v4 =	vmul.f32 v1, v1  }
0xa2: {  	v5 =	vld [tilespmem:$0x60]  }
0xa3: {  	v6 =	vld [tilespmem:$0xE0];
	v3 =	vadd.f32 v4, v3;
	v4 =	vmul.f32 v2, v2;
	_ =	sdelay $0x1  }
0xa4: {  	v3 =	vadd.f32 v4, v3  }
0xa5: {  	[tilespmem:$0x10250] =	vst v0  }
0xa6: {  	[tilespmem:$0x102D0] =	vst v1;
	v0 =	vmax.f32 v3, $9.999999970e-07  }
0xa7: {  	[tilespmem:$0x10350] =	vst v2;
	v0 =	vmin.f32 v0, $1.000000000e+06  }
0xa8: {  	[tilespmem:$0x103D0] =	vst v0  }
0xa9: {  	v0 =	vld.idx.msk [tilespmem:v5+s21+$0x0], $0xffff  }
0xaa: {  	v1 =	vld.idx.msk [tilespmem:v6+s21+$0x0], $0xffff  }
0xab: {  	v2 =	vld.idx.msk [tilespmem:v5+s23+$0x0], $0xffff  }
0xac: {  	v3 =	vld.idx.msk [tilespmem:v6+s23+$0x0], $0xffff  }
0xad: {  	v4 =	vld.idx.msk [tilespmem:v5+s24+$0x0], $0xffff  }
0xae: {  	v5 =	vld.idx.msk [tilespmem:v6+s24+$0x0], $0xffff;
	_ =	sdelay $0x2  }
0xaf: {  	v0 =	vsub.f32 v0, v1;
	v1 =	vsub.f32 v2, v3;
	_ =	sdelay $0x1  }
0xb0: {  	v2 =	vsub.f32 v4, v5;
	v3 =	vmul.f32 v0, v0;
	v4 =	vmul.f32 v1, v1  }
0xb1: {  	v5 =	vld [tilespmem:$0x70]  }
0xb2: {  	v6 =	vld [tilespmem:$0xF0];
	v3 =	vadd.f32 v4, v3;
	v4 =	vmul.f32 v2, v2;
	_ =	sdelay $0x1  }
0xb3: {  	v3 =	vadd.f32 v4, v3  }
0xb4: {  	[tilespmem:$0x10260] =	vst v0  }
0xb5: {  	[tilespmem:$0x102E0] =	vst v1;
	v0 =	vmax.f32 v3, $9.999999970e-07  }
0xb6: {  	[tilespmem:$0x10360] =	vst v2;
	v0 =	vmin.f32 v0, $1.000000000e+06  }
0xb7: {  	[tilespmem:$0x103E0] =	vst v0  }
0xb8: {  	v0 =	vld.idx.msk [tilespmem:v5+s21+$0x0], $0xffff  }
0xb9: {  	v1 =	vld.idx.msk [tilespmem:v6+s21+$0x0], $0xffff  }
0xba: {  	v2 =	vld.idx.msk [tilespmem:v5+s23+$0x0], $0xffff  }
0xbb: {  	v3 =	vld.idx.msk [tilespmem:v6+s23+$0x0], $0xffff  }
0xbc: {  	v4 =	vld.idx.msk [tilespmem:v5+s24+$0x0], $0xffff  }
0xbd: {  	v5 =	vld.idx.msk [tilespmem:v6+s24+$0x0], $0xffff;
	_ =	sdelay $0x2  }
0xbe: {  	v0 =	vsub.f32 v0, v1;
	v1 =	vsub.f32 v2, v3;
	_ =	sdelay $0x1  }
0xbf: {  	v2 =	vsub.f32 v4, v5;
	v3 =	vmul.f32 v0, v0;
	v4 =	vmul.f32 v1, v1;
	_ =	sdelay $0x1  }
0xc0: {  	v3 =	vadd.f32 v4, v3;
	v4 =	vmul.f32 v2, v2;
	_ =	sdelay $0x1  }
0xc1: {  	v3 =	vadd.f32 v4, v3  }
0xc2: {  	[tilespmem:$0x10270] =	vst v0  }
0xc3: {  	[tilespmem:$0x102F0] =	vst v1;
	v0 =	vmax.f32 v3, $9.999999970e-07  }
0xc4: {  	[tilespmem:$0x10370] =	vst v2;
	v0 =	vmin.f32 v0, $1.000000000e+06  }
0xc5: {  	s26 =	simm.s32 $0x0;
	[tilespmem:$0x103F0] =	vst v0  }
0xc6: {  	v7 =	vld [tilespmem:s26+$0x4200]  }
0xc7: {  	v11 =	vld [tilespmem:s26+$0x4210]  }
0xc8: {  	v5 =	vld [tilespmem:s26+$0x4220]  }
0xc9: {  	v4 =	vld [tilespmem:s26+$0x4230]  }
0xca: {  	v3 =	vld [tilespmem:s26+$0x4240]  }
0xcb: {  	v2 =	vld [tilespmem:s26+$0x4250]  }
0xcc: {  	v1 =	vld [tilespmem:s26+$0x4260]  }
0xcd: {  	v0 =	vld [tilespmem:s26+$0x4270]  }
0xce: {  	v12 =	vld [tilespmem:s26+$0x200]  }
0xcf: {  	v13 =	vld [tilespmem:s26+$0x210]  }
0xd0: {  	v10 =	vld [tilespmem:s26+$0x220]  }
0xd1: {  	v9 =	vld [tilespmem:s26+$0x230]  }
0xd2: {  	v8 =	vld [tilespmem:s26+$0x240]  }
0xd3: {  	v6 =	vld [tilespmem:s26+$0x250];
	v12 =	vadd.f32 v7, v12  }
0xd4: {  	s0 =	simm.s32 $0x200;
	v11 =	vadd.f32 v11, v13;
	v7 =	vld [tilespmem:s26+$0x260]  }
.LBB2_3:
0xd5: {  	s12 =	sshra.s32 s0, $0x2;
	p0 =	sne.s32 s0, $0xFE00;
	[tilespmem:s26+$0x200] =	vst v12;
	v5 =	vadd.f32 v5, v10;
	v10 =	vld [tilespmem:s26+$0x270]  }
0xd6: {  	v12 =	vld [tilespmem:s12+$0x4200];
	[tilespmem:s26+$0x210] =	vst v11;
	v4 =	vadd.f32 v4, v9  }
0xd7: {  	v11 =	vld [tilespmem:s12+$0x4210];
	[tilespmem:s26+$0x220] =	vst v5;
	v3 =	vadd.f32 v3, v8  }
0xd8: {  	v5 =	vld [tilespmem:s12+$0x4220];
	[tilespmem:s26+$0x230] =	vst v4;
	v2 =	vadd.f32 v2, v6  }
0xd9: {  	v4 =	vld [tilespmem:s12+$0x4230];
	[tilespmem:s26+$0x240] =	vst v3;
	v1 =	vadd.f32 v1, v7  }
0xda: {  	v3 =	vld [tilespmem:s12+$0x4240];
	[tilespmem:s26+$0x250] =	vst v2;
	v0 =	vadd.f32 v0, v10  }
0xdb: {  	v2 =	vld [tilespmem:s12+$0x4250];
	[tilespmem:s26+$0x260] =	vst v1  }
0xdc: {  	v1 =	vld [tilespmem:s12+$0x4260];
	[tilespmem:s26+$0x270] =	vst v0;
	s26 =	smov.u32 s12  }
0xdd: {  	v0 =	vld [tilespmem:s26+$0x4270]  }
0xde: {  	v6 =	vld [tilespmem:s26+$0x200]  }
0xdf: {  	v7 =	vld [tilespmem:s26+$0x210]  }
.Ltmp2:
0xe0: {  	v10 =	vld [tilespmem:s26+$0x220];
	(pc) =	sbr.rel @p0 .LBB2_3-.Ltmp2, $4  }
0xe1: {  	v9 =	vld [tilespmem:s26+$0x230]  }
0xe2: {  	v8 =	vld [tilespmem:s26+$0x240]  }
0xe3: {  	v12 =	vadd.f32 v12, v6;
	v6 =	vld [tilespmem:s26+$0x250]  }
0xe4: {  	s0 =	sadd.s32 $0x200, s0;
	v11 =	vadd.f32 v11, v7;
	v7 =	vld [tilespmem:s26+$0x260]  }
0xe5: {  	[tilespmem:s26+$0x200] =	vst v12;
	v5 =	vadd.f32 v5, v10;
	v10 =	vld [tilespmem:s26+$0x270]  }
0xe6: {  	[tilespmem:s26+$0x210] =	vst v11;
	v4 =	vadd.f32 v4, v9  }
0xe7: {  	[tilespmem:s26+$0x220] =	vst v5;
	v3 =	vadd.f32 v3, v8  }
0xe8: {  	[tilespmem:s26+$0x230] =	vst v4;
	v2 =	vadd.f32 v2, v6  }
0xe9: {  	s0 =	sshll.u32 s16, $0x1;
	s12 =	rddreg [dreg:$0x5];
	[tilespmem:s26+$0x240] =	vst v3;
	v1 =	vadd.f32 v1, v7  }
0xea: {  	s0 =	sadd.s32 s12, s0;
	[tilespmem:s26+$0x250] =	vst v2;
	v0 =	vadd.f32 v0, v10  }
0xeb: {  	s12 =	sshll.u32 s0, $0xB;
	[tilespmem:s26+$0x260] =	vst v1  }
0xec: {  	s29 =	simm.s32 $0x200;
	s12 =	sadd.s32 s10, s12;
	[tilespmem:s26+$0x270] =	vst v0  }
0xed: {  	[hbm4b:s12+s2] =	stream.linear.scatter [tilespmem:s29], [sflag:$0x5], $0x4000, $0x38;
	[tilespmem:$0x17C00] =	vst v63  }
0xee: {  	s12 =	sshll.u32 s0, $0x6  }
0xef: {  	s30 =	sadd.s32 s11, s12  }
0xf0: {  	[hbm4b:s30+s2] =	stream.linear.scatter [tilespmem:s28], [sflag:$0x7], $0x80, $0x38;
	[tilespmem:$0x17C00] =	vst v63  }
0xf1: {  	_ =	swait.ge [sflag:s22], $0x80  }
0xf2: {  	[sflag:s22] =	ssyncset.done $0x0  }
0xf3: {  	s29 =	sadd.s32 s12, s17;
	[sflag:s22] =	ssyncadd.s32 $0xFFFFFF80  }
0xf4: {  	[hbm4b:s29+s2] =	stream.linear.scatter [tilespmem:s6], [sflag:$0x7], $0x80, $0x38;
	[tilespmem:$0x17C00] =	vst v63  }
0xf5: {  	_ =	swait.ge [sflag:s22], $0x80  }
0xf6: {  	[sflag:s22] =	ssyncset.done $0x0  }
0xf7: {  	s30 =	sadd.s32 s12, s18;
	[sflag:s22] =	ssyncadd.s32 $0xFFFFFF80  }
0xf8: {  	[hbm4b:s30+s2] =	stream.linear.scatter [tilespmem:s7], [sflag:$0x7], $0x80, $0x38;
	[tilespmem:$0x17C00] =	vst v63  }
0xf9: {  	_ =	swait.ge [sflag:s22], $0x80  }
0xfa: {  	[sflag:s22] =	ssyncset.done $0x0  }
0xfb: {  	s12 =	sadd.s32 s12, s19;
	[sflag:s22] =	ssyncadd.s32 $0xFFFFFF80  }
0xfc: {  	[hbm4b:s12+s2] =	stream.linear.scatter [tilespmem:s13], [sflag:$0x7], $0x80, $0x38;
	[tilespmem:$0x17C00] =	vst v63  }
0xfd: {  	_ =	swait.ge [sflag:s22], $0x80  }
0xfe: {  	p0 =	seq.s32 s16, $0x27;
	[sflag:s22] =	ssyncset.done $0x0  }
0xff: {  	s12 =	simm.s32 @!p0 $0x5;
	[sflag:s22] =	ssyncadd.s32 $0xFFFFFF80  }
0x100: {  	s26 =	sshll.u32 @!p0 s0, $0x4;
	_ =	swait.ge @!p0 [sflag:s12], $0x4000  }
0x101: {  	s26 =	sadd.s32 @!p0 $0x20, s26;
	[sflag:s12] =	ssyncset.done @!p0 $0x0  }
0x102: {  	s29 =	simm.s32 @!p0 $0x0;
	[sflag:s12] =	ssyncadd.s32 @!p0 $0xFFFFC000;
	s12 =	sadd.s32 @!p0 s8, s26  }
0x103: {  	[tilespmem:s29], [sflag:$0x7] =	stream.linear.gather @!p0 [hbm4b:s12+s29], $0x80, $0x38;
	[tilespmem:$0x17C00] =	vst v63  }
0x104: {  	s12 =	simm.s32 @!p0 $0x7  }
0x105: {  	_ =	swait.ge @!p0 [sflag:s12], $0x80  }
0x106: {  	[sflag:s12] =	ssyncset.done @!p0 $0x0  }
0x107: {  	s30 =	simm.s32 @!p0 $0x80;
	s26 =	sadd.s32 @!p0 s9, s26;
	[sflag:s12] =	ssyncadd.s32 @!p0 $0xFFFFFF80  }
0x108: {  	[tilespmem:s30], [sflag:$0x7] =	stream.linear.gather @!p0 [hbm4b:s26+s29], $0x80, $0x38;
	[tilespmem:$0x17C00] =	vst v63  }
0x109: {  	_ =	swait.ge @!p0 [sflag:s12], $0x80  }
0x10a: {  	[sflag:s12] =	ssyncset.done @!p0 $0x0  }
0x10b: {  	[sflag:s12] =	ssyncadd.s32 @!p0 $0xFFFFFF80;
	s12 =	simm.s32 @!p0 $0x200  }
0x10c: {  	[tilespmem:s12], [sflag:$0x1] =	stream.indirect.gather @!p0 [hbm4b:s4+s30], $0x80, s29, s30, $0xb8;
	[tilespmem:$0x17C00] =	vst v63  }
0x10d: {  	s12 =	simm.s32 @!p0 $0x4200  }
0x10e: {  	[tilespmem:s12], [sflag:$0x2] =	stream.indirect.gather @!p0 [hbm4b:s5+s30], $0x80, s30, s30, $0xb8;
	[tilespmem:$0x17C00] =	vst v63  }
0x10f: {  	_ =	swait.ge [sflag:s14], $0x4000  }
0x110: {  	[sflag:s14] =	ssyncset.done $0x0  }
0x111: {  	[sflag:s14] =	ssyncadd.s32 $0xFFFFC000  }
0x112: {  	_ =	swait.ge [sflag:s15], $0x4000  }
0x113: {  	[sflag:s15] =	ssyncset.done $0x0  }
0x114: {  	[sflag:s15] =	ssyncadd.s32 $0xFFFFC000  }
0x115: {  	v0 =	vld [tilespmem:$0x100]  }
0x116: {  	v1 =	vld [tilespmem:$0x180];
	_ =	sdelay $0x6  }
0x117: {  	v2 =	vld.idx.msk [tilespmem:v0+s21+$0x0], $0xffff  }
0x118: {  	v3 =	vld.idx.msk [tilespmem:v1+s21+$0x0], $0xffff  }
0x119: {  	v4 =	vld.idx.msk [tilespmem:v0+s23+$0x0], $0xffff  }
0x11a: {  	v5 =	vld.idx.msk [tilespmem:v1+s23+$0x0], $0xffff  }
0x11b: {  	v0 =	vld.idx.msk [tilespmem:v0+s24+$0x0], $0xffff  }
0x11c: {  	v1 =	vld.idx.msk [tilespmem:v1+s24+$0x0], $0xffff;
	_ =	sdelay $0x2  }
0x11d: {  	v2 =	vsub.f32 v2, v3;
	v3 =	vsub.f32 v4, v5;
	_ =	sdelay $0x1  }
0x11e: {  	v0 =	vsub.f32 v0, v1;
	v1 =	vmul.f32 v2, v2;
	v4 =	vmul.f32 v3, v3  }
0x11f: {  	v5 =	vld [tilespmem:$0x110]  }
0x120: {  	v6 =	vld [tilespmem:$0x190];
	v1 =	vadd.f32 v4, v1;
	v4 =	vmul.f32 v0, v0;
	_ =	sdelay $0x1  }
0x121: {  	v1 =	vadd.f32 v4, v1  }
0x122: {  	[tilespmem:$0x10200] =	vst v2  }
0x123: {  	[tilespmem:$0x10280] =	vst v3;
	v1 =	vmax.f32 v1, $9.999999970e-07  }
0x124: {  	[tilespmem:$0x10300] =	vst v0;
	v1 =	vmin.f32 v1, $1.000000000e+06  }
0x125: {  	[tilespmem:$0x10380] =	vst v1  }
0x126: {  	v0 =	vld.idx.msk [tilespmem:v5+s21+$0x0], $0xffff  }
0x127: {  	v1 =	vld.idx.msk [tilespmem:v6+s21+$0x0], $0xffff  }
0x128: {  	v2 =	vld.idx.msk [tilespmem:v5+s23+$0x0], $0xffff  }
0x129: {  	v3 =	vld.idx.msk [tilespmem:v6+s23+$0x0], $0xffff  }
0x12a: {  	v4 =	vld.idx.msk [tilespmem:v5+s24+$0x0], $0xffff  }
0x12b: {  	v5 =	vld.idx.msk [tilespmem:v6+s24+$0x0], $0xffff;
	_ =	sdelay $0x2  }
0x12c: {  	v0 =	vsub.f32 v0, v1;
	v1 =	vsub.f32 v2, v3;
	_ =	sdelay $0x1  }
0x12d: {  	v2 =	vsub.f32 v4, v5;
	v3 =	vmul.f32 v0, v0;
	v4 =	vmul.f32 v1, v1  }
0x12e: {  	v5 =	vld [tilespmem:$0x120]  }
0x12f: {  	v6 =	vld [tilespmem:$0x1A0];
	v3 =	vadd.f32 v4, v3;
	v4 =	vmul.f32 v2, v2;
	_ =	sdelay $0x1  }
0x130: {  	v3 =	vadd.f32 v4, v3  }
0x131: {  	[tilespmem:$0x10210] =	vst v0  }
0x132: {  	[tilespmem:$0x10290] =	vst v1;
	v0 =	vmax.f32 v3, $9.999999970e-07  }
0x133: {  	[tilespmem:$0x10310] =	vst v2;
	v0 =	vmin.f32 v0, $1.000000000e+06  }
0x134: {  	[tilespmem:$0x10390] =	vst v0  }
0x135: {  	v0 =	vld.idx.msk [tilespmem:v5+s21+$0x0], $0xffff  }
0x136: {  	v1 =	vld.idx.msk [tilespmem:v6+s21+$0x0], $0xffff  }
0x137: {  	v2 =	vld.idx.msk [tilespmem:v5+s23+$0x0], $0xffff  }
0x138: {  	v3 =	vld.idx.msk [tilespmem:v6+s23+$0x0], $0xffff  }
0x139: {  	v4 =	vld.idx.msk [tilespmem:v5+s24+$0x0], $0xffff  }
0x13a: {  	v5 =	vld.idx.msk [tilespmem:v6+s24+$0x0], $0xffff;
	_ =	sdelay $0x2  }
0x13b: {  	v0 =	vsub.f32 v0, v1;
	v1 =	vsub.f32 v2, v3;
	_ =	sdelay $0x1  }
0x13c: {  	v2 =	vsub.f32 v4, v5;
	v3 =	vmul.f32 v0, v0;
	v4 =	vmul.f32 v1, v1  }
0x13d: {  	v5 =	vld [tilespmem:$0x130]  }
0x13e: {  	v6 =	vld [tilespmem:$0x1B0];
	v3 =	vadd.f32 v4, v3;
	v4 =	vmul.f32 v2, v2;
	_ =	sdelay $0x1  }
0x13f: {  	v3 =	vadd.f32 v4, v3  }
0x140: {  	[tilespmem:$0x10220] =	vst v0  }
0x141: {  	[tilespmem:$0x102A0] =	vst v1;
	v0 =	vmax.f32 v3, $9.999999970e-07  }
0x142: {  	[tilespmem:$0x10320] =	vst v2;
	v0 =	vmin.f32 v0, $1.000000000e+06  }
0x143: {  	[tilespmem:$0x103A0] =	vst v0  }
0x144: {  	v0 =	vld.idx.msk [tilespmem:v5+s21+$0x0], $0xffff  }
0x145: {  	v1 =	vld.idx.msk [tilespmem:v6+s21+$0x0], $0xffff  }
0x146: {  	v2 =	vld.idx.msk [tilespmem:v5+s23+$0x0], $0xffff  }
0x147: {  	v3 =	vld.idx.msk [tilespmem:v6+s23+$0x0], $0xffff  }
0x148: {  	v4 =	vld.idx.msk [tilespmem:v5+s24+$0x0], $0xffff  }
0x149: {  	v5 =	vld.idx.msk [tilespmem:v6+s24+$0x0], $0xffff;
	_ =	sdelay $0x2  }
0x14a: {  	v0 =	vsub.f32 v0, v1;
	v1 =	vsub.f32 v2, v3;
	_ =	sdelay $0x1  }
0x14b: {  	v2 =	vsub.f32 v4, v5;
	v3 =	vmul.f32 v0, v0;
	v4 =	vmul.f32 v1, v1  }
0x14c: {  	v5 =	vld [tilespmem:$0x140]  }
0x14d: {  	v6 =	vld [tilespmem:$0x1C0];
	v3 =	vadd.f32 v4, v3;
	v4 =	vmul.f32 v2, v2;
	_ =	sdelay $0x1  }
0x14e: {  	v3 =	vadd.f32 v4, v3  }
0x14f: {  	[tilespmem:$0x10230] =	vst v0  }
0x150: {  	[tilespmem:$0x102B0] =	vst v1;
	v0 =	vmax.f32 v3, $9.999999970e-07  }
0x151: {  	[tilespmem:$0x10330] =	vst v2;
	v0 =	vmin.f32 v0, $1.000000000e+06  }
0x152: {  	[tilespmem:$0x103B0] =	vst v0  }
0x153: {  	v0 =	vld.idx.msk [tilespmem:v5+s21+$0x0], $0xffff  }
0x154: {  	v1 =	vld.idx.msk [tilespmem:v6+s21+$0x0], $0xffff  }
0x155: {  	v2 =	vld.idx.msk [tilespmem:v5+s23+$0x0], $0xffff  }
0x156: {  	v3 =	vld.idx.msk [tilespmem:v6+s23+$0x0], $0xffff  }
0x157: {  	v4 =	vld.idx.msk [tilespmem:v5+s24+$0x0], $0xffff  }
0x158: {  	v5 =	vld.idx.msk [tilespmem:v6+s24+$0x0], $0xffff;
	_ =	sdelay $0x2  }
0x159: {  	v0 =	vsub.f32 v0, v1;
	v1 =	vsub.f32 v2, v3;
	_ =	sdelay $0x1  }
0x15a: {  	v2 =	vsub.f32 v4, v5;
	v3 =	vmul.f32 v0, v0;
	v4 =	vmul.f32 v1, v1  }
0x15b: {  	v5 =	vld [tilespmem:$0x150]  }
0x15c: {  	v6 =	vld [tilespmem:$0x1D0];
	v3 =	vadd.f32 v4, v3;
	v4 =	vmul.f32 v2, v2;
	_ =	sdelay $0x1  }
0x15d: {  	v3 =	vadd.f32 v4, v3  }
0x15e: {  	[tilespmem:$0x10240] =	vst v0  }
0x15f: {  	[tilespmem:$0x102C0] =	vst v1;
	v0 =	vmax.f32 v3, $9.999999970e-07  }
0x160: {  	[tilespmem:$0x10340] =	vst v2;
	v0 =	vmin.f32 v0, $1.000000000e+06  }
0x161: {  	[tilespmem:$0x103C0] =	vst v0  }
0x162: {  	v0 =	vld.idx.msk [tilespmem:v5+s21+$0x0], $0xffff  }
0x163: {  	v1 =	vld.idx.msk [tilespmem:v6+s21+$0x0], $0xffff  }
0x164: {  	v2 =	vld.idx.msk [tilespmem:v5+s23+$0x0], $0xffff  }
0x165: {  	v3 =	vld.idx.msk [tilespmem:v6+s23+$0x0], $0xffff  }
0x166: {  	v4 =	vld.idx.msk [tilespmem:v5+s24+$0x0], $0xffff  }
0x167: {  	v5 =	vld.idx.msk [tilespmem:v6+s24+$0x0], $0xffff;
	_ =	sdelay $0x2  }
0x168: {  	v0 =	vsub.f32 v0, v1;
	v1 =	vsub.f32 v2, v3;
	_ =	sdelay $0x1  }
0x169: {  	v2 =	vsub.f32 v4, v5;
	v3 =	vmul.f32 v0, v0;
	v4 =	vmul.f32 v1, v1  }
0x16a: {  	v5 =	vld [tilespmem:$0x160]  }
0x16b: {  	v6 =	vld [tilespmem:$0x1E0];
	v3 =	vadd.f32 v4, v3;
	v4 =	vmul.f32 v2, v2;
	_ =	sdelay $0x1  }
0x16c: {  	v3 =	vadd.f32 v4, v3  }
0x16d: {  	[tilespmem:$0x10250] =	vst v0  }
0x16e: {  	[tilespmem:$0x102D0] =	vst v1;
	v0 =	vmax.f32 v3, $9.999999970e-07  }
0x16f: {  	[tilespmem:$0x10350] =	vst v2;
	v0 =	vmin.f32 v0, $1.000000000e+06  }
0x170: {  	[tilespmem:$0x103D0] =	vst v0  }
0x171: {  	v0 =	vld.idx.msk [tilespmem:v5+s21+$0x0], $0xffff  }
0x172: {  	v1 =	vld.idx.msk [tilespmem:v6+s21+$0x0], $0xffff  }
0x173: {  	v2 =	vld.idx.msk [tilespmem:v5+s23+$0x0], $0xffff  }
0x174: {  	v3 =	vld.idx.msk [tilespmem:v6+s23+$0x0], $0xffff  }
0x175: {  	v4 =	vld.idx.msk [tilespmem:v5+s24+$0x0], $0xffff  }
0x176: {  	v5 =	vld.idx.msk [tilespmem:v6+s24+$0x0], $0xffff;
	_ =	sdelay $0x2  }
0x177: {  	v0 =	vsub.f32 v0, v1;
	v1 =	vsub.f32 v2, v3;
	_ =	sdelay $0x1  }
0x178: {  	v2 =	vsub.f32 v4, v5;
	v3 =	vmul.f32 v0, v0;
	v4 =	vmul.f32 v1, v1  }
0x179: {  	v5 =	vld [tilespmem:$0x170]  }
0x17a: {  	v6 =	vld [tilespmem:$0x1F0];
	v3 =	vadd.f32 v4, v3;
	v4 =	vmul.f32 v2, v2;
	_ =	sdelay $0x1  }
0x17b: {  	v3 =	vadd.f32 v4, v3  }
0x17c: {  	[tilespmem:$0x10260] =	vst v0  }
0x17d: {  	[tilespmem:$0x102E0] =	vst v1;
	v0 =	vmax.f32 v3, $9.999999970e-07  }
0x17e: {  	[tilespmem:$0x10360] =	vst v2;
	v0 =	vmin.f32 v0, $1.000000000e+06  }
0x17f: {  	[tilespmem:$0x103E0] =	vst v0  }
0x180: {  	v0 =	vld.idx.msk [tilespmem:v5+s21+$0x0], $0xffff  }
0x181: {  	v1 =	vld.idx.msk [tilespmem:v6+s21+$0x0], $0xffff  }
0x182: {  	v2 =	vld.idx.msk [tilespmem:v5+s23+$0x0], $0xffff  }
0x183: {  	v3 =	vld.idx.msk [tilespmem:v6+s23+$0x0], $0xffff  }
0x184: {  	v4 =	vld.idx.msk [tilespmem:v5+s24+$0x0], $0xffff  }
0x185: {  	v5 =	vld.idx.msk [tilespmem:v6+s24+$0x0], $0xffff;
	_ =	sdelay $0x2  }
0x186: {  	v0 =	vsub.f32 v0, v1;
	v1 =	vsub.f32 v2, v3;
	_ =	sdelay $0x1  }
0x187: {  	v2 =	vsub.f32 v4, v5;
	v3 =	vmul.f32 v0, v0;
	v4 =	vmul.f32 v1, v1;
	_ =	sdelay $0x1  }
0x188: {  	v3 =	vadd.f32 v4, v3;
	v4 =	vmul.f32 v2, v2;
	_ =	sdelay $0x1  }
0x189: {  	v3 =	vadd.f32 v4, v3  }
0x18a: {  	[tilespmem:$0x10270] =	vst v0  }
0x18b: {  	[tilespmem:$0x102F0] =	vst v1;
	v0 =	vmax.f32 v3, $9.999999970e-07  }
0x18c: {  	[tilespmem:$0x10370] =	vst v2;
	v0 =	vmin.f32 v0, $1.000000000e+06  }
0x18d: {  	s26 =	simm.s32 $0x0;
	[tilespmem:$0x103F0] =	vst v0  }
0x18e: {  	v7 =	vld [tilespmem:s26+$0xC200]  }
0x18f: {  	v11 =	vld [tilespmem:s26+$0xC210]  }
0x190: {  	v5 =	vld [tilespmem:s26+$0xC220]  }
0x191: {  	v4 =	vld [tilespmem:s26+$0xC230]  }
0x192: {  	v3 =	vld [tilespmem:s26+$0xC240]  }
0x193: {  	v2 =	vld [tilespmem:s26+$0xC250]  }
0x194: {  	v1 =	vld [tilespmem:s26+$0xC260]  }
0x195: {  	v0 =	vld [tilespmem:s26+$0xC270]  }
0x196: {  	v12 =	vld [tilespmem:s26+$0x8200]  }
0x197: {  	v13 =	vld [tilespmem:s26+$0x8210]  }
0x198: {  	v10 =	vld [tilespmem:s26+$0x8220]  }
0x199: {  	v9 =	vld [tilespmem:s26+$0x8230]  }
0x19a: {  	v8 =	vld [tilespmem:s26+$0x8240]  }
0x19b: {  	v6 =	vld [tilespmem:s26+$0x8250];
	v12 =	vadd.f32 v7, v12  }
0x19c: {  	s12 =	simm.s32 $0x200;
	v11 =	vadd.f32 v11, v13;
	v7 =	vld [tilespmem:s26+$0x8260]  }
.LBB2_5:
0x19d: {  	s29 =	sshra.s32 s12, $0x2;
	p1 =	sne.s32 s12, $0xFE00;
	[tilespmem:s26+$0x8200] =	vst v12;
	v5 =	vadd.f32 v5, v10;
	v10 =	vld [tilespmem:s26+$0x8270]  }
0x19e: {  	v12 =	vld [tilespmem:s29+$0xC200];
	[tilespmem:s26+$0x8210] =	vst v11;
	v4 =	vadd.f32 v4, v9  }
0x19f: {  	v11 =	vld [tilespmem:s29+$0xC210];
	[tilespmem:s26+$0x8220] =	vst v5;
	v3 =	vadd.f32 v3, v8  }
0x1a0: {  	v5 =	vld [tilespmem:s29+$0xC220];
	[tilespmem:s26+$0x8230] =	vst v4;
	v2 =	vadd.f32 v2, v6  }
0x1a1: {  	v4 =	vld [tilespmem:s29+$0xC230];
	[tilespmem:s26+$0x8240] =	vst v3;
	v1 =	vadd.f32 v1, v7  }
0x1a2: {  	v3 =	vld [tilespmem:s29+$0xC240];
	[tilespmem:s26+$0x8250] =	vst v2;
	v0 =	vadd.f32 v0, v10  }
0x1a3: {  	v2 =	vld [tilespmem:s29+$0xC250];
	[tilespmem:s26+$0x8260] =	vst v1  }
0x1a4: {  	v1 =	vld [tilespmem:s29+$0xC260];
	[tilespmem:s26+$0x8270] =	vst v0;
	s26 =	smov.u32 s29  }
0x1a5: {  	v0 =	vld [tilespmem:s26+$0xC270]  }
0x1a6: {  	v6 =	vld [tilespmem:s26+$0x8200]  }
0x1a7: {  	v7 =	vld [tilespmem:s26+$0x8210]  }
.Ltmp3:
0x1a8: {  	v10 =	vld [tilespmem:s26+$0x8220];
	(pc) =	sbr.rel @p1 .LBB2_5-.Ltmp3, $4  }
0x1a9: {  	v9 =	vld [tilespmem:s26+$0x8230]  }
0x1aa: {  	v8 =	vld [tilespmem:s26+$0x8240]  }
0x1ab: {  	v12 =	vadd.f32 v12, v6;
	v6 =	vld [tilespmem:s26+$0x8250]  }
0x1ac: {  	s12 =	sadd.s32 $0x200, s12;
	v11 =	vadd.f32 v11, v7;
	v7 =	vld [tilespmem:s26+$0x8260]  }
0x1ad: {  	[tilespmem:s26+$0x8200] =	vst v12;
	v5 =	vadd.f32 v5, v10;
	v63 =	vld [tilespmem:s26+$0x8270]  }
0x1ae: {  	[tilespmem:s26+$0x8210] =	vst v11;
	v4 =	vadd.f32 v4, v9  }
0x1af: {  	[tilespmem:s26+$0x8220] =	vst v5;
	v3 =	vadd.f32 v3, v8  }
0x1b0: {  	[tilespmem:s26+$0x8230] =	vst v4;
	v2 =	vadd.f32 v2, v6  }
0x1b1: {  	s12 =	sshll.u32 s0, $0x7;
	[tilespmem:s26+$0x8240] =	vst v3;
	v1 =	vadd.f32 v1, v7  }
0x1b2: {  	s12 =	sor.u32 $0x80, s12;
	[tilespmem:s26+$0x8250] =	vst v2;
	v0 =	vadd.f32 v0, v63  }
0x1b3: {  	s29 =	sshll.u32 s12, $0x4;
	[tilespmem:s26+$0x8260] =	vst v1  }
0x1b4: {  	s12 =	sshrl.u32 s12, $0x1;
	s29 =	sadd.s32 s10, s29;
	[tilespmem:s26+$0x8270] =	vst v0  }
0x1b5: {  	[hbm4b:s29+s2] =	stream.linear.scatter [tilespmem:s31], [sflag:$0x6], $0x4000, $0x38;
	[tilespmem:$0x17C00] =	vst v63  }
0x1b6: {  	s30 =	sadd.s32 s11, s12  }
0x1b7: {  	[hbm4b:s30+s2] =	stream.linear.scatter [tilespmem:s28], [sflag:$0x7], $0x80, $0x38;
	[tilespmem:$0x17C00] =	vst v63  }
0x1b8: {  	_ =	swait.ge [sflag:s22], $0x80  }
0x1b9: {  	[sflag:s22] =	ssyncset.done $0x0  }
0x1ba: {  	s29 =	sadd.s32 s12, s17;
	[sflag:s22] =	ssyncadd.s32 $0xFFFFFF80  }
0x1bb: {  	[hbm4b:s29+s2] =	stream.linear.scatter [tilespmem:s6], [sflag:$0x7], $0x80, $0x38;
	[tilespmem:$0x17C00] =	vst v63  }
0x1bc: {  	_ =	swait.ge [sflag:s22], $0x80  }
0x1bd: {  	[sflag:s22] =	ssyncset.done $0x0  }
0x1be: {  	s30 =	sadd.s32 s12, s18;
	[sflag:s22] =	ssyncadd.s32 $0xFFFFFF80  }
0x1bf: {  	[hbm4b:s30+s2] =	stream.linear.scatter [tilespmem:s7], [sflag:$0x7], $0x80, $0x38;
	[tilespmem:$0x17C00] =	vst v63  }
0x1c0: {  	_ =	swait.ge [sflag:s22], $0x80  }
0x1c1: {  	[sflag:s22] =	ssyncset.done $0x0  }
.Ltmp4:
0x1c2: {  	s12 =	sadd.s32 s12, s19;
	[sflag:s22] =	ssyncadd.s32 $0xFFFFFF80;
	(pc) =	sbr.rel @p0 .LBB2_8-.Ltmp4, $4  }
0x1c3: {  	[hbm4b:s12+s2] =	stream.linear.scatter [tilespmem:s13], [sflag:$0x7], $0x80, $0x38;
	[tilespmem:$0x17C00] =	vst v63  }
0x1c4: {  	_ =	swait.ge [sflag:s22], $0x80  }
0x1c5: {  	[sflag:s22] =	ssyncset.done $0x0  }
0x1c6: {  	[sflag:s22] =	ssyncadd.s32 $0xFFFFFF80  }
0x1c7: {  	_ =	swait.ge [sflag:s20], $0x4000;
	s0 =	sshll.u32 s0, $0x4  }
0x1c8: {  	[sflag:s20] =	ssyncset.done $0x0;
	s0 =	sadd.s32 $0x30, s0  }
0x1c9: {  	s26 =	simm.s32 $0x100;
	[sflag:s20] =	ssyncadd.s32 $0xFFFFC000;
	s12 =	sadd.s32 s8, s0  }
0x1ca: {  	[tilespmem:s26], [sflag:$0x7] =	stream.linear.gather [hbm4b:s12+s2], $0x80, $0x38;
	[tilespmem:$0x17C00] =	vst v63  }
0x1cb: {  	_ =	swait.ge [sflag:s22], $0x80  }
0x1cc: {  	[sflag:s22] =	ssyncset.done $0x0  }
0x1cd: {  	s29 =	simm.s32 $0x180;
	s0 =	sadd.s32 s9, s0;
	[sflag:s22] =	ssyncadd.s32 $0xFFFFFF80  }
0x1ce: {  	[tilespmem:s29], [sflag:$0x7] =	stream.linear.gather [hbm4b:s0+s2], $0x80, $0x38;
	[tilespmem:$0x17C00] =	vst v63  }
0x1cf: {  	_ =	swait.ge [sflag:s22], $0x80  }
.Ltmp5:
0x1d0: {  	[sflag:s22] =	ssyncset.done $0x0;
	(pc) =	sbr.rel .LBB2_2-.Ltmp5, $4  }
0x1d1: {  	[sflag:s22] =	ssyncadd.s32 $0xFFFFFF80  }
0x1d2: {  	[tilespmem:s31], [sflag:$0x3] =	stream.indirect.gather [hbm4b:s4+s25], $0x80, s26, s25, $0xb8;
	[tilespmem:$0x17C00] =	vst v63  }
0x1d3: {  	s30 =	simm.s32 $0xC200;
	s16 =	sadd.s32 $0x1, s16  }
0x1d4: {  	[tilespmem:s30], [sflag:$0x4] =	stream.indirect.gather [hbm4b:s5+s25], $0x80, s29, s25, $0xb8;
	[tilespmem:$0x17C00] =	vst v63  }
.LBB2_9:
0x1d5: {  	_ =	sfence.sel $0x180000  }
0x1d6: {  	[bflag:$0x0] =	sbarrier.arrive $0xFFFF  }
0x1d7: {  	_ =	strace $0x9000004D  }
0x1d8: {  	s0 =	stileid.u32;
	[bflag:$0x2] =	sbarrier.arrive $0xFFFF  }
0x1d9: {  	p0 =	sne.s32 s0, $0x0;
	s0 =	rddreg [dreg:$0x2]  }
0x1da: {  	s0 =	sadd.s32 @!p0 $0x100000, s0  }
0x1db: {  	[sflag:s0] =	ssyncadd.tile.s32 @!p0 $0x1;
	_ =	shalt  }
.Lfunc_end2:
_tile_overlayer_lowered:
.L_overlay_start_2:
0x1dc: {  	(tag) =	ssettag $0x2  }
0x1dd: {  	s0 =	rddreg [dreg:$0x0];
	s2 =	stileid.u32  }
0x1de: {  	s1 =	rddreg [dreg:$0x1];
	p0 =	sne.s32 s2, $0x0  }
0x1df: {  	s3 =	rddreg [dreg:$0x2];
	[bflag:$0x3] =	sbarrier.arrive $0xFFFF;
	s2 =	simm.s32 @!p0 $0x1C07  }
0x1e0: {  	[timem:s3], [sflag:s2] =	dma.local @!p0 [hbm:s0], s1  }
0x1e1: {  	s0 =	simm.s32 @!p0 $0x7  }
0x1e2: {  	_ =	swait.ge @!p0 [sflag:s0], s1  }
0x1e3: {  	s1 =	ssub.s32 @!p0 $0x0, s1;
	[sflag:s0] =	ssyncset.done @!p0 $0x0  }
0x1e4: {  	[sflag:s0] =	ssyncadd.s32 @!p0 s1  }
0x1e5: {  	[bflag:$0x3] =	sbarrier.arrive $0xFFFF  }
0x1e6: {  	_ =	shalt  }

// kernel: kernel.20.cloned.1.call-start
scs
__scs_entry_jumppad:
0x0: {  	(pc) =	sbr.rel $0x88, $3  }
0x1: {  	(tag) =	ssettag $0x0;
	lr =	simm.s32 $0x1  }
0x2: {  	[smem:$0x3F88] =	sst lr;
	_ =	strace $0xD0000000  }
0x3: {  	_ = 	snop  }
0x4: {  	_ = 	snop  }
0x5: {  	_ = 	snop  }
0x6: {  	_ = 	snop  }
0x7: {  	_ = 	snop  }
__scs_overlays_trampoline_lowered:
0x8: {  	[smem:$0x3F97] =	sst s0  }
0x9: {  	[smem:$0x3F98] =	sst s1  }
0xa: {  	[smem:$0x3F99] =	sst s2  }
0xb: {  	[smem:$0x3F9A] =	sst s3  }
0xc: {  	[smem:$0x3F9B] =	sst s4  }
0xd: {  	[smem:$0x3F9C] =	sst s5  }
0xe: {  	[smem:$0x3F9D] =	sst s6  }
0xf: {  	[smem:$0x3F9E] =	sst s7  }
0x10: {  	[smem:$0x3F9F] =	sst s8  }
0x11: {  	[smem:$0x3FA0] =	sst s9;
	s0 =	simm.s32 @!p0 $0x0  }
0x12: {  	s1 =	sld [smem:$0x3F86];
	s0 =	simm.s32 @p0 $0x1  }
0x13: {  	[smem:$0x3FA1] =	sst s0;
	s0 =	simm.s32 @!p1 $0x0  }
0x14: {  	s2 =	sld [smem:$0x3F85];
	s0 =	simm.s32 @p1 $0x1  }
0x15: {  	[smem:$0x3FA2] =	sst s0;
	s0 =	simm.s32 @!p2 $0x0  }
0x16: {  	s3 =	sld [smem:$0x3FDB];
	s0 =	simm.s32 @p2 $0x1  }
0x17: {  	s4 =	simm.s32 $0x1BF5;
	[smem:$0x3FA4] =	sst s0  }
0x18: {  	s0 =	sld [smem:$0x3F87];
	_ =	swait.ge [sflag:s4], $0x0  }
0x19: {  	s7 =	sld [smem:$0x3F88]  }
0x1a: {  	s8 =	sadd.s32 $0xFFFFE003, lr  }
0x1b: {  	s9 =	sadd.s32 $0xFFFFFEF7, lr;
	s5 =	simm.s32 $0xFFFFFFFF;
	p2 =	slt.u32 s8, $0xFFFFF086  }
0x1c: {  	p1 =	slt.u32 s9, $0xF7A;
	s5 =	simm.s32 @!p2 $0x0  }
0x1d: {  	s5 =	simm.s32 @p1 $0x1;
	p0 =	seq.s32 s7, s2  }
0x1e: {  	s7 =	smul.u32 @!p0 $0xF7A, s2;
	p2 =	seq.s32 @!p0 s5, $0x0  }
0x1f: {  	s9 =	smul.u32 $0xF7A, s1;
	s8 =	simm.s32 @!p0 $0x1BF5;
	p2 =	por !p2, p0  }
0x20: {  	[sflag:s8] =	ssyncset.s32 @!p0 $0xFFFFF086;
	s6 =	sadd.s32 @!p0 s3, s7;
	s7 =	simm.s32 @!p0 $0x108  }
0x21: {  	s3 =	sadd.s32 s3, s9;
	s6 =	sadd.s32 @!p0 $0x88, s6;
	s7 =	simm.s32 @p2 $0x1082  }
0x22: {  	[simem:s7], [sflag:s8] =	dma.local @!p0 [hbm:s6], $0xF7A  }
0x23: {  	s9 =	sor.u32 $0xD0000000, s2;
	s6 =	simm.s32 $0x108;
	_ =	swait.ge @!p0 [sflag:s8], $0x0  }
0x24: {  	s3 =	sadd.s32 $0x88, s3;
	s6 =	simm.s32 @!p1 $0x1082;
	[sflag:s4] =	ssyncset.s32 $0xFFFFF086  }
0x25: {  	[simem:s6], [sflag:s4] =	dma.local [hbm:s3], $0xF7A  }
0x26: {  	[smem:$0x3F88] =	sst s1;
	(tag) =	ssettag s2;
	_ =	strace s9  }
0x27: {  	s1 =	sld [smem:$0x3F98]  }
0x28: {  	s2 =	sld [smem:$0x3F99]  }
0x29: {  	s4 =	sld [smem:$0x3F9B]  }
0x2a: {  	p0 =	seq.s32 s5, $0x0;
	s5 =	sld [smem:$0x3F9C]  }
0x2b: {  	s6 =	sld [smem:$0x3F9D]  }
0x2c: {  	s7 =	sld [smem:$0x3F9E]  }
0x2d: {  	s3 =	simm.s32 $0x108;
	s8 =	sld [smem:$0x3F9F]  }
0x2e: {  	s3 =	simm.s32 @!p0 $0x1082;
	s9 =	sld [smem:$0x3FA0]  }
0x2f: {  	lr =	sadd.s32 s0, s3;
	s0 =	sld [smem:$0x3F97]  }
0x30: {  	s3 =	sld [smem:$0x3F9A]  }
0x31: {  	[smem:$0x3FA3] =	sst s10  }
0x32: {  	s10 =	sld [smem:$0x3FA1];
	_ =	sdelay $0x3  }
0x33: {  	p0 =	seq.s32 s10, $0x1;
	s10 =	sld [smem:$0x3FA3];
	_ =	sdelay $0x3  }
0x34: {  	[smem:$0x3FA3] =	sst s10  }
0x35: {  	s10 =	sld [smem:$0x3FA2];
	_ =	sdelay $0x3  }
0x36: {  	p1 =	seq.s32 s10, $0x1;
	s10 =	sld [smem:$0x3FA3];
	_ =	sdelay $0x3  }
0x37: {  	[smem:$0x3FA3] =	sst s10  }
0x38: {  	s10 =	sld [smem:$0x3FA4]  }
0x39: {  	_ = 	snop;
	(pc) =	sbr.ind lr, $3  }
0x3a: {  	_ = 	snop  }
0x3b: {  	_ = 	snop  }
0x3c: {  	p2 =	seq.s32 s10, $0x1;
	s10 =	sld [smem:$0x3FA3]  }
0x3d: {  	_ =	shalt  }
0x3e: {  	_ =	shalt  }
0x3f: {  	_ =	shalt  }
0x40: {  	_ =	shalt  }
0x41: {  	_ =	shalt  }
0x42: {  	_ =	shalt  }
0x43: {  	_ =	shalt  }
0x44: {  	_ =	shalt  }
0x45: {  	_ =	shalt  }
0x46: {  	_ =	shalt  }
0x47: {  	_ =	shalt  }
0x48: {  	_ =	shalt  }
0x49: {  	_ =	shalt  }
0x4a: {  	_ =	shalt  }
0x4b: {  	_ =	shalt  }
0x4c: {  	_ =	shalt  }
0x4d: {  	_ =	shalt  }
0x4e: {  	_ =	shalt  }
0x4f: {  	_ =	shalt  }
0x50: {  	_ =	shalt  }
0x51: {  	_ =	shalt  }
0x52: {  	_ =	shalt  }
0x53: {  	_ =	shalt  }
0x54: {  	_ =	shalt  }
0x55: {  	_ =	shalt  }
0x56: {  	_ =	shalt  }
0x57: {  	_ =	shalt  }
0x58: {  	_ =	shalt  }
0x59: {  	_ =	shalt  }
0x5a: {  	_ =	shalt  }
0x5b: {  	_ =	shalt  }
0x5c: {  	_ =	shalt  }
0x5d: {  	_ =	shalt  }
0x5e: {  	_ =	shalt  }
0x5f: {  	_ =	shalt  }
0x60: {  	_ =	shalt  }
0x61: {  	_ =	shalt  }
0x62: {  	_ =	shalt  }
0x63: {  	_ =	shalt  }
0x64: {  	_ =	shalt  }
0x65: {  	_ =	shalt  }
0x66: {  	_ =	shalt  }
0x67: {  	_ =	shalt  }
0x68: {  	_ =	shalt  }
0x69: {  	_ =	shalt  }
0x6a: {  	_ =	shalt  }
0x6b: {  	_ =	shalt  }
0x6c: {  	_ =	shalt  }
0x6d: {  	_ =	shalt  }
0x6e: {  	_ =	shalt  }
0x6f: {  	_ =	shalt  }
0x70: {  	_ =	shalt  }
0x71: {  	_ =	shalt  }
0x72: {  	_ =	shalt  }
0x73: {  	_ =	shalt  }
0x74: {  	_ =	shalt  }
0x75: {  	_ =	shalt  }
0x76: {  	_ =	shalt  }
0x77: {  	_ =	shalt  }
0x78: {  	_ =	shalt  }
0x79: {  	_ =	shalt  }
0x7a: {  	_ =	shalt  }
0x7b: {  	_ =	shalt  }
0x7c: {  	_ =	shalt  }
0x7d: {  	_ =	shalt  }
0x7e: {  	_ =	shalt  }
0x7f: {  	_ =	shalt  }
0x80: {  	_ =	shalt  }
0x81: {  	_ =	shalt  }
0x82: {  	_ =	shalt  }
0x83: {  	_ =	shalt  }
0x84: {  	_ =	shalt  }
0x85: {  	_ =	shalt  }
0x86: {  	_ =	shalt  }
0x87: {  	_ =	shalt  }
.Lfunc_end0:
.L_simem_size_0:
called_computation.3_lowered:
.L_overlay_start_0:
0x88: {  	s2 =	sld [smem:$0x3FD9]  }
0x89: {  	s3 =	sld [smem:$0x3FFE];
	_ =	sdelay $0x1  }
0x8a: {  	s1 =	srdreg.scid  }
0x8b: {  	s0 =	sand.u32 $0x1, s1  }
0x8c: {  	s16 =	sshll.u32 s0, $0xA;
	s2 =	sadd.s32 s3, s2  }
0x8d: {  	s2 =	sadd.s32 s2, s16  }
0x8e: {  	[smem:$0x3FAF] =	sst s2  }
0x8f: {  	_ = 	snop  }
0x90: {  	(tm) =	ssettm $0x1  }
0x91: {  	s17 =	sld [smem:$0x3FFB];
	_ =	sdelay $0x3  }
0x92: {  	_ =	strace s17  }
0x93: {  	s2 =	sld [smem:$0x3FFC];
	_ =	sdelay $0x3  }
0x94: {  	_ =	strace s2  }
0x95: {  	s2 =	sld [smem:$0x3FFD];
	_ =	sdelay $0x3  }
0x96: {  	_ =	strace s2  }
0x97: {  	_ =	strace $0x8FFFFFFF  }
0x98: {  	s18 =	sld [smem:$0x3FDB];
	_ =	sdelay $0x1  }
0x99: {  	s19 =	simm.s32 $_scs_section_size  }
0x9a: {  	s4 =	simm.s32 $_size__tile_overlayer_lowered;
	s5 =	simm.s32 $_tile_overlayer_lowered  }
0x9b: {  	s22 =	simm.s32 $0x1BFF;
	s21 =	sshll.u32 s5, $0x1;
	s2 =	sadd.s32 s19, s18  }
0x9c: {  	s6 =	simm.s32 $0x0;
	s20 =	sshll.u32 s4, $0x1;
	s4 =	sadd.s32 s21, s2  }
0x9d: {  	[timem:s6], [sflag:s22] =	dma.local [hbm:s4], s20  }
0x9e: {  	_ =	swait.ge [sflag:s22], s20  }
0x9f: {  	s3 =	ssub.s32 $0x0, s20;
	[sflag:s22] =	ssyncset.done $0x0  }
0xa0: {  	[sflag:s22] =	ssyncadd.s32 s3;
	_ =	sdelay $0x1  }
0xa1: {  	s23 =	simm.s32 $0x1B8B  }
0xa2: {  	_ =	swait.ge [sflag:s23], $0x1  }
0xa3: {  	[sflag:s23] =	ssyncset.done $0x0  }
0xa4: {  	s25 =	simm.s32 $0x1B8E;
	s24 =	sld [smem:$0x3FFE];
	[sflag:s23] =	ssyncadd.s32 $0xFFFFFFFF  }
0xa5: {  	s26 =	simm.s32 $execute0_lowered;
	[smem:$0x3FD2] =	sst s25  }
0xa6: {  	s4 =	sshll.u32 s26, $0x1;
	_ =	strace $0x8000004F;
	[dreg:$0x1] =	wrdreg $0xFFFFFFFF  }
0xa7: {  	s28 =	simm.s32 $_size_execute0_lowered;
	s2 =	sadd.s32 s2, s4;
	[dreg:$0x0] =	wrdreg $0x0  }
0xa8: {  	s4 =	sshll.u32 s28, $0x1;
	[dreg:$0x2] =	wrdreg s2  }
0xa9: {  	[dreg:$0x3] =	wrdreg s4  }
0xaa: {  	[dreg:$0x4] =	wrdreg $0xC0  }
0xab: {  	_ =	task [dreg:s6], $0x5FFFF  }
0xac: {  	[dreg:$0x1] =	wrdreg $0xFFFFFFFF  }
0xad: {  	[dreg:$0x0] =	wrdreg $0x60  }
0xae: {  	[dreg:$0x2] =	wrdreg s24  }
0xaf: {  	[dreg:$0x3] =	wrdreg $0x81000  }
0xb0: {  	[dreg:$0x4] =	wrdreg $0x9  }
0xb1: {  	_ =	task.clear_ibuf [dreg:s6], $0x5FFFF;
	_ =	strace $0x9000004F  }
0xb2: {  	s29 =	simm.s32 $0x9;
	_ =	strace $0x80000051  }
0xb3: {  	_ =	swait.ge [sflag:s29], $0x1  }
0xb4: {  	[sflag:s29] =	ssyncadd.s32 $0xFFFFFFFF  }
0xb5: {  	_ =	strace $0x90000051  }
0xb6: {  	_ =	sfence  }
0xb7: {  	s30 =	sld [smem:$0x0];
	_ =	sdelay $0x2  }
0xb8: {  	s31 =	sshll.u32 s1, $0xD;
	s1 =	sshrl.u32 s1, $0x2  }
0xb9: {  	s3 =	sand.u32 $0x4000, s31;
	s1 =	sadd.s32 s1, s30  }
0xba: {  	s0 =	sor.u32 s3, s0;
	s1 =	sshll.u32 s1, $0x11  }
0xbb: {  	s0 =	sor.u32 s1, s0  }
0xbc: {  	s0 =	sadd.s32 $0x8F2B, s0  }
0xbd: {  	[sflag:s0] =	ssyncadd.remote.s32 $0x1  }
0xbe: {  	_ =	sfence.sel $0xFFFF  }
0xbf: {  	[dreg:$0x0] =	wrdreg $0xFFFFFFFF;
	(pc) =	sbr.abs _section_cstart, $3  }
0xc0: {  	[dreg:$0x1] =	wrdreg $0xFFFFFFFF  }
0xc1: {  	_ =	task.clear_ibuf [dreg:s6], $0x2FFFF;
	_ =	strace $0x9FFFFFFF  }
0xc2: {  	(tm) =	ssettm $0x7FFFFFFF  }
0xc3: {  	_ =	shalt  }
tec
execute0_lowered:
.L_overlay_start_1:
0x0: {  	(tag) =	ssettag $0x1  }
0x1: {  	s6 =	rddreg [dreg:$0x0]  }
0x2: {  	s2 =	rddreg [dreg:$0x1];
	s1 =	stileid.u32  }
0x3: {  	s0 =	rddreg [dreg:$0x2];
	s3 =	simm.s32 $0x0;
	s8 =	srdreg.scid  }
0x4: {  	s19 =	simm.s32 $0x100;
	s20 =	simm.s32 $0x80;
	s21 =	simm.s32 $0x4100  }
0x5: {  	s22 =	simm.s32 $0x1;
	s23 =	simm.s32 $0x3;
	s7 =	smul.u32 $0x50000, s1  }
0x6: {  	s24 =	simm.s32 $0x2;
	s25 =	simm.s32 $0x4;
	s5 =	smul.u32 $0xA00, s1  }
0x7: {  	s26 =	simm.s32 $0x0;
	[smem:$0x7FF] =	sst s3;
	s4 =	smul.u32 $0x2800, s1  }
0x8: {  	s17 =	sand.u32 $0x1, s8;
	s31 =	sshll.u32 s1, $0x6;
	_ =	strace $0x80000050  }
0x9: {  	s9 =	ssub.s32 $0x2, s17;
	s8 =	sor.u32 $0x1C05, s31;
	s14 =	sadd.s32 s7, s6  }
0xa: {  	s16 =	sadd.s32 s5, s6;
	s30 =	sadd.s32 s4, s6;
	s5 =	sadd.s32 $0x9600, s6  }
0xb: {  	s6 =	sadd.s32 $0x113C00, s6;
	s10 =	sshrl.u32 s9, $0x1;
	s7 =	sshrl.u32 s7, $0x2  }
.Ltmp0:
0xc: {  	s15 =	ssub.s32 s9, s10;
	s18 =	sadd.s32 s7, s2;
	(pc) =	sbr.rel .LBB2_1-.Ltmp0, $4  }
0xd: {  	s7 =	sadd.s32 $0xC4A00, s30;
	s9 =	sadd.s32 $0xFEE400, s14;
	s10 =	sadd.s32 $0x6C600, s16  }
0xe: {  	p0 =	sne.s32 s17, $0x0;
	s12 =	sadd.s32 $0xFEEC00, s14;
	s13 =	sadd.s32 $0xAEE400, s14  }
0xf: {  	s11 =	sadd.s32 $0x6C610, s16;
	s14 =	sadd.s32 $0xAEEC00, s14;
	s16 =	sadd.s32 $0x6C630, s16  }
0x10: {  	s15 =	smax.u32 s15, $0x1;
	s17 =	sshrl.u32 s18, $0x3;
	s18 =	simm.s32 $0x5  }
.LBB2_7:
0x11: {  	[tilespmem:s21], [sflag:$0x2] =	stream.linear.gather [hbm4b:s30+s3], $0x4000, $0x38;
	[tilespmem:$0x1C100] =	vst v63  }
0x12: {  	s28 =	smov.u32 s6  }
.LBB2_8:
0x13: {  	_ =	swait.ge [sflag:s22], $0x4000  }
0x14: {  	[sflag:s22] =	ssyncset.done $0x0  }
0x15: {  	[sflag:s22] =	ssyncadd.s32 $0xFFFFC000  }
0x16: {  	[spmem:s2] =	stream.indirect.scatter.add.f32 [tilespmem:s19], [sflag:$0x3], $0x80, s3, s20, $0xb8;
	[tilespmem:$0x1C100] =	vst v63  }
0x17: {  	_ =	swait.ge [sflag:s24], $0x4000  }
0x18: {  	[sflag:s24] =	ssyncset.done $0x0  }
0x19: {  	[sflag:s24] =	ssyncadd.s32 $0xFFFFC000  }
0x1a: {  	[spmem:s2] =	stream.indirect.scatter.add.f32 [tilespmem:s21], [sflag:$0x4], $0x80, s20, s20, $0xb8;
	[tilespmem:$0x1C100] =	vst v63  }
0x1b: {  	_ =	swait.ge [sflag:s23], $0x4000  }
0x1c: {  	[sflag:s23] =	ssyncset.done $0x0  }
0x1d: {  	[sflag:s23] =	ssyncadd.s32 $0xFFFFC000  }
0x1e: {  	_ =	swait.ge [sflag:s25], $0x4000  }
0x1f: {  	s26 =	sadd.s32 $0x1, s26;
	[sflag:s25] =	ssyncset.done $0x0  }
0x20: {  	p1 =	sne.s32 s26, s15;
	[sflag:s25] =	ssyncadd.s32 $0xFFFFC000  }
.Ltmp1:
0x21: {  	s28 =	sadd.s32 s28, s4;
	[bflag:$0x0] =	sbarrier.arrive $0xFFFF;
	(pc) =	sbr.rel @!p1 .LBB2_9-.Ltmp1, $4  }
0x22: {  	[hbm:s28], [sflag:s8] =	dma.local [spmem:s17], $0x2800  }
0x23: {  	_ =	swait.ge [sflag:s18], $0x2800  }
0x24: {  	[sflag:s18] =	ssyncset.done $0x0  }
0x25: {  	[sflag:s18] =	ssyncadd.s32 $0xFFFFD800  }
.LBB2_1:
0x26: {  	[spmem:s17], [sflag:s8] =	dma.local [hbm:s7], $0x2800  }
0x27: {  	_ =	swait.ge [sflag:s18], $0x2800  }
0x28: {  	[sflag:s18] =	ssyncset.done $0x0  }
0x29: {  	[sflag:s18] =	ssyncadd.s32 $0xFFFFD800  }
.Ltmp2:
0x2a: {  	[bflag:$0x0] =	sbarrier.arrive $0xFFFF;
	(pc) =	sbr.rel @p0 .LBB2_5-.Ltmp2, $4  }
0x2b: {  	[tilespmem:s3], [sflag:$0x5] =	stream.linear.gather [hbm4b:s10+s3], $0x80, $0x38;
	[tilespmem:$0x1C100] =	vst v63  }
0x2c: {  	_ =	swait.ge [sflag:s18], $0x80  }
0x2d: {  	[sflag:s18] =	ssyncset.done $0x0  }
0x2e: {  	s28 =	simm.s32 $0x0;
	[sflag:s18] =	ssyncadd.s32 $0xFFFFFF80  }
0x2f: {  	[tilespmem:s19], [sflag:$0x1] =	stream.linear.gather [hbm4b:s13+s28], $0x4000, $0x38;
	[tilespmem:$0x1C100] =	vst v63  }
0x30: {  	_ = 	snop  }
0x31: {  	[tilespmem:s20], [sflag:$0x5] =	stream.linear.gather [hbm4b:s11+s28], $0x80, $0x38;
	[tilespmem:$0x1C100] =	vst v63  }
0x32: {  	_ =	swait.ge [sflag:s18], $0x80  }
0x33: {  	[sflag:s18] =	ssyncset.done $0x0  }
0x34: {  	[sflag:s18] =	ssyncadd.s32 $0xFFFFFF80  }
0x35: {  	[tilespmem:s21], [sflag:$0x2] =	stream.linear.gather [hbm4b:s14+s28], $0x4000, $0x38;
	[tilespmem:$0x1C100] =	vst v63  }
0x36: {  	_ =	swait.ge [sflag:s22], $0x4000  }
0x37: {  	[sflag:s22] =	ssyncset.done $0x0  }
0x38: {  	[sflag:s22] =	ssyncadd.s32 $0xFFFFC000  }
0x39: {  	[spmem:s2] =	stream.indirect.scatter.add.f32 [tilespmem:s19], [sflag:$0x3], $0x80, s3, s20, $0xb8;
	[tilespmem:$0x1C100] =	vst v63  }
0x3a: {  	_ =	swait.ge [sflag:s23], $0x4000  }
0x3b: {  	[sflag:s23] =	ssyncset.done $0x0  }
0x3c: {  	s28 =	sadd.s32 $0xFFFFFFF0, s16;
	[sflag:s23] =	ssyncadd.s32 $0xFFFFC000  }
0x3d: {  	[tilespmem:s3], [sflag:$0x5] =	stream.linear.gather [hbm4b:s28+s3], $0x80, $0x38;
	[tilespmem:$0x1C100] =	vst v63  }
0x3e: {  	_ =	swait.ge [sflag:s18], $0x80  }
0x3f: {  	s29 =	sadd.s32 $0x0, s13;
	[sflag:s18] =	ssyncset.done $0x0  }
0x40: {  	s28 =	sadd.s32 $0x1000, s29;
	[sflag:s18] =	ssyncadd.s32 $0xFFFFFF80  }
0x41: {  	[tilespmem:s19], [sflag:$0x1] =	stream.linear.gather [hbm4b:s28+s3], $0x4000, $0x38;
	[tilespmem:$0x1C100] =	vst v63  }
0x42: {  	_ =	swait.ge [sflag:s24], $0x4000  }
0x43: {  	[sflag:s24] =	ssyncset.done $0x0  }
0x44: {  	[sflag:s24] =	ssyncadd.s32 $0xFFFFC000  }
0x45: {  	[spmem:s2] =	stream.indirect.scatter.add.f32 [tilespmem:s21], [sflag:$0x4], $0x80, s20, s20, $0xb8;
	[tilespmem:$0x1C100] =	vst v63  }
0x46: {  	_ =	swait.ge [sflag:s25], $0x4000  }
0x47: {  	[sflag:s25] =	ssyncset.done $0x0  }
0x48: {  	[sflag:s25] =	ssyncadd.s32 $0xFFFFC000  }
0x49: {  	[tilespmem:s20], [sflag:$0x5] =	stream.linear.gather [hbm4b:s16+s3], $0x80, $0x38;
	[tilespmem:$0x1C100] =	vst v63  }
0x4a: {  	_ =	swait.ge [sflag:s18], $0x80  }
0x4b: {  	s30 =	sadd.s32 $0x1800, s29;
	[sflag:s18] =	ssyncset.done $0x0  }
0x4c: {  	s29 =	sadd.s32 $0x20, s16;
	s28 =	simm.s32 $0x1000;
	[sflag:s18] =	ssyncadd.s32 $0xFFFFFF80  }
.LBB2_3:
0x4d: {  	[tilespmem:s21], [sflag:$0x2] =	stream.linear.gather [hbm4b:s30+s3], $0x4000, $0x38;
	[tilespmem:$0x1C100] =	vst v63  }
0x4e: {  	s30 =	smov.u32 s28  }
0x4f: {  	p1 =	seq.s32 s28, $0x4E000;
	s28 =	sadd.s32 $0x1000, s28;
	_ =	swait.ge [sflag:s22], $0x4000  }
0x50: {  	[sflag:s22] =	ssyncset.done $0x0  }
0x51: {  	[sflag:s22] =	ssyncadd.s32 $0xFFFFC000  }
0x52: {  	[spmem:s2] =	stream.indirect.scatter.add.f32 [tilespmem:s19], [sflag:$0x3], $0x80, s3, s20, $0xb8;
	[tilespmem:$0x1C100] =	vst v63  }
0x53: {  	_ =	swait.ge [sflag:s23], $0x4000  }
0x54: {  	[sflag:s23] =	ssyncset.done $0x0  }
0x55: {  	s31 =	sadd.s32 $0xFFFFFFF0, s29;
	[sflag:s23] =	ssyncadd.s32 $0xFFFFC000  }
0x56: {  	[tilespmem:s3], [sflag:$0x5] =	stream.linear.gather [hbm4b:s31+s3], $0x80, $0x38;
	[tilespmem:$0x1C100] =	vst v63  }
0x57: {  	_ =	swait.ge [sflag:s18], $0x80  }
0x58: {  	s30 =	sadd.s32 s30, s13;
	[sflag:s18] =	ssyncset.done $0x0  }
0x59: {  	s31 =	sadd.s32 $0x1000, s30;
	[sflag:s18] =	ssyncadd.s32 $0xFFFFFF80  }
0x5a: {  	[tilespmem:s19], [sflag:$0x1] =	stream.linear.gather [hbm4b:s31+s3], $0x4000, $0x38;
	[tilespmem:$0x1C100] =	vst v63  }
0x5b: {  	_ =	swait.ge [sflag:s24], $0x4000  }
0x5c: {  	[sflag:s24] =	ssyncset.done $0x0  }
0x5d: {  	[sflag:s24] =	ssyncadd.s32 $0xFFFFC000  }
0x5e: {  	[spmem:s2] =	stream.indirect.scatter.add.f32 [tilespmem:s21], [sflag:$0x4], $0x80, s20, s20, $0xb8;
	[tilespmem:$0x1C100] =	vst v63  }
0x5f: {  	_ =	swait.ge [sflag:s25], $0x4000  }
0x60: {  	[sflag:s25] =	ssyncset.done $0x0  }
.Ltmp3:
0x61: {  	[sflag:s25] =	ssyncadd.s32 $0xFFFFC000;
	(pc) =	sbr.rel @!p1 .LBB2_3-.Ltmp3, $4  }
0x62: {  	[tilespmem:s20], [sflag:$0x5] =	stream.linear.gather [hbm4b:s29+s3], $0x80, $0x38;
	[tilespmem:$0x1C100] =	vst v63  }
0x63: {  	_ =	swait.ge [sflag:s18], $0x80  }
0x64: {  	[sflag:s18] =	ssyncset.done $0x0  }
0x65: {  	s30 =	sadd.s32 $0x1800, s30;
	s29 =	sadd.s32 $0x20, s29;
	[sflag:s18] =	ssyncadd.s32 $0xFFFFFF80  }
.Ltmp4:
0x66: {  	(pc) =	sbr.rel .LBB2_8-.Ltmp4, $3  }
0x67: {  	_ =	sdelay $0x1  }
0x68: {  	[tilespmem:s21], [sflag:$0x2] =	stream.linear.gather [hbm4b:s30+s3], $0x4000, $0x38;
	[tilespmem:$0x1C100] =	vst v63  }
0x69: {  	s28 =	smov.u32 s5  }
.LBB2_5:
0x6a: {  	[tilespmem:s19], [sflag:$0x1] =	stream.linear.gather [hbm4b:s9+s28], $0x4000, $0x38;
	[tilespmem:$0x1C100] =	vst v63  }
0x6b: {  	_ = 	snop  }
0x6c: {  	[tilespmem:s20], [sflag:$0x5] =	stream.linear.gather [hbm4b:s11+s28], $0x80, $0x38;
	[tilespmem:$0x1C100] =	vst v63  }
0x6d: {  	_ =	swait.ge [sflag:s18], $0x80  }
0x6e: {  	[sflag:s18] =	ssyncset.done $0x0  }
0x6f: {  	[sflag:s18] =	ssyncadd.s32 $0xFFFFFF80  }
0x70: {  	[tilespmem:s21], [sflag:$0x2] =	stream.linear.gather [hbm4b:s12+s28], $0x4000, $0x38;
	[tilespmem:$0x1C100] =	vst v63  }
0x71: {  	_ =	swait.ge [sflag:s22], $0x4000  }
0x72: {  	[sflag:s22] =	ssyncset.done $0x0  }
0x73: {  	[sflag:s22] =	ssyncadd.s32 $0xFFFFC000  }
0x74: {  	[spmem:s2] =	stream.indirect.scatter.add.f32 [tilespmem:s19], [sflag:$0x3], $0x80, s3, s20, $0xb8;
	[tilespmem:$0x1C100] =	vst v63  }
0x75: {  	_ =	swait.ge [sflag:s23], $0x4000  }
0x76: {  	[sflag:s23] =	ssyncset.done $0x0  }
0x77: {  	s28 =	sadd.s32 $0xFFFFFFF0, s16;
	[sflag:s23] =	ssyncadd.s32 $0xFFFFC000  }
0x78: {  	[tilespmem:s3], [sflag:$0x5] =	stream.linear.gather [hbm4b:s28+s3], $0x80, $0x38;
	[tilespmem:$0x1C100] =	vst v63  }
0x79: {  	_ =	swait.ge [sflag:s18], $0x80  }
0x7a: {  	s29 =	sadd.s32 $0x0, s9;
	[sflag:s18] =	ssyncset.done $0x0  }
0x7b: {  	s28 =	sadd.s32 $0x1000, s29;
	[sflag:s18] =	ssyncadd.s32 $0xFFFFFF80  }
0x7c: {  	[tilespmem:s19], [sflag:$0x1] =	stream.linear.gather [hbm4b:s28+s3], $0x4000, $0x38;
	[tilespmem:$0x1C100] =	vst v63  }
0x7d: {  	_ =	swait.ge [sflag:s24], $0x4000  }
0x7e: {  	[sflag:s24] =	ssyncset.done $0x0  }
0x7f: {  	[sflag:s24] =	ssyncadd.s32 $0xFFFFC000  }
0x80: {  	[spmem:s2] =	stream.indirect.scatter.add.f32 [tilespmem:s21], [sflag:$0x4], $0x80, s20, s20, $0xb8;
	[tilespmem:$0x1C100] =	vst v63  }
0x81: {  	_ =	swait.ge [sflag:s25], $0x4000  }
0x82: {  	[sflag:s25] =	ssyncset.done $0x0  }
0x83: {  	[sflag:s25] =	ssyncadd.s32 $0xFFFFC000  }
0x84: {  	[tilespmem:s20], [sflag:$0x5] =	stream.linear.gather [hbm4b:s16+s3], $0x80, $0x38;
	[tilespmem:$0x1C100] =	vst v63  }
0x85: {  	_ =	swait.ge [sflag:s18], $0x80  }
0x86: {  	s30 =	sadd.s32 $0x1800, s29;
	[sflag:s18] =	ssyncset.done $0x0  }
0x87: {  	s29 =	sadd.s32 $0x20, s16;
	s28 =	simm.s32 $0x1000;
	[sflag:s18] =	ssyncadd.s32 $0xFFFFFF80  }
.LBB2_6:
0x88: {  	[tilespmem:s21], [sflag:$0x2] =	stream.linear.gather [hbm4b:s30+s3], $0x4000, $0x38;
	[tilespmem:$0x1C100] =	vst v63  }
0x89: {  	s30 =	smov.u32 s28  }
0x8a: {  	p1 =	sne.s32 s28, $0x4E000;
	s28 =	sadd.s32 $0x1000, s28;
	_ =	swait.ge [sflag:s22], $0x4000  }
0x8b: {  	[sflag:s22] =	ssyncset.done $0x0  }
0x8c: {  	[sflag:s22] =	ssyncadd.s32 $0xFFFFC000  }
0x8d: {  	[spmem:s2] =	stream.indirect.scatter.add.f32 [tilespmem:s19], [sflag:$0x3], $0x80, s3, s20, $0xb8;
	[tilespmem:$0x1C100] =	vst v63  }
0x8e: {  	_ =	swait.ge [sflag:s23], $0x4000  }
0x8f: {  	[sflag:s23] =	ssyncset.done $0x0  }
0x90: {  	s31 =	sadd.s32 $0xFFFFFFF0, s29;
	[sflag:s23] =	ssyncadd.s32 $0xFFFFC000  }
0x91: {  	[tilespmem:s3], [sflag:$0x5] =	stream.linear.gather [hbm4b:s31+s3], $0x80, $0x38;
	[tilespmem:$0x1C100] =	vst v63  }
0x92: {  	_ =	swait.ge [sflag:s18], $0x80  }
0x93: {  	s30 =	sadd.s32 s30, s9;
	[sflag:s18] =	ssyncset.done $0x0  }
0x94: {  	s31 =	sadd.s32 $0x1000, s30;
	[sflag:s18] =	ssyncadd.s32 $0xFFFFFF80  }
0x95: {  	[tilespmem:s19], [sflag:$0x1] =	stream.linear.gather [hbm4b:s31+s3], $0x4000, $0x38;
	[tilespmem:$0x1C100] =	vst v63  }
0x96: {  	_ =	swait.ge [sflag:s24], $0x4000  }
0x97: {  	[sflag:s24] =	ssyncset.done $0x0  }
0x98: {  	[sflag:s24] =	ssyncadd.s32 $0xFFFFC000  }
0x99: {  	[spmem:s2] =	stream.indirect.scatter.add.f32 [tilespmem:s21], [sflag:$0x4], $0x80, s20, s20, $0xb8;
	[tilespmem:$0x1C100] =	vst v63  }
0x9a: {  	_ =	swait.ge [sflag:s25], $0x4000  }
0x9b: {  	[sflag:s25] =	ssyncset.done $0x0  }
.Ltmp5:
0x9c: {  	[sflag:s25] =	ssyncadd.s32 $0xFFFFC000;
	(pc) =	sbr.rel @p1 .LBB2_6-.Ltmp5, $4  }
0x9d: {  	[tilespmem:s20], [sflag:$0x5] =	stream.linear.gather [hbm4b:s29+s3], $0x80, $0x38;
	[tilespmem:$0x1C100] =	vst v63  }
0x9e: {  	_ =	swait.ge [sflag:s18], $0x80  }
0x9f: {  	[sflag:s18] =	ssyncset.done $0x0  }
0xa0: {  	s30 =	sadd.s32 $0x1800, s30;
	s29 =	sadd.s32 $0x20, s29;
	[sflag:s18] =	ssyncadd.s32 $0xFFFFFF80  }
.Ltmp6:
0xa1: {  	_ = 	snop;
	(pc) =	sbr.rel .LBB2_7-.Ltmp6, $1  }
0xa2: {  	_ =	sdelay $0x3  }
.LBB2_9:
0xa3: {  	_ =	sfence.sel $0x180000  }
0xa4: {  	[bflag:$0x0] =	sbarrier.arrive $0xFFFF  }
0xa5: {  	p0 =	sne.s32 s1, $0x0;
	_ =	strace $0x90000050  }
0xa6: {  	s0 =	sadd.s32 @!p0 $0x100000, s0;
	[bflag:$0x2] =	sbarrier.arrive $0xFFFF  }
0xa7: {  	[sflag:s0] =	ssyncadd.tile.s32 @!p0 $0x1;
	_ =	shalt  }
.Lfunc_end2:
_tile_overlayer_lowered:
.L_overlay_start_2:
0xa8: {  	(tag) =	ssettag $0x2  }
0xa9: {  	s0 =	rddreg [dreg:$0x0];
	s2 =	stileid.u32  }
0xaa: {  	s1 =	rddreg [dreg:$0x1];
	p0 =	sne.s32 s2, $0x0  }
0xab: {  	s3 =	rddreg [dreg:$0x2];
	[bflag:$0x3] =	sbarrier.arrive $0xFFFF;
	s2 =	simm.s32 @!p0 $0x1C05  }
0xac: {  	[timem:s3], [sflag:s2] =	dma.local @!p0 [hbm:s0], s1  }
0xad: {  	s0 =	simm.s32 @!p0 $0x5  }
0xae: {  	_ =	swait.ge @!p0 [sflag:s0], s1  }
0xaf: {  	s1 =	ssub.s32 @!p0 $0x0, s1;
	[sflag:s0] =	ssyncset.done @!p0 $0x0  }
0xb0: {  	[sflag:s0] =	ssyncadd.s32 @!p0 s1  }
0xb1: {  	[bflag:$0x3] =	sbarrier.arrive $0xFFFF  }
0xb2: {  	_ =	shalt  }

</sc_bundles>
